<compile_context>
chip_gen: v7x
topology: tpu7x:2x2x1
jax: 0.10.2.dev20260603
libtpu: 0.0.44.dev20260713+nightly
codegen_flags: <defaults>
</compile_context>

<pallas_src>
import functools
import operator

import jax
import jax.numpy as jnp
from jax import lax
from jax.experimental import pallas as pl
from jax.experimental.pallas import tpu as pltpu
from jax.experimental.pallas import tpu_sc as plsc

N_VERTICES = 1000000
EMBED_DIM = 16
BATCH = 16384
N_NEGS = 20

NC = 2
NS = 16
NW = NC * NS
PER_W = BATCH // NW
CHUNK = 256
GROUPS = CHUNK // 16


def _sc_scores_kernel(tgt_hbm, ctx_hbm, neg_hbm, in_emb, out_emb,
                      pos_out, neg_out,
                      ti, ci, ni, urows, vrows, nrows, possv, negsv, sem):
    wid = lax.axis_index("s") * NC + lax.axis_index("c")
    base = pl.multiple_of(wid * PER_W, CHUNK)

    iota16 = lax.iota(jnp.int32, 16)
    cols = [jnp.full((16,), d, jnp.int32) for d in range(EMBED_DIM)]

    for c in range(PER_W // CHUNK):
        cb = pl.multiple_of(base + c * CHUNK, CHUNK)
        nb = pl.multiple_of(cb * N_NEGS, CHUNK)
        pltpu.sync_copy(tgt_hbm.at[pl.ds(cb, CHUNK)], ti)
        pltpu.sync_copy(ctx_hbm.at[pl.ds(cb, CHUNK)], ci)
        pltpu.sync_copy(neg_hbm.at[pl.ds(nb, CHUNK * N_NEGS)], ni)
        c1 = pltpu.async_copy(in_emb.at[ti], urows, sem)
        c2 = pltpu.async_copy(out_emb.at[ci], vrows, sem)
        c3 = pltpu.async_copy(out_emb.at[ni], nrows, sem)
        c1.wait()
        c2.wait()
        c3.wait()

        def group_body(g, _):
            rows = g * 16 + iota16
            rows20 = rows * N_NEGS
            u_cols = [plsc.load_gather(urows, [rows, cols[d]])
                      for d in range(EMBED_DIM)]
            pos = functools.reduce(
                operator.add,
                [u_cols[d] * plsc.load_gather(vrows, [rows, cols[d]])
                 for d in range(EMBED_DIM)])
            possv[pl.ds(g * 16, 16)] = pos
            for t in range(N_NEGS):
                nr = rows20 + t
                acc = functools.reduce(
                    operator.add,
                    [u_cols[d] * plsc.load_gather(nrows, [nr, cols[d]])
                     for d in range(EMBED_DIM)])
                negsv[pl.ds(t * CHUNK + g * 16, 16)] = acc
            return 0

        lax.fori_loop(0, GROUPS, group_body, 0)

        pltpu.sync_copy(possv, pos_out.at[pl.ds(cb, CHUNK)])
        pltpu.sync_copy(negsv, neg_out.at[pl.ds(nb, CHUNK * N_NEGS)])


def _loss_body(pos_ref, neg_ref, out_ref):
    def logsig(x):
        return jnp.minimum(x, 0.0) - jnp.log1p(jnp.exp(-jnp.abs(x)))

    tot = jnp.sum(logsig(pos_ref[...])) + jnp.sum(logsig(-neg_ref[...]))
    out_ref[0, 0] = -tot / BATCH


@jax.jit
def kernel(target, context, negatives, input_embed, output_embed):
    tgt = target.reshape(-1).astype(jnp.int32)
    ctx = context.reshape(-1).astype(jnp.int32)
    neg = negatives.reshape(-1).astype(jnp.int32)

    mesh = plsc.VectorSubcoreMesh(core_axis_name="c", subcore_axis_name="s",
                                  num_cores=NC, num_subcores=NS)
    sc = pl.kernel(
        _sc_scores_kernel,
        out_type=(jax.ShapeDtypeStruct((BATCH,), jnp.float32),
                  jax.ShapeDtypeStruct((BATCH * N_NEGS,), jnp.float32)),
        mesh=mesh,
        compiler_params=pltpu.CompilerParams(needs_layout_passes=False,
                                             use_tc_tiling_on_sc=False),
        scratch_types=[
            pltpu.VMEM((CHUNK,), jnp.int32),
            pltpu.VMEM((CHUNK,), jnp.int32),
            pltpu.VMEM((CHUNK * N_NEGS,), jnp.int32),
            pltpu.VMEM((CHUNK, EMBED_DIM), jnp.float32),
            pltpu.VMEM((CHUNK, EMBED_DIM), jnp.float32),
            pltpu.VMEM((CHUNK * N_NEGS, EMBED_DIM), jnp.float32),
            pltpu.VMEM((CHUNK,), jnp.float32),
            pltpu.VMEM((CHUNK * N_NEGS,), jnp.float32),
            pltpu.SemaphoreType.DMA,
        ],
    )
    pos_scores, neg_scores = sc(tgt, ctx, neg, input_embed, output_embed)

    loss = pl.pallas_call(
        _loss_body,
        out_shape=jax.ShapeDtypeStruct((1, 1), jnp.float32),
        out_specs=pl.BlockSpec(memory_space=pltpu.SMEM),
    )(pos_scores.reshape(128, 128), neg_scores.reshape(2560, 128))
    return loss[0, 0]

# --- scband reference (transcript-rebuilt; emitter-appended) ---
"""Pipeline reference for scband-deep-walk-14860586844169 (READ-ONLY COPY).

The authoritative reference and input builder live on the scoring server;
editing this copy changes nothing except your own understanding.
"""

import jax, jax.numpy as jnp
import numpy as np

N_VERTICES = 1000000
EMBED_DIM = 16
BATCH = 16384
N_NEGS = 20

def setup_inputs(seed: int = 0) -> dict:
    key = jax.random.key(seed)
    k1, k2, k3, k4, k5 = jax.random.split(key, 5)
    target = jax.random.randint(k1, (BATCH, 1), 0, N_VERTICES, dtype=jnp.int64 if jax.config.jax_enable_x64 else jnp.int32)
    context = jax.random.randint(k2, (BATCH, 1), 0, N_VERTICES, dtype=jnp.int64 if jax.config.jax_enable_x64 else jnp.int32)
    negatives = jax.random.randint(k3, (BATCH, N_NEGS), 0, N_VERTICES, dtype=jnp.int64 if jax.config.jax_enable_x64 else jnp.int32)
    input_embed = jax.random.normal(k4, (N_VERTICES, EMBED_DIM), dtype=jnp.float32)
    output_embed = jax.random.normal(k5, (N_VERTICES, EMBED_DIM), dtype=jnp.float32)
    return {"target": target, "context": context, "negatives": negatives,
            "input_embed": input_embed, "output_embed": output_embed}

def reference(target, context, negatives, input_embed, output_embed):
    # target, context: [B, 1]; negatives: [B, n_negs]
    target = target.reshape((-1, 1))
    context = context.reshape((-1, 1))
    # embedding lookups (gather)
    u = jnp.take(input_embed, target, axis=0)    # [B, 1, d]
    v = jnp.take(output_embed, context, axis=0)  # [B, 1, d]
    # Euclidean Riemannian inner product: dot over embedding dim
    pos_score = jnp.sum(u * v, axis=-1)          # [B, 1]
    pos_nll = jnp.squeeze(jax.nn.log_sigmoid(pos_score))  # [B]
    v_negs = jnp.take(output_embed, negatives, axis=0)    # [B, n_negs, d]
    u_sq = jnp.squeeze(u, axis=1)                # [B, d]
    neg_nll = jnp.zeros_like(pos_nll)
    for t in range(v_negs.shape[1]):
        v_neg = v_negs[:, t, :]                  # [B, d]
        neg_score = jnp.sum(u_sq * v_neg, axis=-1)  # [B]
        neg_nll = neg_nll + jax.nn.log_sigmoid(-neg_score)
    loss = -jnp.mean(pos_nll + neg_nll)
    return loss

if __name__ == "__main__":
    import jax
    _d = setup_inputs()
    print(jax.jit(kernel)(*tuple(_d.values())))

</pallas_src>

<mosaic_0001>
#map = affine_map<(d0, d1) -> (0)>
#map1 = affine_map<(d0, d1) -> (0, 0)>
module attributes {stable_mosaic.version = 14 : i64} {
  func.func @_sc_scores_kernel(%arg0: i32, %arg1: i32, %arg2: memref<16384xi32, #tpu.memory_space<hbm>>, %arg3: memref<16384xi32, #tpu.memory_space<hbm>>, %arg4: memref<327680xi32, #tpu.memory_space<hbm>>, %arg5: memref<1000000x16xf32, #tpu.memory_space<hbm>>, %arg6: memref<1000000x16xf32, #tpu.memory_space<hbm>>, %arg7: memref<16384xf32, #tpu.memory_space<hbm>>, %arg8: memref<327680xf32, #tpu.memory_space<hbm>>, %arg9: memref<256xi32, #tpu.memory_space<vmem>>, %arg10: memref<256xi32, #tpu.memory_space<vmem>>, %arg11: memref<5120xi32, #tpu.memory_space<vmem>>, %arg12: memref<256x16xf32, #tpu.memory_space<vmem>>, %arg13: memref<256x16xf32, #tpu.memory_space<vmem>>, %arg14: memref<5120x16xf32, #tpu.memory_space<vmem>>, %arg15: memref<256xf32, #tpu.memory_space<vmem>>, %arg16: memref<5120xf32, #tpu.memory_space<vmem>>, %arg17: memref<!tpu.dma_semaphore, #tpu.memory_space<semaphore_mem>>) attributes {dimension_semantics = [#tpu.dimension_semantics<core_parallel>, #tpu.dimension_semantics<subcore_parallel>], iteration_bounds = array<i64: 2, 16>, scalar_prefetch = 0 : i64, scratch_operands = 9 : i64, tpu.core_type = #tpu.core_type<sc_vector_subcore>, window_params = [{transform_indices = #map}, {transform_indices = #map}, {transform_indices = #map}, {transform_indices = #map1}, {transform_indices = #map1}, {transform_indices = #map}, {transform_indices = #map}]} {
    %mul3A = arith.constant 2 : i32
    %mul3A_0 = arith.muli %arg1, %mul3A : i32
    %add3A = arith.addi %mul3A_0, %arg0 : i32
    %mul3A_1 = arith.constant 512 : i32
    %mul3A_2 = arith.muli %add3A, %mul3A_1 : i32
    %multiple_of3A = tpu.assume_multiple %mul3A_2, 256 : i32
    %iota3A = tpu.iota {dimensions = array<i32: 0>} : vector<16xi32>
    %broadcast_in_dim3A = arith.constant 0 : i32
    %broadcast_in_dim3A_3 = vector.broadcast %broadcast_in_dim3A : i32 to vector<16xi32>
    %broadcast_in_dim3A_4 = arith.constant 1 : i32
    %broadcast_in_dim3A_5 = vector.broadcast %broadcast_in_dim3A_4 : i32 to vector<16xi32>
    %broadcast_in_dim3A_6 = arith.constant 2 : i32
    %broadcast_in_dim3A_7 = vector.broadcast %broadcast_in_dim3A_6 : i32 to vector<16xi32>
    %broadcast_in_dim3A_8 = arith.constant 3 : i32
    %broadcast_in_dim3A_9 = vector.broadcast %broadcast_in_dim3A_8 : i32 to vector<16xi32>
    %broadcast_in_dim3A_10 = arith.constant 4 : i32
    %broadcast_in_dim3A_11 = vector.broadcast %broadcast_in_dim3A_10 : i32 to vector<16xi32>
    %broadcast_in_dim3A_12 = arith.constant 5 : i32
    %broadcast_in_dim3A_13 = vector.broadcast %broadcast_in_dim3A_12 : i32 to vector<16xi32>
    %broadcast_in_dim3A_14 = arith.constant 6 : i32
    %broadcast_in_dim3A_15 = vector.broadcast %broadcast_in_dim3A_14 : i32 to vector<16xi32>
    %broadcast_in_dim3A_16 = arith.constant 7 : i32
    %broadcast_in_dim3A_17 = vector.broadcast %broadcast_in_dim3A_16 : i32 to vector<16xi32>
    %broadcast_in_dim3A_18 = arith.constant 8 : i32
    %broadcast_in_dim3A_19 = vector.broadcast %broadcast_in_dim3A_18 : i32 to vector<16xi32>
    %broadcast_in_dim3A_20 = arith.constant 9 : i32
    %broadcast_in_dim3A_21 = vector.broadcast %broadcast_in_dim3A_20 : i32 to vector<16xi32>
    %broadcast_in_dim3A_22 = arith.constant 10 : i32
    %broadcast_in_dim3A_23 = vector.broadcast %broadcast_in_dim3A_22 : i32 to vector<16xi32>
    %broadcast_in_dim3A_24 = arith.constant 11 : i32
    %broadcast_in_dim3A_25 = vector.broadcast %broadcast_in_dim3A_24 : i32 to vector<16xi32>
    %broadcast_in_dim3A_26 = arith.constant 12 : i32
    %broadcast_in_dim3A_27 = vector.broadcast %broadcast_in_dim3A_26 : i32 to vector<16xi32>
    %broadcast_in_dim3A_28 = arith.constant 13 : i32
    %broadcast_in_dim3A_29 = vector.broadcast %broadcast_in_dim3A_28 : i32 to vector<16xi32>
    %broadcast_in_dim3A_30 = arith.constant 14 : i32
    %broadcast_in_dim3A_31 = vector.broadcast %broadcast_in_dim3A_30 : i32 to vector<16xi32>
    %broadcast_in_dim3A_32 = arith.constant 15 : i32
    %broadcast_in_dim3A_33 = vector.broadcast %broadcast_in_dim3A_32 : i32 to vector<16xi32>
    %add3A_34 = arith.constant 0 : i32
    %add3A_35 = arith.addi %multiple_of3A, %add3A_34 : i32
    %multiple_of3A_36 = tpu.assume_multiple %add3A_35, 256 : i32
    %mul3A_37 = arith.constant 20 : i32
    %mul3A_38 = arith.muli %multiple_of3A_36, %mul3A_37 : i32
    %multiple_of3A_39 = tpu.assume_multiple %mul3A_38, 256 : i32
    "tpu.region"() ({
      %run_scoped3A = tpu.sem_alloc : memref<!tpu.dma_semaphore, #tpu.memory_space<semaphore_mem>>
      %dma_start3A_93 = tpu.memref_slice %arg2[%multiple_of3A_36] : memref<16384xi32, #tpu.memory_space<hbm>> -> memref<256xi32, #tpu.memory_space<hbm>>
      %dma_start3A_94 = tpu.memref_slice %arg2[%multiple_of3A_36] : memref<16384xi32, #tpu.memory_space<hbm>> -> memref<256xi32, #tpu.memory_space<hbm>>
      tpu.enqueue_dma source(%dma_start3A_94 : memref<256xi32, #tpu.memory_space<hbm>>) target(%arg9 : memref<256xi32, #tpu.memory_space<vmem>>) target_semaphore(%run_scoped3A : memref<!tpu.dma_semaphore, #tpu.memory_space<semaphore_mem>>)
      %dma_wait3A_95 = tpu.memref_slice %arg2[%multiple_of3A_36] : memref<16384xi32, #tpu.memory_space<hbm>> -> memref<256xi32, #tpu.memory_space<hbm>>
      %dma_wait3A_96 = tpu.memref_slice %arg2[%multiple_of3A_36] : memref<16384xi32, #tpu.memory_space<hbm>> -> memref<256xi32, #tpu.memory_space<hbm>>
      tpu.wait_dma2 semaphore(%run_scoped3A : memref<!tpu.dma_semaphore, #tpu.memory_space<semaphore_mem>>) src(%dma_wait3A_96 : memref<256xi32, #tpu.memory_space<hbm>>) dst(%arg9 : memref<256xi32, #tpu.memory_space<vmem>>)
      tpu.yield
    }) : () -> ()
    "tpu.region"() ({
      %run_scoped3A = tpu.sem_alloc : memref<!tpu.dma_semaphore, #tpu.memory_space<semaphore_mem>>
      %dma_start3A_93 = tpu.memref_slice %arg3[%multiple_of3A_36] : memref<16384xi32, #tpu.memory_space<hbm>> -> memref<256xi32, #tpu.memory_space<hbm>>
      %dma_start3A_94 = tpu.memref_slice %arg3[%multiple_of3A_36] : memref<16384xi32, #tpu.memory_space<hbm>> -> memref<256xi32, #tpu.memory_space<hbm>>
      tpu.enqueue_dma source(%dma_start3A_94 : memref<256xi32, #tpu.memory_space<hbm>>) target(%arg10 : memref<256xi32, #tpu.memory_space<vmem>>) target_semaphore(%run_scoped3A : memref<!tpu.dma_semaphore, #tpu.memory_space<semaphore_mem>>)
      %dma_wait3A_95 = tpu.memref_slice %arg3[%multiple_of3A_36] : memref<16384xi32, #tpu.memory_space<hbm>> -> memref<256xi32, #tpu.memory_space<hbm>>
      %dma_wait3A_96 = tpu.memref_slice %arg3[%multiple_of3A_36] : memref<16384xi32, #tpu.memory_space<hbm>> -> memref<256xi32, #tpu.memory_space<hbm>>
      tpu.wait_dma2 semaphore(%run_scoped3A : memref<!tpu.dma_semaphore, #tpu.memory_space<semaphore_mem>>) src(%dma_wait3A_96 : memref<256xi32, #tpu.memory_space<hbm>>) dst(%arg10 : memref<256xi32, #tpu.memory_space<vmem>>)
      tpu.yield
    }) : () -> ()
    "tpu.region"() ({
      %run_scoped3A = tpu.sem_alloc : memref<!tpu.dma_semaphore, #tpu.memory_space<semaphore_mem>>
      %dma_start3A_93 = tpu.memref_slice %arg4[%multiple_of3A_39] : memref<327680xi32, #tpu.memory_space<hbm>> -> memref<5120xi32, #tpu.memory_space<hbm>>
      %dma_start3A_94 = tpu.memref_slice %arg4[%multiple_of3A_39] : memref<327680xi32, #tpu.memory_space<hbm>> -> memref<5120xi32, #tpu.memory_space<hbm>>
      tpu.enqueue_dma source(%dma_start3A_94 : memref<5120xi32, #tpu.memory_space<hbm>>) target(%arg11 : memref<5120xi32, #tpu.memory_space<vmem>>) target_semaphore(%run_scoped3A : memref<!tpu.dma_semaphore, #tpu.memory_space<semaphore_mem>>)
      %dma_wait3A_95 = tpu.memref_slice %arg4[%multiple_of3A_39] : memref<327680xi32, #tpu.memory_space<hbm>> -> memref<5120xi32, #tpu.memory_space<hbm>>
      %dma_wait3A_96 = tpu.memref_slice %arg4[%multiple_of3A_39] : memref<327680xi32, #tpu.memory_space<hbm>> -> memref<5120xi32, #tpu.memory_space<hbm>>
      tpu.wait_dma2 semaphore(%run_scoped3A : memref<!tpu.dma_semaphore, #tpu.memory_space<semaphore_mem>>) src(%dma_wait3A_96 : memref<5120xi32, #tpu.memory_space<hbm>>) dst(%arg11 : memref<5120xi32, #tpu.memory_space<vmem>>)
      tpu.yield
    }) : () -> ()
    %dma_start3A = arith.constant 0 : i32
    %dma_start3A_40 = arith.constant 0 : i32
    %dma_start3A_41 = tpu.memref_slice %arg5[%dma_start3A, %dma_start3A_40] : memref<1000000x16xf32, #tpu.memory_space<hbm>> -> memref<1000000x16xf32, #tpu.memory_space<hbm>>
    tpu.enqueue_indirect_dma source(%dma_start3A_41 : memref<1000000x16xf32, #tpu.memory_space<hbm>>) target(%arg12 : memref<256x16xf32, #tpu.memory_space<vmem>>) offsets(%arg9 : memref<256xi32, #tpu.memory_space<vmem>>) semaphore(%arg17 : memref<!tpu.dma_semaphore, #tpu.memory_space<semaphore_mem>>)
    %dma_start3A_42 = arith.constant 0 : i32
    %dma_start3A_43 = arith.constant 0 : i32
    %dma_start3A_44 = tpu.memref_slice %arg6[%dma_start3A_42, %dma_start3A_43] : memref<1000000x16xf32, #tpu.memory_space<hbm>> -> memref<1000000x16xf32, #tpu.memory_space<hbm>>
    tpu.enqueue_indirect_dma source(%dma_start3A_44 : memref<1000000x16xf32, #tpu.memory_space<hbm>>) target(%arg13 : memref<256x16xf32, #tpu.memory_space<vmem>>) offsets(%arg10 : memref<256xi32, #tpu.memory_space<vmem>>) semaphore(%arg17 : memref<!tpu.dma_semaphore, #tpu.memory_space<semaphore_mem>>)
    %dma_start3A_45 = arith.constant 0 : i32
    %dma_start3A_46 = arith.constant 0 : i32
    %dma_start3A_47 = tpu.memref_slice %arg6[%dma_start3A_45, %dma_start3A_46] : memref<1000000x16xf32, #tpu.memory_space<hbm>> -> memref<1000000x16xf32, #tpu.memory_space<hbm>>
    tpu.enqueue_indirect_dma source(%dma_start3A_47 : memref<1000000x16xf32, #tpu.memory_space<hbm>>) target(%arg14 : memref<5120x16xf32, #tpu.memory_space<vmem>>) offsets(%arg11 : memref<5120xi32, #tpu.memory_space<vmem>>) semaphore(%arg17 : memref<!tpu.dma_semaphore, #tpu.memory_space<semaphore_mem>>)
    %dma_wait3A = arith.constant 0 : i32
    %dma_wait3A_48 = arith.constant 0 : i32
    %dma_wait3A_49 = tpu.memref_slice %arg5[%dma_wait3A, %dma_wait3A_48] : memref<1000000x16xf32, #tpu.memory_space<hbm>> -> memref<1000000x16xf32, #tpu.memory_space<hbm>>
    tpu.wait_indirect_dma semaphore(%arg17 : memref<!tpu.dma_semaphore, #tpu.memory_space<semaphore_mem>>) src(%dma_wait3A_49 : memref<1000000x16xf32, #tpu.memory_space<hbm>>) dst(%arg12 : memref<256x16xf32, #tpu.memory_space<vmem>>)
    %dma_wait3A_50 = arith.constant 0 : i32
    %dma_wait3A_51 = arith.constant 0 : i32
    %dma_wait3A_52 = tpu.memref_slice %arg6[%dma_wait3A_50, %dma_wait3A_51] : memref<1000000x16xf32, #tpu.memory_space<hbm>> -> memref<1000000x16xf32, #tpu.memory_space<hbm>>
    tpu.wait_indirect_dma semaphore(%arg17 : memref<!tpu.dma_semaphore, #tpu.memory_space<semaphore_mem>>) src(%dma_wait3A_52 : memref<1000000x16xf32, #tpu.memory_space<hbm>>) dst(%arg13 : memref<256x16xf32, #tpu.memory_space<vmem>>)
    %dma_wait3A_53 = arith.constant 0 : i32
    %dma_wait3A_54 = arith.constant 0 : i32
    %dma_wait3A_55 = tpu.memref_slice %arg6[%dma_wait3A_53, %dma_wait3A_54] : memref<1000000x16xf32, #tpu.memory_space<hbm>> -> memref<1000000x16xf32, #tpu.memory_space<hbm>>
    tpu.wait_indirect_dma semaphore(%arg17 : memref<!tpu.dma_semaphore, #tpu.memory_space<semaphore_mem>>) src(%dma_wait3A_55 : memref<1000000x16xf32, #tpu.memory_space<hbm>>) dst(%arg14 : memref<5120x16xf32, #tpu.memory_space<vmem>>)
    %scan3A = arith.constant 0 : i32
    %scan3A_56 = arith.constant 0 : i32
    %scan3A_57 = arith.constant 16 : i32
    %scan3A_58 = arith.addi %scan3A_56, %scan3A_57 : i32
    %scan3A_59 = arith.constant 1 : i32
    %scan3A_60 = scf.for %scan3A_93 = %scan3A_56 to %scan3A_58 step %scan3A_59 iter_args(%scan3A_94 = %scan3A) -> (i32)  : i32 {
      %mul3A_95 = arith.constant 16 : i32
      %mul3A_96 = arith.muli %scan3A_93, %mul3A_95 : i32
      %add3A_97 = vector.broadcast %mul3A_96 : i32 to vector<16xi32>
      %add3A_98 = arith.addi %add3A_97, %iota3A : vector<16xi32>
      %mul3A_99 = arith.constant 20 : i32
      %mul3A_100 = vector.broadcast %mul3A_99 : i32 to vector<16xi32>
      %mul3A_101 = arith.muli %add3A_98, %mul3A_100 : vector<16xi32>
      %gather3A = tpu.vector_load_idx %arg12[%add3A_98, %broadcast_in_dim3A_3] : memref<256x16xf32, #tpu.memory_space<vmem>>[vector<16xi32>, vector<16xi32>], vector<16xf32>,
      %gather3A_102 = tpu.vector_load_idx %arg12[%add3A_98, %broadcast_in_dim3A_5] : memref<256x16xf32, #tpu.memory_space<vmem>>[vector<16xi32>, vector<16xi32>], vector<16xf32>,
      %gather3A_103 = tpu.vector_load_idx %arg12[%add3A_98, %broadcast_in_dim3A_7] : memref<256x16xf32, #tpu.memory_space<vmem>>[vector<16xi32>, vector<16xi32>], vector<16xf32>,
      %gather3A_104 = tpu.vector_load_idx %arg12[%add3A_98, %broadcast_in_dim3A_9] : memref<256x16xf32, #tpu.memory_space<vmem>>[vector<16xi32>, vector<16xi32>], vector<16xf32>,
      %gather3A_105 = tpu.vector_load_idx %arg12[%add3A_98, %broadcast_in_dim3A_11] : memref<256x16xf32, #tpu.memory_space<vmem>>[vector<16xi32>, vector<16xi32>], vector<16xf32>,
      %gather3A_106 = tpu.vector_load_idx %arg12[%add3A_98, %broadcast_in_dim3A_13] : memref<256x16xf32, #tpu.memory_space<vmem>>[vector<16xi32>, vector<16xi32>], vector<16xf32>,
      %gather3A_107 = tpu.vector_load_idx %arg12[%add3A_98, %broadcast_in_dim3A_15] : memref<256x16xf32, #tpu.memory_space<vmem>>[vector<16xi32>, vector<16xi32>], vector<16xf32>,
      %gather3A_108 = tpu.vector_load_idx %arg12[%add3A_98, %broadcast_in_dim3A_17] : memref<256x16xf32, #tpu.memory_space<vmem>>[vector<16xi32>, vector<16xi32>], vector<16xf32>,
      %gather3A_109 = tpu.vector_load_idx %arg12[%add3A_98, %broadcast_in_dim3A_19] : memref<256x16xf32, #tpu.memory_space<vmem>>[vector<16xi32>, vector<16xi32>], vector<16xf32>,
      %gather3A_110 = tpu.vector_load_idx %arg12[%add3A_98, %broadcast_in_dim3A_21] : memref<256x16xf32, #tpu.memory_space<vmem>>[vector<16xi32>, vector<16xi32>], vector<16xf32>,
      %gather3A_111 = tpu.vector_load_idx %arg12[%add3A_98, %broadcast_in_dim3A_23] : memref<256x16xf32, #tpu.memory_space<vmem>>[vector<16xi32>, vector<16xi32>], vector<16xf32>,
      %gather3A_112 = tpu.vector_load_idx %arg12[%add3A_98, %broadcast_in_dim3A_25] : memref<256x16xf32, #tpu.memory_space<vmem>>[vector<16xi32>, vector<16xi32>], vector<16xf32>,
      %gather3A_113 = tpu.vector_load_idx %arg12[%add3A_98, %broadcast_in_dim3A_27] : memref<256x16xf32, #tpu.memory_space<vmem>>[vector<16xi32>, vector<16xi32>], vector<16xf32>,
      %gather3A_114 = tpu.vector_load_idx %arg12[%add3A_98, %broadcast_in_dim3A_29] : memref<256x16xf32, #tpu.memory_space<vmem>>[vector<16xi32>, vector<16xi32>], vector<16xf32>,
      %gather3A_115 = tpu.vector_load_idx %arg12[%add3A_98, %broadcast_in_dim3A_31] : memref<256x16xf32, #tpu.memory_space<vmem>>[vector<16xi32>, vector<16xi32>], vector<16xf32>,
      %gather3A_116 = tpu.vector_load_idx %arg12[%add3A_98, %broadcast_in_dim3A_33] : memref<256x16xf32, #tpu.memory_space<vmem>>[vector<16xi32>, vector<16xi32>], vector<16xf32>,
      %gather3A_117 = tpu.vector_load_idx %arg13[%add3A_98, %broadcast_in_dim3A_3] : memref<256x16xf32, #tpu.memory_space<vmem>>[vector<16xi32>, vector<16xi32>], vector<16xf32>,
      %mul3A_118 = arith.mulf %gather3A, %gather3A_117 : vector<16xf32>
      %gather3A_119 = tpu.vector_load_idx %arg13[%add3A_98, %broadcast_in_dim3A_5] : memref<256x16xf32, #tpu.memory_space<vmem>>[vector<16xi32>, vector<16xi32>], vector<16xf32>,
      %mul3A_120 = arith.mulf %gather3A_102, %gather3A_119 : vector<16xf32>
      %gather3A_121 = tpu.vector_load_idx %arg13[%add3A_98, %broadcast_in_dim3A_7] : memref<256x16xf32, #tpu.memory_space<vmem>>[vector<16xi32>, vector<16xi32>], vector<16xf32>,
      %mul3A_122 = arith.mulf %gather3A_103, %gather3A_121 : vector<16xf32>
      %gather3A_123 = tpu.vector_load_idx %arg13[%add3A_98, %broadcast_in_dim3A_9] : memref<256x16xf32, #tpu.memory_space<vmem>>[vector<16xi32>, vector<16xi32>], vector<16xf32>,
      %mul3A_124 = arith.mulf %gather3A_104, %gather3A_123 : vector<16xf32>
      %gather3A_125 = tpu.vector_load_idx %arg13[%add3A_98, %broadcast_in_dim3A_11] : memref<256x16xf32, #tpu.memory_space<vmem>>[vector<16xi32>, vector<16xi32>], vector<16xf32>,
      %mul3A_126 = arith.mulf %gather3A_105, %gather3A_125 : vector<16xf32>
      %gather3A_127 = tpu.vector_load_idx %arg13[%add3A_98, %broadcast_in_dim3A_13] : memref<256x16xf32, #tpu.memory_space<vmem>>[vector<16xi32>, vector<16xi32>], vector<16xf32>,
      %mul3A_128 = arith.mulf %gather3A_106, %gather3A_127 : vector<16xf32>
      %gather3A_129 = tpu.vector_load_idx %arg13[%add3A_98, %broadcast_in_dim3A_15] : memref<256x16xf32, #tpu.memory_space<vmem>>[vector<16xi32>, vector<16xi32>], vector<16xf32>,
      %mul3A_130 = arith.mulf %gather3A_107, %gather3A_129 : vector<16xf32>
      %gather3A_131 = tpu.vector_load_idx %arg13[%add3A_98, %broadcast_in_dim3A_17] : memref<256x16xf32, #tpu.memory_space<vmem>>[vector<16xi32>, vector<16xi32>], vector<16xf32>,
      %mul3A_132 = arith.mulf %gather3A_108, %gather3A_131 : vector<16xf32>
      %gather3A_133 = tpu.vector_load_idx %arg13[%add3A_98, %broadcast_in_dim3A_19] : memref<256x16xf32, #tpu.memory_space<vmem>>[vector<16xi32>, vector<16xi32>], vector<16xf32>,
      %mul3A_134 = arith.mulf %gather3A_109, %gather3A_133 : vector<16xf32>
      %gather3A_135 = tpu.vector_load_idx %arg13[%add3A_98, %broadcast_in_dim3A_21] : memref<256x16xf32, #tpu.memory_space<vmem>>[vector<16xi32>, vector<16xi32>], vector<16xf32>,
      %mul3A_136 = arith.mulf %gather3A_110, %gather3A_135 : vector<16xf32>
      %gather3A_137 = tpu.vector_load_idx %arg13[%add3A_98, %broadcast_in_dim3A_23] : memref<256x16xf32, #tpu.memory_space<vmem>>[vector<16xi32>, vector<16xi32>], vector<16xf32>,
      %mul3A_138 = arith.mulf %gather3A_111, %gather3A_137 : vector<16xf32>
      %gather3A_139 = tpu.vector_load_idx %arg13[%add3A_98, %broadcast_in_dim3A_25] : memref<256x16xf32, #tpu.memory_space<vmem>>[vector<16xi32>, vector<16xi32>], vector<16xf32>,
      %mul3A_140 = arith.mulf %gather3A_112, %gather3A_139 : vector<16xf32>
      %gather3A_141 = tpu.vector_load_idx %arg13[%add3A_98, %broadcast_in_dim3A_27] : memref<256x16xf32, #tpu.memory_space<vmem>>[vector<16xi32>, vector<16xi32>], vector<16xf32>,
      %mul3A_142 = arith.mulf %gather3A_113, %gather3A_141 : vector<16xf32>
      %gather3A_143 = tpu.vector_load_idx %arg13[%add3A_98, %broadcast_in_dim3A_29] : memref<256x16xf32, #tpu.memory_space<vmem>>[vector<16xi32>, vector<16xi32>], vector<16xf32>,
      %mul3A_144 = arith.mulf %gather3A_114, %gather3A_143 : vector<16xf32>
      %gather3A_145 = tpu.vector_load_idx %arg13[%add3A_98, %broadcast_in_dim3A_31] : memref<256x16xf32, #tpu.memory_space<vmem>>[vector<16xi32>, vector<16xi32>], vector<16xf32>,
      %mul3A_146 = arith.mulf %gather3A_115, %gather3A_145 : vector<16xf32>
      %gather3A_147 = tpu.vector_load_idx %arg13[%add3A_98, %broadcast_in_dim3A_33] : memref<256x16xf32, #tpu.memory_space<vmem>>[vector<16xi32>, vector<16xi32>], vector<16xf32>,
      %mul3A_148 = arith.mulf %gather3A_116, %gather3A_147 : vector<16xf32>
      %add3A_149 = arith.addf %mul3A_118, %mul3A_120 : vector<16xf32>
      %add3A_150 = arith.addf %add3A_149, %mul3A_122 : vector<16xf32>
      %add3A_151 = arith.addf %add3A_150, %mul3A_124 : vector<16xf32>
      %add3A_152 = arith.addf %add3A_151, %mul3A_126 : vector<16xf32>
      %add3A_153 = arith.addf %add3A_152, %mul3A_128 : vector<16xf32>
      %add3A_154 = arith.addf %add3A_153, %mul3A_130 : vector<16xf32>
      %add3A_155 = arith.addf %add3A_154, %mul3A_132 : vector<16xf32>
      %add3A_156 = arith.addf %add3A_155, %mul3A_134 : vector<16xf32>
      %add3A_157 = arith.addf %add3A_156, %mul3A_136 : vector<16xf32>
      %add3A_158 = arith.addf %add3A_157, %mul3A_138 : vector<16xf32>
      %add3A_159 = arith.addf %add3A_158, %mul3A_140 : vector<16xf32>
      %add3A_160 = arith.addf %add3A_159, %mul3A_142 : vector<16xf32>
      %add3A_161 = arith.addf %add3A_160, %mul3A_144 : vector<16xf32>
      %add3A_162 = arith.addf %add3A_161, %mul3A_146 : vector<16xf32>
      %add3A_163 = arith.addf %add3A_162, %mul3A_148 : vector<16xf32>
      %mul3A_164 = arith.constant 16 : i32
      %mul3A_165 = arith.muli %scan3A_93, %mul3A_164 : i32
      %swap3A = arith.index_cast %mul3A_165 : i32 to index
      %swap3A_166 = tpu.vector_load %arg15[%swap3A] {strides = array<i32>} : memref<256xf32, #tpu.memory_space<vmem>>, vector<16xf32>,
      tpu.vector_store %arg15[%swap3A], %add3A_163 {strides = array<i32>} : memref<256xf32, #tpu.memory_space<vmem>>, vector<16xf32>,
      %add3A_167 = arith.constant 0 : i32
      %add3A_168 = vector.broadcast %add3A_167 : i32 to vector<16xi32>
      %add3A_169 = arith.addi %mul3A_101, %add3A_168 : vector<16xi32>
      %gather3A_170 = tpu.vector_load_idx %arg14[%add3A_169, %broadcast_in_dim3A_3] : memref<5120x16xf32, #tpu.memory_space<vmem>>[vector<16xi32>, vector<16xi32>], vector<16xf32>,
      %mul3A_171 = arith.mulf %gather3A, %gather3A_170 : vector<16xf32>
      %gather3A_172 = tpu.vector_load_idx %arg14[%add3A_169, %broadcast_in_dim3A_5] : memref<5120x16xf32, #tpu.memory_space<vmem>>[vector<16xi32>, vector<16xi32>], vector<16xf32>,
      %mul3A_173 = arith.mulf %gather3A_102, %gather3A_172 : vector<16xf32>
      %gather3A_174 = tpu.vector_load_idx %arg14[%add3A_169, %broadcast_in_dim3A_7] : memref<5120x16xf32, #tpu.memory_space<vmem>>[vector<16xi32>, vector<16xi32>], vector<16xf32>,
      %mul3A_175 = arith.mulf %gather3A_103, %gather3A_174 : vector<16xf32>
      %gather3A_176 = tpu.vector_load_idx %arg14[%add3A_169, %broadcast_in_dim3A_9] : memref<5120x16xf32, #tpu.memory_space<vmem>>[vector<16xi32>, vector<16xi32>], vector<16xf32>,
      %mul3A_177 = arith.mulf %gather3A_104, %gather3A_176 : vector<16xf32>
      %gather3A_178 = tpu.vector_load_idx %arg14[%add3A_169, %broadcast_in_dim3A_11] : memref<5120x16xf32, #tpu.memory_space<vmem>>[vector<16xi32>, vector<16xi32>], vector<16xf32>,
      %mul3A_179 = arith.mulf %gather3A_105, %gather3A_178 : vector<16xf32>
      %gather3A_180 = tpu.vector_load_idx %arg14[%add3A_169, %broadcast_in_dim3A_13] : memref<5120x16xf32, #tpu.memory_space<vmem>>[vector<16xi32>, vector<16xi32>], vector<16xf32>,
      %mul3A_181 = arith.mulf %gather3A_106, %gather3A_180 : vector<16xf32>
      %gather3A_182 = tpu.vector_load_idx %arg14[%add3A_169, %broadcast_in_dim3A_15] : memref<5120x16xf32, #tpu.memory_space<vmem>>[vector<16xi32>, vector<16xi32>], vector<16xf32>,
      %mul3A_183 = arith.mulf %gather3A_107, %gather3A_182 : vector<16xf32>
      %gather3A_184 = tpu.vector_load_idx %arg14[%add3A_169, %broadcast_in_dim3A_17] : memref<5120x16xf32, #tpu.memory_space<vmem>>[vector<16xi32>, vector<16xi32>], vector<16xf32>,
      %mul3A_185 = arith.mulf %gather3A_108, %gather3A_184 : vector<16xf32>
      %gather3A_186 = tpu.vector_load_idx %arg14[%add3A_169, %broadcast_in_dim3A_19] : memref<5120x16xf32, #tpu.memory_space<vmem>>[vector<16xi32>, vector<16xi32>], vector<16xf32>,
      %mul3A_187 = arith.mulf %gather3A_109, %gather3A_186 : vector<16xf32>
      %gather3A_188 = tpu.vector_load_idx %arg14[%add3A_169, %broadcast_in_dim3A_21] : memref<5120x16xf32, #tpu.memory_space<vmem>>[vector<16xi32>, vector<16xi32>], vector<16xf32>,
      %mul3A_189 = arith.mulf %gather3A_110, %gather3A_188 : vector<16xf32>
      %gather3A_190 = tpu.vector_load_idx %arg14[%add3A_169, %broadcast_in_dim3A_23] : memref<5120x16xf32, #tpu.memory_space<vmem>>[vector<16xi32>, vector<16xi32>], vector<16xf32>,
      %mul3A_191 = arith.mulf %gather3A_111, %gather3A_190 : vector<16xf32>
      %gather3A_192 = tpu.vector_load_idx %arg14[%add3A_169, %broadcast_in_dim3A_25] : memref<5120x16xf32, #tpu.memory_space<vmem>>[vector<16xi32>, vector<16xi32>], vector<16xf32>,
      %mul3A_193 = arith.mulf %gather3A_112, %gather3A_192 : vector<16xf32>
      %gather3A_194 = tpu.vector_load_idx %arg14[%add3A_169, %broadcast_in_dim3A_27] : memref<5120x16xf32, #tpu.memory_space<vmem>>[vector<16xi32>, vector<16xi32>], vector<16xf32>,
      %mul3A_195 = arith.mulf %gather3A_113, %gather3A_194 : vector<16xf32>
      %gather3A_196 = tpu.vector_load_idx %arg14[%add3A_169, %broadcast_in_dim3A_29] : memref<5120x16xf32, #tpu.memory_space<vmem>>[vector<16xi32>, vector<16xi32>], vector<16xf32>,
      %mul3A_197 = arith.mulf %gather3A_114, %gather3A_196 : vector<16xf32>
      %gather3A_198 = tpu.vector_load_idx %arg14[%add3A_169, %broadcast_in_dim3A_31] : memref<5120x16xf32, #tpu.memory_space<vmem>>[vector<16xi32>, vector<16xi32>], vector<16xf32>,
      %mul3A_199 = arith.mulf %gather3A_115, %gather3A_198 : vector<16xf32>
      %gather3A_200 = tpu.vector_load_idx %arg14[%add3A_169, %broadcast_in_dim3A_33] : memref<5120x16xf32, #tpu.memory_space<vmem>>[vector<16xi32>, vector<16xi32>], vector<16xf32>,
      %mul3A_201 = arith.mulf %gather3A_116, %gather3A_200 : vector<16xf32>
      %add3A_202 = arith.addf %mul3A_171, %mul3A_173 : vector<16xf32>
      %add3A_203 = arith.addf %add3A_202, %mul3A_175 : vector<16xf32>
      %add3A_204 = arith.addf %add3A_203, %mul3A_177 : vector<16xf32>
      %add3A_205 = arith.addf %add3A_204, %mul3A_179 : vector<16xf32>
      %add3A_206 = arith.addf %add3A_205, %mul3A_181 : vector<16xf32>
      %add3A_207 = arith.addf %add3A_206, %mul3A_183 : vector<16xf32>
      %add3A_208 = arith.addf %add3A_207, %mul3A_185 : vector<16xf32>
      %add3A_209 = arith.addf %add3A_208, %mul3A_187 : vector<16xf32>
      %add3A_210 = arith.addf %add3A_209, %mul3A_189 : vector<16xf32>
      %add3A_211 = arith.addf %add3A_210, %mul3A_191 : vector<16xf32>
      %add3A_212 = arith.addf %add3A_211, %mul3A_193 : vector<16xf32>
      %add3A_213 = arith.addf %add3A_212, %mul3A_195 : vector<16xf32>
      %add3A_214 = arith.addf %add3A_213, %mul3A_197 : vector<16xf32>
      %add3A_215 = arith.addf %add3A_214, %mul3A_199 : vector<16xf32>
      %add3A_216 = arith.addf %add3A_215, %mul3A_201 : vector<16xf32>
      %mul3A_217 = arith.constant 16 : i32
      %mul3A_218 = arith.muli %scan3A_93, %mul3A_217 : i32
      %add3A_219 = arith.constant 0 : i32
      %add3A_220 = arith.addi %add3A_219, %mul3A_218 : i32
      %swap3A_221 = arith.index_cast %add3A_220 : i32 to index
      %swap3A_222 = tpu.vector_load %arg16[%swap3A_221] {strides = array<i32>} : memref<5120xf32, #tpu.memory_space<vmem>>, vector<16xf32>,
      tpu.vector_store %arg16[%swap3A_221], %add3A_216 {strides = array<i32>} : memref<5120xf32, #tpu.memory_space<vmem>>, vector<16xf32>,
      %add3A_223 = arith.constant 1 : i32
      %add3A_224 = vector.broadcast %add3A_223 : i32 to vector<16xi32>
      %add3A_225 = arith.addi %mul3A_101, %add3A_224 : vector<16xi32>
      %gather3A_226 = tpu.vector_load_idx %arg14[%add3A_225, %broadcast_in_dim3A_3] : memref<5120x16xf32, #tpu.memory_space<vmem>>[vector<16xi32>, vector<16xi32>], vector<16xf32>,
      %mul3A_227 = arith.mulf %gather3A, %gather3A_226 : vector<16xf32>
      %gather3A_228 = tpu.vector_load_idx %arg14[%add3A_225, %broadcast_in_dim3A_5] : memref<5120x16xf32, #tpu.memory_space<vmem>>[vector<16xi32>, vector<16xi32>], vector<16xf32>,
      %mul3A_229 = arith.mulf %gather3A_102, %gather3A_228 : vector<16xf32>
      %gather3A_230 = tpu.vector_load_idx %arg14[%add3A_225, %broadcast_in_dim3A_7] : memref<5120x16xf32, #tpu.memory_space<vmem>>[vector<16xi32>, vector<16xi32>], vector<16xf32>,
      %mul3A_231 = arith.mulf %gather3A_103, %gather3A_230 : vector<16xf32>
      %gather3A_232 = tpu.vector_load_idx %arg14[%add3A_225, %broadcast_in_dim3A_9] : memref<5120x16xf32, #tpu.memory_space<vmem>>[vector<16xi32>, vector<16xi32>], vector<16xf32>,
      %mul3A_233 = arith.mulf %gather3A_104, %gather3A_232 : vector<16xf32>
      %gather3A_234 = tpu.vector_load_idx %arg14[%add3A_225, %broadcast_in_dim3A_11] : memref<5120x16xf32, #tpu.memory_space<vmem>>[vector<16xi32>, vector<16xi32>], vector<16xf32>,
      %mul3A_235 = arith.mulf %gather3A_105, %gather3A_234 : vector<16xf32>
      %gather3A_236 = tpu.vector_load_idx %arg14[%add3A_225, %broadcast_in_dim3A_13] : memref<5120x16xf32, #tpu.memory_space<vmem>>[vector<16xi32>, vector<16xi32>], vector<16xf32>,
      %mul3A_237 = arith.mulf %gather3A_106, %gather3A_236 : vector<16xf32>
      %gather3A_238 = tpu.vector_load_idx %arg14[%add3A_225, %broadcast_in_dim3A_15] : memref<5120x16xf32, #tpu.memory_space<vmem>>[vector<16xi32>, vector<16xi32>], vector<16xf32>,
      %mul3A_239 = arith.mulf %gather3A_107, %gather3A_238 : vector<16xf32>
      %gather3A_240 = tpu.vector_load_idx %arg14[%add3A_225, %broadcast_in_dim3A_17] : memref<5120x16xf32, #tpu.memory_space<vmem>>[vector<16xi32>, vector<16xi32>], vector<16xf32>,
      %mul3A_241 = arith.mulf %gather3A_108, %gather3A_240 : vector<16xf32>
      %gather3A_242 = tpu.vector_load_idx %arg14[%add3A_225, %broadcast_in_dim3A_19] : memref<5120x16xf32, #tpu.memory_space<vmem>>[vector<16xi32>, vector<16xi32>], vector<16xf32>,
      %mul3A_243 = arith.mulf %gather3A_109, %gather3A_242 : vector<16xf32>
      %gather3A_244 = tpu.vector_load_idx %arg14[%add3A_225, %broadcast_in_dim3A_21] : memref<5120x16xf32, #tpu.memory_space<vmem>>[vector<16xi32>, vector<16xi32>], vector<16xf32>,
      %mul3A_245 = arith.mulf %gather3A_110, %gather3A_244 : vector<16xf32>
      %gather3A_246 = tpu.vector_load_idx %arg14[%add3A_225, %broadcast_in_dim3A_23] : memref<5120x16xf32, #tpu.memory_space<vmem>>[vector<16xi32>, vector<16xi32>], vector<16xf32>,
      %mul3A_247 = arith.mulf %gather3A_111, %gather3A_246 : vector<16xf32>
      %gather3A_248 = tpu.vector_load_idx %arg14[%add3A_225, %broadcast_in_dim3A_25] : memref<5120x16xf32, #tpu.memory_space<vmem>>[vector<16xi32>, vector<16xi32>], vector<16xf32>,
      %mul3A_249 = arith.mulf %gather3A_112, %gather3A_248 : vector<16xf32>
      %gather3A_250 = tpu.vector_load_idx %arg14[%add3A_225, %broadcast_in_dim3A_27] : memref<5120x16xf32, #tpu.memory_space<vmem>>[vector<16xi32>, vector<16xi32>], vector<16xf32>,
      %mul3A_251 = arith.mulf %gather3A_113, %gather3A_250 : vector<16xf32>
      %gather3A_252 = tpu.vector_load_idx %arg14[%add3A_225, %broadcast_in_dim3A_29] : memref<5120x16xf32, #tpu.memory_space<vmem>>[vector<16xi32>, vector<16xi32>], vector<16xf32>,
      %mul3A_253 = arith.mulf %gather3A_114, %gather3A_252 : vector<16xf32>
      %gather3A_254 = tpu.vector_load_idx %arg14[%add3A_225, %broadcast_in_dim3A_31] : memref<5120x16xf32, #tpu.memory_space<vmem>>[vector<16xi32>, vector<16xi32>], vector<16xf32>,
      %mul3A_255 = arith.mulf %gather3A_115, %gather3A_254 : vector<16xf32>
      %gather3A_256 = tpu.vector_load_idx %arg14[%add3A_225, %broadcast_in_dim3A_33] : memref<5120x16xf32, #tpu.memory_space<vmem>>[vector<16xi32>, vector<16xi32>], vector<16xf32>,
      %mul3A_257 = arith.mulf %gather3A_116, %gather3A_256 : vector<16xf32>
      %add3A_258 = arith.addf %mul3A_227, %mul3A_229 : vector<16xf32>
      %add3A_259 = arith.addf %add3A_258, %mul3A_231 : vector<16xf32>
      %add3A_260 = arith.addf %add3A_259, %mul3A_233 : vector<16xf32>
      %add3A_261 = arith.addf %add3A_260, %mul3A_235 : vector<16xf32>
      %add3A_262 = arith.addf %add3A_261, %mul3A_237 : vector<16xf32>
      %add3A_263 = arith.addf %add3A_262, %mul3A_239 : vector<16xf32>
      %add3A_264 = arith.addf %add3A_263, %mul3A_241 : vector<16xf32>
      %add3A_265 = arith.addf %add3A_264, %mul3A_243 : vector<16xf32>
      %add3A_266 = arith.addf %add3A_265, %mul3A_245 : vector<16xf32>
      %add3A_267 = arith.addf %add3A_266, %mul3A_247 : vector<16xf32>
      %add3A_268 = arith.addf %add3A_267, %mul3A_249 : vector<16xf32>
      %add3A_269 = arith.addf %add3A_268, %mul3A_251 : vector<16xf32>
      %add3A_270 = arith.addf %add3A_269, %mul3A_253 : vector<16xf32>
      %add3A_271 = arith.addf %add3A_270, %mul3A_255 : vector<16xf32>
      %add3A_272 = arith.addf %add3A_271, %mul3A_257 : vector<16xf32>
      %mul3A_273 = arith.constant 16 : i32
      %mul3A_274 = arith.muli %scan3A_93, %mul3A_273 : i32
      %add3A_275 = arith.constant 256 : i32
      %add3A_276 = arith.addi %add3A_275, %mul3A_274 : i32
      %swap3A_277 = arith.index_cast %add3A_276 : i32 to index
      %swap3A_278 = tpu.vector_load %arg16[%swap3A_277] {strides = array<i32>} : memref<5120xf32, #tpu.memory_space<vmem>>, vector<16xf32>,
      tpu.vector_store %arg16[%swap3A_277], %add3A_272 {strides = array<i32>} : memref<5120xf32, #tpu.memory_space<vmem>>, vector<16xf32>,
      %add3A_279 = arith.constant 2 : i32
      %add3A_280 = vector.broadcast %add3A_279 : i32 to vector<16xi32>
      %add3A_281 = arith.addi %mul3A_101, %add3A_280 : vector<16xi32>
      %gather3A_282 = tpu.vector_load_idx %arg14[%add3A_281, %broadcast_in_dim3A_3] : memref<5120x16xf32, #tpu.memory_space<vmem>>[vector<16xi32>, vector<16xi32>], vector<16xf32>,
      %mul3A_283 = arith.mulf %gather3A, %gather3A_282 : vector<16xf32>
      %gather3A_284 = tpu.vector_load_idx %arg14[%add3A_281, %broadcast_in_dim3A_5] : memref<5120x16xf32, #tpu.memory_space<vmem>>[vector<16xi32>, vector<16xi32>], vector<16xf32>,
      %mul3A_285 = arith.mulf %gather3A_102, %gather3A_284 : vector<16xf32>
      %gather3A_286 = tpu.vector_load_idx %arg14[%add3A_281, %broadcast_in_dim3A_7] : memref<5120x16xf32, #tpu.memory_space<vmem>>[vector<16xi32>, vector<16xi32>], vector<16xf32>,
      %mul3A_287 = arith.mulf %gather3A_103, %gather3A_286 : vector<16xf32>
      %gather3A_288 = tpu.vector_load_idx %arg14[%add3A_281, %broadcast_in_dim3A_9] : memref<5120x16xf32, #tpu.memory_space<vmem>>[vector<16xi32>, vector<16xi32>], vector<16xf32>,
      %mul3A_289 = arith.mulf %gather3A_104, %gather3A_288 : vector<16xf32>
      %gather3A_290 = tpu.vector_load_idx %arg14[%add3A_281, %broadcast_in_dim3A_11] : memref<5120x16xf32, #tpu.memory_space<vmem>>[vector<16xi32>, vector<16xi32>], vector<16xf32>,
      %mul3A_291 = arith.mulf %gather3A_105, %gather3A_290 : vector<16xf32>
      %gather3A_292 = tpu.vector_load_idx %arg14[%add3A_281, %broadcast_in_dim3A_13] : memref<5120x16xf32, #tpu.memory_space<vmem>>[vector<16xi32>, vector<16xi32>], vector<16xf32>,
      %mul3A_293 = arith.mulf %gather3A_106, %gather3A_292 : vector<16xf32>
      %gather3A_294 = tpu.vector_load_idx %arg14[%add3A_281, %broadcast_in_dim3A_15] : memref<5120x16xf32, #tpu.memory_space<vmem>>[vector<16xi32>, vector<16xi32>], vector<16xf32>,
      %mul3A_295 = arith.mulf %gather3A_107, %gather3A_294 : vector<16xf32>
      %gather3A_296 = tpu.vector_load_idx %arg14[%add3A_281, %broadcast_in_dim3A_17] : memref<5120x16xf32, #tpu.memory_space<vmem>>[vector<16xi32>, vector<16xi32>], vector<16xf32>,
      %mul3A_297 = arith.mulf %gather3A_108, %gather3A_296 : vector<16xf32>
      %gather3A_298 = tpu.vector_load_idx %arg14[%add3A_281, %broadcast_in_dim3A_19] : memref<5120x16xf32, #tpu.memory_space<vmem>>[vector<16xi32>, vector<16xi32>], vector<16xf32>,
      %mul3A_299 = arith.mulf %gather3A_109, %gather3A_298 : vector<16xf32>
      %gather3A_300 = tpu.vector_load_idx %arg14[%add3A_281, %broadcast_in_dim3A_21] : memref<5120x16xf32, #tpu.memory_space<vmem>>[vector<16xi32>, vector<16xi32>], vector<16xf32>,
      %mul3A_301 = arith.mulf %gather3A_110, %gather3A_300 : vector<16xf32>
      %gather3A_302 = tpu.vector_load_idx %arg14[%add3A_281, %broadcast_in_dim3A_23] : memref<5120x16xf32, #tpu.memory_space<vmem>>[vector<16xi32>, vector<16xi32>], vector<16xf32>,
      %mul3A_303 = arith.mulf %gather3A_111, %gather3A_302 : vector<16xf32>
      %gather3A_304 = tpu.vector_load_idx %arg14[%add3A_281, %broadcast_in_dim3A_25] : memref<5120x16xf32, #tpu.memory_space<vmem>>[vector<16xi32>, vector<16xi32>], vector<16xf32>,
      %mul3A_305 = arith.mulf %gather3A_112, %gather3A_304 : vector<16xf32>
      %gather3A_306 = tpu.vector_load_idx %arg14[%add3A_281, %broadcast_in_dim3A_27] : memref<5120x16xf32, #tpu.memory_space<vmem>>[vector<16xi32>, vector<16xi32>], vector<16xf32>,
      %mul3A_307 = arith.mulf %gather3A_113, %gather3A_306 : vector<16xf32>
      %gather3A_308 = tpu.vector_load_idx %arg14[%add3A_281, %broadcast_in_dim3A_29] : memref<5120x16xf32, #tpu.memory_space<vmem>>[vector<16xi32>, vector<16xi32>], vector<16xf32>,
      %mul3A_309 = arith.mulf %gather3A_114, %gather3A_308 : vector<16xf32>
      %gather3A_310 = tpu.vector_load_idx %arg14[%add3A_281, %broadcast_in_dim3A_31] : memref<5120x16xf32, #tpu.memory_space<vmem>>[vector<16xi32>, vector<16xi32>], vector<16xf32>,
      %mul3A_311 = arith.mulf %gather3A_115, %gather3A_310 : vector<16xf32>
      %gather3A_312 = tpu.vector_load_idx %arg14[%add3A_281, %broadcast_in_dim3A_33] : memref<5120x16xf32, #tpu.memory_space<vmem>>[vector<16xi32>, vector<16xi32>], vector<16xf32>,
      %mul3A_313 = arith.mulf %gather3A_116, %gather3A_312 : vector<16xf32>
      %add3A_314 = arith.addf %mul3A_283, %mul3A_285 : vector<16xf32>
      %add3A_315 = arith.addf %add3A_314, %mul3A_287 : vector<16xf32>
      %add3A_316 = arith.addf %add3A_315, %mul3A_289 : vector<16xf32>
      %add3A_317 = arith.addf %add3A_316, %mul3A_291 : vector<16xf32>
      %add3A_318 = arith.addf %add3A_317, %mul3A_293 : vector<16xf32>
      %add3A_319 = arith.addf %add3A_318, %mul3A_295 : vector<16xf32>
      %add3A_320 = arith.addf %add3A_319, %mul3A_297 : vector<16xf32>
      %add3A_321 = arith.addf %add3A_320, %mul3A_299 : vector<16xf32>
      %add3A_322 = arith.addf %add3A_321, %mul3A_301 : vector<16xf32>
      %add3A_323 = arith.addf %add3A_322, %mul3A_303 : vector<16xf32>
      %add3A_324 = arith.addf %add3A_323, %mul3A_305 : vector<16xf32>
      %add3A_325 = arith.addf %add3A_324, %mul3A_307 : vector<16xf32>
      %add3A_326 = arith.addf %add3A_325, %mul3A_309 : vector<16xf32>
      %add3A_327 = arith.addf %add3A_326, %mul3A_311 : vector<16xf32>
      %add3A_328 = arith.addf %add3A_327, %mul3A_313 : vector<16xf32>
      %mul3A_329 = arith.constant 16 : i32
      %mul3A_330 = arith.muli %scan3A_93, %mul3A_329 : i32
      %add3A_331 = arith.constant 512 : i32
      %add3A_332 = arith.addi %add3A_331, %mul3A_330 : i32
      %swap3A_333 = arith.index_cast %add3A_332 : i32 to index
      %swap3A_334 = tpu.vector_load %arg16[%swap3A_333] {strides = array<i32>} : memref<5120xf32, #tpu.memory_space<vmem>>, vector<16xf32>,
      tpu.vector_store %arg16[%swap3A_333], %add3A_328 {strides = array<i32>} : memref<5120xf32, #tpu.memory_space<vmem>>, vector<16xf32>,
      %add3A_335 = arith.constant 3 : i32
      %add3A_336 = vector.broadcast %add3A_335 : i32 to vector<16xi32>
      %add3A_337 = arith.addi %mul3A_101, %add3A_336 : vector<16xi32>
      %gather3A_338 = tpu.vector_load_idx %arg14[%add3A_337, %broadcast_in_dim3A_3] : memref<5120x16xf32, #tpu.memory_space<vmem>>[vector<16xi32>, vector<16xi32>], vector<16xf32>,
      %mul3A_339 = arith.mulf %gather3A, %gather3A_338 : vector<16xf32>
      %gather3A_340 = tpu.vector_load_idx %arg14[%add3A_337, %broadcast_in_dim3A_5] : memref<5120x16xf32, #tpu.memory_space<vmem>>[vector<16xi32>, vector<16xi32>], vector<16xf32>,
      %mul3A_341 = arith.mulf %gather3A_102, %gather3A_340 : vector<16xf32>
      %gather3A_342 = tpu.vector_load_idx %arg14[%add3A_337, %broadcast_in_dim3A_7] : memref<5120x16xf32, #tpu.memory_space<vmem>>[vector<16xi32>, vector<16xi32>], vector<16xf32>,
      %mul3A_343 = arith.mulf %gather3A_103, %gather3A_342 : vector<16xf32>
      %gather3A_344 = tpu.vector_load_idx %arg14[%add3A_337, %broadcast_in_dim3A_9] : memref<5120x16xf32, #tpu.memory_space<vmem>>[vector<16xi32>, vector<16xi32>], vector<16xf32>,
      %mul3A_345 = arith.mulf %gather3A_104, %gather3A_344 : vector<16xf32>
      %gather3A_346 = tpu.vector_load_idx %arg14[%add3A_337, %broadcast_in_dim3A_11] : memref<5120x16xf32, #tpu.memory_space<vmem>>[vector<16xi32>, vector<16xi32>], vector<16xf32>,
      %mul3A_347 = arith.mulf %gather3A_105, %gather3A_346 : vector<16xf32>
      %gather3A_348 = tpu.vector_load_idx %arg14[%add3A_337, %broadcast_in_dim3A_13] : memref<5120x16xf32, #tpu.memory_space<vmem>>[vector<16xi32>, vector<16xi32>], vector<16xf32>,
      %mul3A_349 = arith.mulf %gather3A_106, %gather3A_348 : vector<16xf32>
      %gather3A_350 = tpu.vector_load_idx %arg14[%add3A_337, %broadcast_in_dim3A_15] : memref<5120x16xf32, #tpu.memory_space<vmem>>[vector<16xi32>, vector<16xi32>], vector<16xf32>,
      %mul3A_351 = arith.mulf %gather3A_107, %gather3A_350 : vector<16xf32>
      %gather3A_352 = tpu.vector_load_idx %arg14[%add3A_337, %broadcast_in_dim3A_17] : memref<5120x16xf32, #tpu.memory_space<vmem>>[vector<16xi32>, vector<16xi32>], vector<16xf32>,
      %mul3A_353 = arith.mulf %gather3A_108, %gather3A_352 : vector<16xf32>
      %gather3A_354 = tpu.vector_load_idx %arg14[%add3A_337, %broadcast_in_dim3A_19] : memref<5120x16xf32, #tpu.memory_space<vmem>>[vector<16xi32>, vector<16xi32>], vector<16xf32>,
      %mul3A_355 = arith.mulf %gather3A_109, %gather3A_354 : vector<16xf32>
      %gather3A_356 = tpu.vector_load_idx %arg14[%add3A_337, %broadcast_in_dim3A_21] : memref<5120x16xf32, #tpu.memory_space<vmem>>[vector<16xi32>, vector<16xi32>], vector<16xf32>,
      %mul3A_357 = arith.mulf %gather3A_110, %gather3A_356 : vector<16xf32>
      %gather3A_358 = tpu.vector_load_idx %arg14[%add3A_337, %broadcast_in_dim3A_23] : memref<5120x16xf32, #tpu.memory_space<vmem>>[vector<16xi32>, vector<16xi32>], vector<16xf32>,
      %mul3A_359 = arith.mulf %gather3A_111, %gather3A_358 : vector<16xf32>
      %gather3A_360 = tpu.vector_load_idx %arg14[%add3A_337, %broadcast_in_dim3A_25] : memref<5120x16xf32, #tpu.memory_space<vmem>>[vector<16xi32>, vector<16xi32>], vector<16xf32>,
      %mul3A_361 = arith.mulf %gather3A_112, %gather3A_360 : vector<16xf32>
      %gather3A_362 = tpu.vector_load_idx %arg14[%add3A_337, %broadcast_in_dim3A_27] : memref<5120x16xf32, #tpu.memory_space<vmem>>[vector<16xi32>, vector<16xi32>], vector<16xf32>,
      %mul3A_363 = arith.mulf %gather3A_113, %gather3A_362 : vector<16xf32>
      %gather3A_364 = tpu.vector_load_idx %arg14[%add3A_337, %broadcast_in_dim3A_29] : memref<5120x16xf32, #tpu.memory_space<vmem>>[vector<16xi32>, vector<16xi32>], vector<16xf32>,
      %mul3A_365 = arith.mulf %gather3A_114, %gather3A_364 : vector<16xf32>
      %gather3A_366 = tpu.vector_load_idx %arg14[%add3A_337, %broadcast_in_dim3A_31] : memref<5120x16xf32, #tpu.memory_space<vmem>>[vector<16xi32>, vector<16xi32>], vector<16xf32>,
      %mul3A_367 = arith.mulf %gather3A_115, %gather3A_366 : vector<16xf32>
      %gather3A_368 = tpu.vector_load_idx %arg14[%add3A_337, %broadcast_in_dim3A_33] : memref<5120x16xf32, #tpu.memory_space<vmem>>[vector<16xi32>, vector<16xi32>], vector<16xf32>,
      %mul3A_369 = arith.mulf %gather3A_116, %gather3A_368 : vector<16xf32>
      %add3A_370 = arith.addf %mul3A_339, %mul3A_341 : vector<16xf32>
      %add3A_371 = arith.addf %add3A_370, %mul3A_343 : vector<16xf32>
      %add3A_372 = arith.addf %add3A_371, %mul3A_345 : vector<16xf32>
      %add3A_373 = arith.addf %add3A_372, %mul3A_347 : vector<16xf32>
      %add3A_374 = arith.addf %add3A_373, %mul3A_349 : vector<16xf32>
      %add3A_375 = arith.addf %add3A_374, %mul3A_351 : vector<16xf32>
      %add3A_376 = arith.addf %add3A_375, %mul3A_353 : vector<16xf32>
      %add3A_377 = arith.addf %add3A_376, %mul3A_355 : vector<16xf32>
      %add3A_378 = arith.addf %add3A_377, %mul3A_357 : vector<16xf32>
      %add3A_379 = arith.addf %add3A_378, %mul3A_359 : vector<16xf32>
      %add3A_380 = arith.addf %add3A_379, %mul3A_361 : vector<16xf32>
      %add3A_381 = arith.addf %add3A_380, %mul3A_363 : vector<16xf32>
      %add3A_382 = arith.addf %add3A_381, %mul3A_365 : vector<16xf32>
      %add3A_383 = arith.addf %add3A_382, %mul3A_367 : vector<16xf32>
      %add3A_384 = arith.addf %add3A_383, %mul3A_369 : vector<16xf32>
      %mul3A_385 = arith.constant 16 : i32
      %mul3A_386 = arith.muli %scan3A_93, %mul3A_385 : i32
      %add3A_387 = arith.constant 768 : i32
      %add3A_388 = arith.addi %add3A_387, %mul3A_386 : i32
      %swap3A_389 = arith.index_cast %add3A_388 : i32 to index
      %swap3A_390 = tpu.vector_load %arg16[%swap3A_389] {strides = array<i32>} : memref<5120xf32, #tpu.memory_space<vmem>>, vector<16xf32>,
      tpu.vector_store %arg16[%swap3A_389], %add3A_384 {strides = array<i32>} : memref<5120xf32, #tpu.memory_space<vmem>>, vector<16xf32>,
      %add3A_391 = arith.constant 4 : i32
      %add3A_392 = vector.broadcast %add3A_391 : i32 to vector<16xi32>
      %add3A_393 = arith.addi %mul3A_101, %add3A_392 : vector<16xi32>
      %gather3A_394 = tpu.vector_load_idx %arg14[%add3A_393, %broadcast_in_dim3A_3] : memref<5120x16xf32, #tpu.memory_space<vmem>>[vector<16xi32>, vector<16xi32>], vector<16xf32>,
      %mul3A_395 = arith.mulf %gather3A, %gather3A_394 : vector<16xf32>
      %gather3A_396 = tpu.vector_load_idx %arg14[%add3A_393, %broadcast_in_dim3A_5] : memref<5120x16xf32, #tpu.memory_space<vmem>>[vector<16xi32>, vector<16xi32>], vector<16xf32>,
      %mul3A_397 = arith.mulf %gather3A_102, %gather3A_396 : vector<16xf32>
      %gather3A_398 = tpu.vector_load_idx %arg14[%add3A_393, %broadcast_in_dim3A_7] : memref<5120x16xf32, #tpu.memory_space<vmem>>[vector<16xi32>, vector<16xi32>], vector<16xf32>,
      %mul3A_399 = arith.mulf %gather3A_103, %gather3A_398 : vector<16xf32>
      %gather3A_400 = tpu.vector_load_idx %arg14[%add3A_393, %broadcast_in_dim3A_9] : memref<5120x16xf32, #tpu.memory_space<vmem>>[vector<16xi32>, vector<16xi32>], vector<16xf32>,
      %mul3A_401 = arith.mulf %gather3A_104, %gather3A_400 : vector<16xf32>
      %gather3A_402 = tpu.vector_load_idx %arg14[%add3A_393, %broadcast_in_dim3A_11] : memref<5120x16xf32, #tpu.memory_space<vmem>>[vector<16xi32>, vector<16xi32>], vector<16xf32>,
      %mul3A_403 = arith.mulf %gather3A_105, %gather3A_402 : vector<16xf32>
      %gather3A_404 = tpu.vector_load_idx %arg14[%add3A_393, %broadcast_in_dim3A_13] : memref<5120x16xf32, #tpu.memory_space<vmem>>[vector<16xi32>, vector<16xi32>], vector<16xf32>,
      %mul3A_405 = arith.mulf %gather3A_106, %gather3A_404 : vector<16xf32>
      %gather3A_406 = tpu.vector_load_idx %arg14[%add3A_393, %broadcast_in_dim3A_15] : memref<5120x16xf32, #tpu.memory_space<vmem>>[vector<16xi32>, vector<16xi32>], vector<16xf32>,
      %mul3A_407 = arith.mulf %gather3A_107, %gather3A_406 : vector<16xf32>
      %gather3A_408 = tpu.vector_load_idx %arg14[%add3A_393, %broadcast_in_dim3A_17] : memref<5120x16xf32, #tpu.memory_space<vmem>>[vector<16xi32>, vector<16xi32>], vector<16xf32>,
      %mul3A_409 = arith.mulf %gather3A_108, %gather3A_408 : vector<16xf32>
      %gather3A_410 = tpu.vector_load_idx %arg14[%add3A_393, %broadcast_in_dim3A_19] : memref<5120x16xf32, #tpu.memory_space<vmem>>[vector<16xi32>, vector<16xi32>], vector<16xf32>,
      %mul3A_411 = arith.mulf %gather3A_109, %gather3A_410 : vector<16xf32>
      %gather3A_412 = tpu.vector_load_idx %arg14[%add3A_393, %broadcast_in_dim3A_21] : memref<5120x16xf32, #tpu.memory_space<vmem>>[vector<16xi32>, vector<16xi32>], vector<16xf32>,
      %mul3A_413 = arith.mulf %gather3A_110, %gather3A_412 : vector<16xf32>
      %gather3A_414 = tpu.vector_load_idx %arg14[%add3A_393, %broadcast_in_dim3A_23] : memref<5120x16xf32, #tpu.memory_space<vmem>>[vector<16xi32>, vector<16xi32>], vector<16xf32>,
      %mul3A_415 = arith.mulf %gather3A_111, %gather3A_414 : vector<16xf32>
      %gather3A_416 = tpu.vector_load_idx %arg14[%add3A_393, %broadcast_in_dim3A_25] : memref<5120x16xf32, #tpu.memory_space<vmem>>[vector<16xi32>, vector<16xi32>], vector<16xf32>,
      %mul3A_417 = arith.mulf %gather3A_112, %gather3A_416 : vector<16xf32>
      %gather3A_418 = tpu.vector_load_idx %arg14[%add3A_393, %broadcast_in_dim3A_27] : memref<5120x16xf32, #tpu.memory_space<vmem>>[vector<16xi32>, vector<16xi32>], vector<16xf32>,
      %mul3A_419 = arith.mulf %gather3A_113, %gather3A_418 : vector<16xf32>
      %gather3A_420 = tpu.vector_load_idx %arg14[%add3A_393, %broadcast_in_dim3A_29] : memref<5120x16xf32, #tpu.memory_space<vmem>>[vector<16xi32>, vector<16xi32>], vector<16xf32>,
      %mul3A_421 = arith.mulf %gather3A_114, %gather3A_420 : vector<16xf32>
      %gather3A_422 = tpu.vector_load_idx %arg14[%add3A_393, %broadcast_in_dim3A_31] : memref<5120x16xf32, #tpu.memory_space<vmem>>[vector<16xi32>, vector<16xi32>], vector<16xf32>,
      %mul3A_423 = arith.mulf %gather3A_115, %gather3A_422 : vector<16xf32>
      %gather3A_424 = tpu.vector_load_idx %arg14[%add3A_393, %broadcast_in_dim3A_33] : memref<5120x16xf32, #tpu.memory_space<vmem>>[vector<16xi32>, vector<16xi32>], vector<16xf32>,
      %mul3A_425 = arith.mulf %gather3A_116, %gather3A_424 : vector<16xf32>
      %add3A_426 = arith.addf %mul3A_395, %mul3A_397 : vector<16xf32>
      %add3A_427 = arith.addf %add3A_426, %mul3A_399 : vector<16xf32>
      %add3A_428 = arith.addf %add3A_427, %mul3A_401 : vector<16xf32>
      %add3A_429 = arith.addf %add3A_428, %mul3A_403 : vector<16xf32>
      %add3A_430 = arith.addf %add3A_429, %mul3A_405 : vector<16xf32>
      %add3A_431 = arith.addf %add3A_430, %mul3A_407 : vector<16xf32>
      %add3A_432 = arith.addf %add3A_431, %mul3A_409 : vector<16xf32>
      %add3A_433 = arith.addf %add3A_432, %mul3A_411 : vector<16xf32>
      %add3A_434 = arith.addf %add3A_433, %mul3A_413 : vector<16xf32>
      %add3A_435 = arith.addf %add3A_434, %mul3A_415 : vector<16xf32>
      %add3A_436 = arith.addf %add3A_435, %mul3A_417 : vector<16xf32>
      %add3A_437 = arith.addf %add3A_436, %mul3A_419 : vector<16xf32>
      %add3A_438 = arith.addf %add3A_437, %mul3A_421 : vector<16xf32>
      %add3A_439 = arith.addf %add3A_438, %mul3A_423 : vector<16xf32>
      %add3A_440 = arith.addf %add3A_439, %mul3A_425 : vector<16xf32>
      %mul3A_441 = arith.constant 16 : i32
      %mul3A_442 = arith.muli %scan3A_93, %mul3A_441 : i32
      %add3A_443 = arith.constant 1024 : i32
      %add3A_444 = arith.addi %add3A_443, %mul3A_442 : i32
      %swap3A_445 = arith.index_cast %add3A_444 : i32 to index
      %swap3A_446 = tpu.vector_load %arg16[%swap3A_445] {strides = array<i32>} : memref<5120xf32, #tpu.memory_space<vmem>>, vector<16xf32>,
      tpu.vector_store %arg16[%swap3A_445], %add3A_440 {strides = array<i32>} : memref<5120xf32, #tpu.memory_space<vmem>>, vector<16xf32>,
      %add3A_447 = arith.constant 5 : i32
      %add3A_448 = vector.broadcast %add3A_447 : i32 to vector<16xi32>
      %add3A_449 = arith.addi %mul3A_101, %add3A_448 : vector<16xi32>
      %gather3A_450 = tpu.vector_load_idx %arg14[%add3A_449, %broadcast_in_dim3A_3] : memref<5120x16xf32, #tpu.memory_space<vmem>>[vector<16xi32>, vector<16xi32>], vector<16xf32>,
      %mul3A_451 = arith.mulf %gather3A, %gather3A_450 : vector<16xf32>
      %gather3A_452 = tpu.vector_load_idx %arg14[%add3A_449, %broadcast_in_dim3A_5] : memref<5120x16xf32, #tpu.memory_space<vmem>>[vector<16xi32>, vector<16xi32>], vector<16xf32>,
      %mul3A_453 = arith.mulf %gather3A_102, %gather3A_452 : vector<16xf32>
      %gather3A_454 = tpu.vector_load_idx %arg14[%add3A_449, %broadcast_in_dim3A_7] : memref<5120x16xf32, #tpu.memory_space<vmem>>[vector<16xi32>, vector<16xi32>], vector<16xf32>,
      %mul3A_455 = arith.mulf %gather3A_103, %gather3A_454 : vector<16xf32>
      %gather3A_456 = tpu.vector_load_idx %arg14[%add3A_449, %broadcast_in_dim3A_9] : memref<5120x16xf32, #tpu.memory_space<vmem>>[vector<16xi32>, vector<16xi32>], vector<16xf32>,
      %mul3A_457 = arith.mulf %gather3A_104, %gather3A_456 : vector<16xf32>
      %gather3A_458 = tpu.vector_load_idx %arg14[%add3A_449, %broadcast_in_dim3A_11] : memref<5120x16xf32, #tpu.memory_space<vmem>>[vector<16xi32>, vector<16xi32>], vector<16xf32>,
      %mul3A_459 = arith.mulf %gather3A_105, %gather3A_458 : vector<16xf32>
      %gather3A_460 = tpu.vector_load_idx %arg14[%add3A_449, %broadcast_in_dim3A_13] : memref<5120x16xf32, #tpu.memory_space<vmem>>[vector<16xi32>, vector<16xi32>], vector<16xf32>,
      %mul3A_461 = arith.mulf %gather3A_106, %gather3A_460 : vector<16xf32>
      %gather3A_462 = tpu.vector_load_idx %arg14[%add3A_449, %broadcast_in_dim3A_15] : memref<5120x16xf32, #tpu.memory_space<vmem>>[vector<16xi32>, vector<16xi32>], vector<16xf32>,
      %mul3A_463 = arith.mulf %gather3A_107, %gather3A_462 : vector<16xf32>
      %gather3A_464 = tpu.vector_load_idx %arg14[%add3A_449, %broadcast_in_dim3A_17] : memref<5120x16xf32, #tpu.memory_space<vmem>>[vector<16xi32>, vector<16xi32>], vector<16xf32>,
      %mul3A_465 = arith.mulf %gather3A_108, %gather3A_464 : vector<16xf32>
      %gather3A_466 = tpu.vector_load_idx %arg14[%add3A_449, %broadcast_in_dim3A_19] : memref<5120x16xf32, #tpu.memory_space<vmem>>[vector<16xi32>, vector<16xi32>], vector<16xf32>,
      %mul3A_467 = arith.mulf %gather3A_109, %gather3A_466 : vector<16xf32>
      %gather3A_468 = tpu.vector_load_idx %arg14[%add3A_449, %broadcast_in_dim3A_21] : memref<5120x16xf32, #tpu.memory_space<vmem>>[vector<16xi32>, vector<16xi32>], vector<16xf32>,
      %mul3A_469 = arith.mulf %gather3A_110, %gather3A_468 : vector<16xf32>
      %gather3A_470 = tpu.vector_load_idx %arg14[%add3A_449, %broadcast_in_dim3A_23] : memref<5120x16xf32, #tpu.memory_space<vmem>>[vector<16xi32>, vector<16xi32>], vector<16xf32>,
      %mul3A_471 = arith.mulf %gather3A_111, %gather3A_470 : vector<16xf32>
      %gather3A_472 = tpu.vector_load_idx %arg14[%add3A_449, %broadcast_in_dim3A_25] : memref<5120x16xf32, #tpu.memory_space<vmem>>[vector<16xi32>, vector<16xi32>], vector<16xf32>,
      %mul3A_473 = arith.mulf %gather3A_112, %gather3A_472 : vector<16xf32>
      %gather3A_474 = tpu.vector_load_idx %arg14[%add3A_449, %broadcast_in_dim3A_27] : memref<5120x16xf32, #tpu.memory_space<vmem>>[vector<16xi32>, vector<16xi32>], vector<16xf32>,
      %mul3A_475 = arith.mulf %gather3A_113, %gather3A_474 : vector<16xf32>
      %gather3A_476 = tpu.vector_load_idx %arg14[%add3A_449, %broadcast_in_dim3A_29] : memref<5120x16xf32, #tpu.memory_space<vmem>>[vector<16xi32>, vector<16xi32>], vector<16xf32>,
      %mul3A_477 = arith.mulf %gather3A_114, %gather3A_476 : vector<16xf32>
      %gather3A_478 = tpu.vector_load_idx %arg14[%add3A_449, %broadcast_in_dim3A_31] : memref<5120x16xf32, #tpu.memory_space<vmem>>[vector<16xi32>, vector<16xi32>], vector<16xf32>,
      %mul3A_479 = arith.mulf %gather3A_115, %gather3A_478 : vector<16xf32>
      %gather3A_480 = tpu.vector_load_idx %arg14[%add3A_449, %broadcast_in_dim3A_33] : memref<5120x16xf32, #tpu.memory_space<vmem>>[vector<16xi32>, vector<16xi32>], vector<16xf32>,
      %mul3A_481 = arith.mulf %gather3A_116, %gather3A_480 : vector<16xf32>
      %add3A_482 = arith.addf %mul3A_451, %mul3A_453 : vector<16xf32>
      %add3A_483 = arith.addf %add3A_482, %mul3A_455 : vector<16xf32>
      %add3A_484 = arith.addf %add3A_483, %mul3A_457 : vector<16xf32>
      %add3A_485 = arith.addf %add3A_484, %mul3A_459 : vector<16xf32>
      %add3A_486 = arith.addf %add3A_485, %mul3A_461 : vector<16xf32>
      %add3A_487 = arith.addf %add3A_486, %mul3A_463 : vector<16xf32>
      %add3A_488 = arith.addf %add3A_487, %mul3A_465 : vector<16xf32>
      %add3A_489 = arith.addf %add3A_488, %mul3A_467 : vector<16xf32>
      %add3A_490 = arith.addf %add3A_489, %mul3A_469 : vector<16xf32>
      %add3A_491 = arith.addf %add3A_490, %mul3A_471 : vector<16xf32>
      %add3A_492 = arith.addf %add3A_491, %mul3A_473 : vector<16xf32>
      %add3A_493 = arith.addf %add3A_492, %mul3A_475 : vector<16xf32>
      %add3A_494 = arith.addf %add3A_493, %mul3A_477 : vector<16xf32>
      %add3A_495 = arith.addf %add3A_494, %mul3A_479 : vector<16xf32>
      %add3A_496 = arith.addf %add3A_495, %mul3A_481 : vector<16xf32>
      %mul3A_497 = arith.constant 16 : i32
      %mul3A_498 = arith.muli %scan3A_93, %mul3A_497 : i32
      %add3A_499 = arith.constant 1280 : i32
      %add3A_500 = arith.addi %add3A_499, %mul3A_498 : i32
      %swap3A_501 = arith.index_cast %add3A_500 : i32 to index
      %swap3A_502 = tpu.vector_load %arg16[%swap3A_501] {strides = array<i32>} : memref<5120xf32, #tpu.memory_space<vmem>>, vector<16xf32>,
      tpu.vector_store %arg16[%swap3A_501], %add3A_496 {strides = array<i32>} : memref<5120xf32, #tpu.memory_space<vmem>>, vector<16xf32>,
      %add3A_503 = arith.constant 6 : i32
      %add3A_504 = vector.broadcast %add3A_503 : i32 to vector<16xi32>
      %add3A_505 = arith.addi %mul3A_101, %add3A_504 : vector<16xi32>
      %gather3A_506 = tpu.vector_load_idx %arg14[%add3A_505, %broadcast_in_dim3A_3] : memref<5120x16xf32, #tpu.memory_space<vmem>>[vector<16xi32>, vector<16xi32>], vector<16xf32>,
      %mul3A_507 = arith.mulf %gather3A, %gather3A_506 : vector<16xf32>
      %gather3A_508 = tpu.vector_load_idx %arg14[%add3A_505, %broadcast_in_dim3A_5] : memref<5120x16xf32, #tpu.memory_space<vmem>>[vector<16xi32>, vector<16xi32>], vector<16xf32>,
      %mul3A_509 = arith.mulf %gather3A_102, %gather3A_508 : vector<16xf32>
      %gather3A_510 = tpu.vector_load_idx %arg14[%add3A_505, %broadcast_in_dim3A_7] : memref<5120x16xf32, #tpu.memory_space<vmem>>[vector<16xi32>, vector<16xi32>], vector<16xf32>,
      %mul3A_511 = arith.mulf %gather3A_103, %gather3A_510 : vector<16xf32>
      %gather3A_512 = tpu.vector_load_idx %arg14[%add3A_505, %broadcast_in_dim3A_9] : memref<5120x16xf32, #tpu.memory_space<vmem>>[vector<16xi32>, vector<16xi32>], vector<16xf32>,
      %mul3A_513 = arith.mulf %gather3A_104, %gather3A_512 : vector<16xf32>
      %gather3A_514 = tpu.vector_load_idx %arg14[%add3A_505, %broadcast_in_dim3A_11] : memref<5120x16xf32, #tpu.memory_space<vmem>>[vector<16xi32>, vector<16xi32>], vector<16xf32>,
      %mul3A_515 = arith.mulf %gather3A_105, %gather3A_514 : vector<16xf32>
      %gather3A_516 = tpu.vector_load_idx %arg14[%add3A_505, %broadcast_in_dim3A_13] : memref<5120x16xf32, #tpu.memory_space<vmem>>[vector<16xi32>, vector<16xi32>], vector<16xf32>,
      %mul3A_517 = arith.mulf %gather3A_106, %gather3A_516 : vector<16xf32>
      %gather3A_518 = tpu.vector_load_idx %arg14[%add3A_505, %broadcast_in_dim3A_15] : memref<5120x16xf32, #tpu.memory_space<vmem>>[vector<16xi32>, vector<16xi32>], vector<16xf32>,
      %mul3A_519 = arith.mulf %gather3A_107, %gather3A_518 : vector<16xf32>
      %gather3A_520 = tpu.vector_load_idx %arg14[%add3A_505, %broadcast_in_dim3A_17] : memref<5120x16xf32, #tpu.memory_space<vmem>>[vector<16xi32>, vector<16xi32>], vector<16xf32>,
      %mul3A_521 = arith.mulf %gather3A_108, %gather3A_520 : vector<16xf32>
      %gather3A_522 = tpu.vector_load_idx %arg14[%add3A_505, %broadcast_in_dim3A_19] : memref<5120x16xf32, #tpu.memory_space<vmem>>[vector<16xi32>, vector<16xi32>], vector<16xf32>,
      %mul3A_523 = arith.mulf %gather3A_109, %gather3A_522 : vector<16xf32>
      %gather3A_524 = tpu.vector_load_idx %arg14[%add3A_505, %broadcast_in_dim3A_21] : memref<5120x16xf32, #tpu.memory_space<vmem>>[vector<16xi32>, vector<16xi32>], vector<16xf32>,
      %mul3A_525 = arith.mulf %gather3A_110, %gather3A_524 : vector<16xf32>
      %gather3A_526 = tpu.vector_load_idx %arg14[%add3A_505, %broadcast_in_dim3A_23] : memref<5120x16xf32, #tpu.memory_space<vmem>>[vector<16xi32>, vector<16xi32>], vector<16xf32>,
      %mul3A_527 = arith.mulf %gather3A_111, %gather3A_526 : vector<16xf32>
      %gather3A_528 = tpu.vector_load_idx %arg14[%add3A_505, %broadcast_in_dim3A_25] : memref<5120x16xf32, #tpu.memory_space<vmem>>[vector<16xi32>, vector<16xi32>], vector<16xf32>,
      %mul3A_529 = arith.mulf %gather3A_112, %gather3A_528 : vector<16xf32>
      %gather3A_530 = tpu.vector_load_idx %arg14[%add3A_505, %broadcast_in_dim3A_27] : memref<5120x16xf32, #tpu.memory_space<vmem>>[vector<16xi32>, vector<16xi32>], vector<16xf32>,
      %mul3A_531 = arith.mulf %gather3A_113, %gather3A_530 : vector<16xf32>
      %gather3A_532 = tpu.vector_load_idx %arg14[%add3A_505, %broadcast_in_dim3A_29] : memref<5120x16xf32, #tpu.memory_space<vmem>>[vector<16xi32>, vector<16xi32>], vector<16xf32>,
      %mul3A_533 = arith.mulf %gather3A_114, %gather3A_532 : vector<16xf32>
      %gather3A_534 = tpu.vector_load_idx %arg14[%add3A_505, %broadcast_in_dim3A_31] : memref<5120x16xf32, #tpu.memory_space<vmem>>[vector<16xi32>, vector<16xi32>], vector<16xf32>,
      %mul3A_535 = arith.mulf %gather3A_115, %gather3A_534 : vector<16xf32>
      %gather3A_536 = tpu.vector_load_idx %arg14[%add3A_505, %broadcast_in_dim3A_33] : memref<5120x16xf32, #tpu.memory_space<vmem>>[vector<16xi32>, vector<16xi32>], vector<16xf32>,
      %mul3A_537 = arith.mulf %gather3A_116, %gather3A_536 : vector<16xf32>
      %add3A_538 = arith.addf %mul3A_507, %mul3A_509 : vector<16xf32>
      %add3A_539 = arith.addf %add3A_538, %mul3A_511 : vector<16xf32>
      %add3A_540 = arith.addf %add3A_539, %mul3A_513 : vector<16xf32>
      %add3A_541 = arith.addf %add3A_540, %mul3A_515 : vector<16xf32>
      %add3A_542 = arith.addf %add3A_541, %mul3A_517 : vector<16xf32>
      %add3A_543 = arith.addf %add3A_542, %mul3A_519 : vector<16xf32>
      %add3A_544 = arith.addf %add3A_543, %mul3A_521 : vector<16xf32>
      %add3A_545 = arith.addf %add3A_544, %mul3A_523 : vector<16xf32>
      %add3A_546 = arith.addf %add3A_545, %mul3A_525 : vector<16xf32>
      %add3A_547 = arith.addf %add3A_546, %mul3A_527 : vector<16xf32>
      %add3A_548 = arith.addf %add3A_547, %mul3A_529 : vector<16xf32>
      %add3A_549 = arith.addf %add3A_548, %mul3A_531 : vector<16xf32>
      %add3A_550 = arith.addf %add3A_549, %mul3A_533 : vector<16xf32>
      %add3A_551 = arith.addf %add3A_550, %mul3A_535 : vector<16xf32>
      %add3A_552 = arith.addf %add3A_551, %mul3A_537 : vector<16xf32>
      %mul3A_553 = arith.constant 16 : i32
      %mul3A_554 = arith.muli %scan3A_93, %mul3A_553 : i32
      %add3A_555 = arith.constant 1536 : i32
      %add3A_556 = arith.addi %add3A_555, %mul3A_554 : i32
      %swap3A_557 = arith.index_cast %add3A_556 : i32 to index
      %swap3A_558 = tpu.vector_load %arg16[%swap3A_557] {strides = array<i32>} : memref<5120xf32, #tpu.memory_space<vmem>>, vector<16xf32>,
      tpu.vector_store %arg16[%swap3A_557], %add3A_552 {strides = array<i32>} : memref<5120xf32, #tpu.memory_space<vmem>>, vector<16xf32>,
      %add3A_559 = arith.constant 7 : i32
      %add3A_560 = vector.broadcast %add3A_559 : i32 to vector<16xi32>
      %add3A_561 = arith.addi %mul3A_101, %add3A_560 : vector<16xi32>
      %gather3A_562 = tpu.vector_load_idx %arg14[%add3A_561, %broadcast_in_dim3A_3] : memref<5120x16xf32, #tpu.memory_space<vmem>>[vector<16xi32>, vector<16xi32>], vector<16xf32>,
      %mul3A_563 = arith.mulf %gather3A, %gather3A_562 : vector<16xf32>
      %gather3A_564 = tpu.vector_load_idx %arg14[%add3A_561, %broadcast_in_dim3A_5] : memref<5120x16xf32, #tpu.memory_space<vmem>>[vector<16xi32>, vector<16xi32>], vector<16xf32>,
      %mul3A_565 = arith.mulf %gather3A_102, %gather3A_564 : vector<16xf32>
      %gather3A_566 = tpu.vector_load_idx %arg14[%add3A_561, %broadcast_in_dim3A_7] : memref<5120x16xf32, #tpu.memory_space<vmem>>[vector<16xi32>, vector<16xi32>], vector<16xf32>,
      %mul3A_567 = arith.mulf %gather3A_103, %gather3A_566 : vector<16xf32>
      %gather3A_568 = tpu.vector_load_idx %arg14[%add3A_561, %broadcast_in_dim3A_9] : memref<5120x16xf32, #tpu.memory_space<vmem>>[vector<16xi32>, vector<16xi32>], vector<16xf32>,
      %mul3A_569 = arith.mulf %gather3A_104, %gather3A_568 : vector<16xf32>
      %gather3A_570 = tpu.vector_load_idx %arg14[%add3A_561, %broadcast_in_dim3A_11] : memref<5120x16xf32, #tpu.memory_space<vmem>>[vector<16xi32>, vector<16xi32>], vector<16xf32>,
      %mul3A_571 = arith.mulf %gather3A_105, %gather3A_570 : vector<16xf32>
      %gather3A_572 = tpu.vector_load_idx %arg14[%add3A_561, %broadcast_in_dim3A_13] : memref<5120x16xf32, #tpu.memory_space<vmem>>[vector<16xi32>, vector<16xi32>], vector<16xf32>,
      %mul3A_573 = arith.mulf %gather3A_106, %gather3A_572 : vector<16xf32>
      %gather3A_574 = tpu.vector_load_idx %arg14[%add3A_561, %broadcast_in_dim3A_15] : memref<5120x16xf32, #tpu.memory_space<vmem>>[vector<16xi32>, vector<16xi32>], vector<16xf32>,
      %mul3A_575 = arith.mulf %gather3A_107, %gather3A_574 : vector<16xf32>
      %gather3A_576 = tpu.vector_load_idx %arg14[%add3A_561, %broadcast_in_dim3A_17] : memref<5120x16xf32, #tpu.memory_space<vmem>>[vector<16xi32>, vector<16xi32>], vector<16xf32>,
      %mul3A_577 = arith.mulf %gather3A_108, %gather3A_576 : vector<16xf32>
      %gather3A_578 = tpu.vector_load_idx %arg14[%add3A_561, %broadcast_in_dim3A_19] : memref<5120x16xf32, #tpu.memory_space<vmem>>[vector<16xi32>, vector<16xi32>], vector<16xf32>,
      %mul3A_579 = arith.mulf %gather3A_109, %gather3A_578 : vector<16xf32>
      %gather3A_580 = tpu.vector_load_idx %arg14[%add3A_561, %broadcast_in_dim3A_21] : memref<5120x16xf32, #tpu.memory_space<vmem>>[vector<16xi32>, vector<16xi32>], vector<16xf32>,
      %mul3A_581 = arith.mulf %gather3A_110, %gather3A_580 : vector<16xf32>
      %gather3A_582 = tpu.vector_load_idx %arg14[%add3A_561, %broadcast_in_dim3A_23] : memref<5120x16xf32, #tpu.memory_space<vmem>>[vector<16xi32>, vector<16xi32>], vector<16xf32>,
      %mul3A_583 = arith.mulf %gather3A_111, %gather3A_582 : vector<16xf32>
      %gather3A_584 = tpu.vector_load_idx %arg14[%add3A_561, %broadcast_in_dim3A_25] : memref<5120x16xf32, #tpu.memory_space<vmem>>[vector<16xi32>, vector<16xi32>], vector<16xf32>,
      %mul3A_585 = arith.mulf %gather3A_112, %gather3A_584 : vector<16xf32>
      %gather3A_586 = tpu.vector_load_idx %arg14[%add3A_561, %broadcast_in_dim3A_27] : memref<5120x16xf32, #tpu.memory_space<vmem>>[vector<16xi32>, vector<16xi32>], vector<16xf32>,
      %mul3A_587 = arith.mulf %gather3A_113, %gather3A_586 : vector<16xf32>
      %gather3A_588 = tpu.vector_load_idx %arg14[%add3A_561, %broadcast_in_dim3A_29] : memref<5120x16xf32, #tpu.memory_space<vmem>>[vector<16xi32>, vector<16xi32>], vector<16xf32>,
      %mul3A_589 = arith.mulf %gather3A_114, %gather3A_588 : vector<16xf32>
      %gather3A_590 = tpu.vector_load_idx %arg14[%add3A_561, %broadcast_in_dim3A_31] : memref<5120x16xf32, #tpu.memory_space<vmem>>[vector<16xi32>, vector<16xi32>], vector<16xf32>,
      %mul3A_591 = arith.mulf %gather3A_115, %gather3A_590 : vector<16xf32>
      %gather3A_592 = tpu.vector_load_idx %arg14[%add3A_561, %broadcast_in_dim3A_33] : memref<5120x16xf32, #tpu.memory_space<vmem>>[vector<16xi32>, vector<16xi32>], vector<16xf32>,
      %mul3A_593 = arith.mulf %gather3A_116, %gather3A_592 : vector<16xf32>
      %add3A_594 = arith.addf %mul3A_563, %mul3A_565 : vector<16xf32>
      %add3A_595 = arith.addf %add3A_594, %mul3A_567 : vector<16xf32>
      %add3A_596 = arith.addf %add3A_595, %mul3A_569 : vector<16xf32>
      %add3A_597 = arith.addf %add3A_596, %mul3A_571 : vector<16xf32>
      %add3A_598 = arith.addf %add3A_597, %mul3A_573 : vector<16xf32>
      %add3A_599 = arith.addf %add3A_598, %mul3A_575 : vector<16xf32>
      %add3A_600 = arith.addf %add3A_599, %mul3A_577 : vector<16xf32>
      %add3A_601 = arith.addf %add3A_600, %mul3A_579 : vector<16xf32>
      %add3A_602 = arith.addf %add3A_601, %mul3A_581 : vector<16xf32>
      %add3A_603 = arith.addf %add3A_602, %mul3A_583 : vector<16xf32>
      %add3A_604 = arith.addf %add3A_603, %mul3A_585 : vector<16xf32>
      %add3A_605 = arith.addf %add3A_604, %mul3A_587 : vector<16xf32>
      %add3A_606 = arith.addf %add3A_605, %mul3A_589 : vector<16xf32>
      %add3A_607 = arith.addf %add3A_606, %mul3A_591 : vector<16xf32>
      %add3A_608 = arith.addf %add3A_607, %mul3A_593 : vector<16xf32>
      %mul3A_609 = arith.constant 16 : i32
      %mul3A_610 = arith.muli %scan3A_93, %mul3A_609 : i32
      %add3A_611 = arith.constant 1792 : i32
      %add3A_612 = arith.addi %add3A_611, %mul3A_610 : i32
      %swap3A_613 = arith.index_cast %add3A_612 : i32 to index
      %swap3A_614 = tpu.vector_load %arg16[%swap3A_613] {strides = array<i32>} : memref<5120xf32, #tpu.memory_space<vmem>>, vector<16xf32>,
      tpu.vector_store %arg16[%swap3A_613], %add3A_608 {strides = array<i32>} : memref<5120xf32, #tpu.memory_space<vmem>>, vector<16xf32>,
      %add3A_615 = arith.constant 8 : i32
      %add3A_616 = vector.broadcast %add3A_615 : i32 to vector<16xi32>
      %add3A_617 = arith.addi %mul3A_101, %add3A_616 : vector<16xi32>
      %gather3A_618 = tpu.vector_load_idx %arg14[%add3A_617, %broadcast_in_dim3A_3] : memref<5120x16xf32, #tpu.memory_space<vmem>>[vector<16xi32>, vector<16xi32>], vector<16xf32>,
      %mul3A_619 = arith.mulf %gather3A, %gather3A_618 : vector<16xf32>
      %gather3A_620 = tpu.vector_load_idx %arg14[%add3A_617, %broadcast_in_dim3A_5] : memref<5120x16xf32, #tpu.memory_space<vmem>>[vector<16xi32>, vector<16xi32>], vector<16xf32>,
      %mul3A_621 = arith.mulf %gather3A_102, %gather3A_620 : vector<16xf32>
      %gather3A_622 = tpu.vector_load_idx %arg14[%add3A_617, %broadcast_in_dim3A_7] : memref<5120x16xf32, #tpu.memory_space<vmem>>[vector<16xi32>, vector<16xi32>], vector<16xf32>,
      %mul3A_623 = arith.mulf %gather3A_103, %gather3A_622 : vector<16xf32>
      %gather3A_624 = tpu.vector_load_idx %arg14[%add3A_617, %broadcast_in_dim3A_9] : memref<5120x16xf32, #tpu.memory_space<vmem>>[vector<16xi32>, vector<16xi32>], vector<16xf32>,
      %mul3A_625 = arith.mulf %gather3A_104, %gather3A_624 : vector<16xf32>
      %gather3A_626 = tpu.vector_load_idx %arg14[%add3A_617, %broadcast_in_dim3A_11] : memref<5120x16xf32, #tpu.memory_space<vmem>>[vector<16xi32>, vector<16xi32>], vector<16xf32>,
      %mul3A_627 = arith.mulf %gather3A_105, %gather3A_626 : vector<16xf32>
      %gather3A_628 = tpu.vector_load_idx %arg14[%add3A_617, %broadcast_in_dim3A_13] : memref<5120x16xf32, #tpu.memory_space<vmem>>[vector<16xi32>, vector<16xi32>], vector<16xf32>,
      %mul3A_629 = arith.mulf %gather3A_106, %gather3A_628 : vector<16xf32>
      %gather3A_630 = tpu.vector_load_idx %arg14[%add3A_617, %broadcast_in_dim3A_15] : memref<5120x16xf32, #tpu.memory_space<vmem>>[vector<16xi32>, vector<16xi32>], vector<16xf32>,
      %mul3A_631 = arith.mulf %gather3A_107, %gather3A_630 : vector<16xf32>
      %gather3A_632 = tpu.vector_load_idx %arg14[%add3A_617, %broadcast_in_dim3A_17] : memref<5120x16xf32, #tpu.memory_space<vmem>>[vector<16xi32>, vector<16xi32>], vector<16xf32>,
      %mul3A_633 = arith.mulf %gather3A_108, %gather3A_632 : vector<16xf32>
      %gather3A_634 = tpu.vector_load_idx %arg14[%add3A_617, %broadcast_in_dim3A_19] : memref<5120x16xf32, #tpu.memory_space<vmem>>[vector<16xi32>, vector<16xi32>], vector<16xf32>,
      %mul3A_635 = arith.mulf %gather3A_109, %gather3A_634 : vector<16xf32>
      %gather3A_636 = tpu.vector_load_idx %arg14[%add3A_617, %broadcast_in_dim3A_21] : memref<5120x16xf32, #tpu.memory_space<vmem>>[vector<16xi32>, vector<16xi32>], vector<16xf32>,
      %mul3A_637 = arith.mulf %gather3A_110, %gather3A_636 : vector<16xf32>
      %gather3A_638 = tpu.vector_load_idx %arg14[%add3A_617, %broadcast_in_dim3A_23] : memref<5120x16xf32, #tpu.memory_space<vmem>>[vector<16xi32>, vector<16xi32>], vector<16xf32>,
      %mul3A_639 = arith.mulf %gather3A_111, %gather3A_638 : vector<16xf32>
      %gather3A_640 = tpu.vector_load_idx %arg14[%add3A_617, %broadcast_in_dim3A_25] : memref<5120x16xf32, #tpu.memory_space<vmem>>[vector<16xi32>, vector<16xi32>], vector<16xf32>,
      %mul3A_641 = arith.mulf %gather3A_112, %gather3A_640 : vector<16xf32>
      %gather3A_642 = tpu.vector_load_idx %arg14[%add3A_617, %broadcast_in_dim3A_27] : memref<5120x16xf32, #tpu.memory_space<vmem>>[vector<16xi32>, vector<16xi32>], vector<16xf32>,
      %mul3A_643 = arith.mulf %gather3A_113, %gather3A_642 : vector<16xf32>
      %gather3A_644 = tpu.vector_load_idx %arg14[%add3A_617, %broadcast_in_dim3A_29] : memref<5120x16xf32, #tpu.memory_space<vmem>>[vector<16xi32>, vector<16xi32>], vector<16xf32>,
      %mul3A_645 = arith.mulf %gather3A_114, %gather3A_644 : vector<16xf32>
      %gather3A_646 = tpu.vector_load_idx %arg14[%add3A_617, %broadcast_in_dim3A_31] : memref<5120x16xf32, #tpu.memory_space<vmem>>[vector<16xi32>, vector<16xi32>], vector<16xf32>,
      %mul3A_647 = arith.mulf %gather3A_115, %gather3A_646 : vector<16xf32>
      %gather3A_648 = tpu.vector_load_idx %arg14[%add3A_617, %broadcast_in_dim3A_33] : memref<5120x16xf32, #tpu.memory_space<vmem>>[vector<16xi32>, vector<16xi32>], vector<16xf32>,
      %mul3A_649 = arith.mulf %gather3A_116, %gather3A_648 : vector<16xf32>
      %add3A_650 = arith.addf %mul3A_619, %mul3A_621 : vector<16xf32>
      %add3A_651 = arith.addf %add3A_650, %mul3A_623 : vector<16xf32>
      %add3A_652 = arith.addf %add3A_651, %mul3A_625 : vector<16xf32>
      %add3A_653 = arith.addf %add3A_652, %mul3A_627 : vector<16xf32>
      %add3A_654 = arith.addf %add3A_653, %mul3A_629 : vector<16xf32>
      %add3A_655 = arith.addf %add3A_654, %mul3A_631 : vector<16xf32>
      %add3A_656 = arith.addf %add3A_655, %mul3A_633 : vector<16xf32>
      %add3A_657 = arith.addf %add3A_656, %mul3A_635 : vector<16xf32>
      %add3A_658 = arith.addf %add3A_657, %mul3A_637 : vector<16xf32>
      %add3A_659 = arith.addf %add3A_658, %mul3A_639 : vector<16xf32>
      %add3A_660 = arith.addf %add3A_659, %mul3A_641 : vector<16xf32>
      %add3A_661 = arith.addf %add3A_660, %mul3A_643 : vector<16xf32>
      %add3A_662 = arith.addf %add3A_661, %mul3A_645 : vector<16xf32>
      %add3A_663 = arith.addf %add3A_662, %mul3A_647 : vector<16xf32>
      %add3A_664 = arith.addf %add3A_663, %mul3A_649 : vector<16xf32>
      %mul3A_665 = arith.constant 16 : i32
      %mul3A_666 = arith.muli %scan3A_93, %mul3A_665 : i32
      %add3A_667 = arith.constant 2048 : i32
      %add3A_668 = arith.addi %add3A_667, %mul3A_666 : i32
      %swap3A_669 = arith.index_cast %add3A_668 : i32 to index
      %swap3A_670 = tpu.vector_load %arg16[%swap3A_669] {strides = array<i32>} : memref<5120xf32, #tpu.memory_space<vmem>>, vector<16xf32>,
      tpu.vector_store %arg16[%swap3A_669], %add3A_664 {strides = array<i32>} : memref<5120xf32, #tpu.memory_space<vmem>>, vector<16xf32>,
      %add3A_671 = arith.constant 9 : i32
      %add3A_672 = vector.broadcast %add3A_671 : i32 to vector<16xi32>
      %add3A_673 = arith.addi %mul3A_101, %add3A_672 : vector<16xi32>
      %gather3A_674 = tpu.vector_load_idx %arg14[%add3A_673, %broadcast_in_dim3A_3] : memref<5120x16xf32, #tpu.memory_space<vmem>>[vector<16xi32>, vector<16xi32>], vector<16xf32>,
      %mul3A_675 = arith.mulf %gather3A, %gather3A_674 : vector<16xf32>
      %gather3A_676 = tpu.vector_load_idx %arg14[%add3A_673, %broadcast_in_dim3A_5] : memref<5120x16xf32, #tpu.memory_space<vmem>>[vector<16xi32>, vector<16xi32>], vector<16xf32>,
      %mul3A_677 = arith.mulf %gather3A_102, %gather3A_676 : vector<16xf32>
      %gather3A_678 = tpu.vector_load_idx %arg14[%add3A_673, %broadcast_in_dim3A_7] : memref<5120x16xf32, #tpu.memory_space<vmem>>[vector<16xi32>, vector<16xi32>], vector<16xf32>,
      %mul3A_679 = arith.mulf %gather3A_103, %gather3A_678 : vector<16xf32>
      %gather3A_680 = tpu.vector_load_idx %arg14[%add3A_673, %broadcast_in_dim3A_9] : memref<5120x16xf32, #tpu.memory_space<vmem>>[vector<16xi32>, vector<16xi32>], vector<16xf32>,
      %mul3A_681 = arith.mulf %gather3A_104, %gather3A_680 : vector<16xf32>
      %gather3A_682 = tpu.vector_load_idx %arg14[%add3A_673, %broadcast_in_dim3A_11] : memref<5120x16xf32, #tpu.memory_space<vmem>>[vector<16xi32>, vector<16xi32>], vector<16xf32>,
      %mul3A_683 = arith.mulf %gather3A_105, %gather3A_682 : vector<16xf32>
      %gather3A_684 = tpu.vector_load_idx %arg14[%add3A_673, %broadcast_in_dim3A_13] : memref<5120x16xf32, #tpu.memory_space<vmem>>[vector<16xi32>, vector<16xi32>], vector<16xf32>,
      %mul3A_685 = arith.mulf %gather3A_106, %gather3A_684 : vector<16xf32>
      %gather3A_686 = tpu.vector_load_idx %arg14[%add3A_673, %broadcast_in_dim3A_15] : memref<5120x16xf32, #tpu.memory_space<vmem>>[vector<16xi32>, vector<16xi32>], vector<16xf32>,
      %mul3A_687 = arith.mulf %gather3A_107, %gather3A_686 : vector<16xf32>
      %gather3A_688 = tpu.vector_load_idx %arg14[%add3A_673, %broadcast_in_dim3A_17] : memref<5120x16xf32, #tpu.memory_space<vmem>>[vector<16xi32>, vector<16xi32>], vector<16xf32>,
      %mul3A_689 = arith.mulf %gather3A_108, %gather3A_688 : vector<16xf32>
      %gather3A_690 = tpu.vector_load_idx %arg14[%add3A_673, %broadcast_in_dim3A_19] : memref<5120x16xf32, #tpu.memory_space<vmem>>[vector<16xi32>, vector<16xi32>], vector<16xf32>,
      %mul3A_691 = arith.mulf %gather3A_109, %gather3A_690 : vector<16xf32>
      %gather3A_692 = tpu.vector_load_idx %arg14[%add3A_673, %broadcast_in_dim3A_21] : memref<5120x16xf32, #tpu.memory_space<vmem>>[vector<16xi32>, vector<16xi32>], vector<16xf32>,
      %mul3A_693 = arith.mulf %gather3A_110, %gather3A_692 : vector<16xf32>
      %gather3A_694 = tpu.vector_load_idx %arg14[%add3A_673, %broadcast_in_dim3A_23] : memref<5120x16xf32, #tpu.memory_space<vmem>>[vector<16xi32>, vector<16xi32>], vector<16xf32>,
      %mul3A_695 = arith.mulf %gather3A_111, %gather3A_694 : vector<16xf32>
      %gather3A_696 = tpu.vector_load_idx %arg14[%add3A_673, %broadcast_in_dim3A_25] : memref<5120x16xf32, #tpu.memory_space<vmem>>[vector<16xi32>, vector<16xi32>], vector<16xf32>,
      %mul3A_697 = arith.mulf %gather3A_112, %gather3A_696 : vector<16xf32>
      %gather3A_698 = tpu.vector_load_idx %arg14[%add3A_673, %broadcast_in_dim3A_27] : memref<5120x16xf32, #tpu.memory_space<vmem>>[vector<16xi32>, vector<16xi32>], vector<16xf32>,
      %mul3A_699 = arith.mulf %gather3A_113, %gather3A_698 : vector<16xf32>
      %gather3A_700 = tpu.vector_load_idx %arg14[%add3A_673, %broadcast_in_dim3A_29] : memref<5120x16xf32, #tpu.memory_space<vmem>>[vector<16xi32>, vector<16xi32>], vector<16xf32>,
      %mul3A_701 = arith.mulf %gather3A_114, %gather3A_700 : vector<16xf32>
      %gather3A_702 = tpu.vector_load_idx %arg14[%add3A_673, %broadcast_in_dim3A_31] : memref<5120x16xf32, #tpu.memory_space<vmem>>[vector<16xi32>, vector<16xi32>], vector<16xf32>,
      %mul3A_703 = arith.mulf %gather3A_115, %gather3A_702 : vector<16xf32>
      %gather3A_704 = tpu.vector_load_idx %arg14[%add3A_673, %broadcast_in_dim3A_33] : memref<5120x16xf32, #tpu.memory_space<vmem>>[vector<16xi32>, vector<16xi32>], vector<16xf32>,
      %mul3A_705 = arith.mulf %gather3A_116, %gather3A_704 : vector<16xf32>
      %add3A_706 = arith.addf %mul3A_675, %mul3A_677 : vector<16xf32>
      %add3A_707 = arith.addf %add3A_706, %mul3A_679 : vector<16xf32>
      %add3A_708 = arith.addf %add3A_707, %mul3A_681 : vector<16xf32>
      %add3A_709 = arith.addf %add3A_708, %mul3A_683 : vector<16xf32>
      %add3A_710 = arith.addf %add3A_709, %mul3A_685 : vector<16xf32>
      %add3A_711 = arith.addf %add3A_710, %mul3A_687 : vector<16xf32>
      %add3A_712 = arith.addf %add3A_711, %mul3A_689 : vector<16xf32>
      %add3A_713 = arith.addf %add3A_712, %mul3A_691 : vector<16xf32>
      %add3A_714 = arith.addf %add3A_713, %mul3A_693 : vector<16xf32>
      %add3A_715 = arith.addf %add3A_714, %mul3A_695 : vector<16xf32>
      %add3A_716 = arith.addf %add3A_715, %mul3A_697 : vector<16xf32>
      %add3A_717 = arith.addf %add3A_716, %mul3A_699 : vector<16xf32>
      %add3A_718 = arith.addf %add3A_717, %mul3A_701 : vector<16xf32>
      %add3A_719 = arith.addf %add3A_718, %mul3A_703 : vector<16xf32>
      %add3A_720 = arith.addf %add3A_719, %mul3A_705 : vector<16xf32>
      %mul3A_721 = arith.constant 16 : i32
      %mul3A_722 = arith.muli %scan3A_93, %mul3A_721 : i32
      %add3A_723 = arith.constant 2304 : i32
      %add3A_724 = arith.addi %add3A_723, %mul3A_722 : i32
      %swap3A_725 = arith.index_cast %add3A_724 : i32 to index
      %swap3A_726 = tpu.vector_load %arg16[%swap3A_725] {strides = array<i32>} : memref<5120xf32, #tpu.memory_space<vmem>>, vector<16xf32>,
      tpu.vector_store %arg16[%swap3A_725], %add3A_720 {strides = array<i32>} : memref<5120xf32, #tpu.memory_space<vmem>>, vector<16xf32>,
      %add3A_727 = arith.constant 10 : i32
      %add3A_728 = vector.broadcast %add3A_727 : i32 to vector<16xi32>
      %add3A_729 = arith.addi %mul3A_101, %add3A_728 : vector<16xi32>
      %gather3A_730 = tpu.vector_load_idx %arg14[%add3A_729, %broadcast_in_dim3A_3] : memref<5120x16xf32, #tpu.memory_space<vmem>>[vector<16xi32>, vector<16xi32>], vector<16xf32>,
      %mul3A_731 = arith.mulf %gather3A, %gather3A_730 : vector<16xf32>
      %gather3A_732 = tpu.vector_load_idx %arg14[%add3A_729, %broadcast_in_dim3A_5] : memref<5120x16xf32, #tpu.memory_space<vmem>>[vector<16xi32>, vector<16xi32>], vector<16xf32>,
      %mul3A_733 = arith.mulf %gather3A_102, %gather3A_732 : vector<16xf32>
      %gather3A_734 = tpu.vector_load_idx %arg14[%add3A_729, %broadcast_in_dim3A_7] : memref<5120x16xf32, #tpu.memory_space<vmem>>[vector<16xi32>, vector<16xi32>], vector<16xf32>,
      %mul3A_735 = arith.mulf %gather3A_103, %gather3A_734 : vector<16xf32>
      %gather3A_736 = tpu.vector_load_idx %arg14[%add3A_729, %broadcast_in_dim3A_9] : memref<5120x16xf32, #tpu.memory_space<vmem>>[vector<16xi32>, vector<16xi32>], vector<16xf32>,
      %mul3A_737 = arith.mulf %gather3A_104, %gather3A_736 : vector<16xf32>
      %gather3A_738 = tpu.vector_load_idx %arg14[%add3A_729, %broadcast_in_dim3A_11] : memref<5120x16xf32, #tpu.memory_space<vmem>>[vector<16xi32>, vector<16xi32>], vector<16xf32>,
      %mul3A_739 = arith.mulf %gather3A_105, %gather3A_738 : vector<16xf32>
      %gather3A_740 = tpu.vector_load_idx %arg14[%add3A_729, %broadcast_in_dim3A_13] : memref<5120x16xf32, #tpu.memory_space<vmem>>[vector<16xi32>, vector<16xi32>], vector<16xf32>,
      %mul3A_741 = arith.mulf %gather3A_106, %gather3A_740 : vector<16xf32>
      %gather3A_742 = tpu.vector_load_idx %arg14[%add3A_729, %broadcast_in_dim3A_15] : memref<5120x16xf32, #tpu.memory_space<vmem>>[vector<16xi32>, vector<16xi32>], vector<16xf32>,
      %mul3A_743 = arith.mulf %gather3A_107, %gather3A_742 : vector<16xf32>
      %gather3A_744 = tpu.vector_load_idx %arg14[%add3A_729, %broadcast_in_dim3A_17] : memref<5120x16xf32, #tpu.memory_space<vmem>>[vector<16xi32>, vector<16xi32>], vector<16xf32>,
      %mul3A_745 = arith.mulf %gather3A_108, %gather3A_744 : vector<16xf32>
      %gather3A_746 = tpu.vector_load_idx %arg14[%add3A_729, %broadcast_in_dim3A_19] : memref<5120x16xf32, #tpu.memory_space<vmem>>[vector<16xi32>, vector<16xi32>], vector<16xf32>,
      %mul3A_747 = arith.mulf %gather3A_109, %gather3A_746 : vector<16xf32>
      %gather3A_748 = tpu.vector_load_idx %arg14[%add3A_729, %broadcast_in_dim3A_21] : memref<5120x16xf32, #tpu.memory_space<vmem>>[vector<16xi32>, vector<16xi32>], vector<16xf32>,
      %mul3A_749 = arith.mulf %gather3A_110, %gather3A_748 : vector<16xf32>
      %gather3A_750 = tpu.vector_load_idx %arg14[%add3A_729, %broadcast_in_dim3A_23] : memref<5120x16xf32, #tpu.memory_space<vmem>>[vector<16xi32>, vector<16xi32>], vector<16xf32>,
      %mul3A_751 = arith.mulf %gather3A_111, %gather3A_750 : vector<16xf32>
      %gather3A_752 = tpu.vector_load_idx %arg14[%add3A_729, %broadcast_in_dim3A_25] : memref<5120x16xf32, #tpu.memory_space<vmem>>[vector<16xi32>, vector<16xi32>], vector<16xf32>,
      %mul3A_753 = arith.mulf %gather3A_112, %gather3A_752 : vector<16xf32>
      %gather3A_754 = tpu.vector_load_idx %arg14[%add3A_729, %broadcast_in_dim3A_27] : memref<5120x16xf32, #tpu.memory_space<vmem>>[vector<16xi32>, vector<16xi32>], vector<16xf32>,
      %mul3A_755 = arith.mulf %gather3A_113, %gather3A_754 : vector<16xf32>
      %gather3A_756 = tpu.vector_load_idx %arg14[%add3A_729, %broadcast_in_dim3A_29] : memref<5120x16xf32, #tpu.memory_space<vmem>>[vector<16xi32>, vector<16xi32>], vector<16xf32>,
      %mul3A_757 = arith.mulf %gather3A_114, %gather3A_756 : vector<16xf32>
      %gather3A_758 = tpu.vector_load_idx %arg14[%add3A_729, %broadcast_in_dim3A_31] : memref<5120x16xf32, #tpu.memory_space<vmem>>[vector<16xi32>, vector<16xi32>], vector<16xf32>,
      %mul3A_759 = arith.mulf %gather3A_115, %gather3A_758 : vector<16xf32>
      %gather3A_760 = tpu.vector_load_idx %arg14[%add3A_729, %broadcast_in_dim3A_33] : memref<5120x16xf32, #tpu.memory_space<vmem>>[vector<16xi32>, vector<16xi32>], vector<16xf32>,
      %mul3A_761 = arith.mulf %gather3A_116, %gather3A_760 : vector<16xf32>
      %add3A_762 = arith.addf %mul3A_731, %mul3A_733 : vector<16xf32>
      %add3A_763 = arith.addf %add3A_762, %mul3A_735 : vector<16xf32>
      %add3A_764 = arith.addf %add3A_763, %mul3A_737 : vector<16xf32>
      %add3A_765 = arith.addf %add3A_764, %mul3A_739 : vector<16xf32>
      %add3A_766 = arith.addf %add3A_765, %mul3A_741 : vector<16xf32>
      %add3A_767 = arith.addf %add3A_766, %mul3A_743 : vector<16xf32>
      %add3A_768 = arith.addf %add3A_767, %mul3A_745 : vector<16xf32>
      %add3A_769 = arith.addf %add3A_768, %mul3A_747 : vector<16xf32>
      %add3A_770 = arith.addf %add3A_769, %mul3A_749 : vector<16xf32>
      %add3A_771 = arith.addf %add3A_770, %mul3A_751 : vector<16xf32>
      %add3A_772 = arith.addf %add3A_771, %mul3A_753 : vector<16xf32>
      %add3A_773 = arith.addf %add3A_772, %mul3A_755 : vector<16xf32>
      %add3A_774 = arith.addf %add3A_773, %mul3A_757 : vector<16xf32>
      %add3A_775 = arith.addf %add3A_774, %mul3A_759 : vector<16xf32>
      %add3A_776 = arith.addf %add3A_775, %mul3A_761 : vector<16xf32>
      %mul3A_777 = arith.constant 16 : i32
      %mul3A_778 = arith.muli %scan3A_93, %mul3A_777 : i32
      %add3A_779 = arith.constant 2560 : i32
      %add3A_780 = arith.addi %add3A_779, %mul3A_778 : i32
      %swap3A_781 = arith.index_cast %add3A_780 : i32 to index
      %swap3A_782 = tpu.vector_load %arg16[%swap3A_781] {strides = array<i32>} : memref<5120xf32, #tpu.memory_space<vmem>>, vector<16xf32>,
      tpu.vector_store %arg16[%swap3A_781], %add3A_776 {strides = array<i32>} : memref<5120xf32, #tpu.memory_space<vmem>>, vector<16xf32>,
      %add3A_783 = arith.constant 11 : i32
      %add3A_784 = vector.broadcast %add3A_783 : i32 to vector<16xi32>
      %add3A_785 = arith.addi %mul3A_101, %add3A_784 : vector<16xi32>
      %gather3A_786 = tpu.vector_load_idx %arg14[%add3A_785, %broadcast_in_dim3A_3] : memref<5120x16xf32, #tpu.memory_space<vmem>>[vector<16xi32>, vector<16xi32>], vector<16xf32>,
      %mul3A_787 = arith.mulf %gather3A, %gather3A_786 : vector<16xf32>
      %gather3A_788 = tpu.vector_load_idx %arg14[%add3A_785, %broadcast_in_dim3A_5] : memref<5120x16xf32, #tpu.memory_space<vmem>>[vector<16xi32>, vector<16xi32>], vector<16xf32>,
      %mul3A_789 = arith.mulf %gather3A_102, %gather3A_788 : vector<16xf32>
      %gather3A_790 = tpu.vector_load_idx %arg14[%add3A_785, %broadcast_in_dim3A_7] : memref<5120x16xf32, #tpu.memory_space<vmem>>[vector<16xi32>, vector<16xi32>], vector<16xf32>,
      %mul3A_791 = arith.mulf %gather3A_103, %gather3A_790 : vector<16xf32>
      %gather3A_792 = tpu.vector_load_idx %arg14[%add3A_785, %broadcast_in_dim3A_9] : memref<5120x16xf32, #tpu.memory_space<vmem>>[vector<16xi32>, vector<16xi32>], vector<16xf32>,
      %mul3A_793 = arith.mulf %gather3A_104, %gather3A_792 : vector<16xf32>
      %gather3A_794 = tpu.vector_load_idx %arg14[%add3A_785, %broadcast_in_dim3A_11] : memref<5120x16xf32, #tpu.memory_space<vmem>>[vector<16xi32>, vector<16xi32>], vector<16xf32>,
      %mul3A_795 = arith.mulf %gather3A_105, %gather3A_794 : vector<16xf32>
      %gather3A_796 = tpu.vector_load_idx %arg14[%add3A_785, %broadcast_in_dim3A_13] : memref<5120x16xf32, #tpu.memory_space<vmem>>[vector<16xi32>, vector<16xi32>], vector<16xf32>,
      %mul3A_797 = arith.mulf %gather3A_106, %gather3A_796 : vector<16xf32>
      %gather3A_798 = tpu.vector_load_idx %arg14[%add3A_785, %broadcast_in_dim3A_15] : memref<5120x16xf32, #tpu.memory_space<vmem>>[vector<16xi32>, vector<16xi32>], vector<16xf32>,
      %mul3A_799 = arith.mulf %gather3A_107, %gather3A_798 : vector<16xf32>
      %gather3A_800 = tpu.vector_load_idx %arg14[%add3A_785, %broadcast_in_dim3A_17] : memref<5120x16xf32, #tpu.memory_space<vmem>>[vector<16xi32>, vector<16xi32>], vector<16xf32>,
      %mul3A_801 = arith.mulf %gather3A_108, %gather3A_800 : vector<16xf32>
      %gather3A_802 = tpu.vector_load_idx %arg14[%add3A_785, %broadcast_in_dim3A_19] : memref<5120x16xf32, #tpu.memory_space<vmem>>[vector<16xi32>, vector<16xi32>], vector<16xf32>,
      %mul3A_803 = arith.mulf %gather3A_109, %gather3A_802 : vector<16xf32>
      %gather3A_804 = tpu.vector_load_idx %arg14[%add3A_785, %broadcast_in_dim3A_21] : memref<5120x16xf32, #tpu.memory_space<vmem>>[vector<16xi32>, vector<16xi32>], vector<16xf32>,
      %mul3A_805 = arith.mulf %gather3A_110, %gather3A_804 : vector<16xf32>
      %gather3A_806 = tpu.vector_load_idx %arg14[%add3A_785, %broadcast_in_dim3A_23] : memref<5120x16xf32, #tpu.memory_space<vmem>>[vector<16xi32>, vector<16xi32>], vector<16xf32>,
      %mul3A_807 = arith.mulf %gather3A_111, %gather3A_806 : vector<16xf32>
      %gather3A_808 = tpu.vector_load_idx %arg14[%add3A_785, %broadcast_in_dim3A_25] : memref<5120x16xf32, #tpu.memory_space<vmem>>[vector<16xi32>, vector<16xi32>], vector<16xf32>,
      %mul3A_809 = arith.mulf %gather3A_112, %gather3A_808 : vector<16xf32>
      %gather3A_810 = tpu.vector_load_idx %arg14[%add3A_785, %broadcast_in_dim3A_27] : memref<5120x16xf32, #tpu.memory_space<vmem>>[vector<16xi32>, vector<16xi32>], vector<16xf32>,
      %mul3A_811 = arith.mulf %gather3A_113, %gather3A_810 : vector<16xf32>
      %gather3A_812 = tpu.vector_load_idx %arg14[%add3A_785, %broadcast_in_dim3A_29] : memref<5120x16xf32, #tpu.memory_space<vmem>>[vector<16xi32>, vector<16xi32>], vector<16xf32>,
      %mul3A_813 = arith.mulf %gather3A_114, %gather3A_812 : vector<16xf32>
      %gather3A_814 = tpu.vector_load_idx %arg14[%add3A_785, %broadcast_in_dim3A_31] : memref<5120x16xf32, #tpu.memory_space<vmem>>[vector<16xi32>, vector<16xi32>], vector<16xf32>,
      %mul3A_815 = arith.mulf %gather3A_115, %gather3A_814 : vector<16xf32>
      %gather3A_816 = tpu.vector_load_idx %arg14[%add3A_785, %broadcast_in_dim3A_33] : memref<5120x16xf32, #tpu.memory_space<vmem>>[vector<16xi32>, vector<16xi32>], vector<16xf32>,
      %mul3A_817 = arith.mulf %gather3A_116, %gather3A_816 : vector<16xf32>
      %add3A_818 = arith.addf %mul3A_787, %mul3A_789 : vector<16xf32>
      %add3A_819 = arith.addf %add3A_818, %mul3A_791 : vector<16xf32>
      %add3A_820 = arith.addf %add3A_819, %mul3A_793 : vector<16xf32>
      %add3A_821 = arith.addf %add3A_820, %mul3A_795 : vector<16xf32>
      %add3A_822 = arith.addf %add3A_821, %mul3A_797 : vector<16xf32>
      %add3A_823 = arith.addf %add3A_822, %mul3A_799 : vector<16xf32>
      %add3A_824 = arith.addf %add3A_823, %mul3A_801 : vector<16xf32>
      %add3A_825 = arith.addf %add3A_824, %mul3A_803 : vector<16xf32>
      %add3A_826 = arith.addf %add3A_825, %mul3A_805 : vector<16xf32>
      %add3A_827 = arith.addf %add3A_826, %mul3A_807 : vector<16xf32>
      %add3A_828 = arith.addf %add3A_827, %mul3A_809 : vector<16xf32>
      %add3A_829 = arith.addf %add3A_828, %mul3A_811 : vector<16xf32>
      %add3A_830 = arith.addf %add3A_829, %mul3A_813 : vector<16xf32>
      %add3A_831 = arith.addf %add3A_830, %mul3A_815 : vector<16xf32>
      %add3A_832 = arith.addf %add3A_831, %mul3A_817 : vector<16xf32>
      %mul3A_833 = arith.constant 16 : i32
      %mul3A_834 = arith.muli %scan3A_93, %mul3A_833 : i32
      %add3A_835 = arith.constant 2816 : i32
      %add3A_836 = arith.addi %add3A_835, %mul3A_834 : i32
      %swap3A_837 = arith.index_cast %add3A_836 : i32 to index
      %swap3A_838 = tpu.vector_load %arg16[%swap3A_837] {strides = array<i32>} : memref<5120xf32, #tpu.memory_space<vmem>>, vector<16xf32>,
      tpu.vector_store %arg16[%swap3A_837], %add3A_832 {strides = array<i32>} : memref<5120xf32, #tpu.memory_space<vmem>>, vector<16xf32>,
      %add3A_839 = arith.constant 12 : i32
      %add3A_840 = vector.broadcast %add3A_839 : i32 to vector<16xi32>
      %add3A_841 = arith.addi %mul3A_101, %add3A_840 : vector<16xi32>
      %gather3A_842 = tpu.vector_load_idx %arg14[%add3A_841, %broadcast_in_dim3A_3] : memref<5120x16xf32, #tpu.memory_space<vmem>>[vector<16xi32>, vector<16xi32>], vector<16xf32>,
      %mul3A_843 = arith.mulf %gather3A, %gather3A_842 : vector<16xf32>
      %gather3A_844 = tpu.vector_load_idx %arg14[%add3A_841, %broadcast_in_dim3A_5] : memref<5120x16xf32, #tpu.memory_space<vmem>>[vector<16xi32>, vector<16xi32>], vector<16xf32>,
      %mul3A_845 = arith.mulf %gather3A_102, %gather3A_844 : vector<16xf32>
      %gather3A_846 = tpu.vector_load_idx %arg14[%add3A_841, %broadcast_in_dim3A_7] : memref<5120x16xf32, #tpu.memory_space<vmem>>[vector<16xi32>, vector<16xi32>], vector<16xf32>,
      %mul3A_847 = arith.mulf %gather3A_103, %gather3A_846 : vector<16xf32>
      %gather3A_848 = tpu.vector_load_idx %arg14[%add3A_841, %broadcast_in_dim3A_9] : memref<5120x16xf32, #tpu.memory_space<vmem>>[vector<16xi32>, vector<16xi32>], vector<16xf32>,
      %mul3A_849 = arith.mulf %gather3A_104, %gather3A_848 : vector<16xf32>
      %gather3A_850 = tpu.vector_load_idx %arg14[%add3A_841, %broadcast_in_dim3A_11] : memref<5120x16xf32, #tpu.memory_space<vmem>>[vector<16xi32>, vector<16xi32>], vector<16xf32>,
      %mul3A_851 = arith.mulf %gather3A_105, %gather3A_850 : vector<16xf32>
      %gather3A_852 = tpu.vector_load_idx %arg14[%add3A_841, %broadcast_in_dim3A_13] : memref<5120x16xf32, #tpu.memory_space<vmem>>[vector<16xi32>, vector<16xi32>], vector<16xf32>,
      %mul3A_853 = arith.mulf %gather3A_106, %gather3A_852 : vector<16xf32>
      %gather3A_854 = tpu.vector_load_idx %arg14[%add3A_841, %broadcast_in_dim3A_15] : memref<5120x16xf32, #tpu.memory_space<vmem>>[vector<16xi32>, vector<16xi32>], vector<16xf32>,
      %mul3A_855 = arith.mulf %gather3A_107, %gather3A_854 : vector<16xf32>
      %gather3A_856 = tpu.vector_load_idx %arg14[%add3A_841, %broadcast_in_dim3A_17] : memref<5120x16xf32, #tpu.memory_space<vmem>>[vector<16xi32>, vector<16xi32>], vector<16xf32>,
      %mul3A_857 = arith.mulf %gather3A_108, %gather3A_856 : vector<16xf32>
      %gather3A_858 = tpu.vector_load_idx %arg14[%add3A_841, %broadcast_in_dim3A_19] : memref<5120x16xf32, #tpu.memory_space<vmem>>[vector<16xi32>, vector<16xi32>], vector<16xf32>,
      %mul3A_859 = arith.mulf %gather3A_109, %gather3A_858 : vector<16xf32>
      %gather3A_860 = tpu.vector_load_idx %arg14[%add3A_841, %broadcast_in_dim3A_21] : memref<5120x16xf32, #tpu.memory_space<vmem>>[vector<16xi32>, vector<16xi32>], vector<16xf32>,
      %mul3A_861 = arith.mulf %gather3A_110, %gather3A_860 : vector<16xf32>
      %gather3A_862 = tpu.vector_load_idx %arg14[%add3A_841, %broadcast_in_dim3A_23] : memref<5120x16xf32, #tpu.memory_space<vmem>>[vector<16xi32>, vector<16xi32>], vector<16xf32>,
      %mul3A_863 = arith.mulf %gather3A_111, %gather3A_862 : vector<16xf32>
      %gather3A_864 = tpu.vector_load_idx %arg14[%add3A_841, %broadcast_in_dim3A_25] : memref<5120x16xf32, #tpu.memory_space<vmem>>[vector<16xi32>, vector<16xi32>], vector<16xf32>,
      %mul3A_865 = arith.mulf %gather3A_112, %gather3A_864 : vector<16xf32>
      %gather3A_866 = tpu.vector_load_idx %arg14[%add3A_841, %broadcast_in_dim3A_27] : memref<5120x16xf32, #tpu.memory_space<vmem>>[vector<16xi32>, vector<16xi32>], vector<16xf32>,
      %mul3A_867 = arith.mulf %gather3A_113, %gather3A_866 : vector<16xf32>
      %gather3A_868 = tpu.vector_load_idx %arg14[%add3A_841, %broadcast_in_dim3A_29] : memref<5120x16xf32, #tpu.memory_space<vmem>>[vector<16xi32>, vector<16xi32>], vector<16xf32>,
      %mul3A_869 = arith.mulf %gather3A_114, %gather3A_868 : vector<16xf32>
      %gather3A_870 = tpu.vector_load_idx %arg14[%add3A_841, %broadcast_in_dim3A_31] : memref<5120x16xf32, #tpu.memory_space<vmem>>[vector<16xi32>, vector<16xi32>], vector<16xf32>,
      %mul3A_871 = arith.mulf %gather3A_115, %gather3A_870 : vector<16xf32>
      %gather3A_872 = tpu.vector_load_idx %arg14[%add3A_841, %broadcast_in_dim3A_33] : memref<5120x16xf32, #tpu.memory_space<vmem>>[vector<16xi32>, vector<16xi32>], vector<16xf32>,
      %mul3A_873 = arith.mulf %gather3A_116, %gather3A_872 : vector<16xf32>
      %add3A_874 = arith.addf %mul3A_843, %mul3A_845 : vector<16xf32>
      %add3A_875 = arith.addf %add3A_874, %mul3A_847 : vector<16xf32>
      %add3A_876 = arith.addf %add3A_875, %mul3A_849 : vector<16xf32>
      %add3A_877 = arith.addf %add3A_876, %mul3A_851 : vector<16xf32>
      %add3A_878 = arith.addf %add3A_877, %mul3A_853 : vector<16xf32>
      %add3A_879 = arith.addf %add3A_878, %mul3A_855 : vector<16xf32>
      %add3A_880 = arith.addf %add3A_879, %mul3A_857 : vector<16xf32>
      %add3A_881 = arith.addf %add3A_880, %mul3A_859 : vector<16xf32>
      %add3A_882 = arith.addf %add3A_881, %mul3A_861 : vector<16xf32>
      %add3A_883 = arith.addf %add3A_882, %mul3A_863 : vector<16xf32>
      %add3A_884 = arith.addf %add3A_883, %mul3A_865 : vector<16xf32>
      %add3A_885 = arith.addf %add3A_884, %mul3A_867 : vector<16xf32>
      %add3A_886 = arith.addf %add3A_885, %mul3A_869 : vector<16xf32>
      %add3A_887 = arith.addf %add3A_886, %mul3A_871 : vector<16xf32>
      %add3A_888 = arith.addf %add3A_887, %mul3A_873 : vector<16xf32>
      %mul3A_889 = arith.constant 16 : i32
      %mul3A_890 = arith.muli %scan3A_93, %mul3A_889 : i32
      %add3A_891 = arith.constant 3072 : i32
      %add3A_892 = arith.addi %add3A_891, %mul3A_890 : i32
      %swap3A_893 = arith.index_cast %add3A_892 : i32 to index
      %swap3A_894 = tpu.vector_load %arg16[%swap3A_893] {strides = array<i32>} : memref<5120xf32, #tpu.memory_space<vmem>>, vector<16xf32>,
      tpu.vector_store %arg16[%swap3A_893], %add3A_888 {strides = array<i32>} : memref<5120xf32, #tpu.memory_space<vmem>>, vector<16xf32>,
      %add3A_895 = arith.constant 13 : i32
      %add3A_896 = vector.broadcast %add3A_895 : i32 to vector<16xi32>
      %add3A_897 = arith.addi %mul3A_101, %add3A_896 : vector<16xi32>
      %gather3A_898 = tpu.vector_load_idx %arg14[%add3A_897, %broadcast_in_dim3A_3] : memref<5120x16xf32, #tpu.memory_space<vmem>>[vector<16xi32>, vector<16xi32>], vector<16xf32>,
      %mul3A_899 = arith.mulf %gather3A, %gather3A_898 : vector<16xf32>
      %gather3A_900 = tpu.vector_load_idx %arg14[%add3A_897, %broadcast_in_dim3A_5] : memref<5120x16xf32, #tpu.memory_space<vmem>>[vector<16xi32>, vector<16xi32>], vector<16xf32>,
      %mul3A_901 = arith.mulf %gather3A_102, %gather3A_900 : vector<16xf32>
      %gather3A_902 = tpu.vector_load_idx %arg14[%add3A_897, %broadcast_in_dim3A_7] : memref<5120x16xf32, #tpu.memory_space<vmem>>[vector<16xi32>, vector<16xi32>], vector<16xf32>,
      %mul3A_903 = arith.mulf %gather3A_103, %gather3A_902 : vector<16xf32>
      %gather3A_904 = tpu.vector_load_idx %arg14[%add3A_897, %broadcast_in_dim3A_9] : memref<5120x16xf32, #tpu.memory_space<vmem>>[vector<16xi32>, vector<16xi32>], vector<16xf32>,
      %mul3A_905 = arith.mulf %gather3A_104, %gather3A_904 : vector<16xf32>
      %gather3A_906 = tpu.vector_load_idx %arg14[%add3A_897, %broadcast_in_dim3A_11] : memref<5120x16xf32, #tpu.memory_space<vmem>>[vector<16xi32>, vector<16xi32>], vector<16xf32>,
      %mul3A_907 = arith.mulf %gather3A_105, %gather3A_906 : vector<16xf32>
      %gather3A_908 = tpu.vector_load_idx %arg14[%add3A_897, %broadcast_in_dim3A_13] : memref<5120x16xf32, #tpu.memory_space<vmem>>[vector<16xi32>, vector<16xi32>], vector<16xf32>,
      %mul3A_909 = arith.mulf %gather3A_106, %gather3A_908 : vector<16xf32>
      %gather3A_910 = tpu.vector_load_idx %arg14[%add3A_897, %broadcast_in_dim3A_15] : memref<5120x16xf32, #tpu.memory_space<vmem>>[vector<16xi32>, vector<16xi32>], vector<16xf32>,
      %mul3A_911 = arith.mulf %gather3A_107, %gather3A_910 : vector<16xf32>
      %gather3A_912 = tpu.vector_load_idx %arg14[%add3A_897, %broadcast_in_dim3A_17] : memref<5120x16xf32, #tpu.memory_space<vmem>>[vector<16xi32>, vector<16xi32>], vector<16xf32>,
      %mul3A_913 = arith.mulf %gather3A_108, %gather3A_912 : vector<16xf32>
      %gather3A_914 = tpu.vector_load_idx %arg14[%add3A_897, %broadcast_in_dim3A_19] : memref<5120x16xf32, #tpu.memory_space<vmem>>[vector<16xi32>, vector<16xi32>], vector<16xf32>,
      %mul3A_915 = arith.mulf %gather3A_109, %gather3A_914 : vector<16xf32>
      %gather3A_916 = tpu.vector_load_idx %arg14[%add3A_897, %broadcast_in_dim3A_21] : memref<5120x16xf32, #tpu.memory_space<vmem>>[vector<16xi32>, vector<16xi32>], vector<16xf32>,
      %mul3A_917 = arith.mulf %gather3A_110, %gather3A_916 : vector<16xf32>
      %gather3A_918 = tpu.vector_load_idx %arg14[%add3A_897, %broadcast_in_dim3A_23] : memref<5120x16xf32, #tpu.memory_space<vmem>>[vector<16xi32>, vector<16xi32>], vector<16xf32>,
      %mul3A_919 = arith.mulf %gather3A_111, %gather3A_918 : vector<16xf32>
      %gather3A_920 = tpu.vector_load_idx %arg14[%add3A_897, %broadcast_in_dim3A_25] : memref<5120x16xf32, #tpu.memory_space<vmem>>[vector<16xi32>, vector<16xi32>], vector<16xf32>,
      %mul3A_921 = arith.mulf %gather3A_112, %gather3A_920 : vector<16xf32>
      %gather3A_922 = tpu.vector_load_idx %arg14[%add3A_897, %broadcast_in_dim3A_27] : memref<5120x16xf32, #tpu.memory_space<vmem>>[vector<16xi32>, vector<16xi32>], vector<16xf32>,
      %mul3A_923 = arith.mulf %gather3A_113, %gather3A_922 : vector<16xf32>
      %gather3A_924 = tpu.vector_load_idx %arg14[%add3A_897, %broadcast_in_dim3A_29] : memref<5120x16xf32, #tpu.memory_space<vmem>>[vector<16xi32>, vector<16xi32>], vector<16xf32>,
      %mul3A_925 = arith.mulf %gather3A_114, %gather3A_924 : vector<16xf32>
      %gather3A_926 = tpu.vector_load_idx %arg14[%add3A_897, %broadcast_in_dim3A_31] : memref<5120x16xf32, #tpu.memory_space<vmem>>[vector<16xi32>, vector<16xi32>], vector<16xf32>,
      %mul3A_927 = arith.mulf %gather3A_115, %gather3A_926 : vector<16xf32>
      %gather3A_928 = tpu.vector_load_idx %arg14[%add3A_897, %broadcast_in_dim3A_33] : memref<5120x16xf32, #tpu.memory_space<vmem>>[vector<16xi32>, vector<16xi32>], vector<16xf32>,
      %mul3A_929 = arith.mulf %gather3A_116, %gather3A_928 : vector<16xf32>
      %add3A_930 = arith.addf %mul3A_899, %mul3A_901 : vector<16xf32>
      %add3A_931 = arith.addf %add3A_930, %mul3A_903 : vector<16xf32>
      %add3A_932 = arith.addf %add3A_931, %mul3A_905 : vector<16xf32>
      %add3A_933 = arith.addf %add3A_932, %mul3A_907 : vector<16xf32>
      %add3A_934 = arith.addf %add3A_933, %mul3A_909 : vector<16xf32>
      %add3A_935 = arith.addf %add3A_934, %mul3A_911 : vector<16xf32>
      %add3A_936 = arith.addf %add3A_935, %mul3A_913 : vector<16xf32>
      %add3A_937 = arith.addf %add3A_936, %mul3A_915 : vector<16xf32>
      %add3A_938 = arith.addf %add3A_937, %mul3A_917 : vector<16xf32>
      %add3A_939 = arith.addf %add3A_938, %mul3A_919 : vector<16xf32>
      %add3A_940 = arith.addf %add3A_939, %mul3A_921 : vector<16xf32>
      %add3A_941 = arith.addf %add3A_940, %mul3A_923 : vector<16xf32>
      %add3A_942 = arith.addf %add3A_941, %mul3A_925 : vector<16xf32>
      %add3A_943 = arith.addf %add3A_942, %mul3A_927 : vector<16xf32>
      %add3A_944 = arith.addf %add3A_943, %mul3A_929 : vector<16xf32>
      %mul3A_945 = arith.constant 16 : i32
      %mul3A_946 = arith.muli %scan3A_93, %mul3A_945 : i32
      %add3A_947 = arith.constant 3328 : i32
      %add3A_948 = arith.addi %add3A_947, %mul3A_946 : i32
      %swap3A_949 = arith.index_cast %add3A_948 : i32 to index
      %swap3A_950 = tpu.vector_load %arg16[%swap3A_949] {strides = array<i32>} : memref<5120xf32, #tpu.memory_space<vmem>>, vector<16xf32>,
      tpu.vector_store %arg16[%swap3A_949], %add3A_944 {strides = array<i32>} : memref<5120xf32, #tpu.memory_space<vmem>>, vector<16xf32>,
      %add3A_951 = arith.constant 14 : i32
      %add3A_952 = vector.broadcast %add3A_951 : i32 to vector<16xi32>
      %add3A_953 = arith.addi %mul3A_101, %add3A_952 : vector<16xi32>
      %gather3A_954 = tpu.vector_load_idx %arg14[%add3A_953, %broadcast_in_dim3A_3] : memref<5120x16xf32, #tpu.memory_space<vmem>>[vector<16xi32>, vector<16xi32>], vector<16xf32>,
      %mul3A_955 = arith.mulf %gather3A, %gather3A_954 : vector<16xf32>
      %gather3A_956 = tpu.vector_load_idx %arg14[%add3A_953, %broadcast_in_dim3A_5] : memref<5120x16xf32, #tpu.memory_space<vmem>>[vector<16xi32>, vector<16xi32>], vector<16xf32>,
      %mul3A_957 = arith.mulf %gather3A_102, %gather3A_956 : vector<16xf32>
      %gather3A_958 = tpu.vector_load_idx %arg14[%add3A_953, %broadcast_in_dim3A_7] : memref<5120x16xf32, #tpu.memory_space<vmem>>[vector<16xi32>, vector<16xi32>], vector<16xf32>,
      %mul3A_959 = arith.mulf %gather3A_103, %gather3A_958 : vector<16xf32>
      %gather3A_960 = tpu.vector_load_idx %arg14[%add3A_953, %broadcast_in_dim3A_9] : memref<5120x16xf32, #tpu.memory_space<vmem>>[vector<16xi32>, vector<16xi32>], vector<16xf32>,
      %mul3A_961 = arith.mulf %gather3A_104, %gather3A_960 : vector<16xf32>
      %gather3A_962 = tpu.vector_load_idx %arg14[%add3A_953, %broadcast_in_dim3A_11] : memref<5120x16xf32, #tpu.memory_space<vmem>>[vector<16xi32>, vector<16xi32>], vector<16xf32>,
      %mul3A_963 = arith.mulf %gather3A_105, %gather3A_962 : vector<16xf32>
      %gather3A_964 = tpu.vector_load_idx %arg14[%add3A_953, %broadcast_in_dim3A_13] : memref<5120x16xf32, #tpu.memory_space<vmem>>[vector<16xi32>, vector<16xi32>], vector<16xf32>,
      %mul3A_965 = arith.mulf %gather3A_106, %gather3A_964 : vector<16xf32>
      %gather3A_966 = tpu.vector_load_idx %arg14[%add3A_953, %broadcast_in_dim3A_15] : memref<5120x16xf32, #tpu.memory_space<vmem>>[vector<16xi32>, vector<16xi32>], vector<16xf32>,
      %mul3A_967 = arith.mulf %gather3A_107, %gather3A_966 : vector<16xf32>
      %gather3A_968 = tpu.vector_load_idx %arg14[%add3A_953, %broadcast_in_dim3A_17] : memref<5120x16xf32, #tpu.memory_space<vmem>>[vector<16xi32>, vector<16xi32>], vector<16xf32>,
      %mul3A_969 = arith.mulf %gather3A_108, %gather3A_968 : vector<16xf32>
      %gather3A_970 = tpu.vector_load_idx %arg14[%add3A_953, %broadcast_in_dim3A_19] : memref<5120x16xf32, #tpu.memory_space<vmem>>[vector<16xi32>, vector<16xi32>], vector<16xf32>,
      %mul3A_971 = arith.mulf %gather3A_109, %gather3A_970 : vector<16xf32>
      %gather3A_972 = tpu.vector_load_idx %arg14[%add3A_953, %broadcast_in_dim3A_21] : memref<5120x16xf32, #tpu.memory_space<vmem>>[vector<16xi32>, vector<16xi32>], vector<16xf32>,
      %mul3A_973 = arith.mulf %gather3A_110, %gather3A_972 : vector<16xf32>
      %gather3A_974 = tpu.vector_load_idx %arg14[%add3A_953, %broadcast_in_dim3A_23] : memref<5120x16xf32, #tpu.memory_space<vmem>>[vector<16xi32>, vector<16xi32>], vector<16xf32>,
      %mul3A_975 = arith.mulf %gather3A_111, %gather3A_974 : vector<16xf32>
      %gather3A_976 = tpu.vector_load_idx %arg14[%add3A_953, %broadcast_in_dim3A_25] : memref<5120x16xf32, #tpu.memory_space<vmem>>[vector<16xi32>, vector<16xi32>], vector<16xf32>,
      %mul3A_977 = arith.mulf %gather3A_112, %gather3A_976 : vector<16xf32>
      %gather3A_978 = tpu.vector_load_idx %arg14[%add3A_953, %broadcast_in_dim3A_27] : memref<5120x16xf32, #tpu.memory_space<vmem>>[vector<16xi32>, vector<16xi32>], vector<16xf32>,
      %mul3A_979 = arith.mulf %gather3A_113, %gather3A_978 : vector<16xf32>
      %gather3A_980 = tpu.vector_load_idx %arg14[%add3A_953, %broadcast_in_dim3A_29] : memref<5120x16xf32, #tpu.memory_space<vmem>>[vector<16xi32>, vector<16xi32>], vector<16xf32>,
      %mul3A_981 = arith.mulf %gather3A_114, %gather3A_980 : vector<16xf32>
      %gather3A_982 = tpu.vector_load_idx %arg14[%add3A_953, %broadcast_in_dim3A_31] : memref<5120x16xf32, #tpu.memory_space<vmem>>[vector<16xi32>, vector<16xi32>], vector<16xf32>,
      %mul3A_983 = arith.mulf %gather3A_115, %gather3A_982 : vector<16xf32>
      %gather3A_984 = tpu.vector_load_idx %arg14[%add3A_953, %broadcast_in_dim3A_33] : memref<5120x16xf32, #tpu.memory_space<vmem>>[vector<16xi32>, vector<16xi32>], vector<16xf32>,
      %mul3A_985 = arith.mulf %gather3A_116, %gather3A_984 : vector<16xf32>
      %add3A_986 = arith.addf %mul3A_955, %mul3A_957 : vector<16xf32>
      %add3A_987 = arith.addf %add3A_986, %mul3A_959 : vector<16xf32>
      %add3A_988 = arith.addf %add3A_987, %mul3A_961 : vector<16xf32>
      %add3A_989 = arith.addf %add3A_988, %mul3A_963 : vector<16xf32>
      %add3A_990 = arith.addf %add3A_989, %mul3A_965 : vector<16xf32>
      %add3A_991 = arith.addf %add3A_990, %mul3A_967 : vector<16xf32>
      %add3A_992 = arith.addf %add3A_991, %mul3A_969 : vector<16xf32>
      %add3A_993 = arith.addf %add3A_992, %mul3A_971 : vector<16xf32>
      %add3A_994 = arith.addf %add3A_993, %mul3A_973 : vector<16xf32>
      %add3A_995 = arith.addf %add3A_994, %mul3A_975 : vector<16xf32>
      %add3A_996 = arith.addf %add3A_995, %mul3A_977 : vector<16xf32>
      %add3A_997 = arith.addf %add3A_996, %mul3A_979 : vector<16xf32>
      %add3A_998 = arith.addf %add3A_997, %mul3A_981 : vector<16xf32>
      %add3A_999 = arith.addf %add3A_998, %mul3A_983 : vector<16xf32>
      %add3A_1000 = arith.addf %add3A_999, %mul3A_985 : vector<16xf32>
      %mul3A_1001 = arith.constant 16 : i32
      %mul3A_1002 = arith.muli %scan3A_93, %mul3A_1001 : i32
      %add3A_1003 = arith.constant 3584 : i32
      %add3A_1004 = arith.addi %add3A_1003, %mul3A_1002 : i32
      %swap3A_1005 = arith.index_cast %add3A_1004 : i32 to index
      %swap3A_1006 = tpu.vector_load %arg16[%swap3A_1005] {strides = array<i32>} : memref<5120xf32, #tpu.memory_space<vmem>>, vector<16xf32>,
      tpu.vector_store %arg16[%swap3A_1005], %add3A_1000 {strides = array<i32>} : memref<5120xf32, #tpu.memory_space<vmem>>, vector<16xf32>,
      %add3A_1007 = arith.constant 15 : i32
      %add3A_1008 = vector.broadcast %add3A_1007 : i32 to vector<16xi32>
      %add3A_1009 = arith.addi %mul3A_101, %add3A_1008 : vector<16xi32>
      %gather3A_1010 = tpu.vector_load_idx %arg14[%add3A_1009, %broadcast_in_dim3A_3] : memref<5120x16xf32, #tpu.memory_space<vmem>>[vector<16xi32>, vector<16xi32>], vector<16xf32>,
      %mul3A_1011 = arith.mulf %gather3A, %gather3A_1010 : vector<16xf32>
      %gather3A_1012 = tpu.vector_load_idx %arg14[%add3A_1009, %broadcast_in_dim3A_5] : memref<5120x16xf32, #tpu.memory_space<vmem>>[vector<16xi32>, vector<16xi32>], vector<16xf32>,
      %mul3A_1013 = arith.mulf %gather3A_102, %gather3A_1012 : vector<16xf32>
      %gather3A_1014 = tpu.vector_load_idx %arg14[%add3A_1009, %broadcast_in_dim3A_7] : memref<5120x16xf32, #tpu.memory_space<vmem>>[vector<16xi32>, vector<16xi32>], vector<16xf32>,
      %mul3A_1015 = arith.mulf %gather3A_103, %gather3A_1014 : vector<16xf32>
      %gather3A_1016 = tpu.vector_load_idx %arg14[%add3A_1009, %broadcast_in_dim3A_9] : memref<5120x16xf32, #tpu.memory_space<vmem>>[vector<16xi32>, vector<16xi32>], vector<16xf32>,
      %mul3A_1017 = arith.mulf %gather3A_104, %gather3A_1016 : vector<16xf32>
      %gather3A_1018 = tpu.vector_load_idx %arg14[%add3A_1009, %broadcast_in_dim3A_11] : memref<5120x16xf32, #tpu.memory_space<vmem>>[vector<16xi32>, vector<16xi32>], vector<16xf32>,
      %mul3A_1019 = arith.mulf %gather3A_105, %gather3A_1018 : vector<16xf32>
      %gather3A_1020 = tpu.vector_load_idx %arg14[%add3A_1009, %broadcast_in_dim3A_13] : memref<5120x16xf32, #tpu.memory_space<vmem>>[vector<16xi32>, vector<16xi32>], vector<16xf32>,
      %mul3A_1021 = arith.mulf %gather3A_106, %gather3A_1020 : vector<16xf32>
      %gather3A_1022 = tpu.vector_load_idx %arg14[%add3A_1009, %broadcast_in_dim3A_15] : memref<5120x16xf32, #tpu.memory_space<vmem>>[vector<16xi32>, vector<16xi32>], vector<16xf32>,
      %mul3A_1023 = arith.mulf %gather3A_107, %gather3A_1022 : vector<16xf32>
      %gather3A_1024 = tpu.vector_load_idx %arg14[%add3A_1009, %broadcast_in_dim3A_17] : memref<5120x16xf32, #tpu.memory_space<vmem>>[vector<16xi32>, vector<16xi32>], vector<16xf32>,
      %mul3A_1025 = arith.mulf %gather3A_108, %gather3A_1024 : vector<16xf32>
      %gather3A_1026 = tpu.vector_load_idx %arg14[%add3A_1009, %broadcast_in_dim3A_19] : memref<5120x16xf32, #tpu.memory_space<vmem>>[vector<16xi32>, vector<16xi32>], vector<16xf32>,
      %mul3A_1027 = arith.mulf %gather3A_109, %gather3A_1026 : vector<16xf32>
      %gather3A_1028 = tpu.vector_load_idx %arg14[%add3A_1009, %broadcast_in_dim3A_21] : memref<5120x16xf32, #tpu.memory_space<vmem>>[vector<16xi32>, vector<16xi32>], vector<16xf32>,
      %mul3A_1029 = arith.mulf %gather3A_110, %gather3A_1028 : vector<16xf32>
      %gather3A_1030 = tpu.vector_load_idx %arg14[%add3A_1009, %broadcast_in_dim3A_23] : memref<5120x16xf32, #tpu.memory_space<vmem>>[vector<16xi32>, vector<16xi32>], vector<16xf32>,
      %mul3A_1031 = arith.mulf %gather3A_111, %gather3A_1030 : vector<16xf32>
      %gather3A_1032 = tpu.vector_load_idx %arg14[%add3A_1009, %broadcast_in_dim3A_25] : memref<5120x16xf32, #tpu.memory_space<vmem>>[vector<16xi32>, vector<16xi32>], vector<16xf32>,
      %mul3A_1033 = arith.mulf %gather3A_112, %gather3A_1032 : vector<16xf32>
      %gather3A_1034 = tpu.vector_load_idx %arg14[%add3A_1009, %broadcast_in_dim3A_27] : memref<5120x16xf32, #tpu.memory_space<vmem>>[vector<16xi32>, vector<16xi32>], vector<16xf32>,
      %mul3A_1035 = arith.mulf %gather3A_113, %gather3A_1034 : vector<16xf32>
      %gather3A_1036 = tpu.vector_load_idx %arg14[%add3A_1009, %broadcast_in_dim3A_29] : memref<5120x16xf32, #tpu.memory_space<vmem>>[vector<16xi32>, vector<16xi32>], vector<16xf32>,
      %mul3A_1037 = arith.mulf %gather3A_114, %gather3A_1036 : vector<16xf32>
      %gather3A_1038 = tpu.vector_load_idx %arg14[%add3A_1009, %broadcast_in_dim3A_31] : memref<5120x16xf32, #tpu.memory_space<vmem>>[vector<16xi32>, vector<16xi32>], vector<16xf32>,
      %mul3A_1039 = arith.mulf %gather3A_115, %gather3A_1038 : vector<16xf32>
      %gather3A_1040 = tpu.vector_load_idx %arg14[%add3A_1009, %broadcast_in_dim3A_33] : memref<5120x16xf32, #tpu.memory_space<vmem>>[vector<16xi32>, vector<16xi32>], vector<16xf32>,
      %mul3A_1041 = arith.mulf %gather3A_116, %gather3A_1040 : vector<16xf32>
      %add3A_1042 = arith.addf %mul3A_1011, %mul3A_1013 : vector<16xf32>
      %add3A_1043 = arith.addf %add3A_1042, %mul3A_1015 : vector<16xf32>
      %add3A_1044 = arith.addf %add3A_1043, %mul3A_1017 : vector<16xf32>
      %add3A_1045 = arith.addf %add3A_1044, %mul3A_1019 : vector<16xf32>
      %add3A_1046 = arith.addf %add3A_1045, %mul3A_1021 : vector<16xf32>
      %add3A_1047 = arith.addf %add3A_1046, %mul3A_1023 : vector<16xf32>
      %add3A_1048 = arith.addf %add3A_1047, %mul3A_1025 : vector<16xf32>
      %add3A_1049 = arith.addf %add3A_1048, %mul3A_1027 : vector<16xf32>
      %add3A_1050 = arith.addf %add3A_1049, %mul3A_1029 : vector<16xf32>
      %add3A_1051 = arith.addf %add3A_1050, %mul3A_1031 : vector<16xf32>
      %add3A_1052 = arith.addf %add3A_1051, %mul3A_1033 : vector<16xf32>
      %add3A_1053 = arith.addf %add3A_1052, %mul3A_1035 : vector<16xf32>
      %add3A_1054 = arith.addf %add3A_1053, %mul3A_1037 : vector<16xf32>
      %add3A_1055 = arith.addf %add3A_1054, %mul3A_1039 : vector<16xf32>
      %add3A_1056 = arith.addf %add3A_1055, %mul3A_1041 : vector<16xf32>
      %mul3A_1057 = arith.constant 16 : i32
      %mul3A_1058 = arith.muli %scan3A_93, %mul3A_1057 : i32
      %add3A_1059 = arith.constant 3840 : i32
      %add3A_1060 = arith.addi %add3A_1059, %mul3A_1058 : i32
      %swap3A_1061 = arith.index_cast %add3A_1060 : i32 to index
      %swap3A_1062 = tpu.vector_load %arg16[%swap3A_1061] {strides = array<i32>} : memref<5120xf32, #tpu.memory_space<vmem>>, vector<16xf32>,
      tpu.vector_store %arg16[%swap3A_1061], %add3A_1056 {strides = array<i32>} : memref<5120xf32, #tpu.memory_space<vmem>>, vector<16xf32>,
      %add3A_1063 = arith.constant 16 : i32
      %add3A_1064 = vector.broadcast %add3A_1063 : i32 to vector<16xi32>
      %add3A_1065 = arith.addi %mul3A_101, %add3A_1064 : vector<16xi32>
      %gather3A_1066 = tpu.vector_load_idx %arg14[%add3A_1065, %broadcast_in_dim3A_3] : memref<5120x16xf32, #tpu.memory_space<vmem>>[vector<16xi32>, vector<16xi32>], vector<16xf32>,
      %mul3A_1067 = arith.mulf %gather3A, %gather3A_1066 : vector<16xf32>
      %gather3A_1068 = tpu.vector_load_idx %arg14[%add3A_1065, %broadcast_in_dim3A_5] : memref<5120x16xf32, #tpu.memory_space<vmem>>[vector<16xi32>, vector<16xi32>], vector<16xf32>,
      %mul3A_1069 = arith.mulf %gather3A_102, %gather3A_1068 : vector<16xf32>
      %gather3A_1070 = tpu.vector_load_idx %arg14[%add3A_1065, %broadcast_in_dim3A_7] : memref<5120x16xf32, #tpu.memory_space<vmem>>[vector<16xi32>, vector<16xi32>], vector<16xf32>,
      %mul3A_1071 = arith.mulf %gather3A_103, %gather3A_1070 : vector<16xf32>
      %gather3A_1072 = tpu.vector_load_idx %arg14[%add3A_1065, %broadcast_in_dim3A_9] : memref<5120x16xf32, #tpu.memory_space<vmem>>[vector<16xi32>, vector<16xi32>], vector<16xf32>,
      %mul3A_1073 = arith.mulf %gather3A_104, %gather3A_1072 : vector<16xf32>
      %gather3A_1074 = tpu.vector_load_idx %arg14[%add3A_1065, %broadcast_in_dim3A_11] : memref<5120x16xf32, #tpu.memory_space<vmem>>[vector<16xi32>, vector<16xi32>], vector<16xf32>,
      %mul3A_1075 = arith.mulf %gather3A_105, %gather3A_1074 : vector<16xf32>
      %gather3A_1076 = tpu.vector_load_idx %arg14[%add3A_1065, %broadcast_in_dim3A_13] : memref<5120x16xf32, #tpu.memory_space<vmem>>[vector<16xi32>, vector<16xi32>], vector<16xf32>,
      %mul3A_1077 = arith.mulf %gather3A_106, %gather3A_1076 : vector<16xf32>
      %gather3A_1078 = tpu.vector_load_idx %arg14[%add3A_1065, %broadcast_in_dim3A_15] : memref<5120x16xf32, #tpu.memory_space<vmem>>[vector<16xi32>, vector<16xi32>], vector<16xf32>,
      %mul3A_1079 = arith.mulf %gather3A_107, %gather3A_1078 : vector<16xf32>
      %gather3A_1080 = tpu.vector_load_idx %arg14[%add3A_1065, %broadcast_in_dim3A_17] : memref<5120x16xf32, #tpu.memory_space<vmem>>[vector<16xi32>, vector<16xi32>], vector<16xf32>,
      %mul3A_1081 = arith.mulf %gather3A_108, %gather3A_1080 : vector<16xf32>
      %gather3A_1082 = tpu.vector_load_idx %arg14[%add3A_1065, %broadcast_in_dim3A_19] : memref<5120x16xf32, #tpu.memory_space<vmem>>[vector<16xi32>, vector<16xi32>], vector<16xf32>,
      %mul3A_1083 = arith.mulf %gather3A_109, %gather3A_1082 : vector<16xf32>
      %gather3A_1084 = tpu.vector_load_idx %arg14[%add3A_1065, %broadcast_in_dim3A_21] : memref<5120x16xf32, #tpu.memory_space<vmem>>[vector<16xi32>, vector<16xi32>], vector<16xf32>,
      %mul3A_1085 = arith.mulf %gather3A_110, %gather3A_1084 : vector<16xf32>
      %gather3A_1086 = tpu.vector_load_idx %arg14[%add3A_1065, %broadcast_in_dim3A_23] : memref<5120x16xf32, #tpu.memory_space<vmem>>[vector<16xi32>, vector<16xi32>], vector<16xf32>,
      %mul3A_1087 = arith.mulf %gather3A_111, %gather3A_1086 : vector<16xf32>
      %gather3A_1088 = tpu.vector_load_idx %arg14[%add3A_1065, %broadcast_in_dim3A_25] : memref<5120x16xf32, #tpu.memory_space<vmem>>[vector<16xi32>, vector<16xi32>], vector<16xf32>,
      %mul3A_1089 = arith.mulf %gather3A_112, %gather3A_1088 : vector<16xf32>
      %gather3A_1090 = tpu.vector_load_idx %arg14[%add3A_1065, %broadcast_in_dim3A_27] : memref<5120x16xf32, #tpu.memory_space<vmem>>[vector<16xi32>, vector<16xi32>], vector<16xf32>,
      %mul3A_1091 = arith.mulf %gather3A_113, %gather3A_1090 : vector<16xf32>
      %gather3A_1092 = tpu.vector_load_idx %arg14[%add3A_1065, %broadcast_in_dim3A_29] : memref<5120x16xf32, #tpu.memory_space<vmem>>[vector<16xi32>, vector<16xi32>], vector<16xf32>,
      %mul3A_1093 = arith.mulf %gather3A_114, %gather3A_1092 : vector<16xf32>
      %gather3A_1094 = tpu.vector_load_idx %arg14[%add3A_1065, %broadcast_in_dim3A_31] : memref<5120x16xf32, #tpu.memory_space<vmem>>[vector<16xi32>, vector<16xi32>], vector<16xf32>,
      %mul3A_1095 = arith.mulf %gather3A_115, %gather3A_1094 : vector<16xf32>
      %gather3A_1096 = tpu.vector_load_idx %arg14[%add3A_1065, %broadcast_in_dim3A_33] : memref<5120x16xf32, #tpu.memory_space<vmem>>[vector<16xi32>, vector<16xi32>], vector<16xf32>,
      %mul3A_1097 = arith.mulf %gather3A_116, %gather3A_1096 : vector<16xf32>
      %add3A_1098 = arith.addf %mul3A_1067, %mul3A_1069 : vector<16xf32>
      %add3A_1099 = arith.addf %add3A_1098, %mul3A_1071 : vector<16xf32>
      %add3A_1100 = arith.addf %add3A_1099, %mul3A_1073 : vector<16xf32>
      %add3A_1101 = arith.addf %add3A_1100, %mul3A_1075 : vector<16xf32>
      %add3A_1102 = arith.addf %add3A_1101, %mul3A_1077 : vector<16xf32>
      %add3A_1103 = arith.addf %add3A_1102, %mul3A_1079 : vector<16xf32>
      %add3A_1104 = arith.addf %add3A_1103, %mul3A_1081 : vector<16xf32>
      %add3A_1105 = arith.addf %add3A_1104, %mul3A_1083 : vector<16xf32>
      %add3A_1106 = arith.addf %add3A_1105, %mul3A_1085 : vector<16xf32>
      %add3A_1107 = arith.addf %add3A_1106, %mul3A_1087 : vector<16xf32>
      %add3A_1108 = arith.addf %add3A_1107, %mul3A_1089 : vector<16xf32>
      %add3A_1109 = arith.addf %add3A_1108, %mul3A_1091 : vector<16xf32>
      %add3A_1110 = arith.addf %add3A_1109, %mul3A_1093 : vector<16xf32>
      %add3A_1111 = arith.addf %add3A_1110, %mul3A_1095 : vector<16xf32>
      %add3A_1112 = arith.addf %add3A_1111, %mul3A_1097 : vector<16xf32>
      %mul3A_1113 = arith.constant 16 : i32
      %mul3A_1114 = arith.muli %scan3A_93, %mul3A_1113 : i32
      %add3A_1115 = arith.constant 4096 : i32
      %add3A_1116 = arith.addi %add3A_1115, %mul3A_1114 : i32
      %swap3A_1117 = arith.index_cast %add3A_1116 : i32 to index
      %swap3A_1118 = tpu.vector_load %arg16[%swap3A_1117] {strides = array<i32>} : memref<5120xf32, #tpu.memory_space<vmem>>, vector<16xf32>,
      tpu.vector_store %arg16[%swap3A_1117], %add3A_1112 {strides = array<i32>} : memref<5120xf32, #tpu.memory_space<vmem>>, vector<16xf32>,
      %add3A_1119 = arith.constant 17 : i32
      %add3A_1120 = vector.broadcast %add3A_1119 : i32 to vector<16xi32>
      %add3A_1121 = arith.addi %mul3A_101, %add3A_1120 : vector<16xi32>
      %gather3A_1122 = tpu.vector_load_idx %arg14[%add3A_1121, %broadcast_in_dim3A_3] : memref<5120x16xf32, #tpu.memory_space<vmem>>[vector<16xi32>, vector<16xi32>], vector<16xf32>,
      %mul3A_1123 = arith.mulf %gather3A, %gather3A_1122 : vector<16xf32>
      %gather3A_1124 = tpu.vector_load_idx %arg14[%add3A_1121, %broadcast_in_dim3A_5] : memref<5120x16xf32, #tpu.memory_space<vmem>>[vector<16xi32>, vector<16xi32>], vector<16xf32>,
      %mul3A_1125 = arith.mulf %gather3A_102, %gather3A_1124 : vector<16xf32>
      %gather3A_1126 = tpu.vector_load_idx %arg14[%add3A_1121, %broadcast_in_dim3A_7] : memref<5120x16xf32, #tpu.memory_space<vmem>>[vector<16xi32>, vector<16xi32>], vector<16xf32>,
      %mul3A_1127 = arith.mulf %gather3A_103, %gather3A_1126 : vector<16xf32>
      %gather3A_1128 = tpu.vector_load_idx %arg14[%add3A_1121, %broadcast_in_dim3A_9] : memref<5120x16xf32, #tpu.memory_space<vmem>>[vector<16xi32>, vector<16xi32>], vector<16xf32>,
      %mul3A_1129 = arith.mulf %gather3A_104, %gather3A_1128 : vector<16xf32>
      %gather3A_1130 = tpu.vector_load_idx %arg14[%add3A_1121, %broadcast_in_dim3A_11] : memref<5120x16xf32, #tpu.memory_space<vmem>>[vector<16xi32>, vector<16xi32>], vector<16xf32>,
      %mul3A_1131 = arith.mulf %gather3A_105, %gather3A_1130 : vector<16xf32>
      %gather3A_1132 = tpu.vector_load_idx %arg14[%add3A_1121, %broadcast_in_dim3A_13] : memref<5120x16xf32, #tpu.memory_space<vmem>>[vector<16xi32>, vector<16xi32>], vector<16xf32>,
      %mul3A_1133 = arith.mulf %gather3A_106, %gather3A_1132 : vector<16xf32>
      %gather3A_1134 = tpu.vector_load_idx %arg14[%add3A_1121, %broadcast_in_dim3A_15] : memref<5120x16xf32, #tpu.memory_space<vmem>>[vector<16xi32>, vector<16xi32>], vector<16xf32>,
      %mul3A_1135 = arith.mulf %gather3A_107, %gather3A_1134 : vector<16xf32>
      %gather3A_1136 = tpu.vector_load_idx %arg14[%add3A_1121, %broadcast_in_dim3A_17] : memref<5120x16xf32, #tpu.memory_space<vmem>>[vector<16xi32>, vector<16xi32>], vector<16xf32>,
      %mul3A_1137 = arith.mulf %gather3A_108, %gather3A_1136 : vector<16xf32>
      %gather3A_1138 = tpu.vector_load_idx %arg14[%add3A_1121, %broadcast_in_dim3A_19] : memref<5120x16xf32, #tpu.memory_space<vmem>>[vector<16xi32>, vector<16xi32>], vector<16xf32>,
      %mul3A_1139 = arith.mulf %gather3A_109, %gather3A_1138 : vector<16xf32>
      %gather3A_1140 = tpu.vector_load_idx %arg14[%add3A_1121, %broadcast_in_dim3A_21] : memref<5120x16xf32, #tpu.memory_space<vmem>>[vector<16xi32>, vector<16xi32>], vector<16xf32>,
      %mul3A_1141 = arith.mulf %gather3A_110, %gather3A_1140 : vector<16xf32>
      %gather3A_1142 = tpu.vector_load_idx %arg14[%add3A_1121, %broadcast_in_dim3A_23] : memref<5120x16xf32, #tpu.memory_space<vmem>>[vector<16xi32>, vector<16xi32>], vector<16xf32>,
      %mul3A_1143 = arith.mulf %gather3A_111, %gather3A_1142 : vector<16xf32>
      %gather3A_1144 = tpu.vector_load_idx %arg14[%add3A_1121, %broadcast_in_dim3A_25] : memref<5120x16xf32, #tpu.memory_space<vmem>>[vector<16xi32>, vector<16xi32>], vector<16xf32>,
      %mul3A_1145 = arith.mulf %gather3A_112, %gather3A_1144 : vector<16xf32>
      %gather3A_1146 = tpu.vector_load_idx %arg14[%add3A_1121, %broadcast_in_dim3A_27] : memref<5120x16xf32, #tpu.memory_space<vmem>>[vector<16xi32>, vector<16xi32>], vector<16xf32>,
      %mul3A_1147 = arith.mulf %gather3A_113, %gather3A_1146 : vector<16xf32>
      %gather3A_1148 = tpu.vector_load_idx %arg14[%add3A_1121, %broadcast_in_dim3A_29] : memref<5120x16xf32, #tpu.memory_space<vmem>>[vector<16xi32>, vector<16xi32>], vector<16xf32>,
      %mul3A_1149 = arith.mulf %gather3A_114, %gather3A_1148 : vector<16xf32>
      %gather3A_1150 = tpu.vector_load_idx %arg14[%add3A_1121, %broadcast_in_dim3A_31] : memref<5120x16xf32, #tpu.memory_space<vmem>>[vector<16xi32>, vector<16xi32>], vector<16xf32>,
      %mul3A_1151 = arith.mulf %gather3A_115, %gather3A_1150 : vector<16xf32>
      %gather3A_1152 = tpu.vector_load_idx %arg14[%add3A_1121, %broadcast_in_dim3A_33] : memref<5120x16xf32, #tpu.memory_space<vmem>>[vector<16xi32>, vector<16xi32>], vector<16xf32>,
      %mul3A_1153 = arith.mulf %gather3A_116, %gather3A_1152 : vector<16xf32>
      %add3A_1154 = arith.addf %mul3A_1123, %mul3A_1125 : vector<16xf32>
      %add3A_1155 = arith.addf %add3A_1154, %mul3A_1127 : vector<16xf32>
      %add3A_1156 = arith.addf %add3A_1155, %mul3A_1129 : vector<16xf32>
      %add3A_1157 = arith.addf %add3A_1156, %mul3A_1131 : vector<16xf32>
      %add3A_1158 = arith.addf %add3A_1157, %mul3A_1133 : vector<16xf32>
      %add3A_1159 = arith.addf %add3A_1158, %mul3A_1135 : vector<16xf32>
      %add3A_1160 = arith.addf %add3A_1159, %mul3A_1137 : vector<16xf32>
      %add3A_1161 = arith.addf %add3A_1160, %mul3A_1139 : vector<16xf32>
      %add3A_1162 = arith.addf %add3A_1161, %mul3A_1141 : vector<16xf32>
      %add3A_1163 = arith.addf %add3A_1162, %mul3A_1143 : vector<16xf32>
      %add3A_1164 = arith.addf %add3A_1163, %mul3A_1145 : vector<16xf32>
      %add3A_1165 = arith.addf %add3A_1164, %mul3A_1147 : vector<16xf32>
      %add3A_1166 = arith.addf %add3A_1165, %mul3A_1149 : vector<16xf32>
      %add3A_1167 = arith.addf %add3A_1166, %mul3A_1151 : vector<16xf32>
      %add3A_1168 = arith.addf %add3A_1167, %mul3A_1153 : vector<16xf32>
      %mul3A_1169 = arith.constant 16 : i32
      %mul3A_1170 = arith.muli %scan3A_93, %mul3A_1169 : i32
      %add3A_1171 = arith.constant 4352 : i32
      %add3A_1172 = arith.addi %add3A_1171, %mul3A_1170 : i32
      %swap3A_1173 = arith.index_cast %add3A_1172 : i32 to index
      %swap3A_1174 = tpu.vector_load %arg16[%swap3A_1173] {strides = array<i32>} : memref<5120xf32, #tpu.memory_space<vmem>>, vector<16xf32>,
      tpu.vector_store %arg16[%swap3A_1173], %add3A_1168 {strides = array<i32>} : memref<5120xf32, #tpu.memory_space<vmem>>, vector<16xf32>,
      %add3A_1175 = arith.constant 18 : i32
      %add3A_1176 = vector.broadcast %add3A_1175 : i32 to vector<16xi32>
      %add3A_1177 = arith.addi %mul3A_101, %add3A_1176 : vector<16xi32>
      %gather3A_1178 = tpu.vector_load_idx %arg14[%add3A_1177, %broadcast_in_dim3A_3] : memref<5120x16xf32, #tpu.memory_space<vmem>>[vector<16xi32>, vector<16xi32>], vector<16xf32>,
      %mul3A_1179 = arith.mulf %gather3A, %gather3A_1178 : vector<16xf32>
      %gather3A_1180 = tpu.vector_load_idx %arg14[%add3A_1177, %broadcast_in_dim3A_5] : memref<5120x16xf32, #tpu.memory_space<vmem>>[vector<16xi32>, vector<16xi32>], vector<16xf32>,
      %mul3A_1181 = arith.mulf %gather3A_102, %gather3A_1180 : vector<16xf32>
      %gather3A_1182 = tpu.vector_load_idx %arg14[%add3A_1177, %broadcast_in_dim3A_7] : memref<5120x16xf32, #tpu.memory_space<vmem>>[vector<16xi32>, vector<16xi32>], vector<16xf32>,
      %mul3A_1183 = arith.mulf %gather3A_103, %gather3A_1182 : vector<16xf32>
      %gather3A_1184 = tpu.vector_load_idx %arg14[%add3A_1177, %broadcast_in_dim3A_9] : memref<5120x16xf32, #tpu.memory_space<vmem>>[vector<16xi32>, vector<16xi32>], vector<16xf32>,
      %mul3A_1185 = arith.mulf %gather3A_104, %gather3A_1184 : vector<16xf32>
      %gather3A_1186 = tpu.vector_load_idx %arg14[%add3A_1177, %broadcast_in_dim3A_11] : memref<5120x16xf32, #tpu.memory_space<vmem>>[vector<16xi32>, vector<16xi32>], vector<16xf32>,
      %mul3A_1187 = arith.mulf %gather3A_105, %gather3A_1186 : vector<16xf32>
      %gather3A_1188 = tpu.vector_load_idx %arg14[%add3A_1177, %broadcast_in_dim3A_13] : memref<5120x16xf32, #tpu.memory_space<vmem>>[vector<16xi32>, vector<16xi32>], vector<16xf32>,
      %mul3A_1189 = arith.mulf %gather3A_106, %gather3A_1188 : vector<16xf32>
      %gather3A_1190 = tpu.vector_load_idx %arg14[%add3A_1177, %broadcast_in_dim3A_15] : memref<5120x16xf32, #tpu.memory_space<vmem>>[vector<16xi32>, vector<16xi32>], vector<16xf32>,
      %mul3A_1191 = arith.mulf %gather3A_107, %gather3A_1190 : vector<16xf32>
      %gather3A_1192 = tpu.vector_load_idx %arg14[%add3A_1177, %broadcast_in_dim3A_17] : memref<5120x16xf32, #tpu.memory_space<vmem>>[vector<16xi32>, vector<16xi32>], vector<16xf32>,
      %mul3A_1193 = arith.mulf %gather3A_108, %gather3A_1192 : vector<16xf32>
      %gather3A_1194 = tpu.vector_load_idx %arg14[%add3A_1177, %broadcast_in_dim3A_19] : memref<5120x16xf32, #tpu.memory_space<vmem>>[vector<16xi32>, vector<16xi32>], vector<16xf32>,
      %mul3A_1195 = arith.mulf %gather3A_109, %gather3A_1194 : vector<16xf32>
      %gather3A_1196 = tpu.vector_load_idx %arg14[%add3A_1177, %broadcast_in_dim3A_21] : memref<5120x16xf32, #tpu.memory_space<vmem>>[vector<16xi32>, vector<16xi32>], vector<16xf32>,
      %mul3A_1197 = arith.mulf %gather3A_110, %gather3A_1196 : vector<16xf32>
      %gather3A_1198 = tpu.vector_load_idx %arg14[%add3A_1177, %broadcast_in_dim3A_23] : memref<5120x16xf32, #tpu.memory_space<vmem>>[vector<16xi32>, vector<16xi32>], vector<16xf32>,
      %mul3A_1199 = arith.mulf %gather3A_111, %gather3A_1198 : vector<16xf32>
      %gather3A_1200 = tpu.vector_load_idx %arg14[%add3A_1177, %broadcast_in_dim3A_25] : memref<5120x16xf32, #tpu.memory_space<vmem>>[vector<16xi32>, vector<16xi32>], vector<16xf32>,
      %mul3A_1201 = arith.mulf %gather3A_112, %gather3A_1200 : vector<16xf32>
      %gather3A_1202 = tpu.vector_load_idx %arg14[%add3A_1177, %broadcast_in_dim3A_27] : memref<5120x16xf32, #tpu.memory_space<vmem>>[vector<16xi32>, vector<16xi32>], vector<16xf32>,
      %mul3A_1203 = arith.mulf %gather3A_113, %gather3A_1202 : vector<16xf32>
      %gather3A_1204 = tpu.vector_load_idx %arg14[%add3A_1177, %broadcast_in_dim3A_29] : memref<5120x16xf32, #tpu.memory_space<vmem>>[vector<16xi32>, vector<16xi32>], vector<16xf32>,
      %mul3A_1205 = arith.mulf %gather3A_114, %gather3A_1204 : vector<16xf32>
      %gather3A_1206 = tpu.vector_load_idx %arg14[%add3A_1177, %broadcast_in_dim3A_31] : memref<5120x16xf32, #tpu.memory_space<vmem>>[vector<16xi32>, vector<16xi32>], vector<16xf32>,
      %mul3A_1207 = arith.mulf %gather3A_115, %gather3A_1206 : vector<16xf32>
      %gather3A_1208 = tpu.vector_load_idx %arg14[%add3A_1177, %broadcast_in_dim3A_33] : memref<5120x16xf32, #tpu.memory_space<vmem>>[vector<16xi32>, vector<16xi32>], vector<16xf32>,
      %mul3A_1209 = arith.mulf %gather3A_116, %gather3A_1208 : vector<16xf32>
      %add3A_1210 = arith.addf %mul3A_1179, %mul3A_1181 : vector<16xf32>
      %add3A_1211 = arith.addf %add3A_1210, %mul3A_1183 : vector<16xf32>
      %add3A_1212 = arith.addf %add3A_1211, %mul3A_1185 : vector<16xf32>
      %add3A_1213 = arith.addf %add3A_1212, %mul3A_1187 : vector<16xf32>
      %add3A_1214 = arith.addf %add3A_1213, %mul3A_1189 : vector<16xf32>
      %add3A_1215 = arith.addf %add3A_1214, %mul3A_1191 : vector<16xf32>
      %add3A_1216 = arith.addf %add3A_1215, %mul3A_1193 : vector<16xf32>
      %add3A_1217 = arith.addf %add3A_1216, %mul3A_1195 : vector<16xf32>
      %add3A_1218 = arith.addf %add3A_1217, %mul3A_1197 : vector<16xf32>
      %add3A_1219 = arith.addf %add3A_1218, %mul3A_1199 : vector<16xf32>
      %add3A_1220 = arith.addf %add3A_1219, %mul3A_1201 : vector<16xf32>
      %add3A_1221 = arith.addf %add3A_1220, %mul3A_1203 : vector<16xf32>
      %add3A_1222 = arith.addf %add3A_1221, %mul3A_1205 : vector<16xf32>
      %add3A_1223 = arith.addf %add3A_1222, %mul3A_1207 : vector<16xf32>
      %add3A_1224 = arith.addf %add3A_1223, %mul3A_1209 : vector<16xf32>
      %mul3A_1225 = arith.constant 16 : i32
      %mul3A_1226 = arith.muli %scan3A_93, %mul3A_1225 : i32
      %add3A_1227 = arith.constant 4608 : i32
      %add3A_1228 = arith.addi %add3A_1227, %mul3A_1226 : i32
      %swap3A_1229 = arith.index_cast %add3A_1228 : i32 to index
      %swap3A_1230 = tpu.vector_load %arg16[%swap3A_1229] {strides = array<i32>} : memref<5120xf32, #tpu.memory_space<vmem>>, vector<16xf32>,
      tpu.vector_store %arg16[%swap3A_1229], %add3A_1224 {strides = array<i32>} : memref<5120xf32, #tpu.memory_space<vmem>>, vector<16xf32>,
      %add3A_1231 = arith.constant 19 : i32
      %add3A_1232 = vector.broadcast %add3A_1231 : i32 to vector<16xi32>
      %add3A_1233 = arith.addi %mul3A_101, %add3A_1232 : vector<16xi32>
      %gather3A_1234 = tpu.vector_load_idx %arg14[%add3A_1233, %broadcast_in_dim3A_3] : memref<5120x16xf32, #tpu.memory_space<vmem>>[vector<16xi32>, vector<16xi32>], vector<16xf32>,
      %mul3A_1235 = arith.mulf %gather3A, %gather3A_1234 : vector<16xf32>
      %gather3A_1236 = tpu.vector_load_idx %arg14[%add3A_1233, %broadcast_in_dim3A_5] : memref<5120x16xf32, #tpu.memory_space<vmem>>[vector<16xi32>, vector<16xi32>], vector<16xf32>,
      %mul3A_1237 = arith.mulf %gather3A_102, %gather3A_1236 : vector<16xf32>
      %gather3A_1238 = tpu.vector_load_idx %arg14[%add3A_1233, %broadcast_in_dim3A_7] : memref<5120x16xf32, #tpu.memory_space<vmem>>[vector<16xi32>, vector<16xi32>], vector<16xf32>,
      %mul3A_1239 = arith.mulf %gather3A_103, %gather3A_1238 : vector<16xf32>
      %gather3A_1240 = tpu.vector_load_idx %arg14[%add3A_1233, %broadcast_in_dim3A_9] : memref<5120x16xf32, #tpu.memory_space<vmem>>[vector<16xi32>, vector<16xi32>], vector<16xf32>,
      %mul3A_1241 = arith.mulf %gather3A_104, %gather3A_1240 : vector<16xf32>
      %gather3A_1242 = tpu.vector_load_idx %arg14[%add3A_1233, %broadcast_in_dim3A_11] : memref<5120x16xf32, #tpu.memory_space<vmem>>[vector<16xi32>, vector<16xi32>], vector<16xf32>,
      %mul3A_1243 = arith.mulf %gather3A_105, %gather3A_1242 : vector<16xf32>
      %gather3A_1244 = tpu.vector_load_idx %arg14[%add3A_1233, %broadcast_in_dim3A_13] : memref<5120x16xf32, #tpu.memory_space<vmem>>[vector<16xi32>, vector<16xi32>], vector<16xf32>,
      %mul3A_1245 = arith.mulf %gather3A_106, %gather3A_1244 : vector<16xf32>
      %gather3A_1246 = tpu.vector_load_idx %arg14[%add3A_1233, %broadcast_in_dim3A_15] : memref<5120x16xf32, #tpu.memory_space<vmem>>[vector<16xi32>, vector<16xi32>], vector<16xf32>,
      %mul3A_1247 = arith.mulf %gather3A_107, %gather3A_1246 : vector<16xf32>
      %gather3A_1248 = tpu.vector_load_idx %arg14[%add3A_1233, %broadcast_in_dim3A_17] : memref<5120x16xf32, #tpu.memory_space<vmem>>[vector<16xi32>, vector<16xi32>], vector<16xf32>,
      %mul3A_1249 = arith.mulf %gather3A_108, %gather3A_1248 : vector<16xf32>
      %gather3A_1250 = tpu.vector_load_idx %arg14[%add3A_1233, %broadcast_in_dim3A_19] : memref<5120x16xf32, #tpu.memory_space<vmem>>[vector<16xi32>, vector<16xi32>], vector<16xf32>,
      %mul3A_1251 = arith.mulf %gather3A_109, %gather3A_1250 : vector<16xf32>
      %gather3A_1252 = tpu.vector_load_idx %arg14[%add3A_1233, %broadcast_in_dim3A_21] : memref<5120x16xf32, #tpu.memory_space<vmem>>[vector<16xi32>, vector<16xi32>], vector<16xf32>,
      %mul3A_1253 = arith.mulf %gather3A_110, %gather3A_1252 : vector<16xf32>
      %gather3A_1254 = tpu.vector_load_idx %arg14[%add3A_1233, %broadcast_in_dim3A_23] : memref<5120x16xf32, #tpu.memory_space<vmem>>[vector<16xi32>, vector<16xi32>], vector<16xf32>,
      %mul3A_1255 = arith.mulf %gather3A_111, %gather3A_1254 : vector<16xf32>
      %gather3A_1256 = tpu.vector_load_idx %arg14[%add3A_1233, %broadcast_in_dim3A_25] : memref<5120x16xf32, #tpu.memory_space<vmem>>[vector<16xi32>, vector<16xi32>], vector<16xf32>,
      %mul3A_1257 = arith.mulf %gather3A_112, %gather3A_1256 : vector<16xf32>
      %gather3A_1258 = tpu.vector_load_idx %arg14[%add3A_1233, %broadcast_in_dim3A_27] : memref<5120x16xf32, #tpu.memory_space<vmem>>[vector<16xi32>, vector<16xi32>], vector<16xf32>,
      %mul3A_1259 = arith.mulf %gather3A_113, %gather3A_1258 : vector<16xf32>
      %gather3A_1260 = tpu.vector_load_idx %arg14[%add3A_1233, %broadcast_in_dim3A_29] : memref<5120x16xf32, #tpu.memory_space<vmem>>[vector<16xi32>, vector<16xi32>], vector<16xf32>,
      %mul3A_1261 = arith.mulf %gather3A_114, %gather3A_1260 : vector<16xf32>
      %gather3A_1262 = tpu.vector_load_idx %arg14[%add3A_1233, %broadcast_in_dim3A_31] : memref<5120x16xf32, #tpu.memory_space<vmem>>[vector<16xi32>, vector<16xi32>], vector<16xf32>,
      %mul3A_1263 = arith.mulf %gather3A_115, %gather3A_1262 : vector<16xf32>
      %gather3A_1264 = tpu.vector_load_idx %arg14[%add3A_1233, %broadcast_in_dim3A_33] : memref<5120x16xf32, #tpu.memory_space<vmem>>[vector<16xi32>, vector<16xi32>], vector<16xf32>,
      %mul3A_1265 = arith.mulf %gather3A_116, %gather3A_1264 : vector<16xf32>
      %add3A_1266 = arith.addf %mul3A_1235, %mul3A_1237 : vector<16xf32>
      %add3A_1267 = arith.addf %add3A_1266, %mul3A_1239 : vector<16xf32>
      %add3A_1268 = arith.addf %add3A_1267, %mul3A_1241 : vector<16xf32>
      %add3A_1269 = arith.addf %add3A_1268, %mul3A_1243 : vector<16xf32>
      %add3A_1270 = arith.addf %add3A_1269, %mul3A_1245 : vector<16xf32>
      %add3A_1271 = arith.addf %add3A_1270, %mul3A_1247 : vector<16xf32>
      %add3A_1272 = arith.addf %add3A_1271, %mul3A_1249 : vector<16xf32>
      %add3A_1273 = arith.addf %add3A_1272, %mul3A_1251 : vector<16xf32>
      %add3A_1274 = arith.addf %add3A_1273, %mul3A_1253 : vector<16xf32>
      %add3A_1275 = arith.addf %add3A_1274, %mul3A_1255 : vector<16xf32>
      %add3A_1276 = arith.addf %add3A_1275, %mul3A_1257 : vector<16xf32>
      %add3A_1277 = arith.addf %add3A_1276, %mul3A_1259 : vector<16xf32>
      %add3A_1278 = arith.addf %add3A_1277, %mul3A_1261 : vector<16xf32>
      %add3A_1279 = arith.addf %add3A_1278, %mul3A_1263 : vector<16xf32>
      %add3A_1280 = arith.addf %add3A_1279, %mul3A_1265 : vector<16xf32>
      %mul3A_1281 = arith.constant 16 : i32
      %mul3A_1282 = arith.muli %scan3A_93, %mul3A_1281 : i32
      %add3A_1283 = arith.constant 4864 : i32
      %add3A_1284 = arith.addi %add3A_1283, %mul3A_1282 : i32
      %swap3A_1285 = arith.index_cast %add3A_1284 : i32 to index
      %swap3A_1286 = tpu.vector_load %arg16[%swap3A_1285] {strides = array<i32>} : memref<5120xf32, #tpu.memory_space<vmem>>, vector<16xf32>,
      tpu.vector_store %arg16[%swap3A_1285], %add3A_1280 {strides = array<i32>} : memref<5120xf32, #tpu.memory_space<vmem>>, vector<16xf32>,
      %scan3A_1287 = arith.constant 0 : i32
      scf.yield %scan3A_1287 : i32
    }
    %scan3A_61 = arith.constant 16 : i32
    "tpu.region"() ({
      %run_scoped3A = tpu.sem_alloc : memref<!tpu.dma_semaphore, #tpu.memory_space<semaphore_mem>>
      %dma_start3A_93 = tpu.memref_slice %arg7[%multiple_of3A_36] : memref<16384xf32, #tpu.memory_space<hbm>> -> memref<256xf32, #tpu.memory_space<hbm>>
      %dma_start3A_94 = tpu.memref_slice %arg7[%multiple_of3A_36] : memref<16384xf32, #tpu.memory_space<hbm>> -> memref<256xf32, #tpu.memory_space<hbm>>
      tpu.enqueue_dma source(%arg15 : memref<256xf32, #tpu.memory_space<vmem>>) target(%dma_start3A_94 : memref<256xf32, #tpu.memory_space<hbm>>) target_semaphore(%run_scoped3A : memref<!tpu.dma_semaphore, #tpu.memory_space<semaphore_mem>>)
      %dma_wait3A_95 = tpu.memref_slice %arg7[%multiple_of3A_36] : memref<16384xf32, #tpu.memory_space<hbm>> -> memref<256xf32, #tpu.memory_space<hbm>>
      %dma_wait3A_96 = tpu.memref_slice %arg7[%multiple_of3A_36] : memref<16384xf32, #tpu.memory_space<hbm>> -> memref<256xf32, #tpu.memory_space<hbm>>
      tpu.wait_dma2 semaphore(%run_scoped3A : memref<!tpu.dma_semaphore, #tpu.memory_space<semaphore_mem>>) src(%arg15 : memref<256xf32, #tpu.memory_space<vmem>>) dst(%dma_wait3A_96 : memref<256xf32, #tpu.memory_space<hbm>>)
      tpu.yield
    }) : () -> ()
    "tpu.region"() ({
      %run_scoped3A = tpu.sem_alloc : memref<!tpu.dma_semaphore, #tpu.memory_space<semaphore_mem>>
      %dma_start3A_93 = tpu.memref_slice %arg8[%multiple_of3A_39] : memref<327680xf32, #tpu.memory_space<hbm>> -> memref<5120xf32, #tpu.memory_space<hbm>>
      %dma_start3A_94 = tpu.memref_slice %arg8[%multiple_of3A_39] : memref<327680xf32, #tpu.memory_space<hbm>> -> memref<5120xf32, #tpu.memory_space<hbm>>
      tpu.enqueue_dma source(%arg16 : memref<5120xf32, #tpu.memory_space<vmem>>) target(%dma_start3A_94 : memref<5120xf32, #tpu.memory_space<hbm>>) target_semaphore(%run_scoped3A : memref<!tpu.dma_semaphore, #tpu.memory_space<semaphore_mem>>)
      %dma_wait3A_95 = tpu.memref_slice %arg8[%multiple_of3A_39] : memref<327680xf32, #tpu.memory_space<hbm>> -> memref<5120xf32, #tpu.memory_space<hbm>>
      %dma_wait3A_96 = tpu.memref_slice %arg8[%multiple_of3A_39] : memref<327680xf32, #tpu.memory_space<hbm>> -> memref<5120xf32, #tpu.memory_space<hbm>>
      tpu.wait_dma2 semaphore(%run_scoped3A : memref<!tpu.dma_semaphore, #tpu.memory_space<semaphore_mem>>) src(%arg16 : memref<5120xf32, #tpu.memory_space<vmem>>) dst(%dma_wait3A_96 : memref<5120xf32, #tpu.memory_space<hbm>>)
      tpu.yield
    }) : () -> ()
    %add3A_62 = arith.constant 256 : i32
    %add3A_63 = arith.addi %multiple_of3A, %add3A_62 : i32
    %multiple_of3A_64 = tpu.assume_multiple %add3A_63, 256 : i32
    %mul3A_65 = arith.constant 20 : i32
    %mul3A_66 = arith.muli %multiple_of3A_64, %mul3A_65 : i32
    %multiple_of3A_67 = tpu.assume_multiple %mul3A_66, 256 : i32
    "tpu.region"() ({
      %run_scoped3A = tpu.sem_alloc : memref<!tpu.dma_semaphore, #tpu.memory_space<semaphore_mem>>
      %dma_start3A_93 = tpu.memref_slice %arg2[%multiple_of3A_64] : memref<16384xi32, #tpu.memory_space<hbm>> -> memref<256xi32, #tpu.memory_space<hbm>>
      %dma_start3A_94 = tpu.memref_slice %arg2[%multiple_of3A_64] : memref<16384xi32, #tpu.memory_space<hbm>> -> memref<256xi32, #tpu.memory_space<hbm>>
      tpu.enqueue_dma source(%dma_start3A_94 : memref<256xi32, #tpu.memory_space<hbm>>) target(%arg9 : memref<256xi32, #tpu.memory_space<vmem>>) target_semaphore(%run_scoped3A : memref<!tpu.dma_semaphore, #tpu.memory_space<semaphore_mem>>)
      %dma_wait3A_95 = tpu.memref_slice %arg2[%multiple_of3A_64] : memref<16384xi32, #tpu.memory_space<hbm>> -> memref<256xi32, #tpu.memory_space<hbm>>
      %dma_wait3A_96 = tpu.memref_slice %arg2[%multiple_of3A_64] : memref<16384xi32, #tpu.memory_space<hbm>> -> memref<256xi32, #tpu.memory_space<hbm>>
      tpu.wait_dma2 semaphore(%run_scoped3A : memref<!tpu.dma_semaphore, #tpu.memory_space<semaphore_mem>>) src(%dma_wait3A_96 : memref<256xi32, #tpu.memory_space<hbm>>) dst(%arg9 : memref<256xi32, #tpu.memory_space<vmem>>)
      tpu.yield
    }) : () -> ()
    "tpu.region"() ({
      %run_scoped3A = tpu.sem_alloc : memref<!tpu.dma_semaphore, #tpu.memory_space<semaphore_mem>>
      %dma_start3A_93 = tpu.memref_slice %arg3[%multiple_of3A_64] : memref<16384xi32, #tpu.memory_space<hbm>> -> memref<256xi32, #tpu.memory_space<hbm>>
      %dma_start3A_94 = tpu.memref_slice %arg3[%multiple_of3A_64] : memref<16384xi32, #tpu.memory_space<hbm>> -> memref<256xi32, #tpu.memory_space<hbm>>
      tpu.enqueue_dma source(%dma_start3A_94 : memref<256xi32, #tpu.memory_space<hbm>>) target(%arg10 : memref<256xi32, #tpu.memory_space<vmem>>) target_semaphore(%run_scoped3A : memref<!tpu.dma_semaphore, #tpu.memory_space<semaphore_mem>>)
      %dma_wait3A_95 = tpu.memref_slice %arg3[%multiple_of3A_64] : memref<16384xi32, #tpu.memory_space<hbm>> -> memref<256xi32, #tpu.memory_space<hbm>>
      %dma_wait3A_96 = tpu.memref_slice %arg3[%multiple_of3A_64] : memref<16384xi32, #tpu.memory_space<hbm>> -> memref<256xi32, #tpu.memory_space<hbm>>
      tpu.wait_dma2 semaphore(%run_scoped3A : memref<!tpu.dma_semaphore, #tpu.memory_space<semaphore_mem>>) src(%dma_wait3A_96 : memref<256xi32, #tpu.memory_space<hbm>>) dst(%arg10 : memref<256xi32, #tpu.memory_space<vmem>>)
      tpu.yield
    }) : () -> ()
    "tpu.region"() ({
      %run_scoped3A = tpu.sem_alloc : memref<!tpu.dma_semaphore, #tpu.memory_space<semaphore_mem>>
      %dma_start3A_93 = tpu.memref_slice %arg4[%multiple_of3A_67] : memref<327680xi32, #tpu.memory_space<hbm>> -> memref<5120xi32, #tpu.memory_space<hbm>>
      %dma_start3A_94 = tpu.memref_slice %arg4[%multiple_of3A_67] : memref<327680xi32, #tpu.memory_space<hbm>> -> memref<5120xi32, #tpu.memory_space<hbm>>
      tpu.enqueue_dma source(%dma_start3A_94 : memref<5120xi32, #tpu.memory_space<hbm>>) target(%arg11 : memref<5120xi32, #tpu.memory_space<vmem>>) target_semaphore(%run_scoped3A : memref<!tpu.dma_semaphore, #tpu.memory_space<semaphore_mem>>)
      %dma_wait3A_95 = tpu.memref_slice %arg4[%multiple_of3A_67] : memref<327680xi32, #tpu.memory_space<hbm>> -> memref<5120xi32, #tpu.memory_space<hbm>>
      %dma_wait3A_96 = tpu.memref_slice %arg4[%multiple_of3A_67] : memref<327680xi32, #tpu.memory_space<hbm>> -> memref<5120xi32, #tpu.memory_space<hbm>>
      tpu.wait_dma2 semaphore(%run_scoped3A : memref<!tpu.dma_semaphore, #tpu.memory_space<semaphore_mem>>) src(%dma_wait3A_96 : memref<5120xi32, #tpu.memory_space<hbm>>) dst(%arg11 : memref<5120xi32, #tpu.memory_space<vmem>>)
      tpu.yield
    }) : () -> ()
    %dma_start3A_68 = arith.constant 0 : i32
    %dma_start3A_69 = arith.constant 0 : i32
    %dma_start3A_70 = tpu.memref_slice %arg5[%dma_start3A_68, %dma_start3A_69] : memref<1000000x16xf32, #tpu.memory_space<hbm>> -> memref<1000000x16xf32, #tpu.memory_space<hbm>>
    tpu.enqueue_indirect_dma source(%dma_start3A_70 : memref<1000000x16xf32, #tpu.memory_space<hbm>>) target(%arg12 : memref<256x16xf32, #tpu.memory_space<vmem>>) offsets(%arg9 : memref<256xi32, #tpu.memory_space<vmem>>) semaphore(%arg17 : memref<!tpu.dma_semaphore, #tpu.memory_space<semaphore_mem>>)
    %dma_start3A_71 = arith.constant 0 : i32
    %dma_start3A_72 = arith.constant 0 : i32
    %dma_start3A_73 = tpu.memref_slice %arg6[%dma_start3A_71, %dma_start3A_72] : memref<1000000x16xf32, #tpu.memory_space<hbm>> -> memref<1000000x16xf32, #tpu.memory_space<hbm>>
    tpu.enqueue_indirect_dma source(%dma_start3A_73 : memref<1000000x16xf32, #tpu.memory_space<hbm>>) target(%arg13 : memref<256x16xf32, #tpu.memory_space<vmem>>) offsets(%arg10 : memref<256xi32, #tpu.memory_space<vmem>>) semaphore(%arg17 : memref<!tpu.dma_semaphore, #tpu.memory_space<semaphore_mem>>)
    %dma_start3A_74 = arith.constant 0 : i32
    %dma_start3A_75 = arith.constant 0 : i32
    %dma_start3A_76 = tpu.memref_slice %arg6[%dma_start3A_74, %dma_start3A_75] : memref<1000000x16xf32, #tpu.memory_space<hbm>> -> memref<1000000x16xf32, #tpu.memory_space<hbm>>
    tpu.enqueue_indirect_dma source(%dma_start3A_76 : memref<1000000x16xf32, #tpu.memory_space<hbm>>) target(%arg14 : memref<5120x16xf32, #tpu.memory_space<vmem>>) offsets(%arg11 : memref<5120xi32, #tpu.memory_space<vmem>>) semaphore(%arg17 : memref<!tpu.dma_semaphore, #tpu.memory_space<semaphore_mem>>)
    %dma_wait3A_77 = arith.constant 0 : i32
    %dma_wait3A_78 = arith.constant 0 : i32
    %dma_wait3A_79 = tpu.memref_slice %arg5[%dma_wait3A_77, %dma_wait3A_78] : memref<1000000x16xf32, #tpu.memory_space<hbm>> -> memref<1000000x16xf32, #tpu.memory_space<hbm>>
    tpu.wait_indirect_dma semaphore(%arg17 : memref<!tpu.dma_semaphore, #tpu.memory_space<semaphore_mem>>) src(%dma_wait3A_79 : memref<1000000x16xf32, #tpu.memory_space<hbm>>) dst(%arg12 : memref<256x16xf32, #tpu.memory_space<vmem>>)
    %dma_wait3A_80 = arith.constant 0 : i32
    %dma_wait3A_81 = arith.constant 0 : i32
    %dma_wait3A_82 = tpu.memref_slice %arg6[%dma_wait3A_80, %dma_wait3A_81] : memref<1000000x16xf32, #tpu.memory_space<hbm>> -> memref<1000000x16xf32, #tpu.memory_space<hbm>>
    tpu.wait_indirect_dma semaphore(%arg17 : memref<!tpu.dma_semaphore, #tpu.memory_space<semaphore_mem>>) src(%dma_wait3A_82 : memref<1000000x16xf32, #tpu.memory_space<hbm>>) dst(%arg13 : memref<256x16xf32, #tpu.memory_space<vmem>>)
    %dma_wait3A_83 = arith.constant 0 : i32
    %dma_wait3A_84 = arith.constant 0 : i32
    %dma_wait3A_85 = tpu.memref_slice %arg6[%dma_wait3A_83, %dma_wait3A_84] : memref<1000000x16xf32, #tpu.memory_space<hbm>> -> memref<1000000x16xf32, #tpu.memory_space<hbm>>
    tpu.wait_indirect_dma semaphore(%arg17 : memref<!tpu.dma_semaphore, #tpu.memory_space<semaphore_mem>>) src(%dma_wait3A_85 : memref<1000000x16xf32, #tpu.memory_space<hbm>>) dst(%arg14 : memref<5120x16xf32, #tpu.memory_space<vmem>>)
    %scan3A_86 = arith.constant 0 : i32
    %scan3A_87 = arith.constant 0 : i32
    %scan3A_88 = arith.constant 16 : i32
    %scan3A_89 = arith.addi %scan3A_87, %scan3A_88 : i32
    %scan3A_90 = arith.constant 1 : i32
    %scan3A_91 = scf.for %scan3A_93 = %scan3A_87 to %scan3A_89 step %scan3A_90 iter_args(%scan3A_94 = %scan3A_86) -> (i32)  : i32 {
      %mul3A_95 = arith.constant 16 : i32
      %mul3A_96 = arith.muli %scan3A_93, %mul3A_95 : i32
      %add3A_97 = vector.broadcast %mul3A_96 : i32 to vector<16xi32>
      %add3A_98 = arith.addi %add3A_97, %iota3A : vector<16xi32>
      %mul3A_99 = arith.constant 20 : i32
      %mul3A_100 = vector.broadcast %mul3A_99 : i32 to vector<16xi32>
      %mul3A_101 = arith.muli %add3A_98, %mul3A_100 : vector<16xi32>
      %gather3A = tpu.vector_load_idx %arg12[%add3A_98, %broadcast_in_dim3A_3] : memref<256x16xf32, #tpu.memory_space<vmem>>[vector<16xi32>, vector<16xi32>], vector<16xf32>,
      %gather3A_102 = tpu.vector_load_idx %arg12[%add3A_98, %broadcast_in_dim3A_5] : memref<256x16xf32, #tpu.memory_space<vmem>>[vector<16xi32>, vector<16xi32>], vector<16xf32>,
      %gather3A_103 = tpu.vector_load_idx %arg12[%add3A_98, %broadcast_in_dim3A_7] : memref<256x16xf32, #tpu.memory_space<vmem>>[vector<16xi32>, vector<16xi32>], vector<16xf32>,
      %gather3A_104 = tpu.vector_load_idx %arg12[%add3A_98, %broadcast_in_dim3A_9] : memref<256x16xf32, #tpu.memory_space<vmem>>[vector<16xi32>, vector<16xi32>], vector<16xf32>,
      %gather3A_105 = tpu.vector_load_idx %arg12[%add3A_98, %broadcast_in_dim3A_11] : memref<256x16xf32, #tpu.memory_space<vmem>>[vector<16xi32>, vector<16xi32>], vector<16xf32>,
      %gather3A_106 = tpu.vector_load_idx %arg12[%add3A_98, %broadcast_in_dim3A_13] : memref<256x16xf32, #tpu.memory_space<vmem>>[vector<16xi32>, vector<16xi32>], vector<16xf32>,
      %gather3A_107 = tpu.vector_load_idx %arg12[%add3A_98, %broadcast_in_dim3A_15] : memref<256x16xf32, #tpu.memory_space<vmem>>[vector<16xi32>, vector<16xi32>], vector<16xf32>,
      %gather3A_108 = tpu.vector_load_idx %arg12[%add3A_98, %broadcast_in_dim3A_17] : memref<256x16xf32, #tpu.memory_space<vmem>>[vector<16xi32>, vector<16xi32>], vector<16xf32>,
      %gather3A_109 = tpu.vector_load_idx %arg12[%add3A_98, %broadcast_in_dim3A_19] : memref<256x16xf32, #tpu.memory_space<vmem>>[vector<16xi32>, vector<16xi32>], vector<16xf32>,
      %gather3A_110 = tpu.vector_load_idx %arg12[%add3A_98, %broadcast_in_dim3A_21] : memref<256x16xf32, #tpu.memory_space<vmem>>[vector<16xi32>, vector<16xi32>], vector<16xf32>,
      %gather3A_111 = tpu.vector_load_idx %arg12[%add3A_98, %broadcast_in_dim3A_23] : memref<256x16xf32, #tpu.memory_space<vmem>>[vector<16xi32>, vector<16xi32>], vector<16xf32>,
      %gather3A_112 = tpu.vector_load_idx %arg12[%add3A_98, %broadcast_in_dim3A_25] : memref<256x16xf32, #tpu.memory_space<vmem>>[vector<16xi32>, vector<16xi32>], vector<16xf32>,
      %gather3A_113 = tpu.vector_load_idx %arg12[%add3A_98, %broadcast_in_dim3A_27] : memref<256x16xf32, #tpu.memory_space<vmem>>[vector<16xi32>, vector<16xi32>], vector<16xf32>,
      %gather3A_114 = tpu.vector_load_idx %arg12[%add3A_98, %broadcast_in_dim3A_29] : memref<256x16xf32, #tpu.memory_space<vmem>>[vector<16xi32>, vector<16xi32>], vector<16xf32>,
      %gather3A_115 = tpu.vector_load_idx %arg12[%add3A_98, %broadcast_in_dim3A_31] : memref<256x16xf32, #tpu.memory_space<vmem>>[vector<16xi32>, vector<16xi32>], vector<16xf32>,
      %gather3A_116 = tpu.vector_load_idx %arg12[%add3A_98, %broadcast_in_dim3A_33] : memref<256x16xf32, #tpu.memory_space<vmem>>[vector<16xi32>, vector<16xi32>], vector<16xf32>,
      %gather3A_117 = tpu.vector_load_idx %arg13[%add3A_98, %broadcast_in_dim3A_3] : memref<256x16xf32, #tpu.memory_space<vmem>>[vector<16xi32>, vector<16xi32>], vector<16xf32>,
      %mul3A_118 = arith.mulf %gather3A, %gather3A_117 : vector<16xf32>
      %gather3A_119 = tpu.vector_load_idx %arg13[%add3A_98, %broadcast_in_dim3A_5] : memref<256x16xf32, #tpu.memory_space<vmem>>[vector<16xi32>, vector<16xi32>], vector<16xf32>,
      %mul3A_120 = arith.mulf %gather3A_102, %gather3A_119 : vector<16xf32>
      %gather3A_121 = tpu.vector_load_idx %arg13[%add3A_98, %broadcast_in_dim3A_7] : memref<256x16xf32, #tpu.memory_space<vmem>>[vector<16xi32>, vector<16xi32>], vector<16xf32>,
      %mul3A_122 = arith.mulf %gather3A_103, %gather3A_121 : vector<16xf32>
      %gather3A_123 = tpu.vector_load_idx %arg13[%add3A_98, %broadcast_in_dim3A_9] : memref<256x16xf32, #tpu.memory_space<vmem>>[vector<16xi32>, vector<16xi32>], vector<16xf32>,
      %mul3A_124 = arith.mulf %gather3A_104, %gather3A_123 : vector<16xf32>
      %gather3A_125 = tpu.vector_load_idx %arg13[%add3A_98, %broadcast_in_dim3A_11] : memref<256x16xf32, #tpu.memory_space<vmem>>[vector<16xi32>, vector<16xi32>], vector<16xf32>,
      %mul3A_126 = arith.mulf %gather3A_105, %gather3A_125 : vector<16xf32>
      %gather3A_127 = tpu.vector_load_idx %arg13[%add3A_98, %broadcast_in_dim3A_13] : memref<256x16xf32, #tpu.memory_space<vmem>>[vector<16xi32>, vector<16xi32>], vector<16xf32>,
      %mul3A_128 = arith.mulf %gather3A_106, %gather3A_127 : vector<16xf32>
      %gather3A_129 = tpu.vector_load_idx %arg13[%add3A_98, %broadcast_in_dim3A_15] : memref<256x16xf32, #tpu.memory_space<vmem>>[vector<16xi32>, vector<16xi32>], vector<16xf32>,
      %mul3A_130 = arith.mulf %gather3A_107, %gather3A_129 : vector<16xf32>
      %gather3A_131 = tpu.vector_load_idx %arg13[%add3A_98, %broadcast_in_dim3A_17] : memref<256x16xf32, #tpu.memory_space<vmem>>[vector<16xi32>, vector<16xi32>], vector<16xf32>,
      %mul3A_132 = arith.mulf %gather3A_108, %gather3A_131 : vector<16xf32>
      %gather3A_133 = tpu.vector_load_idx %arg13[%add3A_98, %broadcast_in_dim3A_19] : memref<256x16xf32, #tpu.memory_space<vmem>>[vector<16xi32>, vector<16xi32>], vector<16xf32>,
      %mul3A_134 = arith.mulf %gather3A_109, %gather3A_133 : vector<16xf32>
      %gather3A_135 = tpu.vector_load_idx %arg13[%add3A_98, %broadcast_in_dim3A_21] : memref<256x16xf32, #tpu.memory_space<vmem>>[vector<16xi32>, vector<16xi32>], vector<16xf32>,
      %mul3A_136 = arith.mulf %gather3A_110, %gather3A_135 : vector<16xf32>
      %gather3A_137 = tpu.vector_load_idx %arg13[%add3A_98, %broadcast_in_dim3A_23] : memref<256x16xf32, #tpu.memory_space<vmem>>[vector<16xi32>, vector<16xi32>], vector<16xf32>,
      %mul3A_138 = arith.mulf %gather3A_111, %gather3A_137 : vector<16xf32>
      %gather3A_139 = tpu.vector_load_idx %arg13[%add3A_98, %broadcast_in_dim3A_25] : memref<256x16xf32, #tpu.memory_space<vmem>>[vector<16xi32>, vector<16xi32>], vector<16xf32>,
      %mul3A_140 = arith.mulf %gather3A_112, %gather3A_139 : vector<16xf32>
      %gather3A_141 = tpu.vector_load_idx %arg13[%add3A_98, %broadcast_in_dim3A_27] : memref<256x16xf32, #tpu.memory_space<vmem>>[vector<16xi32>, vector<16xi32>], vector<16xf32>,
      %mul3A_142 = arith.mulf %gather3A_113, %gather3A_141 : vector<16xf32>
      %gather3A_143 = tpu.vector_load_idx %arg13[%add3A_98, %broadcast_in_dim3A_29] : memref<256x16xf32, #tpu.memory_space<vmem>>[vector<16xi32>, vector<16xi32>], vector<16xf32>,
      %mul3A_144 = arith.mulf %gather3A_114, %gather3A_143 : vector<16xf32>
      %gather3A_145 = tpu.vector_load_idx %arg13[%add3A_98, %broadcast_in_dim3A_31] : memref<256x16xf32, #tpu.memory_space<vmem>>[vector<16xi32>, vector<16xi32>], vector<16xf32>,
      %mul3A_146 = arith.mulf %gather3A_115, %gather3A_145 : vector<16xf32>
      %gather3A_147 = tpu.vector_load_idx %arg13[%add3A_98, %broadcast_in_dim3A_33] : memref<256x16xf32, #tpu.memory_space<vmem>>[vector<16xi32>, vector<16xi32>], vector<16xf32>,
      %mul3A_148 = arith.mulf %gather3A_116, %gather3A_147 : vector<16xf32>
      %add3A_149 = arith.addf %mul3A_118, %mul3A_120 : vector<16xf32>
      %add3A_150 = arith.addf %add3A_149, %mul3A_122 : vector<16xf32>
      %add3A_151 = arith.addf %add3A_150, %mul3A_124 : vector<16xf32>
      %add3A_152 = arith.addf %add3A_151, %mul3A_126 : vector<16xf32>
      %add3A_153 = arith.addf %add3A_152, %mul3A_128 : vector<16xf32>
      %add3A_154 = arith.addf %add3A_153, %mul3A_130 : vector<16xf32>
      %add3A_155 = arith.addf %add3A_154, %mul3A_132 : vector<16xf32>
      %add3A_156 = arith.addf %add3A_155, %mul3A_134 : vector<16xf32>
      %add3A_157 = arith.addf %add3A_156, %mul3A_136 : vector<16xf32>
      %add3A_158 = arith.addf %add3A_157, %mul3A_138 : vector<16xf32>
      %add3A_159 = arith.addf %add3A_158, %mul3A_140 : vector<16xf32>
      %add3A_160 = arith.addf %add3A_159, %mul3A_142 : vector<16xf32>
      %add3A_161 = arith.addf %add3A_160, %mul3A_144 : vector<16xf32>
      %add3A_162 = arith.addf %add3A_161, %mul3A_146 : vector<16xf32>
      %add3A_163 = arith.addf %add3A_162, %mul3A_148 : vector<16xf32>
      %mul3A_164 = arith.constant 16 : i32
      %mul3A_165 = arith.muli %scan3A_93, %mul3A_164 : i32
      %swap3A = arith.index_cast %mul3A_165 : i32 to index
      %swap3A_166 = tpu.vector_load %arg15[%swap3A] {strides = array<i32>} : memref<256xf32, #tpu.memory_space<vmem>>, vector<16xf32>,
      tpu.vector_store %arg15[%swap3A], %add3A_163 {strides = array<i32>} : memref<256xf32, #tpu.memory_space<vmem>>, vector<16xf32>,
      %add3A_167 = arith.constant 0 : i32
      %add3A_168 = vector.broadcast %add3A_167 : i32 to vector<16xi32>
      %add3A_169 = arith.addi %mul3A_101, %add3A_168 : vector<16xi32>
      %gather3A_170 = tpu.vector_load_idx %arg14[%add3A_169, %broadcast_in_dim3A_3] : memref<5120x16xf32, #tpu.memory_space<vmem>>[vector<16xi32>, vector<16xi32>], vector<16xf32>,
      %mul3A_171 = arith.mulf %gather3A, %gather3A_170 : vector<16xf32>
      %gather3A_172 = tpu.vector_load_idx %arg14[%add3A_169, %broadcast_in_dim3A_5] : memref<5120x16xf32, #tpu.memory_space<vmem>>[vector<16xi32>, vector<16xi32>], vector<16xf32>,
      %mul3A_173 = arith.mulf %gather3A_102, %gather3A_172 : vector<16xf32>
      %gather3A_174 = tpu.vector_load_idx %arg14[%add3A_169, %broadcast_in_dim3A_7] : memref<5120x16xf32, #tpu.memory_space<vmem>>[vector<16xi32>, vector<16xi32>], vector<16xf32>,
      %mul3A_175 = arith.mulf %gather3A_103, %gather3A_174 : vector<16xf32>
      %gather3A_176 = tpu.vector_load_idx %arg14[%add3A_169, %broadcast_in_dim3A_9] : memref<5120x16xf32, #tpu.memory_space<vmem>>[vector<16xi32>, vector<16xi32>], vector<16xf32>,
      %mul3A_177 = arith.mulf %gather3A_104, %gather3A_176 : vector<16xf32>
      %gather3A_178 = tpu.vector_load_idx %arg14[%add3A_169, %broadcast_in_dim3A_11] : memref<5120x16xf32, #tpu.memory_space<vmem>>[vector<16xi32>, vector<16xi32>], vector<16xf32>,
      %mul3A_179 = arith.mulf %gather3A_105, %gather3A_178 : vector<16xf32>
      %gather3A_180 = tpu.vector_load_idx %arg14[%add3A_169, %broadcast_in_dim3A_13] : memref<5120x16xf32, #tpu.memory_space<vmem>>[vector<16xi32>, vector<16xi32>], vector<16xf32>,
      %mul3A_181 = arith.mulf %gather3A_106, %gather3A_180 : vector<16xf32>
      %gather3A_182 = tpu.vector_load_idx %arg14[%add3A_169, %broadcast_in_dim3A_15] : memref<5120x16xf32, #tpu.memory_space<vmem>>[vector<16xi32>, vector<16xi32>], vector<16xf32>,
      %mul3A_183 = arith.mulf %gather3A_107, %gather3A_182 : vector<16xf32>
      %gather3A_184 = tpu.vector_load_idx %arg14[%add3A_169, %broadcast_in_dim3A_17] : memref<5120x16xf32, #tpu.memory_space<vmem>>[vector<16xi32>, vector<16xi32>], vector<16xf32>,
      %mul3A_185 = arith.mulf %gather3A_108, %gather3A_184 : vector<16xf32>
      %gather3A_186 = tpu.vector_load_idx %arg14[%add3A_169, %broadcast_in_dim3A_19] : memref<5120x16xf32, #tpu.memory_space<vmem>>[vector<16xi32>, vector<16xi32>], vector<16xf32>,
      %mul3A_187 = arith.mulf %gather3A_109, %gather3A_186 : vector<16xf32>
      %gather3A_188 = tpu.vector_load_idx %arg14[%add3A_169, %broadcast_in_dim3A_21] : memref<5120x16xf32, #tpu.memory_space<vmem>>[vector<16xi32>, vector<16xi32>], vector<16xf32>,
      %mul3A_189 = arith.mulf %gather3A_110, %gather3A_188 : vector<16xf32>
      %gather3A_190 = tpu.vector_load_idx %arg14[%add3A_169, %broadcast_in_dim3A_23] : memref<5120x16xf32, #tpu.memory_space<vmem>>[vector<16xi32>, vector<16xi32>], vector<16xf32>,
      %mul3A_191 = arith.mulf %gather3A_111, %gather3A_190 : vector<16xf32>
      %gather3A_192 = tpu.vector_load_idx %arg14[%add3A_169, %broadcast_in_dim3A_25] : memref<5120x16xf32, #tpu.memory_space<vmem>>[vector<16xi32>, vector<16xi32>], vector<16xf32>,
      %mul3A_193 = arith.mulf %gather3A_112, %gather3A_192 : vector<16xf32>
      %gather3A_194 = tpu.vector_load_idx %arg14[%add3A_169, %broadcast_in_dim3A_27] : memref<5120x16xf32, #tpu.memory_space<vmem>>[vector<16xi32>, vector<16xi32>], vector<16xf32>,
      %mul3A_195 = arith.mulf %gather3A_113, %gather3A_194 : vector<16xf32>
      %gather3A_196 = tpu.vector_load_idx %arg14[%add3A_169, %broadcast_in_dim3A_29] : memref<5120x16xf32, #tpu.memory_space<vmem>>[vector<16xi32>, vector<16xi32>], vector<16xf32>,
      %mul3A_197 = arith.mulf %gather3A_114, %gather3A_196 : vector<16xf32>
      %gather3A_198 = tpu.vector_load_idx %arg14[%add3A_169, %broadcast_in_dim3A_31] : memref<5120x16xf32, #tpu.memory_space<vmem>>[vector<16xi32>, vector<16xi32>], vector<16xf32>,
      %mul3A_199 = arith.mulf %gather3A_115, %gather3A_198 : vector<16xf32>
      %gather3A_200 = tpu.vector_load_idx %arg14[%add3A_169, %broadcast_in_dim3A_33] : memref<5120x16xf32, #tpu.memory_space<vmem>>[vector<16xi32>, vector<16xi32>], vector<16xf32>,
      %mul3A_201 = arith.mulf %gather3A_116, %gather3A_200 : vector<16xf32>
      %add3A_202 = arith.addf %mul3A_171, %mul3A_173 : vector<16xf32>
      %add3A_203 = arith.addf %add3A_202, %mul3A_175 : vector<16xf32>
      %add3A_204 = arith.addf %add3A_203, %mul3A_177 : vector<16xf32>
      %add3A_205 = arith.addf %add3A_204, %mul3A_179 : vector<16xf32>
      %add3A_206 = arith.addf %add3A_205, %mul3A_181 : vector<16xf32>
      %add3A_207 = arith.addf %add3A_206, %mul3A_183 : vector<16xf32>
      %add3A_208 = arith.addf %add3A_207, %mul3A_185 : vector<16xf32>
      %add3A_209 = arith.addf %add3A_208, %mul3A_187 : vector<16xf32>
      %add3A_210 = arith.addf %add3A_209, %mul3A_189 : vector<16xf32>
      %add3A_211 = arith.addf %add3A_210, %mul3A_191 : vector<16xf32>
      %add3A_212 = arith.addf %add3A_211, %mul3A_193 : vector<16xf32>
      %add3A_213 = arith.addf %add3A_212, %mul3A_195 : vector<16xf32>
      %add3A_214 = arith.addf %add3A_213, %mul3A_197 : vector<16xf32>
      %add3A_215 = arith.addf %add3A_214, %mul3A_199 : vector<16xf32>
      %add3A_216 = arith.addf %add3A_215, %mul3A_201 : vector<16xf32>
      %mul3A_217 = arith.constant 16 : i32
      %mul3A_218 = arith.muli %scan3A_93, %mul3A_217 : i32
      %add3A_219 = arith.constant 0 : i32
      %add3A_220 = arith.addi %add3A_219, %mul3A_218 : i32
      %swap3A_221 = arith.index_cast %add3A_220 : i32 to index
      %swap3A_222 = tpu.vector_load %arg16[%swap3A_221] {strides = array<i32>} : memref<5120xf32, #tpu.memory_space<vmem>>, vector<16xf32>,
      tpu.vector_store %arg16[%swap3A_221], %add3A_216 {strides = array<i32>} : memref<5120xf32, #tpu.memory_space<vmem>>, vector<16xf32>,
      %add3A_223 = arith.constant 1 : i32
      %add3A_224 = vector.broadcast %add3A_223 : i32 to vector<16xi32>
      %add3A_225 = arith.addi %mul3A_101, %add3A_224 : vector<16xi32>
      %gather3A_226 = tpu.vector_load_idx %arg14[%add3A_225, %broadcast_in_dim3A_3] : memref<5120x16xf32, #tpu.memory_space<vmem>>[vector<16xi32>, vector<16xi32>], vector<16xf32>,
      %mul3A_227 = arith.mulf %gather3A, %gather3A_226 : vector<16xf32>
      %gather3A_228 = tpu.vector_load_idx %arg14[%add3A_225, %broadcast_in_dim3A_5] : memref<5120x16xf32, #tpu.memory_space<vmem>>[vector<16xi32>, vector<16xi32>], vector<16xf32>,
      %mul3A_229 = arith.mulf %gather3A_102, %gather3A_228 : vector<16xf32>
      %gather3A_230 = tpu.vector_load_idx %arg14[%add3A_225, %broadcast_in_dim3A_7] : memref<5120x16xf32, #tpu.memory_space<vmem>>[vector<16xi32>, vector<16xi32>], vector<16xf32>,
      %mul3A_231 = arith.mulf %gather3A_103, %gather3A_230 : vector<16xf32>
      %gather3A_232 = tpu.vector_load_idx %arg14[%add3A_225, %broadcast_in_dim3A_9] : memref<5120x16xf32, #tpu.memory_space<vmem>>[vector<16xi32>, vector<16xi32>], vector<16xf32>,
      %mul3A_233 = arith.mulf %gather3A_104, %gather3A_232 : vector<16xf32>
      %gather3A_234 = tpu.vector_load_idx %arg14[%add3A_225, %broadcast_in_dim3A_11] : memref<5120x16xf32, #tpu.memory_space<vmem>>[vector<16xi32>, vector<16xi32>], vector<16xf32>,
      %mul3A_235 = arith.mulf %gather3A_105, %gather3A_234 : vector<16xf32>
      %gather3A_236 = tpu.vector_load_idx %arg14[%add3A_225, %broadcast_in_dim3A_13] : memref<5120x16xf32, #tpu.memory_space<vmem>>[vector<16xi32>, vector<16xi32>], vector<16xf32>,
      %mul3A_237 = arith.mulf %gather3A_106, %gather3A_236 : vector<16xf32>
      %gather3A_238 = tpu.vector_load_idx %arg14[%add3A_225, %broadcast_in_dim3A_15] : memref<5120x16xf32, #tpu.memory_space<vmem>>[vector<16xi32>, vector<16xi32>], vector<16xf32>,
      %mul3A_239 = arith.mulf %gather3A_107, %gather3A_238 : vector<16xf32>
      %gather3A_240 = tpu.vector_load_idx %arg14[%add3A_225, %broadcast_in_dim3A_17] : memref<5120x16xf32, #tpu.memory_space<vmem>>[vector<16xi32>, vector<16xi32>], vector<16xf32>,
      %mul3A_241 = arith.mulf %gather3A_108, %gather3A_240 : vector<16xf32>
      %gather3A_242 = tpu.vector_load_idx %arg14[%add3A_225, %broadcast_in_dim3A_19] : memref<5120x16xf32, #tpu.memory_space<vmem>>[vector<16xi32>, vector<16xi32>], vector<16xf32>,
      %mul3A_243 = arith.mulf %gather3A_109, %gather3A_242 : vector<16xf32>
      %gather3A_244 = tpu.vector_load_idx %arg14[%add3A_225, %broadcast_in_dim3A_21] : memref<5120x16xf32, #tpu.memory_space<vmem>>[vector<16xi32>, vector<16xi32>], vector<16xf32>,
      %mul3A_245 = arith.mulf %gather3A_110, %gather3A_244 : vector<16xf32>
      %gather3A_246 = tpu.vector_load_idx %arg14[%add3A_225, %broadcast_in_dim3A_23] : memref<5120x16xf32, #tpu.memory_space<vmem>>[vector<16xi32>, vector<16xi32>], vector<16xf32>,
      %mul3A_247 = arith.mulf %gather3A_111, %gather3A_246 : vector<16xf32>
      %gather3A_248 = tpu.vector_load_idx %arg14[%add3A_225, %broadcast_in_dim3A_25] : memref<5120x16xf32, #tpu.memory_space<vmem>>[vector<16xi32>, vector<16xi32>], vector<16xf32>,
      %mul3A_249 = arith.mulf %gather3A_112, %gather3A_248 : vector<16xf32>
      %gather3A_250 = tpu.vector_load_idx %arg14[%add3A_225, %broadcast_in_dim3A_27] : memref<5120x16xf32, #tpu.memory_space<vmem>>[vector<16xi32>, vector<16xi32>], vector<16xf32>,
      %mul3A_251 = arith.mulf %gather3A_113, %gather3A_250 : vector<16xf32>
      %gather3A_252 = tpu.vector_load_idx %arg14[%add3A_225, %broadcast_in_dim3A_29] : memref<5120x16xf32, #tpu.memory_space<vmem>>[vector<16xi32>, vector<16xi32>], vector<16xf32>,
      %mul3A_253 = arith.mulf %gather3A_114, %gather3A_252 : vector<16xf32>
      %gather3A_254 = tpu.vector_load_idx %arg14[%add3A_225, %broadcast_in_dim3A_31] : memref<5120x16xf32, #tpu.memory_space<vmem>>[vector<16xi32>, vector<16xi32>], vector<16xf32>,
      %mul3A_255 = arith.mulf %gather3A_115, %gather3A_254 : vector<16xf32>
      %gather3A_256 = tpu.vector_load_idx %arg14[%add3A_225, %broadcast_in_dim3A_33] : memref<5120x16xf32, #tpu.memory_space<vmem>>[vector<16xi32>, vector<16xi32>], vector<16xf32>,
      %mul3A_257 = arith.mulf %gather3A_116, %gather3A_256 : vector<16xf32>
      %add3A_258 = arith.addf %mul3A_227, %mul3A_229 : vector<16xf32>
      %add3A_259 = arith.addf %add3A_258, %mul3A_231 : vector<16xf32>
      %add3A_260 = arith.addf %add3A_259, %mul3A_233 : vector<16xf32>
      %add3A_261 = arith.addf %add3A_260, %mul3A_235 : vector<16xf32>
      %add3A_262 = arith.addf %add3A_261, %mul3A_237 : vector<16xf32>
      %add3A_263 = arith.addf %add3A_262, %mul3A_239 : vector<16xf32>
      %add3A_264 = arith.addf %add3A_263, %mul3A_241 : vector<16xf32>
      %add3A_265 = arith.addf %add3A_264, %mul3A_243 : vector<16xf32>
      %add3A_266 = arith.addf %add3A_265, %mul3A_245 : vector<16xf32>
      %add3A_267 = arith.addf %add3A_266, %mul3A_247 : vector<16xf32>
      %add3A_268 = arith.addf %add3A_267, %mul3A_249 : vector<16xf32>
      %add3A_269 = arith.addf %add3A_268, %mul3A_251 : vector<16xf32>
      %add3A_270 = arith.addf %add3A_269, %mul3A_253 : vector<16xf32>
      %add3A_271 = arith.addf %add3A_270, %mul3A_255 : vector<16xf32>
      %add3A_272 = arith.addf %add3A_271, %mul3A_257 : vector<16xf32>
      %mul3A_273 = arith.constant 16 : i32
      %mul3A_274 = arith.muli %scan3A_93, %mul3A_273 : i32
      %add3A_275 = arith.constant 256 : i32
      %add3A_276 = arith.addi %add3A_275, %mul3A_274 : i32
      %swap3A_277 = arith.index_cast %add3A_276 : i32 to index
      %swap3A_278 = tpu.vector_load %arg16[%swap3A_277] {strides = array<i32>} : memref<5120xf32, #tpu.memory_space<vmem>>, vector<16xf32>,
      tpu.vector_store %arg16[%swap3A_277], %add3A_272 {strides = array<i32>} : memref<5120xf32, #tpu.memory_space<vmem>>, vector<16xf32>,
      %add3A_279 = arith.constant 2 : i32
      %add3A_280 = vector.broadcast %add3A_279 : i32 to vector<16xi32>
      %add3A_281 = arith.addi %mul3A_101, %add3A_280 : vector<16xi32>
      %gather3A_282 = tpu.vector_load_idx %arg14[%add3A_281, %broadcast_in_dim3A_3] : memref<5120x16xf32, #tpu.memory_space<vmem>>[vector<16xi32>, vector<16xi32>], vector<16xf32>,
      %mul3A_283 = arith.mulf %gather3A, %gather3A_282 : vector<16xf32>
      %gather3A_284 = tpu.vector_load_idx %arg14[%add3A_281, %broadcast_in_dim3A_5] : memref<5120x16xf32, #tpu.memory_space<vmem>>[vector<16xi32>, vector<16xi32>], vector<16xf32>,
      %mul3A_285 = arith.mulf %gather3A_102, %gather3A_284 : vector<16xf32>
      %gather3A_286 = tpu.vector_load_idx %arg14[%add3A_281, %broadcast_in_dim3A_7] : memref<5120x16xf32, #tpu.memory_space<vmem>>[vector<16xi32>, vector<16xi32>], vector<16xf32>,
      %mul3A_287 = arith.mulf %gather3A_103, %gather3A_286 : vector<16xf32>
      %gather3A_288 = tpu.vector_load_idx %arg14[%add3A_281, %broadcast_in_dim3A_9] : memref<5120x16xf32, #tpu.memory_space<vmem>>[vector<16xi32>, vector<16xi32>], vector<16xf32>,
      %mul3A_289 = arith.mulf %gather3A_104, %gather3A_288 : vector<16xf32>
      %gather3A_290 = tpu.vector_load_idx %arg14[%add3A_281, %broadcast_in_dim3A_11] : memref<5120x16xf32, #tpu.memory_space<vmem>>[vector<16xi32>, vector<16xi32>], vector<16xf32>,
      %mul3A_291 = arith.mulf %gather3A_105, %gather3A_290 : vector<16xf32>
      %gather3A_292 = tpu.vector_load_idx %arg14[%add3A_281, %broadcast_in_dim3A_13] : memref<5120x16xf32, #tpu.memory_space<vmem>>[vector<16xi32>, vector<16xi32>], vector<16xf32>,
      %mul3A_293 = arith.mulf %gather3A_106, %gather3A_292 : vector<16xf32>
      %gather3A_294 = tpu.vector_load_idx %arg14[%add3A_281, %broadcast_in_dim3A_15] : memref<5120x16xf32, #tpu.memory_space<vmem>>[vector<16xi32>, vector<16xi32>], vector<16xf32>,
      %mul3A_295 = arith.mulf %gather3A_107, %gather3A_294 : vector<16xf32>
      %gather3A_296 = tpu.vector_load_idx %arg14[%add3A_281, %broadcast_in_dim3A_17] : memref<5120x16xf32, #tpu.memory_space<vmem>>[vector<16xi32>, vector<16xi32>], vector<16xf32>,
      %mul3A_297 = arith.mulf %gather3A_108, %gather3A_296 : vector<16xf32>
      %gather3A_298 = tpu.vector_load_idx %arg14[%add3A_281, %broadcast_in_dim3A_19] : memref<5120x16xf32, #tpu.memory_space<vmem>>[vector<16xi32>, vector<16xi32>], vector<16xf32>,
      %mul3A_299 = arith.mulf %gather3A_109, %gather3A_298 : vector<16xf32>
      %gather3A_300 = tpu.vector_load_idx %arg14[%add3A_281, %broadcast_in_dim3A_21] : memref<5120x16xf32, #tpu.memory_space<vmem>>[vector<16xi32>, vector<16xi32>], vector<16xf32>,
      %mul3A_301 = arith.mulf %gather3A_110, %gather3A_300 : vector<16xf32>
      %gather3A_302 = tpu.vector_load_idx %arg14[%add3A_281, %broadcast_in_dim3A_23] : memref<5120x16xf32, #tpu.memory_space<vmem>>[vector<16xi32>, vector<16xi32>], vector<16xf32>,
      %mul3A_303 = arith.mulf %gather3A_111, %gather3A_302 : vector<16xf32>
      %gather3A_304 = tpu.vector_load_idx %arg14[%add3A_281, %broadcast_in_dim3A_25] : memref<5120x16xf32, #tpu.memory_space<vmem>>[vector<16xi32>, vector<16xi32>], vector<16xf32>,
      %mul3A_305 = arith.mulf %gather3A_112, %gather3A_304 : vector<16xf32>
      %gather3A_306 = tpu.vector_load_idx %arg14[%add3A_281, %broadcast_in_dim3A_27] : memref<5120x16xf32, #tpu.memory_space<vmem>>[vector<16xi32>, vector<16xi32>], vector<16xf32>,
      %mul3A_307 = arith.mulf %gather3A_113, %gather3A_306 : vector<16xf32>
      %gather3A_308 = tpu.vector_load_idx %arg14[%add3A_281, %broadcast_in_dim3A_29] : memref<5120x16xf32, #tpu.memory_space<vmem>>[vector<16xi32>, vector<16xi32>], vector<16xf32>,
      %mul3A_309 = arith.mulf %gather3A_114, %gather3A_308 : vector<16xf32>
      %gather3A_310 = tpu.vector_load_idx %arg14[%add3A_281, %broadcast_in_dim3A_31] : memref<5120x16xf32, #tpu.memory_space<vmem>>[vector<16xi32>, vector<16xi32>], vector<16xf32>,
      %mul3A_311 = arith.mulf %gather3A_115, %gather3A_310 : vector<16xf32>
      %gather3A_312 = tpu.vector_load_idx %arg14[%add3A_281, %broadcast_in_dim3A_33] : memref<5120x16xf32, #tpu.memory_space<vmem>>[vector<16xi32>, vector<16xi32>], vector<16xf32>,
      %mul3A_313 = arith.mulf %gather3A_116, %gather3A_312 : vector<16xf32>
      %add3A_314 = arith.addf %mul3A_283, %mul3A_285 : vector<16xf32>
      %add3A_315 = arith.addf %add3A_314, %mul3A_287 : vector<16xf32>
      %add3A_316 = arith.addf %add3A_315, %mul3A_289 : vector<16xf32>
      %add3A_317 = arith.addf %add3A_316, %mul3A_291 : vector<16xf32>
      %add3A_318 = arith.addf %add3A_317, %mul3A_293 : vector<16xf32>
      %add3A_319 = arith.addf %add3A_318, %mul3A_295 : vector<16xf32>
      %add3A_320 = arith.addf %add3A_319, %mul3A_297 : vector<16xf32>
      %add3A_321 = arith.addf %add3A_320, %mul3A_299 : vector<16xf32>
      %add3A_322 = arith.addf %add3A_321, %mul3A_301 : vector<16xf32>
      %add3A_323 = arith.addf %add3A_322, %mul3A_303 : vector<16xf32>
      %add3A_324 = arith.addf %add3A_323, %mul3A_305 : vector<16xf32>
      %add3A_325 = arith.addf %add3A_324, %mul3A_307 : vector<16xf32>
      %add3A_326 = arith.addf %add3A_325, %mul3A_309 : vector<16xf32>
      %add3A_327 = arith.addf %add3A_326, %mul3A_311 : vector<16xf32>
      %add3A_328 = arith.addf %add3A_327, %mul3A_313 : vector<16xf32>
      %mul3A_329 = arith.constant 16 : i32
      %mul3A_330 = arith.muli %scan3A_93, %mul3A_329 : i32
      %add3A_331 = arith.constant 512 : i32
      %add3A_332 = arith.addi %add3A_331, %mul3A_330 : i32
      %swap3A_333 = arith.index_cast %add3A_332 : i32 to index
      %swap3A_334 = tpu.vector_load %arg16[%swap3A_333] {strides = array<i32>} : memref<5120xf32, #tpu.memory_space<vmem>>, vector<16xf32>,
      tpu.vector_store %arg16[%swap3A_333], %add3A_328 {strides = array<i32>} : memref<5120xf32, #tpu.memory_space<vmem>>, vector<16xf32>,
      %add3A_335 = arith.constant 3 : i32
      %add3A_336 = vector.broadcast %add3A_335 : i32 to vector<16xi32>
      %add3A_337 = arith.addi %mul3A_101, %add3A_336 : vector<16xi32>
      %gather3A_338 = tpu.vector_load_idx %arg14[%add3A_337, %broadcast_in_dim3A_3] : memref<5120x16xf32, #tpu.memory_space<vmem>>[vector<16xi32>, vector<16xi32>], vector<16xf32>,
      %mul3A_339 = arith.mulf %gather3A, %gather3A_338 : vector<16xf32>
      %gather3A_340 = tpu.vector_load_idx %arg14[%add3A_337, %broadcast_in_dim3A_5] : memref<5120x16xf32, #tpu.memory_space<vmem>>[vector<16xi32>, vector<16xi32>], vector<16xf32>,
      %mul3A_341 = arith.mulf %gather3A_102, %gather3A_340 : vector<16xf32>
      %gather3A_342 = tpu.vector_load_idx %arg14[%add3A_337, %broadcast_in_dim3A_7] : memref<5120x16xf32, #tpu.memory_space<vmem>>[vector<16xi32>, vector<16xi32>], vector<16xf32>,
      %mul3A_343 = arith.mulf %gather3A_103, %gather3A_342 : vector<16xf32>
      %gather3A_344 = tpu.vector_load_idx %arg14[%add3A_337, %broadcast_in_dim3A_9] : memref<5120x16xf32, #tpu.memory_space<vmem>>[vector<16xi32>, vector<16xi32>], vector<16xf32>,
      %mul3A_345 = arith.mulf %gather3A_104, %gather3A_344 : vector<16xf32>
      %gather3A_346 = tpu.vector_load_idx %arg14[%add3A_337, %broadcast_in_dim3A_11] : memref<5120x16xf32, #tpu.memory_space<vmem>>[vector<16xi32>, vector<16xi32>], vector<16xf32>,
      %mul3A_347 = arith.mulf %gather3A_105, %gather3A_346 : vector<16xf32>
      %gather3A_348 = tpu.vector_load_idx %arg14[%add3A_337, %broadcast_in_dim3A_13] : memref<5120x16xf32, #tpu.memory_space<vmem>>[vector<16xi32>, vector<16xi32>], vector<16xf32>,
      %mul3A_349 = arith.mulf %gather3A_106, %gather3A_348 : vector<16xf32>
      %gather3A_350 = tpu.vector_load_idx %arg14[%add3A_337, %broadcast_in_dim3A_15] : memref<5120x16xf32, #tpu.memory_space<vmem>>[vector<16xi32>, vector<16xi32>], vector<16xf32>,
      %mul3A_351 = arith.mulf %gather3A_107, %gather3A_350 : vector<16xf32>
      %gather3A_352 = tpu.vector_load_idx %arg14[%add3A_337, %broadcast_in_dim3A_17] : memref<5120x16xf32, #tpu.memory_space<vmem>>[vector<16xi32>, vector<16xi32>], vector<16xf32>,
      %mul3A_353 = arith.mulf %gather3A_108, %gather3A_352 : vector<16xf32>
      %gather3A_354 = tpu.vector_load_idx %arg14[%add3A_337, %broadcast_in_dim3A_19] : memref<5120x16xf32, #tpu.memory_space<vmem>>[vector<16xi32>, vector<16xi32>], vector<16xf32>,
      %mul3A_355 = arith.mulf %gather3A_109, %gather3A_354 : vector<16xf32>
      %gather3A_356 = tpu.vector_load_idx %arg14[%add3A_337, %broadcast_in_dim3A_21] : memref<5120x16xf32, #tpu.memory_space<vmem>>[vector<16xi32>, vector<16xi32>], vector<16xf32>,
      %mul3A_357 = arith.mulf %gather3A_110, %gather3A_356 : vector<16xf32>
      %gather3A_358 = tpu.vector_load_idx %arg14[%add3A_337, %broadcast_in_dim3A_23] : memref<5120x16xf32, #tpu.memory_space<vmem>>[vector<16xi32>, vector<16xi32>], vector<16xf32>,
      %mul3A_359 = arith.mulf %gather3A_111, %gather3A_358 : vector<16xf32>
      %gather3A_360 = tpu.vector_load_idx %arg14[%add3A_337, %broadcast_in_dim3A_25] : memref<5120x16xf32, #tpu.memory_space<vmem>>[vector<16xi32>, vector<16xi32>], vector<16xf32>,
      %mul3A_361 = arith.mulf %gather3A_112, %gather3A_360 : vector<16xf32>
      %gather3A_362 = tpu.vector_load_idx %arg14[%add3A_337, %broadcast_in_dim3A_27] : memref<5120x16xf32, #tpu.memory_space<vmem>>[vector<16xi32>, vector<16xi32>], vector<16xf32>,
      %mul3A_363 = arith.mulf %gather3A_113, %gather3A_362 : vector<16xf32>
      %gather3A_364 = tpu.vector_load_idx %arg14[%add3A_337, %broadcast_in_dim3A_29] : memref<5120x16xf32, #tpu.memory_space<vmem>>[vector<16xi32>, vector<16xi32>], vector<16xf32>,
      %mul3A_365 = arith.mulf %gather3A_114, %gather3A_364 : vector<16xf32>
      %gather3A_366 = tpu.vector_load_idx %arg14[%add3A_337, %broadcast_in_dim3A_31] : memref<5120x16xf32, #tpu.memory_space<vmem>>[vector<16xi32>, vector<16xi32>], vector<16xf32>,
      %mul3A_367 = arith.mulf %gather3A_115, %gather3A_366 : vector<16xf32>
      %gather3A_368 = tpu.vector_load_idx %arg14[%add3A_337, %broadcast_in_dim3A_33] : memref<5120x16xf32, #tpu.memory_space<vmem>>[vector<16xi32>, vector<16xi32>], vector<16xf32>,
      %mul3A_369 = arith.mulf %gather3A_116, %gather3A_368 : vector<16xf32>
      %add3A_370 = arith.addf %mul3A_339, %mul3A_341 : vector<16xf32>
      %add3A_371 = arith.addf %add3A_370, %mul3A_343 : vector<16xf32>
      %add3A_372 = arith.addf %add3A_371, %mul3A_345 : vector<16xf32>
      %add3A_373 = arith.addf %add3A_372, %mul3A_347 : vector<16xf32>
      %add3A_374 = arith.addf %add3A_373, %mul3A_349 : vector<16xf32>
      %add3A_375 = arith.addf %add3A_374, %mul3A_351 : vector<16xf32>
      %add3A_376 = arith.addf %add3A_375, %mul3A_353 : vector<16xf32>
      %add3A_377 = arith.addf %add3A_376, %mul3A_355 : vector<16xf32>
      %add3A_378 = arith.addf %add3A_377, %mul3A_357 : vector<16xf32>
      %add3A_379 = arith.addf %add3A_378, %mul3A_359 : vector<16xf32>
      %add3A_380 = arith.addf %add3A_379, %mul3A_361 : vector<16xf32>
      %add3A_381 = arith.addf %add3A_380, %mul3A_363 : vector<16xf32>
      %add3A_382 = arith.addf %add3A_381, %mul3A_365 : vector<16xf32>
      %add3A_383 = arith.addf %add3A_382, %mul3A_367 : vector<16xf32>
      %add3A_384 = arith.addf %add3A_383, %mul3A_369 : vector<16xf32>
      %mul3A_385 = arith.constant 16 : i32
      %mul3A_386 = arith.muli %scan3A_93, %mul3A_385 : i32
      %add3A_387 = arith.constant 768 : i32
      %add3A_388 = arith.addi %add3A_387, %mul3A_386 : i32
      %swap3A_389 = arith.index_cast %add3A_388 : i32 to index
      %swap3A_390 = tpu.vector_load %arg16[%swap3A_389] {strides = array<i32>} : memref<5120xf32, #tpu.memory_space<vmem>>, vector<16xf32>,
      tpu.vector_store %arg16[%swap3A_389], %add3A_384 {strides = array<i32>} : memref<5120xf32, #tpu.memory_space<vmem>>, vector<16xf32>,
      %add3A_391 = arith.constant 4 : i32
      %add3A_392 = vector.broadcast %add3A_391 : i32 to vector<16xi32>
      %add3A_393 = arith.addi %mul3A_101, %add3A_392 : vector<16xi32>
      %gather3A_394 = tpu.vector_load_idx %arg14[%add3A_393, %broadcast_in_dim3A_3] : memref<5120x16xf32, #tpu.memory_space<vmem>>[vector<16xi32>, vector<16xi32>], vector<16xf32>,
      %mul3A_395 = arith.mulf %gather3A, %gather3A_394 : vector<16xf32>
      %gather3A_396 = tpu.vector_load_idx %arg14[%add3A_393, %broadcast_in_dim3A_5] : memref<5120x16xf32, #tpu.memory_space<vmem>>[vector<16xi32>, vector<16xi32>], vector<16xf32>,
      %mul3A_397 = arith.mulf %gather3A_102, %gather3A_396 : vector<16xf32>
      %gather3A_398 = tpu.vector_load_idx %arg14[%add3A_393, %broadcast_in_dim3A_7] : memref<5120x16xf32, #tpu.memory_space<vmem>>[vector<16xi32>, vector<16xi32>], vector<16xf32>,
      %mul3A_399 = arith.mulf %gather3A_103, %gather3A_398 : vector<16xf32>
      %gather3A_400 = tpu.vector_load_idx %arg14[%add3A_393, %broadcast_in_dim3A_9] : memref<5120x16xf32, #tpu.memory_space<vmem>>[vector<16xi32>, vector<16xi32>], vector<16xf32>,
      %mul3A_401 = arith.mulf %gather3A_104, %gather3A_400 : vector<16xf32>
      %gather3A_402 = tpu.vector_load_idx %arg14[%add3A_393, %broadcast_in_dim3A_11] : memref<5120x16xf32, #tpu.memory_space<vmem>>[vector<16xi32>, vector<16xi32>], vector<16xf32>,
      %mul3A_403 = arith.mulf %gather3A_105, %gather3A_402 : vector<16xf32>
      %gather3A_404 = tpu.vector_load_idx %arg14[%add3A_393, %broadcast_in_dim3A_13] : memref<5120x16xf32, #tpu.memory_space<vmem>>[vector<16xi32>, vector<16xi32>], vector<16xf32>,
      %mul3A_405 = arith.mulf %gather3A_106, %gather3A_404 : vector<16xf32>
      %gather3A_406 = tpu.vector_load_idx %arg14[%add3A_393, %broadcast_in_dim3A_15] : memref<5120x16xf32, #tpu.memory_space<vmem>>[vector<16xi32>, vector<16xi32>], vector<16xf32>,
      %mul3A_407 = arith.mulf %gather3A_107, %gather3A_406 : vector<16xf32>
      %gather3A_408 = tpu.vector_load_idx %arg14[%add3A_393, %broadcast_in_dim3A_17] : memref<5120x16xf32, #tpu.memory_space<vmem>>[vector<16xi32>, vector<16xi32>], vector<16xf32>,
      %mul3A_409 = arith.mulf %gather3A_108, %gather3A_408 : vector<16xf32>
      %gather3A_410 = tpu.vector_load_idx %arg14[%add3A_393, %broadcast_in_dim3A_19] : memref<5120x16xf32, #tpu.memory_space<vmem>>[vector<16xi32>, vector<16xi32>], vector<16xf32>,
      %mul3A_411 = arith.mulf %gather3A_109, %gather3A_410 : vector<16xf32>
      %gather3A_412 = tpu.vector_load_idx %arg14[%add3A_393, %broadcast_in_dim3A_21] : memref<5120x16xf32, #tpu.memory_space<vmem>>[vector<16xi32>, vector<16xi32>], vector<16xf32>,
      %mul3A_413 = arith.mulf %gather3A_110, %gather3A_412 : vector<16xf32>
      %gather3A_414 = tpu.vector_load_idx %arg14[%add3A_393, %broadcast_in_dim3A_23] : memref<5120x16xf32, #tpu.memory_space<vmem>>[vector<16xi32>, vector<16xi32>], vector<16xf32>,
      %mul3A_415 = arith.mulf %gather3A_111, %gather3A_414 : vector<16xf32>
      %gather3A_416 = tpu.vector_load_idx %arg14[%add3A_393, %broadcast_in_dim3A_25] : memref<5120x16xf32, #tpu.memory_space<vmem>>[vector<16xi32>, vector<16xi32>], vector<16xf32>,
      %mul3A_417 = arith.mulf %gather3A_112, %gather3A_416 : vector<16xf32>
      %gather3A_418 = tpu.vector_load_idx %arg14[%add3A_393, %broadcast_in_dim3A_27] : memref<5120x16xf32, #tpu.memory_space<vmem>>[vector<16xi32>, vector<16xi32>], vector<16xf32>,
      %mul3A_419 = arith.mulf %gather3A_113, %gather3A_418 : vector<16xf32>
      %gather3A_420 = tpu.vector_load_idx %arg14[%add3A_393, %broadcast_in_dim3A_29] : memref<5120x16xf32, #tpu.memory_space<vmem>>[vector<16xi32>, vector<16xi32>], vector<16xf32>,
      %mul3A_421 = arith.mulf %gather3A_114, %gather3A_420 : vector<16xf32>
      %gather3A_422 = tpu.vector_load_idx %arg14[%add3A_393, %broadcast_in_dim3A_31] : memref<5120x16xf32, #tpu.memory_space<vmem>>[vector<16xi32>, vector<16xi32>], vector<16xf32>,
      %mul3A_423 = arith.mulf %gather3A_115, %gather3A_422 : vector<16xf32>
      %gather3A_424 = tpu.vector_load_idx %arg14[%add3A_393, %broadcast_in_dim3A_33] : memref<5120x16xf32, #tpu.memory_space<vmem>>[vector<16xi32>, vector<16xi32>], vector<16xf32>,
      %mul3A_425 = arith.mulf %gather3A_116, %gather3A_424 : vector<16xf32>
      %add3A_426 = arith.addf %mul3A_395, %mul3A_397 : vector<16xf32>
      %add3A_427 = arith.addf %add3A_426, %mul3A_399 : vector<16xf32>
      %add3A_428 = arith.addf %add3A_427, %mul3A_401 : vector<16xf32>
      %add3A_429 = arith.addf %add3A_428, %mul3A_403 : vector<16xf32>
      %add3A_430 = arith.addf %add3A_429, %mul3A_405 : vector<16xf32>
      %add3A_431 = arith.addf %add3A_430, %mul3A_407 : vector<16xf32>
      %add3A_432 = arith.addf %add3A_431, %mul3A_409 : vector<16xf32>
      %add3A_433 = arith.addf %add3A_432, %mul3A_411 : vector<16xf32>
      %add3A_434 = arith.addf %add3A_433, %mul3A_413 : vector<16xf32>
      %add3A_435 = arith.addf %add3A_434, %mul3A_415 : vector<16xf32>
      %add3A_436 = arith.addf %add3A_435, %mul3A_417 : vector<16xf32>
      %add3A_437 = arith.addf %add3A_436, %mul3A_419 : vector<16xf32>
      %add3A_438 = arith.addf %add3A_437, %mul3A_421 : vector<16xf32>
      %add3A_439 = arith.addf %add3A_438, %mul3A_423 : vector<16xf32>
      %add3A_440 = arith.addf %add3A_439, %mul3A_425 : vector<16xf32>
      %mul3A_441 = arith.constant 16 : i32
      %mul3A_442 = arith.muli %scan3A_93, %mul3A_441 : i32
      %add3A_443 = arith.constant 1024 : i32
      %add3A_444 = arith.addi %add3A_443, %mul3A_442 : i32
      %swap3A_445 = arith.index_cast %add3A_444 : i32 to index
      %swap3A_446 = tpu.vector_load %arg16[%swap3A_445] {strides = array<i32>} : memref<5120xf32, #tpu.memory_space<vmem>>, vector<16xf32>,
      tpu.vector_store %arg16[%swap3A_445], %add3A_440 {strides = array<i32>} : memref<5120xf32, #tpu.memory_space<vmem>>, vector<16xf32>,
      %add3A_447 = arith.constant 5 : i32
      %add3A_448 = vector.broadcast %add3A_447 : i32 to vector<16xi32>
      %add3A_449 = arith.addi %mul3A_101, %add3A_448 : vector<16xi32>
      %gather3A_450 = tpu.vector_load_idx %arg14[%add3A_449, %broadcast_in_dim3A_3] : memref<5120x16xf32, #tpu.memory_space<vmem>>[vector<16xi32>, vector<16xi32>], vector<16xf32>,
      %mul3A_451 = arith.mulf %gather3A, %gather3A_450 : vector<16xf32>
      %gather3A_452 = tpu.vector_load_idx %arg14[%add3A_449, %broadcast_in_dim3A_5] : memref<5120x16xf32, #tpu.memory_space<vmem>>[vector<16xi32>, vector<16xi32>], vector<16xf32>,
      %mul3A_453 = arith.mulf %gather3A_102, %gather3A_452 : vector<16xf32>
      %gather3A_454 = tpu.vector_load_idx %arg14[%add3A_449, %broadcast_in_dim3A_7] : memref<5120x16xf32, #tpu.memory_space<vmem>>[vector<16xi32>, vector<16xi32>], vector<16xf32>,
      %mul3A_455 = arith.mulf %gather3A_103, %gather3A_454 : vector<16xf32>
      %gather3A_456 = tpu.vector_load_idx %arg14[%add3A_449, %broadcast_in_dim3A_9] : memref<5120x16xf32, #tpu.memory_space<vmem>>[vector<16xi32>, vector<16xi32>], vector<16xf32>,
      %mul3A_457 = arith.mulf %gather3A_104, %gather3A_456 : vector<16xf32>
      %gather3A_458 = tpu.vector_load_idx %arg14[%add3A_449, %broadcast_in_dim3A_11] : memref<5120x16xf32, #tpu.memory_space<vmem>>[vector<16xi32>, vector<16xi32>], vector<16xf32>,
      %mul3A_459 = arith.mulf %gather3A_105, %gather3A_458 : vector<16xf32>
      %gather3A_460 = tpu.vector_load_idx %arg14[%add3A_449, %broadcast_in_dim3A_13] : memref<5120x16xf32, #tpu.memory_space<vmem>>[vector<16xi32>, vector<16xi32>], vector<16xf32>,
      %mul3A_461 = arith.mulf %gather3A_106, %gather3A_460 : vector<16xf32>
      %gather3A_462 = tpu.vector_load_idx %arg14[%add3A_449, %broadcast_in_dim3A_15] : memref<5120x16xf32, #tpu.memory_space<vmem>>[vector<16xi32>, vector<16xi32>], vector<16xf32>,
      %mul3A_463 = arith.mulf %gather3A_107, %gather3A_462 : vector<16xf32>
      %gather3A_464 = tpu.vector_load_idx %arg14[%add3A_449, %broadcast_in_dim3A_17] : memref<5120x16xf32, #tpu.memory_space<vmem>>[vector<16xi32>, vector<16xi32>], vector<16xf32>,
      %mul3A_465 = arith.mulf %gather3A_108, %gather3A_464 : vector<16xf32>
      %gather3A_466 = tpu.vector_load_idx %arg14[%add3A_449, %broadcast_in_dim3A_19] : memref<5120x16xf32, #tpu.memory_space<vmem>>[vector<16xi32>, vector<16xi32>], vector<16xf32>,
      %mul3A_467 = arith.mulf %gather3A_109, %gather3A_466 : vector<16xf32>
      %gather3A_468 = tpu.vector_load_idx %arg14[%add3A_449, %broadcast_in_dim3A_21] : memref<5120x16xf32, #tpu.memory_space<vmem>>[vector<16xi32>, vector<16xi32>], vector<16xf32>,
      %mul3A_469 = arith.mulf %gather3A_110, %gather3A_468 : vector<16xf32>
      %gather3A_470 = tpu.vector_load_idx %arg14[%add3A_449, %broadcast_in_dim3A_23] : memref<5120x16xf32, #tpu.memory_space<vmem>>[vector<16xi32>, vector<16xi32>], vector<16xf32>,
      %mul3A_471 = arith.mulf %gather3A_111, %gather3A_470 : vector<16xf32>
      %gather3A_472 = tpu.vector_load_idx %arg14[%add3A_449, %broadcast_in_dim3A_25] : memref<5120x16xf32, #tpu.memory_space<vmem>>[vector<16xi32>, vector<16xi32>], vector<16xf32>,
      %mul3A_473 = arith.mulf %gather3A_112, %gather3A_472 : vector<16xf32>
      %gather3A_474 = tpu.vector_load_idx %arg14[%add3A_449, %broadcast_in_dim3A_27] : memref<5120x16xf32, #tpu.memory_space<vmem>>[vector<16xi32>, vector<16xi32>], vector<16xf32>,
      %mul3A_475 = arith.mulf %gather3A_113, %gather3A_474 : vector<16xf32>
      %gather3A_476 = tpu.vector_load_idx %arg14[%add3A_449, %broadcast_in_dim3A_29] : memref<5120x16xf32, #tpu.memory_space<vmem>>[vector<16xi32>, vector<16xi32>], vector<16xf32>,
      %mul3A_477 = arith.mulf %gather3A_114, %gather3A_476 : vector<16xf32>
      %gather3A_478 = tpu.vector_load_idx %arg14[%add3A_449, %broadcast_in_dim3A_31] : memref<5120x16xf32, #tpu.memory_space<vmem>>[vector<16xi32>, vector<16xi32>], vector<16xf32>,
      %mul3A_479 = arith.mulf %gather3A_115, %gather3A_478 : vector<16xf32>
      %gather3A_480 = tpu.vector_load_idx %arg14[%add3A_449, %broadcast_in_dim3A_33] : memref<5120x16xf32, #tpu.memory_space<vmem>>[vector<16xi32>, vector<16xi32>], vector<16xf32>,
      %mul3A_481 = arith.mulf %gather3A_116, %gather3A_480 : vector<16xf32>
      %add3A_482 = arith.addf %mul3A_451, %mul3A_453 : vector<16xf32>
      %add3A_483 = arith.addf %add3A_482, %mul3A_455 : vector<16xf32>
      %add3A_484 = arith.addf %add3A_483, %mul3A_457 : vector<16xf32>
      %add3A_485 = arith.addf %add3A_484, %mul3A_459 : vector<16xf32>
      %add3A_486 = arith.addf %add3A_485, %mul3A_461 : vector<16xf32>
      %add3A_487 = arith.addf %add3A_486, %mul3A_463 : vector<16xf32>
      %add3A_488 = arith.addf %add3A_487, %mul3A_465 : vector<16xf32>
      %add3A_489 = arith.addf %add3A_488, %mul3A_467 : vector<16xf32>
      %add3A_490 = arith.addf %add3A_489, %mul3A_469 : vector<16xf32>
      %add3A_491 = arith.addf %add3A_490, %mul3A_471 : vector<16xf32>
      %add3A_492 = arith.addf %add3A_491, %mul3A_473 : vector<16xf32>
      %add3A_493 = arith.addf %add3A_492, %mul3A_475 : vector<16xf32>
      %add3A_494 = arith.addf %add3A_493, %mul3A_477 : vector<16xf32>
      %add3A_495 = arith.addf %add3A_494, %mul3A_479 : vector<16xf32>
      %add3A_496 = arith.addf %add3A_495, %mul3A_481 : vector<16xf32>
      %mul3A_497 = arith.constant 16 : i32
      %mul3A_498 = arith.muli %scan3A_93, %mul3A_497 : i32
      %add3A_499 = arith.constant 1280 : i32
      %add3A_500 = arith.addi %add3A_499, %mul3A_498 : i32
      %swap3A_501 = arith.index_cast %add3A_500 : i32 to index
      %swap3A_502 = tpu.vector_load %arg16[%swap3A_501] {strides = array<i32>} : memref<5120xf32, #tpu.memory_space<vmem>>, vector<16xf32>,
      tpu.vector_store %arg16[%swap3A_501], %add3A_496 {strides = array<i32>} : memref<5120xf32, #tpu.memory_space<vmem>>, vector<16xf32>,
      %add3A_503 = arith.constant 6 : i32
      %add3A_504 = vector.broadcast %add3A_503 : i32 to vector<16xi32>
      %add3A_505 = arith.addi %mul3A_101, %add3A_504 : vector<16xi32>
      %gather3A_506 = tpu.vector_load_idx %arg14[%add3A_505, %broadcast_in_dim3A_3] : memref<5120x16xf32, #tpu.memory_space<vmem>>[vector<16xi32>, vector<16xi32>], vector<16xf32>,
      %mul3A_507 = arith.mulf %gather3A, %gather3A_506 : vector<16xf32>
      %gather3A_508 = tpu.vector_load_idx %arg14[%add3A_505, %broadcast_in_dim3A_5] : memref<5120x16xf32, #tpu.memory_space<vmem>>[vector<16xi32>, vector<16xi32>], vector<16xf32>,
      %mul3A_509 = arith.mulf %gather3A_102, %gather3A_508 : vector<16xf32>
      %gather3A_510 = tpu.vector_load_idx %arg14[%add3A_505, %broadcast_in_dim3A_7] : memref<5120x16xf32, #tpu.memory_space<vmem>>[vector<16xi32>, vector<16xi32>], vector<16xf32>,
      %mul3A_511 = arith.mulf %gather3A_103, %gather3A_510 : vector<16xf32>
      %gather3A_512 = tpu.vector_load_idx %arg14[%add3A_505, %broadcast_in_dim3A_9] : memref<5120x16xf32, #tpu.memory_space<vmem>>[vector<16xi32>, vector<16xi32>], vector<16xf32>,
      %mul3A_513 = arith.mulf %gather3A_104, %gather3A_512 : vector<16xf32>
      %gather3A_514 = tpu.vector_load_idx %arg14[%add3A_505, %broadcast_in_dim3A_11] : memref<5120x16xf32, #tpu.memory_space<vmem>>[vector<16xi32>, vector<16xi32>], vector<16xf32>,
      %mul3A_515 = arith.mulf %gather3A_105, %gather3A_514 : vector<16xf32>
      %gather3A_516 = tpu.vector_load_idx %arg14[%add3A_505, %broadcast_in_dim3A_13] : memref<5120x16xf32, #tpu.memory_space<vmem>>[vector<16xi32>, vector<16xi32>], vector<16xf32>,
      %mul3A_517 = arith.mulf %gather3A_106, %gather3A_516 : vector<16xf32>
      %gather3A_518 = tpu.vector_load_idx %arg14[%add3A_505, %broadcast_in_dim3A_15] : memref<5120x16xf32, #tpu.memory_space<vmem>>[vector<16xi32>, vector<16xi32>], vector<16xf32>,
      %mul3A_519 = arith.mulf %gather3A_107, %gather3A_518 : vector<16xf32>
      %gather3A_520 = tpu.vector_load_idx %arg14[%add3A_505, %broadcast_in_dim3A_17] : memref<5120x16xf32, #tpu.memory_space<vmem>>[vector<16xi32>, vector<16xi32>], vector<16xf32>,
      %mul3A_521 = arith.mulf %gather3A_108, %gather3A_520 : vector<16xf32>
      %gather3A_522 = tpu.vector_load_idx %arg14[%add3A_505, %broadcast_in_dim3A_19] : memref<5120x16xf32, #tpu.memory_space<vmem>>[vector<16xi32>, vector<16xi32>], vector<16xf32>,
      %mul3A_523 = arith.mulf %gather3A_109, %gather3A_522 : vector<16xf32>
      %gather3A_524 = tpu.vector_load_idx %arg14[%add3A_505, %broadcast_in_dim3A_21] : memref<5120x16xf32, #tpu.memory_space<vmem>>[vector<16xi32>, vector<16xi32>], vector<16xf32>,
      %mul3A_525 = arith.mulf %gather3A_110, %gather3A_524 : vector<16xf32>
      %gather3A_526 = tpu.vector_load_idx %arg14[%add3A_505, %broadcast_in_dim3A_23] : memref<5120x16xf32, #tpu.memory_space<vmem>>[vector<16xi32>, vector<16xi32>], vector<16xf32>,
      %mul3A_527 = arith.mulf %gather3A_111, %gather3A_526 : vector<16xf32>
      %gather3A_528 = tpu.vector_load_idx %arg14[%add3A_505, %broadcast_in_dim3A_25] : memref<5120x16xf32, #tpu.memory_space<vmem>>[vector<16xi32>, vector<16xi32>], vector<16xf32>,
      %mul3A_529 = arith.mulf %gather3A_112, %gather3A_528 : vector<16xf32>
      %gather3A_530 = tpu.vector_load_idx %arg14[%add3A_505, %broadcast_in_dim3A_27] : memref<5120x16xf32, #tpu.memory_space<vmem>>[vector<16xi32>, vector<16xi32>], vector<16xf32>,
      %mul3A_531 = arith.mulf %gather3A_113, %gather3A_530 : vector<16xf32>
      %gather3A_532 = tpu.vector_load_idx %arg14[%add3A_505, %broadcast_in_dim3A_29] : memref<5120x16xf32, #tpu.memory_space<vmem>>[vector<16xi32>, vector<16xi32>], vector<16xf32>,
      %mul3A_533 = arith.mulf %gather3A_114, %gather3A_532 : vector<16xf32>
      %gather3A_534 = tpu.vector_load_idx %arg14[%add3A_505, %broadcast_in_dim3A_31] : memref<5120x16xf32, #tpu.memory_space<vmem>>[vector<16xi32>, vector<16xi32>], vector<16xf32>,
      %mul3A_535 = arith.mulf %gather3A_115, %gather3A_534 : vector<16xf32>
      %gather3A_536 = tpu.vector_load_idx %arg14[%add3A_505, %broadcast_in_dim3A_33] : memref<5120x16xf32, #tpu.memory_space<vmem>>[vector<16xi32>, vector<16xi32>], vector<16xf32>,
      %mul3A_537 = arith.mulf %gather3A_116, %gather3A_536 : vector<16xf32>
      %add3A_538 = arith.addf %mul3A_507, %mul3A_509 : vector<16xf32>
      %add3A_539 = arith.addf %add3A_538, %mul3A_511 : vector<16xf32>
      %add3A_540 = arith.addf %add3A_539, %mul3A_513 : vector<16xf32>
      %add3A_541 = arith.addf %add3A_540, %mul3A_515 : vector<16xf32>
      %add3A_542 = arith.addf %add3A_541, %mul3A_517 : vector<16xf32>
      %add3A_543 = arith.addf %add3A_542, %mul3A_519 : vector<16xf32>
      %add3A_544 = arith.addf %add3A_543, %mul3A_521 : vector<16xf32>
      %add3A_545 = arith.addf %add3A_544, %mul3A_523 : vector<16xf32>
      %add3A_546 = arith.addf %add3A_545, %mul3A_525 : vector<16xf32>
      %add3A_547 = arith.addf %add3A_546, %mul3A_527 : vector<16xf32>
      %add3A_548 = arith.addf %add3A_547, %mul3A_529 : vector<16xf32>
      %add3A_549 = arith.addf %add3A_548, %mul3A_531 : vector<16xf32>
      %add3A_550 = arith.addf %add3A_549, %mul3A_533 : vector<16xf32>
      %add3A_551 = arith.addf %add3A_550, %mul3A_535 : vector<16xf32>
      %add3A_552 = arith.addf %add3A_551, %mul3A_537 : vector<16xf32>
      %mul3A_553 = arith.constant 16 : i32
      %mul3A_554 = arith.muli %scan3A_93, %mul3A_553 : i32
      %add3A_555 = arith.constant 1536 : i32
      %add3A_556 = arith.addi %add3A_555, %mul3A_554 : i32
      %swap3A_557 = arith.index_cast %add3A_556 : i32 to index
      %swap3A_558 = tpu.vector_load %arg16[%swap3A_557] {strides = array<i32>} : memref<5120xf32, #tpu.memory_space<vmem>>, vector<16xf32>,
      tpu.vector_store %arg16[%swap3A_557], %add3A_552 {strides = array<i32>} : memref<5120xf32, #tpu.memory_space<vmem>>, vector<16xf32>,
      %add3A_559 = arith.constant 7 : i32
      %add3A_560 = vector.broadcast %add3A_559 : i32 to vector<16xi32>
      %add3A_561 = arith.addi %mul3A_101, %add3A_560 : vector<16xi32>
      %gather3A_562 = tpu.vector_load_idx %arg14[%add3A_561, %broadcast_in_dim3A_3] : memref<5120x16xf32, #tpu.memory_space<vmem>>[vector<16xi32>, vector<16xi32>], vector<16xf32>,
      %mul3A_563 = arith.mulf %gather3A, %gather3A_562 : vector<16xf32>
      %gather3A_564 = tpu.vector_load_idx %arg14[%add3A_561, %broadcast_in_dim3A_5] : memref<5120x16xf32, #tpu.memory_space<vmem>>[vector<16xi32>, vector<16xi32>], vector<16xf32>,
      %mul3A_565 = arith.mulf %gather3A_102, %gather3A_564 : vector<16xf32>
      %gather3A_566 = tpu.vector_load_idx %arg14[%add3A_561, %broadcast_in_dim3A_7] : memref<5120x16xf32, #tpu.memory_space<vmem>>[vector<16xi32>, vector<16xi32>], vector<16xf32>,
      %mul3A_567 = arith.mulf %gather3A_103, %gather3A_566 : vector<16xf32>
      %gather3A_568 = tpu.vector_load_idx %arg14[%add3A_561, %broadcast_in_dim3A_9] : memref<5120x16xf32, #tpu.memory_space<vmem>>[vector<16xi32>, vector<16xi32>], vector<16xf32>,
      %mul3A_569 = arith.mulf %gather3A_104, %gather3A_568 : vector<16xf32>
      %gather3A_570 = tpu.vector_load_idx %arg14[%add3A_561, %broadcast_in_dim3A_11] : memref<5120x16xf32, #tpu.memory_space<vmem>>[vector<16xi32>, vector<16xi32>], vector<16xf32>,
      %mul3A_571 = arith.mulf %gather3A_105, %gather3A_570 : vector<16xf32>
      %gather3A_572 = tpu.vector_load_idx %arg14[%add3A_561, %broadcast_in_dim3A_13] : memref<5120x16xf32, #tpu.memory_space<vmem>>[vector<16xi32>, vector<16xi32>], vector<16xf32>,
      %mul3A_573 = arith.mulf %gather3A_106, %gather3A_572 : vector<16xf32>
      %gather3A_574 = tpu.vector_load_idx %arg14[%add3A_561, %broadcast_in_dim3A_15] : memref<5120x16xf32, #tpu.memory_space<vmem>>[vector<16xi32>, vector<16xi32>], vector<16xf32>,
      %mul3A_575 = arith.mulf %gather3A_107, %gather3A_574 : vector<16xf32>
      %gather3A_576 = tpu.vector_load_idx %arg14[%add3A_561, %broadcast_in_dim3A_17] : memref<5120x16xf32, #tpu.memory_space<vmem>>[vector<16xi32>, vector<16xi32>], vector<16xf32>,
      %mul3A_577 = arith.mulf %gather3A_108, %gather3A_576 : vector<16xf32>
      %gather3A_578 = tpu.vector_load_idx %arg14[%add3A_561, %broadcast_in_dim3A_19] : memref<5120x16xf32, #tpu.memory_space<vmem>>[vector<16xi32>, vector<16xi32>], vector<16xf32>,
      %mul3A_579 = arith.mulf %gather3A_109, %gather3A_578 : vector<16xf32>
      %gather3A_580 = tpu.vector_load_idx %arg14[%add3A_561, %broadcast_in_dim3A_21] : memref<5120x16xf32, #tpu.memory_space<vmem>>[vector<16xi32>, vector<16xi32>], vector<16xf32>,
      %mul3A_581 = arith.mulf %gather3A_110, %gather3A_580 : vector<16xf32>
      %gather3A_582 = tpu.vector_load_idx %arg14[%add3A_561, %broadcast_in_dim3A_23] : memref<5120x16xf32, #tpu.memory_space<vmem>>[vector<16xi32>, vector<16xi32>], vector<16xf32>,
      %mul3A_583 = arith.mulf %gather3A_111, %gather3A_582 : vector<16xf32>
      %gather3A_584 = tpu.vector_load_idx %arg14[%add3A_561, %broadcast_in_dim3A_25] : memref<5120x16xf32, #tpu.memory_space<vmem>>[vector<16xi32>, vector<16xi32>], vector<16xf32>,
      %mul3A_585 = arith.mulf %gather3A_112, %gather3A_584 : vector<16xf32>
      %gather3A_586 = tpu.vector_load_idx %arg14[%add3A_561, %broadcast_in_dim3A_27] : memref<5120x16xf32, #tpu.memory_space<vmem>>[vector<16xi32>, vector<16xi32>], vector<16xf32>,
      %mul3A_587 = arith.mulf %gather3A_113, %gather3A_586 : vector<16xf32>
      %gather3A_588 = tpu.vector_load_idx %arg14[%add3A_561, %broadcast_in_dim3A_29] : memref<5120x16xf32, #tpu.memory_space<vmem>>[vector<16xi32>, vector<16xi32>], vector<16xf32>,
      %mul3A_589 = arith.mulf %gather3A_114, %gather3A_588 : vector<16xf32>
      %gather3A_590 = tpu.vector_load_idx %arg14[%add3A_561, %broadcast_in_dim3A_31] : memref<5120x16xf32, #tpu.memory_space<vmem>>[vector<16xi32>, vector<16xi32>], vector<16xf32>,
      %mul3A_591 = arith.mulf %gather3A_115, %gather3A_590 : vector<16xf32>
      %gather3A_592 = tpu.vector_load_idx %arg14[%add3A_561, %broadcast_in_dim3A_33] : memref<5120x16xf32, #tpu.memory_space<vmem>>[vector<16xi32>, vector<16xi32>], vector<16xf32>,
      %mul3A_593 = arith.mulf %gather3A_116, %gather3A_592 : vector<16xf32>
      %add3A_594 = arith.addf %mul3A_563, %mul3A_565 : vector<16xf32>
      %add3A_595 = arith.addf %add3A_594, %mul3A_567 : vector<16xf32>
      %add3A_596 = arith.addf %add3A_595, %mul3A_569 : vector<16xf32>
      %add3A_597 = arith.addf %add3A_596, %mul3A_571 : vector<16xf32>
      %add3A_598 = arith.addf %add3A_597, %mul3A_573 : vector<16xf32>
      %add3A_599 = arith.addf %add3A_598, %mul3A_575 : vector<16xf32>
      %add3A_600 = arith.addf %add3A_599, %mul3A_577 : vector<16xf32>
      %add3A_601 = arith.addf %add3A_600, %mul3A_579 : vector<16xf32>
      %add3A_602 = arith.addf %add3A_601, %mul3A_581 : vector<16xf32>
      %add3A_603 = arith.addf %add3A_602, %mul3A_583 : vector<16xf32>
      %add3A_604 = arith.addf %add3A_603, %mul3A_585 : vector<16xf32>
      %add3A_605 = arith.addf %add3A_604, %mul3A_587 : vector<16xf32>
      %add3A_606 = arith.addf %add3A_605, %mul3A_589 : vector<16xf32>
      %add3A_607 = arith.addf %add3A_606, %mul3A_591 : vector<16xf32>
      %add3A_608 = arith.addf %add3A_607, %mul3A_593 : vector<16xf32>
      %mul3A_609 = arith.constant 16 : i32
      %mul3A_610 = arith.muli %scan3A_93, %mul3A_609 : i32
      %add3A_611 = arith.constant 1792 : i32
      %add3A_612 = arith.addi %add3A_611, %mul3A_610 : i32
      %swap3A_613 = arith.index_cast %add3A_612 : i32 to index
      %swap3A_614 = tpu.vector_load %arg16[%swap3A_613] {strides = array<i32>} : memref<5120xf32, #tpu.memory_space<vmem>>, vector<16xf32>,
      tpu.vector_store %arg16[%swap3A_613], %add3A_608 {strides = array<i32>} : memref<5120xf32, #tpu.memory_space<vmem>>, vector<16xf32>,
      %add3A_615 = arith.constant 8 : i32
      %add3A_616 = vector.broadcast %add3A_615 : i32 to vector<16xi32>
      %add3A_617 = arith.addi %mul3A_101, %add3A_616 : vector<16xi32>
      %gather3A_618 = tpu.vector_load_idx %arg14[%add3A_617, %broadcast_in_dim3A_3] : memref<5120x16xf32, #tpu.memory_space<vmem>>[vector<16xi32>, vector<16xi32>], vector<16xf32>,
      %mul3A_619 = arith.mulf %gather3A, %gather3A_618 : vector<16xf32>
      %gather3A_620 = tpu.vector_load_idx %arg14[%add3A_617, %broadcast_in_dim3A_5] : memref<5120x16xf32, #tpu.memory_space<vmem>>[vector<16xi32>, vector<16xi32>], vector<16xf32>,
      %mul3A_621 = arith.mulf %gather3A_102, %gather3A_620 : vector<16xf32>
      %gather3A_622 = tpu.vector_load_idx %arg14[%add3A_617, %broadcast_in_dim3A_7] : memref<5120x16xf32, #tpu.memory_space<vmem>>[vector<16xi32>, vector<16xi32>], vector<16xf32>,
      %mul3A_623 = arith.mulf %gather3A_103, %gather3A_622 : vector<16xf32>
      %gather3A_624 = tpu.vector_load_idx %arg14[%add3A_617, %broadcast_in_dim3A_9] : memref<5120x16xf32, #tpu.memory_space<vmem>>[vector<16xi32>, vector<16xi32>], vector<16xf32>,
      %mul3A_625 = arith.mulf %gather3A_104, %gather3A_624 : vector<16xf32>
      %gather3A_626 = tpu.vector_load_idx %arg14[%add3A_617, %broadcast_in_dim3A_11] : memref<5120x16xf32, #tpu.memory_space<vmem>>[vector<16xi32>, vector<16xi32>], vector<16xf32>,
      %mul3A_627 = arith.mulf %gather3A_105, %gather3A_626 : vector<16xf32>
      %gather3A_628 = tpu.vector_load_idx %arg14[%add3A_617, %broadcast_in_dim3A_13] : memref<5120x16xf32, #tpu.memory_space<vmem>>[vector<16xi32>, vector<16xi32>], vector<16xf32>,
      %mul3A_629 = arith.mulf %gather3A_106, %gather3A_628 : vector<16xf32>
      %gather3A_630 = tpu.vector_load_idx %arg14[%add3A_617, %broadcast_in_dim3A_15] : memref<5120x16xf32, #tpu.memory_space<vmem>>[vector<16xi32>, vector<16xi32>], vector<16xf32>,
      %mul3A_631 = arith.mulf %gather3A_107, %gather3A_630 : vector<16xf32>
      %gather3A_632 = tpu.vector_load_idx %arg14[%add3A_617, %broadcast_in_dim3A_17] : memref<5120x16xf32, #tpu.memory_space<vmem>>[vector<16xi32>, vector<16xi32>], vector<16xf32>,
      %mul3A_633 = arith.mulf %gather3A_108, %gather3A_632 : vector<16xf32>
      %gather3A_634 = tpu.vector_load_idx %arg14[%add3A_617, %broadcast_in_dim3A_19] : memref<5120x16xf32, #tpu.memory_space<vmem>>[vector<16xi32>, vector<16xi32>], vector<16xf32>,
      %mul3A_635 = arith.mulf %gather3A_109, %gather3A_634 : vector<16xf32>
      %gather3A_636 = tpu.vector_load_idx %arg14[%add3A_617, %broadcast_in_dim3A_21] : memref<5120x16xf32, #tpu.memory_space<vmem>>[vector<16xi32>, vector<16xi32>], vector<16xf32>,
      %mul3A_637 = arith.mulf %gather3A_110, %gather3A_636 : vector<16xf32>
      %gather3A_638 = tpu.vector_load_idx %arg14[%add3A_617, %broadcast_in_dim3A_23] : memref<5120x16xf32, #tpu.memory_space<vmem>>[vector<16xi32>, vector<16xi32>], vector<16xf32>,
      %mul3A_639 = arith.mulf %gather3A_111, %gather3A_638 : vector<16xf32>
      %gather3A_640 = tpu.vector_load_idx %arg14[%add3A_617, %broadcast_in_dim3A_25] : memref<5120x16xf32, #tpu.memory_space<vmem>>[vector<16xi32>, vector<16xi32>], vector<16xf32>,
      %mul3A_641 = arith.mulf %gather3A_112, %gather3A_640 : vector<16xf32>
      %gather3A_642 = tpu.vector_load_idx %arg14[%add3A_617, %broadcast_in_dim3A_27] : memref<5120x16xf32, #tpu.memory_space<vmem>>[vector<16xi32>, vector<16xi32>], vector<16xf32>,
      %mul3A_643 = arith.mulf %gather3A_113, %gather3A_642 : vector<16xf32>
      %gather3A_644 = tpu.vector_load_idx %arg14[%add3A_617, %broadcast_in_dim3A_29] : memref<5120x16xf32, #tpu.memory_space<vmem>>[vector<16xi32>, vector<16xi32>], vector<16xf32>,
      %mul3A_645 = arith.mulf %gather3A_114, %gather3A_644 : vector<16xf32>
      %gather3A_646 = tpu.vector_load_idx %arg14[%add3A_617, %broadcast_in_dim3A_31] : memref<5120x16xf32, #tpu.memory_space<vmem>>[vector<16xi32>, vector<16xi32>], vector<16xf32>,
      %mul3A_647 = arith.mulf %gather3A_115, %gather3A_646 : vector<16xf32>
      %gather3A_648 = tpu.vector_load_idx %arg14[%add3A_617, %broadcast_in_dim3A_33] : memref<5120x16xf32, #tpu.memory_space<vmem>>[vector<16xi32>, vector<16xi32>], vector<16xf32>,
      %mul3A_649 = arith.mulf %gather3A_116, %gather3A_648 : vector<16xf32>
      %add3A_650 = arith.addf %mul3A_619, %mul3A_621 : vector<16xf32>
      %add3A_651 = arith.addf %add3A_650, %mul3A_623 : vector<16xf32>
      %add3A_652 = arith.addf %add3A_651, %mul3A_625 : vector<16xf32>
      %add3A_653 = arith.addf %add3A_652, %mul3A_627 : vector<16xf32>
      %add3A_654 = arith.addf %add3A_653, %mul3A_629 : vector<16xf32>
      %add3A_655 = arith.addf %add3A_654, %mul3A_631 : vector<16xf32>
      %add3A_656 = arith.addf %add3A_655, %mul3A_633 : vector<16xf32>
      %add3A_657 = arith.addf %add3A_656, %mul3A_635 : vector<16xf32>
      %add3A_658 = arith.addf %add3A_657, %mul3A_637 : vector<16xf32>
      %add3A_659 = arith.addf %add3A_658, %mul3A_639 : vector<16xf32>
      %add3A_660 = arith.addf %add3A_659, %mul3A_641 : vector<16xf32>
      %add3A_661 = arith.addf %add3A_660, %mul3A_643 : vector<16xf32>
      %add3A_662 = arith.addf %add3A_661, %mul3A_645 : vector<16xf32>
      %add3A_663 = arith.addf %add3A_662, %mul3A_647 : vector<16xf32>
      %add3A_664 = arith.addf %add3A_663, %mul3A_649 : vector<16xf32>
      %mul3A_665 = arith.constant 16 : i32
      %mul3A_666 = arith.muli %scan3A_93, %mul3A_665 : i32
      %add3A_667 = arith.constant 2048 : i32
      %add3A_668 = arith.addi %add3A_667, %mul3A_666 : i32
      %swap3A_669 = arith.index_cast %add3A_668 : i32 to index
      %swap3A_670 = tpu.vector_load %arg16[%swap3A_669] {strides = array<i32>} : memref<5120xf32, #tpu.memory_space<vmem>>, vector<16xf32>,
      tpu.vector_store %arg16[%swap3A_669], %add3A_664 {strides = array<i32>} : memref<5120xf32, #tpu.memory_space<vmem>>, vector<16xf32>,
      %add3A_671 = arith.constant 9 : i32
      %add3A_672 = vector.broadcast %add3A_671 : i32 to vector<16xi32>
      %add3A_673 = arith.addi %mul3A_101, %add3A_672 : vector<16xi32>
      %gather3A_674 = tpu.vector_load_idx %arg14[%add3A_673, %broadcast_in_dim3A_3] : memref<5120x16xf32, #tpu.memory_space<vmem>>[vector<16xi32>, vector<16xi32>], vector<16xf32>,
      %mul3A_675 = arith.mulf %gather3A, %gather3A_674 : vector<16xf32>
      %gather3A_676 = tpu.vector_load_idx %arg14[%add3A_673, %broadcast_in_dim3A_5] : memref<5120x16xf32, #tpu.memory_space<vmem>>[vector<16xi32>, vector<16xi32>], vector<16xf32>,
      %mul3A_677 = arith.mulf %gather3A_102, %gather3A_676 : vector<16xf32>
      %gather3A_678 = tpu.vector_load_idx %arg14[%add3A_673, %broadcast_in_dim3A_7] : memref<5120x16xf32, #tpu.memory_space<vmem>>[vector<16xi32>, vector<16xi32>], vector<16xf32>,
      %mul3A_679 = arith.mulf %gather3A_103, %gather3A_678 : vector<16xf32>
      %gather3A_680 = tpu.vector_load_idx %arg14[%add3A_673, %broadcast_in_dim3A_9] : memref<5120x16xf32, #tpu.memory_space<vmem>>[vector<16xi32>, vector<16xi32>], vector<16xf32>,
      %mul3A_681 = arith.mulf %gather3A_104, %gather3A_680 : vector<16xf32>
      %gather3A_682 = tpu.vector_load_idx %arg14[%add3A_673, %broadcast_in_dim3A_11] : memref<5120x16xf32, #tpu.memory_space<vmem>>[vector<16xi32>, vector<16xi32>], vector<16xf32>,
      %mul3A_683 = arith.mulf %gather3A_105, %gather3A_682 : vector<16xf32>
      %gather3A_684 = tpu.vector_load_idx %arg14[%add3A_673, %broadcast_in_dim3A_13] : memref<5120x16xf32, #tpu.memory_space<vmem>>[vector<16xi32>, vector<16xi32>], vector<16xf32>,
      %mul3A_685 = arith.mulf %gather3A_106, %gather3A_684 : vector<16xf32>
      %gather3A_686 = tpu.vector_load_idx %arg14[%add3A_673, %broadcast_in_dim3A_15] : memref<5120x16xf32, #tpu.memory_space<vmem>>[vector<16xi32>, vector<16xi32>], vector<16xf32>,
      %mul3A_687 = arith.mulf %gather3A_107, %gather3A_686 : vector<16xf32>
      %gather3A_688 = tpu.vector_load_idx %arg14[%add3A_673, %broadcast_in_dim3A_17] : memref<5120x16xf32, #tpu.memory_space<vmem>>[vector<16xi32>, vector<16xi32>], vector<16xf32>,
      %mul3A_689 = arith.mulf %gather3A_108, %gather3A_688 : vector<16xf32>
      %gather3A_690 = tpu.vector_load_idx %arg14[%add3A_673, %broadcast_in_dim3A_19] : memref<5120x16xf32, #tpu.memory_space<vmem>>[vector<16xi32>, vector<16xi32>], vector<16xf32>,
      %mul3A_691 = arith.mulf %gather3A_109, %gather3A_690 : vector<16xf32>
      %gather3A_692 = tpu.vector_load_idx %arg14[%add3A_673, %broadcast_in_dim3A_21] : memref<5120x16xf32, #tpu.memory_space<vmem>>[vector<16xi32>, vector<16xi32>], vector<16xf32>,
      %mul3A_693 = arith.mulf %gather3A_110, %gather3A_692 : vector<16xf32>
      %gather3A_694 = tpu.vector_load_idx %arg14[%add3A_673, %broadcast_in_dim3A_23] : memref<5120x16xf32, #tpu.memory_space<vmem>>[vector<16xi32>, vector<16xi32>], vector<16xf32>,
      %mul3A_695 = arith.mulf %gather3A_111, %gather3A_694 : vector<16xf32>
      %gather3A_696 = tpu.vector_load_idx %arg14[%add3A_673, %broadcast_in_dim3A_25] : memref<5120x16xf32, #tpu.memory_space<vmem>>[vector<16xi32>, vector<16xi32>], vector<16xf32>,
      %mul3A_697 = arith.mulf %gather3A_112, %gather3A_696 : vector<16xf32>
      %gather3A_698 = tpu.vector_load_idx %arg14[%add3A_673, %broadcast_in_dim3A_27] : memref<5120x16xf32, #tpu.memory_space<vmem>>[vector<16xi32>, vector<16xi32>], vector<16xf32>,
      %mul3A_699 = arith.mulf %gather3A_113, %gather3A_698 : vector<16xf32>
      %gather3A_700 = tpu.vector_load_idx %arg14[%add3A_673, %broadcast_in_dim3A_29] : memref<5120x16xf32, #tpu.memory_space<vmem>>[vector<16xi32>, vector<16xi32>], vector<16xf32>,
      %mul3A_701 = arith.mulf %gather3A_114, %gather3A_700 : vector<16xf32>
      %gather3A_702 = tpu.vector_load_idx %arg14[%add3A_673, %broadcast_in_dim3A_31] : memref<5120x16xf32, #tpu.memory_space<vmem>>[vector<16xi32>, vector<16xi32>], vector<16xf32>,
      %mul3A_703 = arith.mulf %gather3A_115, %gather3A_702 : vector<16xf32>
      %gather3A_704 = tpu.vector_load_idx %arg14[%add3A_673, %broadcast_in_dim3A_33] : memref<5120x16xf32, #tpu.memory_space<vmem>>[vector<16xi32>, vector<16xi32>], vector<16xf32>,
      %mul3A_705 = arith.mulf %gather3A_116, %gather3A_704 : vector<16xf32>
      %add3A_706 = arith.addf %mul3A_675, %mul3A_677 : vector<16xf32>
      %add3A_707 = arith.addf %add3A_706, %mul3A_679 : vector<16xf32>
      %add3A_708 = arith.addf %add3A_707, %mul3A_681 : vector<16xf32>
      %add3A_709 = arith.addf %add3A_708, %mul3A_683 : vector<16xf32>
      %add3A_710 = arith.addf %add3A_709, %mul3A_685 : vector<16xf32>
      %add3A_711 = arith.addf %add3A_710, %mul3A_687 : vector<16xf32>
      %add3A_712 = arith.addf %add3A_711, %mul3A_689 : vector<16xf32>
      %add3A_713 = arith.addf %add3A_712, %mul3A_691 : vector<16xf32>
      %add3A_714 = arith.addf %add3A_713, %mul3A_693 : vector<16xf32>
      %add3A_715 = arith.addf %add3A_714, %mul3A_695 : vector<16xf32>
      %add3A_716 = arith.addf %add3A_715, %mul3A_697 : vector<16xf32>
      %add3A_717 = arith.addf %add3A_716, %mul3A_699 : vector<16xf32>
      %add3A_718 = arith.addf %add3A_717, %mul3A_701 : vector<16xf32>
      %add3A_719 = arith.addf %add3A_718, %mul3A_703 : vector<16xf32>
      %add3A_720 = arith.addf %add3A_719, %mul3A_705 : vector<16xf32>
      %mul3A_721 = arith.constant 16 : i32
      %mul3A_722 = arith.muli %scan3A_93, %mul3A_721 : i32
      %add3A_723 = arith.constant 2304 : i32
      %add3A_724 = arith.addi %add3A_723, %mul3A_722 : i32
      %swap3A_725 = arith.index_cast %add3A_724 : i32 to index
      %swap3A_726 = tpu.vector_load %arg16[%swap3A_725] {strides = array<i32>} : memref<5120xf32, #tpu.memory_space<vmem>>, vector<16xf32>,
      tpu.vector_store %arg16[%swap3A_725], %add3A_720 {strides = array<i32>} : memref<5120xf32, #tpu.memory_space<vmem>>, vector<16xf32>,
      %add3A_727 = arith.constant 10 : i32
      %add3A_728 = vector.broadcast %add3A_727 : i32 to vector<16xi32>
      %add3A_729 = arith.addi %mul3A_101, %add3A_728 : vector<16xi32>
      %gather3A_730 = tpu.vector_load_idx %arg14[%add3A_729, %broadcast_in_dim3A_3] : memref<5120x16xf32, #tpu.memory_space<vmem>>[vector<16xi32>, vector<16xi32>], vector<16xf32>,
      %mul3A_731 = arith.mulf %gather3A, %gather3A_730 : vector<16xf32>
      %gather3A_732 = tpu.vector_load_idx %arg14[%add3A_729, %broadcast_in_dim3A_5] : memref<5120x16xf32, #tpu.memory_space<vmem>>[vector<16xi32>, vector<16xi32>], vector<16xf32>,
      %mul3A_733 = arith.mulf %gather3A_102, %gather3A_732 : vector<16xf32>
      %gather3A_734 = tpu.vector_load_idx %arg14[%add3A_729, %broadcast_in_dim3A_7] : memref<5120x16xf32, #tpu.memory_space<vmem>>[vector<16xi32>, vector<16xi32>], vector<16xf32>,
      %mul3A_735 = arith.mulf %gather3A_103, %gather3A_734 : vector<16xf32>
      %gather3A_736 = tpu.vector_load_idx %arg14[%add3A_729, %broadcast_in_dim3A_9] : memref<5120x16xf32, #tpu.memory_space<vmem>>[vector<16xi32>, vector<16xi32>], vector<16xf32>,
      %mul3A_737 = arith.mulf %gather3A_104, %gather3A_736 : vector<16xf32>
      %gather3A_738 = tpu.vector_load_idx %arg14[%add3A_729, %broadcast_in_dim3A_11] : memref<5120x16xf32, #tpu.memory_space<vmem>>[vector<16xi32>, vector<16xi32>], vector<16xf32>,
      %mul3A_739 = arith.mulf %gather3A_105, %gather3A_738 : vector<16xf32>
      %gather3A_740 = tpu.vector_load_idx %arg14[%add3A_729, %broadcast_in_dim3A_13] : memref<5120x16xf32, #tpu.memory_space<vmem>>[vector<16xi32>, vector<16xi32>], vector<16xf32>,
      %mul3A_741 = arith.mulf %gather3A_106, %gather3A_740 : vector<16xf32>
      %gather3A_742 = tpu.vector_load_idx %arg14[%add3A_729, %broadcast_in_dim3A_15] : memref<5120x16xf32, #tpu.memory_space<vmem>>[vector<16xi32>, vector<16xi32>], vector<16xf32>,
      %mul3A_743 = arith.mulf %gather3A_107, %gather3A_742 : vector<16xf32>
      %gather3A_744 = tpu.vector_load_idx %arg14[%add3A_729, %broadcast_in_dim3A_17] : memref<5120x16xf32, #tpu.memory_space<vmem>>[vector<16xi32>, vector<16xi32>], vector<16xf32>,
      %mul3A_745 = arith.mulf %gather3A_108, %gather3A_744 : vector<16xf32>
      %gather3A_746 = tpu.vector_load_idx %arg14[%add3A_729, %broadcast_in_dim3A_19] : memref<5120x16xf32, #tpu.memory_space<vmem>>[vector<16xi32>, vector<16xi32>], vector<16xf32>,
      %mul3A_747 = arith.mulf %gather3A_109, %gather3A_746 : vector<16xf32>
      %gather3A_748 = tpu.vector_load_idx %arg14[%add3A_729, %broadcast_in_dim3A_21] : memref<5120x16xf32, #tpu.memory_space<vmem>>[vector<16xi32>, vector<16xi32>], vector<16xf32>,
      %mul3A_749 = arith.mulf %gather3A_110, %gather3A_748 : vector<16xf32>
      %gather3A_750 = tpu.vector_load_idx %arg14[%add3A_729, %broadcast_in_dim3A_23] : memref<5120x16xf32, #tpu.memory_space<vmem>>[vector<16xi32>, vector<16xi32>], vector<16xf32>,
      %mul3A_751 = arith.mulf %gather3A_111, %gather3A_750 : vector<16xf32>
      %gather3A_752 = tpu.vector_load_idx %arg14[%add3A_729, %broadcast_in_dim3A_25] : memref<5120x16xf32, #tpu.memory_space<vmem>>[vector<16xi32>, vector<16xi32>], vector<16xf32>,
      %mul3A_753 = arith.mulf %gather3A_112, %gather3A_752 : vector<16xf32>
      %gather3A_754 = tpu.vector_load_idx %arg14[%add3A_729, %broadcast_in_dim3A_27] : memref<5120x16xf32, #tpu.memory_space<vmem>>[vector<16xi32>, vector<16xi32>], vector<16xf32>,
      %mul3A_755 = arith.mulf %gather3A_113, %gather3A_754 : vector<16xf32>
      %gather3A_756 = tpu.vector_load_idx %arg14[%add3A_729, %broadcast_in_dim3A_29] : memref<5120x16xf32, #tpu.memory_space<vmem>>[vector<16xi32>, vector<16xi32>], vector<16xf32>,
      %mul3A_757 = arith.mulf %gather3A_114, %gather3A_756 : vector<16xf32>
      %gather3A_758 = tpu.vector_load_idx %arg14[%add3A_729, %broadcast_in_dim3A_31] : memref<5120x16xf32, #tpu.memory_space<vmem>>[vector<16xi32>, vector<16xi32>], vector<16xf32>,
      %mul3A_759 = arith.mulf %gather3A_115, %gather3A_758 : vector<16xf32>
      %gather3A_760 = tpu.vector_load_idx %arg14[%add3A_729, %broadcast_in_dim3A_33] : memref<5120x16xf32, #tpu.memory_space<vmem>>[vector<16xi32>, vector<16xi32>], vector<16xf32>,
      %mul3A_761 = arith.mulf %gather3A_116, %gather3A_760 : vector<16xf32>
      %add3A_762 = arith.addf %mul3A_731, %mul3A_733 : vector<16xf32>
      %add3A_763 = arith.addf %add3A_762, %mul3A_735 : vector<16xf32>
      %add3A_764 = arith.addf %add3A_763, %mul3A_737 : vector<16xf32>
      %add3A_765 = arith.addf %add3A_764, %mul3A_739 : vector<16xf32>
      %add3A_766 = arith.addf %add3A_765, %mul3A_741 : vector<16xf32>
      %add3A_767 = arith.addf %add3A_766, %mul3A_743 : vector<16xf32>
      %add3A_768 = arith.addf %add3A_767, %mul3A_745 : vector<16xf32>
      %add3A_769 = arith.addf %add3A_768, %mul3A_747 : vector<16xf32>
      %add3A_770 = arith.addf %add3A_769, %mul3A_749 : vector<16xf32>
      %add3A_771 = arith.addf %add3A_770, %mul3A_751 : vector<16xf32>
      %add3A_772 = arith.addf %add3A_771, %mul3A_753 : vector<16xf32>
      %add3A_773 = arith.addf %add3A_772, %mul3A_755 : vector<16xf32>
      %add3A_774 = arith.addf %add3A_773, %mul3A_757 : vector<16xf32>
      %add3A_775 = arith.addf %add3A_774, %mul3A_759 : vector<16xf32>
      %add3A_776 = arith.addf %add3A_775, %mul3A_761 : vector<16xf32>
      %mul3A_777 = arith.constant 16 : i32
      %mul3A_778 = arith.muli %scan3A_93, %mul3A_777 : i32
      %add3A_779 = arith.constant 2560 : i32
      %add3A_780 = arith.addi %add3A_779, %mul3A_778 : i32
      %swap3A_781 = arith.index_cast %add3A_780 : i32 to index
      %swap3A_782 = tpu.vector_load %arg16[%swap3A_781] {strides = array<i32>} : memref<5120xf32, #tpu.memory_space<vmem>>, vector<16xf32>,
      tpu.vector_store %arg16[%swap3A_781], %add3A_776 {strides = array<i32>} : memref<5120xf32, #tpu.memory_space<vmem>>, vector<16xf32>,
      %add3A_783 = arith.constant 11 : i32
      %add3A_784 = vector.broadcast %add3A_783 : i32 to vector<16xi32>
      %add3A_785 = arith.addi %mul3A_101, %add3A_784 : vector<16xi32>
      %gather3A_786 = tpu.vector_load_idx %arg14[%add3A_785, %broadcast_in_dim3A_3] : memref<5120x16xf32, #tpu.memory_space<vmem>>[vector<16xi32>, vector<16xi32>], vector<16xf32>,
      %mul3A_787 = arith.mulf %gather3A, %gather3A_786 : vector<16xf32>
      %gather3A_788 = tpu.vector_load_idx %arg14[%add3A_785, %broadcast_in_dim3A_5] : memref<5120x16xf32, #tpu.memory_space<vmem>>[vector<16xi32>, vector<16xi32>], vector<16xf32>,
      %mul3A_789 = arith.mulf %gather3A_102, %gather3A_788 : vector<16xf32>
      %gather3A_790 = tpu.vector_load_idx %arg14[%add3A_785, %broadcast_in_dim3A_7] : memref<5120x16xf32, #tpu.memory_space<vmem>>[vector<16xi32>, vector<16xi32>], vector<16xf32>,
      %mul3A_791 = arith.mulf %gather3A_103, %gather3A_790 : vector<16xf32>
      %gather3A_792 = tpu.vector_load_idx %arg14[%add3A_785, %broadcast_in_dim3A_9] : memref<5120x16xf32, #tpu.memory_space<vmem>>[vector<16xi32>, vector<16xi32>], vector<16xf32>,
      %mul3A_793 = arith.mulf %gather3A_104, %gather3A_792 : vector<16xf32>
      %gather3A_794 = tpu.vector_load_idx %arg14[%add3A_785, %broadcast_in_dim3A_11] : memref<5120x16xf32, #tpu.memory_space<vmem>>[vector<16xi32>, vector<16xi32>], vector<16xf32>,
      %mul3A_795 = arith.mulf %gather3A_105, %gather3A_794 : vector<16xf32>
      %gather3A_796 = tpu.vector_load_idx %arg14[%add3A_785, %broadcast_in_dim3A_13] : memref<5120x16xf32, #tpu.memory_space<vmem>>[vector<16xi32>, vector<16xi32>], vector<16xf32>,
      %mul3A_797 = arith.mulf %gather3A_106, %gather3A_796 : vector<16xf32>
      %gather3A_798 = tpu.vector_load_idx %arg14[%add3A_785, %broadcast_in_dim3A_15] : memref<5120x16xf32, #tpu.memory_space<vmem>>[vector<16xi32>, vector<16xi32>], vector<16xf32>,
      %mul3A_799 = arith.mulf %gather3A_107, %gather3A_798 : vector<16xf32>
      %gather3A_800 = tpu.vector_load_idx %arg14[%add3A_785, %broadcast_in_dim3A_17] : memref<5120x16xf32, #tpu.memory_space<vmem>>[vector<16xi32>, vector<16xi32>], vector<16xf32>,
      %mul3A_801 = arith.mulf %gather3A_108, %gather3A_800 : vector<16xf32>
      %gather3A_802 = tpu.vector_load_idx %arg14[%add3A_785, %broadcast_in_dim3A_19] : memref<5120x16xf32, #tpu.memory_space<vmem>>[vector<16xi32>, vector<16xi32>], vector<16xf32>,
      %mul3A_803 = arith.mulf %gather3A_109, %gather3A_802 : vector<16xf32>
      %gather3A_804 = tpu.vector_load_idx %arg14[%add3A_785, %broadcast_in_dim3A_21] : memref<5120x16xf32, #tpu.memory_space<vmem>>[vector<16xi32>, vector<16xi32>], vector<16xf32>,
      %mul3A_805 = arith.mulf %gather3A_110, %gather3A_804 : vector<16xf32>
      %gather3A_806 = tpu.vector_load_idx %arg14[%add3A_785, %broadcast_in_dim3A_23] : memref<5120x16xf32, #tpu.memory_space<vmem>>[vector<16xi32>, vector<16xi32>], vector<16xf32>,
      %mul3A_807 = arith.mulf %gather3A_111, %gather3A_806 : vector<16xf32>
      %gather3A_808 = tpu.vector_load_idx %arg14[%add3A_785, %broadcast_in_dim3A_25] : memref<5120x16xf32, #tpu.memory_space<vmem>>[vector<16xi32>, vector<16xi32>], vector<16xf32>,
      %mul3A_809 = arith.mulf %gather3A_112, %gather3A_808 : vector<16xf32>
      %gather3A_810 = tpu.vector_load_idx %arg14[%add3A_785, %broadcast_in_dim3A_27] : memref<5120x16xf32, #tpu.memory_space<vmem>>[vector<16xi32>, vector<16xi32>], vector<16xf32>,
      %mul3A_811 = arith.mulf %gather3A_113, %gather3A_810 : vector<16xf32>
      %gather3A_812 = tpu.vector_load_idx %arg14[%add3A_785, %broadcast_in_dim3A_29] : memref<5120x16xf32, #tpu.memory_space<vmem>>[vector<16xi32>, vector<16xi32>], vector<16xf32>,
      %mul3A_813 = arith.mulf %gather3A_114, %gather3A_812 : vector<16xf32>
      %gather3A_814 = tpu.vector_load_idx %arg14[%add3A_785, %broadcast_in_dim3A_31] : memref<5120x16xf32, #tpu.memory_space<vmem>>[vector<16xi32>, vector<16xi32>], vector<16xf32>,
      %mul3A_815 = arith.mulf %gather3A_115, %gather3A_814 : vector<16xf32>
      %gather3A_816 = tpu.vector_load_idx %arg14[%add3A_785, %broadcast_in_dim3A_33] : memref<5120x16xf32, #tpu.memory_space<vmem>>[vector<16xi32>, vector<16xi32>], vector<16xf32>,
      %mul3A_817 = arith.mulf %gather3A_116, %gather3A_816 : vector<16xf32>
      %add3A_818 = arith.addf %mul3A_787, %mul3A_789 : vector<16xf32>
      %add3A_819 = arith.addf %add3A_818, %mul3A_791 : vector<16xf32>
      %add3A_820 = arith.addf %add3A_819, %mul3A_793 : vector<16xf32>
      %add3A_821 = arith.addf %add3A_820, %mul3A_795 : vector<16xf32>
      %add3A_822 = arith.addf %add3A_821, %mul3A_797 : vector<16xf32>
      %add3A_823 = arith.addf %add3A_822, %mul3A_799 : vector<16xf32>
      %add3A_824 = arith.addf %add3A_823, %mul3A_801 : vector<16xf32>
      %add3A_825 = arith.addf %add3A_824, %mul3A_803 : vector<16xf32>
      %add3A_826 = arith.addf %add3A_825, %mul3A_805 : vector<16xf32>
      %add3A_827 = arith.addf %add3A_826, %mul3A_807 : vector<16xf32>
      %add3A_828 = arith.addf %add3A_827, %mul3A_809 : vector<16xf32>
      %add3A_829 = arith.addf %add3A_828, %mul3A_811 : vector<16xf32>
      %add3A_830 = arith.addf %add3A_829, %mul3A_813 : vector<16xf32>
      %add3A_831 = arith.addf %add3A_830, %mul3A_815 : vector<16xf32>
      %add3A_832 = arith.addf %add3A_831, %mul3A_817 : vector<16xf32>
      %mul3A_833 = arith.constant 16 : i32
      %mul3A_834 = arith.muli %scan3A_93, %mul3A_833 : i32
      %add3A_835 = arith.constant 2816 : i32
      %add3A_836 = arith.addi %add3A_835, %mul3A_834 : i32
      %swap3A_837 = arith.index_cast %add3A_836 : i32 to index
      %swap3A_838 = tpu.vector_load %arg16[%swap3A_837] {strides = array<i32>} : memref<5120xf32, #tpu.memory_space<vmem>>, vector<16xf32>,
      tpu.vector_store %arg16[%swap3A_837], %add3A_832 {strides = array<i32>} : memref<5120xf32, #tpu.memory_space<vmem>>, vector<16xf32>,
      %add3A_839 = arith.constant 12 : i32
      %add3A_840 = vector.broadcast %add3A_839 : i32 to vector<16xi32>
      %add3A_841 = arith.addi %mul3A_101, %add3A_840 : vector<16xi32>
      %gather3A_842 = tpu.vector_load_idx %arg14[%add3A_841, %broadcast_in_dim3A_3] : memref<5120x16xf32, #tpu.memory_space<vmem>>[vector<16xi32>, vector<16xi32>], vector<16xf32>,
      %mul3A_843 = arith.mulf %gather3A, %gather3A_842 : vector<16xf32>
      %gather3A_844 = tpu.vector_load_idx %arg14[%add3A_841, %broadcast_in_dim3A_5] : memref<5120x16xf32, #tpu.memory_space<vmem>>[vector<16xi32>, vector<16xi32>], vector<16xf32>,
      %mul3A_845 = arith.mulf %gather3A_102, %gather3A_844 : vector<16xf32>
      %gather3A_846 = tpu.vector_load_idx %arg14[%add3A_841, %broadcast_in_dim3A_7] : memref<5120x16xf32, #tpu.memory_space<vmem>>[vector<16xi32>, vector<16xi32>], vector<16xf32>,
      %mul3A_847 = arith.mulf %gather3A_103, %gather3A_846 : vector<16xf32>
      %gather3A_848 = tpu.vector_load_idx %arg14[%add3A_841, %broadcast_in_dim3A_9] : memref<5120x16xf32, #tpu.memory_space<vmem>>[vector<16xi32>, vector<16xi32>], vector<16xf32>,
      %mul3A_849 = arith.mulf %gather3A_104, %gather3A_848 : vector<16xf32>
      %gather3A_850 = tpu.vector_load_idx %arg14[%add3A_841, %broadcast_in_dim3A_11] : memref<5120x16xf32, #tpu.memory_space<vmem>>[vector<16xi32>, vector<16xi32>], vector<16xf32>,
      %mul3A_851 = arith.mulf %gather3A_105, %gather3A_850 : vector<16xf32>
      %gather3A_852 = tpu.vector_load_idx %arg14[%add3A_841, %broadcast_in_dim3A_13] : memref<5120x16xf32, #tpu.memory_space<vmem>>[vector<16xi32>, vector<16xi32>], vector<16xf32>,
      %mul3A_853 = arith.mulf %gather3A_106, %gather3A_852 : vector<16xf32>
      %gather3A_854 = tpu.vector_load_idx %arg14[%add3A_841, %broadcast_in_dim3A_15] : memref<5120x16xf32, #tpu.memory_space<vmem>>[vector<16xi32>, vector<16xi32>], vector<16xf32>,
      %mul3A_855 = arith.mulf %gather3A_107, %gather3A_854 : vector<16xf32>
      %gather3A_856 = tpu.vector_load_idx %arg14[%add3A_841, %broadcast_in_dim3A_17] : memref<5120x16xf32, #tpu.memory_space<vmem>>[vector<16xi32>, vector<16xi32>], vector<16xf32>,
      %mul3A_857 = arith.mulf %gather3A_108, %gather3A_856 : vector<16xf32>
      %gather3A_858 = tpu.vector_load_idx %arg14[%add3A_841, %broadcast_in_dim3A_19] : memref<5120x16xf32, #tpu.memory_space<vmem>>[vector<16xi32>, vector<16xi32>], vector<16xf32>,
      %mul3A_859 = arith.mulf %gather3A_109, %gather3A_858 : vector<16xf32>
      %gather3A_860 = tpu.vector_load_idx %arg14[%add3A_841, %broadcast_in_dim3A_21] : memref<5120x16xf32, #tpu.memory_space<vmem>>[vector<16xi32>, vector<16xi32>], vector<16xf32>,
      %mul3A_861 = arith.mulf %gather3A_110, %gather3A_860 : vector<16xf32>
      %gather3A_862 = tpu.vector_load_idx %arg14[%add3A_841, %broadcast_in_dim3A_23] : memref<5120x16xf32, #tpu.memory_space<vmem>>[vector<16xi32>, vector<16xi32>], vector<16xf32>,
      %mul3A_863 = arith.mulf %gather3A_111, %gather3A_862 : vector<16xf32>
      %gather3A_864 = tpu.vector_load_idx %arg14[%add3A_841, %broadcast_in_dim3A_25] : memref<5120x16xf32, #tpu.memory_space<vmem>>[vector<16xi32>, vector<16xi32>], vector<16xf32>,
      %mul3A_865 = arith.mulf %gather3A_112, %gather3A_864 : vector<16xf32>
      %gather3A_866 = tpu.vector_load_idx %arg14[%add3A_841, %broadcast_in_dim3A_27] : memref<5120x16xf32, #tpu.memory_space<vmem>>[vector<16xi32>, vector<16xi32>], vector<16xf32>,
      %mul3A_867 = arith.mulf %gather3A_113, %gather3A_866 : vector<16xf32>
      %gather3A_868 = tpu.vector_load_idx %arg14[%add3A_841, %broadcast_in_dim3A_29] : memref<5120x16xf32, #tpu.memory_space<vmem>>[vector<16xi32>, vector<16xi32>], vector<16xf32>,
      %mul3A_869 = arith.mulf %gather3A_114, %gather3A_868 : vector<16xf32>
      %gather3A_870 = tpu.vector_load_idx %arg14[%add3A_841, %broadcast_in_dim3A_31] : memref<5120x16xf32, #tpu.memory_space<vmem>>[vector<16xi32>, vector<16xi32>], vector<16xf32>,
      %mul3A_871 = arith.mulf %gather3A_115, %gather3A_870 : vector<16xf32>
      %gather3A_872 = tpu.vector_load_idx %arg14[%add3A_841, %broadcast_in_dim3A_33] : memref<5120x16xf32, #tpu.memory_space<vmem>>[vector<16xi32>, vector<16xi32>], vector<16xf32>,
      %mul3A_873 = arith.mulf %gather3A_116, %gather3A_872 : vector<16xf32>
      %add3A_874 = arith.addf %mul3A_843, %mul3A_845 : vector<16xf32>
      %add3A_875 = arith.addf %add3A_874, %mul3A_847 : vector<16xf32>
      %add3A_876 = arith.addf %add3A_875, %mul3A_849 : vector<16xf32>
      %add3A_877 = arith.addf %add3A_876, %mul3A_851 : vector<16xf32>
      %add3A_878 = arith.addf %add3A_877, %mul3A_853 : vector<16xf32>
      %add3A_879 = arith.addf %add3A_878, %mul3A_855 : vector<16xf32>
      %add3A_880 = arith.addf %add3A_879, %mul3A_857 : vector<16xf32>
      %add3A_881 = arith.addf %add3A_880, %mul3A_859 : vector<16xf32>
      %add3A_882 = arith.addf %add3A_881, %mul3A_861 : vector<16xf32>
      %add3A_883 = arith.addf %add3A_882, %mul3A_863 : vector<16xf32>
      %add3A_884 = arith.addf %add3A_883, %mul3A_865 : vector<16xf32>
      %add3A_885 = arith.addf %add3A_884, %mul3A_867 : vector<16xf32>
      %add3A_886 = arith.addf %add3A_885, %mul3A_869 : vector<16xf32>
      %add3A_887 = arith.addf %add3A_886, %mul3A_871 : vector<16xf32>
      %add3A_888 = arith.addf %add3A_887, %mul3A_873 : vector<16xf32>
      %mul3A_889 = arith.constant 16 : i32
      %mul3A_890 = arith.muli %scan3A_93, %mul3A_889 : i32
      %add3A_891 = arith.constant 3072 : i32
      %add3A_892 = arith.addi %add3A_891, %mul3A_890 : i32
      %swap3A_893 = arith.index_cast %add3A_892 : i32 to index
      %swap3A_894 = tpu.vector_load %arg16[%swap3A_893] {strides = array<i32>} : memref<5120xf32, #tpu.memory_space<vmem>>, vector<16xf32>,
      tpu.vector_store %arg16[%swap3A_893], %add3A_888 {strides = array<i32>} : memref<5120xf32, #tpu.memory_space<vmem>>, vector<16xf32>,
      %add3A_895 = arith.constant 13 : i32
      %add3A_896 = vector.broadcast %add3A_895 : i32 to vector<16xi32>
      %add3A_897 = arith.addi %mul3A_101, %add3A_896 : vector<16xi32>
      %gather3A_898 = tpu.vector_load_idx %arg14[%add3A_897, %broadcast_in_dim3A_3] : memref<5120x16xf32, #tpu.memory_space<vmem>>[vector<16xi32>, vector<16xi32>], vector<16xf32>,
      %mul3A_899 = arith.mulf %gather3A, %gather3A_898 : vector<16xf32>
      %gather3A_900 = tpu.vector_load_idx %arg14[%add3A_897, %broadcast_in_dim3A_5] : memref<5120x16xf32, #tpu.memory_space<vmem>>[vector<16xi32>, vector<16xi32>], vector<16xf32>,
      %mul3A_901 = arith.mulf %gather3A_102, %gather3A_900 : vector<16xf32>
      %gather3A_902 = tpu.vector_load_idx %arg14[%add3A_897, %broadcast_in_dim3A_7] : memref<5120x16xf32, #tpu.memory_space<vmem>>[vector<16xi32>, vector<16xi32>], vector<16xf32>,
      %mul3A_903 = arith.mulf %gather3A_103, %gather3A_902 : vector<16xf32>
      %gather3A_904 = tpu.vector_load_idx %arg14[%add3A_897, %broadcast_in_dim3A_9] : memref<5120x16xf32, #tpu.memory_space<vmem>>[vector<16xi32>, vector<16xi32>], vector<16xf32>,
      %mul3A_905 = arith.mulf %gather3A_104, %gather3A_904 : vector<16xf32>
      %gather3A_906 = tpu.vector_load_idx %arg14[%add3A_897, %broadcast_in_dim3A_11] : memref<5120x16xf32, #tpu.memory_space<vmem>>[vector<16xi32>, vector<16xi32>], vector<16xf32>,
      %mul3A_907 = arith.mulf %gather3A_105, %gather3A_906 : vector<16xf32>
      %gather3A_908 = tpu.vector_load_idx %arg14[%add3A_897, %broadcast_in_dim3A_13] : memref<5120x16xf32, #tpu.memory_space<vmem>>[vector<16xi32>, vector<16xi32>], vector<16xf32>,
      %mul3A_909 = arith.mulf %gather3A_106, %gather3A_908 : vector<16xf32>
      %gather3A_910 = tpu.vector_load_idx %arg14[%add3A_897, %broadcast_in_dim3A_15] : memref<5120x16xf32, #tpu.memory_space<vmem>>[vector<16xi32>, vector<16xi32>], vector<16xf32>,
      %mul3A_911 = arith.mulf %gather3A_107, %gather3A_910 : vector<16xf32>
      %gather3A_912 = tpu.vector_load_idx %arg14[%add3A_897, %broadcast_in_dim3A_17] : memref<5120x16xf32, #tpu.memory_space<vmem>>[vector<16xi32>, vector<16xi32>], vector<16xf32>,
      %mul3A_913 = arith.mulf %gather3A_108, %gather3A_912 : vector<16xf32>
      %gather3A_914 = tpu.vector_load_idx %arg14[%add3A_897, %broadcast_in_dim3A_19] : memref<5120x16xf32, #tpu.memory_space<vmem>>[vector<16xi32>, vector<16xi32>], vector<16xf32>,
      %mul3A_915 = arith.mulf %gather3A_109, %gather3A_914 : vector<16xf32>
      %gather3A_916 = tpu.vector_load_idx %arg14[%add3A_897, %broadcast_in_dim3A_21] : memref<5120x16xf32, #tpu.memory_space<vmem>>[vector<16xi32>, vector<16xi32>], vector<16xf32>,
      %mul3A_917 = arith.mulf %gather3A_110, %gather3A_916 : vector<16xf32>
      %gather3A_918 = tpu.vector_load_idx %arg14[%add3A_897, %broadcast_in_dim3A_23] : memref<5120x16xf32, #tpu.memory_space<vmem>>[vector<16xi32>, vector<16xi32>], vector<16xf32>,
      %mul3A_919 = arith.mulf %gather3A_111, %gather3A_918 : vector<16xf32>
      %gather3A_920 = tpu.vector_load_idx %arg14[%add3A_897, %broadcast_in_dim3A_25] : memref<5120x16xf32, #tpu.memory_space<vmem>>[vector<16xi32>, vector<16xi32>], vector<16xf32>,
      %mul3A_921 = arith.mulf %gather3A_112, %gather3A_920 : vector<16xf32>
      %gather3A_922 = tpu.vector_load_idx %arg14[%add3A_897, %broadcast_in_dim3A_27] : memref<5120x16xf32, #tpu.memory_space<vmem>>[vector<16xi32>, vector<16xi32>], vector<16xf32>,
      %mul3A_923 = arith.mulf %gather3A_113, %gather3A_922 : vector<16xf32>
      %gather3A_924 = tpu.vector_load_idx %arg14[%add3A_897, %broadcast_in_dim3A_29] : memref<5120x16xf32, #tpu.memory_space<vmem>>[vector<16xi32>, vector<16xi32>], vector<16xf32>,
      %mul3A_925 = arith.mulf %gather3A_114, %gather3A_924 : vector<16xf32>
      %gather3A_926 = tpu.vector_load_idx %arg14[%add3A_897, %broadcast_in_dim3A_31] : memref<5120x16xf32, #tpu.memory_space<vmem>>[vector<16xi32>, vector<16xi32>], vector<16xf32>,
      %mul3A_927 = arith.mulf %gather3A_115, %gather3A_926 : vector<16xf32>
      %gather3A_928 = tpu.vector_load_idx %arg14[%add3A_897, %broadcast_in_dim3A_33] : memref<5120x16xf32, #tpu.memory_space<vmem>>[vector<16xi32>, vector<16xi32>], vector<16xf32>,
      %mul3A_929 = arith.mulf %gather3A_116, %gather3A_928 : vector<16xf32>
      %add3A_930 = arith.addf %mul3A_899, %mul3A_901 : vector<16xf32>
      %add3A_931 = arith.addf %add3A_930, %mul3A_903 : vector<16xf32>
      %add3A_932 = arith.addf %add3A_931, %mul3A_905 : vector<16xf32>
      %add3A_933 = arith.addf %add3A_932, %mul3A_907 : vector<16xf32>
      %add3A_934 = arith.addf %add3A_933, %mul3A_909 : vector<16xf32>
      %add3A_935 = arith.addf %add3A_934, %mul3A_911 : vector<16xf32>
      %add3A_936 = arith.addf %add3A_935, %mul3A_913 : vector<16xf32>
      %add3A_937 = arith.addf %add3A_936, %mul3A_915 : vector<16xf32>
      %add3A_938 = arith.addf %add3A_937, %mul3A_917 : vector<16xf32>
      %add3A_939 = arith.addf %add3A_938, %mul3A_919 : vector<16xf32>
      %add3A_940 = arith.addf %add3A_939, %mul3A_921 : vector<16xf32>
      %add3A_941 = arith.addf %add3A_940, %mul3A_923 : vector<16xf32>
      %add3A_942 = arith.addf %add3A_941, %mul3A_925 : vector<16xf32>
      %add3A_943 = arith.addf %add3A_942, %mul3A_927 : vector<16xf32>
      %add3A_944 = arith.addf %add3A_943, %mul3A_929 : vector<16xf32>
      %mul3A_945 = arith.constant 16 : i32
      %mul3A_946 = arith.muli %scan3A_93, %mul3A_945 : i32
      %add3A_947 = arith.constant 3328 : i32
      %add3A_948 = arith.addi %add3A_947, %mul3A_946 : i32
      %swap3A_949 = arith.index_cast %add3A_948 : i32 to index
      %swap3A_950 = tpu.vector_load %arg16[%swap3A_949] {strides = array<i32>} : memref<5120xf32, #tpu.memory_space<vmem>>, vector<16xf32>,
      tpu.vector_store %arg16[%swap3A_949], %add3A_944 {strides = array<i32>} : memref<5120xf32, #tpu.memory_space<vmem>>, vector<16xf32>,
      %add3A_951 = arith.constant 14 : i32
      %add3A_952 = vector.broadcast %add3A_951 : i32 to vector<16xi32>
      %add3A_953 = arith.addi %mul3A_101, %add3A_952 : vector<16xi32>
      %gather3A_954 = tpu.vector_load_idx %arg14[%add3A_953, %broadcast_in_dim3A_3] : memref<5120x16xf32, #tpu.memory_space<vmem>>[vector<16xi32>, vector<16xi32>], vector<16xf32>,
      %mul3A_955 = arith.mulf %gather3A, %gather3A_954 : vector<16xf32>
      %gather3A_956 = tpu.vector_load_idx %arg14[%add3A_953, %broadcast_in_dim3A_5] : memref<5120x16xf32, #tpu.memory_space<vmem>>[vector<16xi32>, vector<16xi32>], vector<16xf32>,
      %mul3A_957 = arith.mulf %gather3A_102, %gather3A_956 : vector<16xf32>
      %gather3A_958 = tpu.vector_load_idx %arg14[%add3A_953, %broadcast_in_dim3A_7] : memref<5120x16xf32, #tpu.memory_space<vmem>>[vector<16xi32>, vector<16xi32>], vector<16xf32>,
      %mul3A_959 = arith.mulf %gather3A_103, %gather3A_958 : vector<16xf32>
      %gather3A_960 = tpu.vector_load_idx %arg14[%add3A_953, %broadcast_in_dim3A_9] : memref<5120x16xf32, #tpu.memory_space<vmem>>[vector<16xi32>, vector<16xi32>], vector<16xf32>,
      %mul3A_961 = arith.mulf %gather3A_104, %gather3A_960 : vector<16xf32>
      %gather3A_962 = tpu.vector_load_idx %arg14[%add3A_953, %broadcast_in_dim3A_11] : memref<5120x16xf32, #tpu.memory_space<vmem>>[vector<16xi32>, vector<16xi32>], vector<16xf32>,
      %mul3A_963 = arith.mulf %gather3A_105, %gather3A_962 : vector<16xf32>
      %gather3A_964 = tpu.vector_load_idx %arg14[%add3A_953, %broadcast_in_dim3A_13] : memref<5120x16xf32, #tpu.memory_space<vmem>>[vector<16xi32>, vector<16xi32>], vector<16xf32>,
      %mul3A_965 = arith.mulf %gather3A_106, %gather3A_964 : vector<16xf32>
      %gather3A_966 = tpu.vector_load_idx %arg14[%add3A_953, %broadcast_in_dim3A_15] : memref<5120x16xf32, #tpu.memory_space<vmem>>[vector<16xi32>, vector<16xi32>], vector<16xf32>,
      %mul3A_967 = arith.mulf %gather3A_107, %gather3A_966 : vector<16xf32>
      %gather3A_968 = tpu.vector_load_idx %arg14[%add3A_953, %broadcast_in_dim3A_17] : memref<5120x16xf32, #tpu.memory_space<vmem>>[vector<16xi32>, vector<16xi32>], vector<16xf32>,
      %mul3A_969 = arith.mulf %gather3A_108, %gather3A_968 : vector<16xf32>
      %gather3A_970 = tpu.vector_load_idx %arg14[%add3A_953, %broadcast_in_dim3A_19] : memref<5120x16xf32, #tpu.memory_space<vmem>>[vector<16xi32>, vector<16xi32>], vector<16xf32>,
      %mul3A_971 = arith.mulf %gather3A_109, %gather3A_970 : vector<16xf32>
      %gather3A_972 = tpu.vector_load_idx %arg14[%add3A_953, %broadcast_in_dim3A_21] : memref<5120x16xf32, #tpu.memory_space<vmem>>[vector<16xi32>, vector<16xi32>], vector<16xf32>,
      %mul3A_973 = arith.mulf %gather3A_110, %gather3A_972 : vector<16xf32>
      %gather3A_974 = tpu.vector_load_idx %arg14[%add3A_953, %broadcast_in_dim3A_23] : memref<5120x16xf32, #tpu.memory_space<vmem>>[vector<16xi32>, vector<16xi32>], vector<16xf32>,
      %mul3A_975 = arith.mulf %gather3A_111, %gather3A_974 : vector<16xf32>
      %gather3A_976 = tpu.vector_load_idx %arg14[%add3A_953, %broadcast_in_dim3A_25] : memref<5120x16xf32, #tpu.memory_space<vmem>>[vector<16xi32>, vector<16xi32>], vector<16xf32>,
      %mul3A_977 = arith.mulf %gather3A_112, %gather3A_976 : vector<16xf32>
      %gather3A_978 = tpu.vector_load_idx %arg14[%add3A_953, %broadcast_in_dim3A_27] : memref<5120x16xf32, #tpu.memory_space<vmem>>[vector<16xi32>, vector<16xi32>], vector<16xf32>,
      %mul3A_979 = arith.mulf %gather3A_113, %gather3A_978 : vector<16xf32>
      %gather3A_980 = tpu.vector_load_idx %arg14[%add3A_953, %broadcast_in_dim3A_29] : memref<5120x16xf32, #tpu.memory_space<vmem>>[vector<16xi32>, vector<16xi32>], vector<16xf32>,
      %mul3A_981 = arith.mulf %gather3A_114, %gather3A_980 : vector<16xf32>
      %gather3A_982 = tpu.vector_load_idx %arg14[%add3A_953, %broadcast_in_dim3A_31] : memref<5120x16xf32, #tpu.memory_space<vmem>>[vector<16xi32>, vector<16xi32>], vector<16xf32>,
      %mul3A_983 = arith.mulf %gather3A_115, %gather3A_982 : vector<16xf32>
      %gather3A_984 = tpu.vector_load_idx %arg14[%add3A_953, %broadcast_in_dim3A_33] : memref<5120x16xf32, #tpu.memory_space<vmem>>[vector<16xi32>, vector<16xi32>], vector<16xf32>,
      %mul3A_985 = arith.mulf %gather3A_116, %gather3A_984 : vector<16xf32>
      %add3A_986 = arith.addf %mul3A_955, %mul3A_957 : vector<16xf32>
      %add3A_987 = arith.addf %add3A_986, %mul3A_959 : vector<16xf32>
      %add3A_988 = arith.addf %add3A_987, %mul3A_961 : vector<16xf32>
      %add3A_989 = arith.addf %add3A_988, %mul3A_963 : vector<16xf32>
      %add3A_990 = arith.addf %add3A_989, %mul3A_965 : vector<16xf32>
      %add3A_991 = arith.addf %add3A_990, %mul3A_967 : vector<16xf32>
      %add3A_992 = arith.addf %add3A_991, %mul3A_969 : vector<16xf32>
      %add3A_993 = arith.addf %add3A_992, %mul3A_971 : vector<16xf32>
      %add3A_994 = arith.addf %add3A_993, %mul3A_973 : vector<16xf32>
      %add3A_995 = arith.addf %add3A_994, %mul3A_975 : vector<16xf32>
      %add3A_996 = arith.addf %add3A_995, %mul3A_977 : vector<16xf32>
      %add3A_997 = arith.addf %add3A_996, %mul3A_979 : vector<16xf32>
      %add3A_998 = arith.addf %add3A_997, %mul3A_981 : vector<16xf32>
      %add3A_999 = arith.addf %add3A_998, %mul3A_983 : vector<16xf32>
      %add3A_1000 = arith.addf %add3A_999, %mul3A_985 : vector<16xf32>
      %mul3A_1001 = arith.constant 16 : i32
      %mul3A_1002 = arith.muli %scan3A_93, %mul3A_1001 : i32
      %add3A_1003 = arith.constant 3584 : i32
      %add3A_1004 = arith.addi %add3A_1003, %mul3A_1002 : i32
      %swap3A_1005 = arith.index_cast %add3A_1004 : i32 to index
      %swap3A_1006 = tpu.vector_load %arg16[%swap3A_1005] {strides = array<i32>} : memref<5120xf32, #tpu.memory_space<vmem>>, vector<16xf32>,
      tpu.vector_store %arg16[%swap3A_1005], %add3A_1000 {strides = array<i32>} : memref<5120xf32, #tpu.memory_space<vmem>>, vector<16xf32>,
      %add3A_1007 = arith.constant 15 : i32
      %add3A_1008 = vector.broadcast %add3A_1007 : i32 to vector<16xi32>
      %add3A_1009 = arith.addi %mul3A_101, %add3A_1008 : vector<16xi32>
      %gather3A_1010 = tpu.vector_load_idx %arg14[%add3A_1009, %broadcast_in_dim3A_3] : memref<5120x16xf32, #tpu.memory_space<vmem>>[vector<16xi32>, vector<16xi32>], vector<16xf32>,
      %mul3A_1011 = arith.mulf %gather3A, %gather3A_1010 : vector<16xf32>
      %gather3A_1012 = tpu.vector_load_idx %arg14[%add3A_1009, %broadcast_in_dim3A_5] : memref<5120x16xf32, #tpu.memory_space<vmem>>[vector<16xi32>, vector<16xi32>], vector<16xf32>,
      %mul3A_1013 = arith.mulf %gather3A_102, %gather3A_1012 : vector<16xf32>
      %gather3A_1014 = tpu.vector_load_idx %arg14[%add3A_1009, %broadcast_in_dim3A_7] : memref<5120x16xf32, #tpu.memory_space<vmem>>[vector<16xi32>, vector<16xi32>], vector<16xf32>,
      %mul3A_1015 = arith.mulf %gather3A_103, %gather3A_1014 : vector<16xf32>
      %gather3A_1016 = tpu.vector_load_idx %arg14[%add3A_1009, %broadcast_in_dim3A_9] : memref<5120x16xf32, #tpu.memory_space<vmem>>[vector<16xi32>, vector<16xi32>], vector<16xf32>,
      %mul3A_1017 = arith.mulf %gather3A_104, %gather3A_1016 : vector<16xf32>
      %gather3A_1018 = tpu.vector_load_idx %arg14[%add3A_1009, %broadcast_in_dim3A_11] : memref<5120x16xf32, #tpu.memory_space<vmem>>[vector<16xi32>, vector<16xi32>], vector<16xf32>,
      %mul3A_1019 = arith.mulf %gather3A_105, %gather3A_1018 : vector<16xf32>
      %gather3A_1020 = tpu.vector_load_idx %arg14[%add3A_1009, %broadcast_in_dim3A_13] : memref<5120x16xf32, #tpu.memory_space<vmem>>[vector<16xi32>, vector<16xi32>], vector<16xf32>,
      %mul3A_1021 = arith.mulf %gather3A_106, %gather3A_1020 : vector<16xf32>
      %gather3A_1022 = tpu.vector_load_idx %arg14[%add3A_1009, %broadcast_in_dim3A_15] : memref<5120x16xf32, #tpu.memory_space<vmem>>[vector<16xi32>, vector<16xi32>], vector<16xf32>,
      %mul3A_1023 = arith.mulf %gather3A_107, %gather3A_1022 : vector<16xf32>
      %gather3A_1024 = tpu.vector_load_idx %arg14[%add3A_1009, %broadcast_in_dim3A_17] : memref<5120x16xf32, #tpu.memory_space<vmem>>[vector<16xi32>, vector<16xi32>], vector<16xf32>,
      %mul3A_1025 = arith.mulf %gather3A_108, %gather3A_1024 : vector<16xf32>
      %gather3A_1026 = tpu.vector_load_idx %arg14[%add3A_1009, %broadcast_in_dim3A_19] : memref<5120x16xf32, #tpu.memory_space<vmem>>[vector<16xi32>, vector<16xi32>], vector<16xf32>,
      %mul3A_1027 = arith.mulf %gather3A_109, %gather3A_1026 : vector<16xf32>
      %gather3A_1028 = tpu.vector_load_idx %arg14[%add3A_1009, %broadcast_in_dim3A_21] : memref<5120x16xf32, #tpu.memory_space<vmem>>[vector<16xi32>, vector<16xi32>], vector<16xf32>,
      %mul3A_1029 = arith.mulf %gather3A_110, %gather3A_1028 : vector<16xf32>
      %gather3A_1030 = tpu.vector_load_idx %arg14[%add3A_1009, %broadcast_in_dim3A_23] : memref<5120x16xf32, #tpu.memory_space<vmem>>[vector<16xi32>, vector<16xi32>], vector<16xf32>,
      %mul3A_1031 = arith.mulf %gather3A_111, %gather3A_1030 : vector<16xf32>
      %gather3A_1032 = tpu.vector_load_idx %arg14[%add3A_1009, %broadcast_in_dim3A_25] : memref<5120x16xf32, #tpu.memory_space<vmem>>[vector<16xi32>, vector<16xi32>], vector<16xf32>,
      %mul3A_1033 = arith.mulf %gather3A_112, %gather3A_1032 : vector<16xf32>
      %gather3A_1034 = tpu.vector_load_idx %arg14[%add3A_1009, %broadcast_in_dim3A_27] : memref<5120x16xf32, #tpu.memory_space<vmem>>[vector<16xi32>, vector<16xi32>], vector<16xf32>,
      %mul3A_1035 = arith.mulf %gather3A_113, %gather3A_1034 : vector<16xf32>
      %gather3A_1036 = tpu.vector_load_idx %arg14[%add3A_1009, %broadcast_in_dim3A_29] : memref<5120x16xf32, #tpu.memory_space<vmem>>[vector<16xi32>, vector<16xi32>], vector<16xf32>,
      %mul3A_1037 = arith.mulf %gather3A_114, %gather3A_1036 : vector<16xf32>
      %gather3A_1038 = tpu.vector_load_idx %arg14[%add3A_1009, %broadcast_in_dim3A_31] : memref<5120x16xf32, #tpu.memory_space<vmem>>[vector<16xi32>, vector<16xi32>], vector<16xf32>,
      %mul3A_1039 = arith.mulf %gather3A_115, %gather3A_1038 : vector<16xf32>
      %gather3A_1040 = tpu.vector_load_idx %arg14[%add3A_1009, %broadcast_in_dim3A_33] : memref<5120x16xf32, #tpu.memory_space<vmem>>[vector<16xi32>, vector<16xi32>], vector<16xf32>,
      %mul3A_1041 = arith.mulf %gather3A_116, %gather3A_1040 : vector<16xf32>
      %add3A_1042 = arith.addf %mul3A_1011, %mul3A_1013 : vector<16xf32>
      %add3A_1043 = arith.addf %add3A_1042, %mul3A_1015 : vector<16xf32>
      %add3A_1044 = arith.addf %add3A_1043, %mul3A_1017 : vector<16xf32>
      %add3A_1045 = arith.addf %add3A_1044, %mul3A_1019 : vector<16xf32>
      %add3A_1046 = arith.addf %add3A_1045, %mul3A_1021 : vector<16xf32>
      %add3A_1047 = arith.addf %add3A_1046, %mul3A_1023 : vector<16xf32>
      %add3A_1048 = arith.addf %add3A_1047, %mul3A_1025 : vector<16xf32>
      %add3A_1049 = arith.addf %add3A_1048, %mul3A_1027 : vector<16xf32>
      %add3A_1050 = arith.addf %add3A_1049, %mul3A_1029 : vector<16xf32>
      %add3A_1051 = arith.addf %add3A_1050, %mul3A_1031 : vector<16xf32>
      %add3A_1052 = arith.addf %add3A_1051, %mul3A_1033 : vector<16xf32>
      %add3A_1053 = arith.addf %add3A_1052, %mul3A_1035 : vector<16xf32>
      %add3A_1054 = arith.addf %add3A_1053, %mul3A_1037 : vector<16xf32>
      %add3A_1055 = arith.addf %add3A_1054, %mul3A_1039 : vector<16xf32>
      %add3A_1056 = arith.addf %add3A_1055, %mul3A_1041 : vector<16xf32>
      %mul3A_1057 = arith.constant 16 : i32
      %mul3A_1058 = arith.muli %scan3A_93, %mul3A_1057 : i32
      %add3A_1059 = arith.constant 3840 : i32
      %add3A_1060 = arith.addi %add3A_1059, %mul3A_1058 : i32
      %swap3A_1061 = arith.index_cast %add3A_1060 : i32 to index
      %swap3A_1062 = tpu.vector_load %arg16[%swap3A_1061] {strides = array<i32>} : memref<5120xf32, #tpu.memory_space<vmem>>, vector<16xf32>,
      tpu.vector_store %arg16[%swap3A_1061], %add3A_1056 {strides = array<i32>} : memref<5120xf32, #tpu.memory_space<vmem>>, vector<16xf32>,
      %add3A_1063 = arith.constant 16 : i32
      %add3A_1064 = vector.broadcast %add3A_1063 : i32 to vector<16xi32>
      %add3A_1065 = arith.addi %mul3A_101, %add3A_1064 : vector<16xi32>
      %gather3A_1066 = tpu.vector_load_idx %arg14[%add3A_1065, %broadcast_in_dim3A_3] : memref<5120x16xf32, #tpu.memory_space<vmem>>[vector<16xi32>, vector<16xi32>], vector<16xf32>,
      %mul3A_1067 = arith.mulf %gather3A, %gather3A_1066 : vector<16xf32>
      %gather3A_1068 = tpu.vector_load_idx %arg14[%add3A_1065, %broadcast_in_dim3A_5] : memref<5120x16xf32, #tpu.memory_space<vmem>>[vector<16xi32>, vector<16xi32>], vector<16xf32>,
      %mul3A_1069 = arith.mulf %gather3A_102, %gather3A_1068 : vector<16xf32>
      %gather3A_1070 = tpu.vector_load_idx %arg14[%add3A_1065, %broadcast_in_dim3A_7] : memref<5120x16xf32, #tpu.memory_space<vmem>>[vector<16xi32>, vector<16xi32>], vector<16xf32>,
      %mul3A_1071 = arith.mulf %gather3A_103, %gather3A_1070 : vector<16xf32>
      %gather3A_1072 = tpu.vector_load_idx %arg14[%add3A_1065, %broadcast_in_dim3A_9] : memref<5120x16xf32, #tpu.memory_space<vmem>>[vector<16xi32>, vector<16xi32>], vector<16xf32>,
      %mul3A_1073 = arith.mulf %gather3A_104, %gather3A_1072 : vector<16xf32>
      %gather3A_1074 = tpu.vector_load_idx %arg14[%add3A_1065, %broadcast_in_dim3A_11] : memref<5120x16xf32, #tpu.memory_space<vmem>>[vector<16xi32>, vector<16xi32>], vector<16xf32>,
      %mul3A_1075 = arith.mulf %gather3A_105, %gather3A_1074 : vector<16xf32>
      %gather3A_1076 = tpu.vector_load_idx %arg14[%add3A_1065, %broadcast_in_dim3A_13] : memref<5120x16xf32, #tpu.memory_space<vmem>>[vector<16xi32>, vector<16xi32>], vector<16xf32>,
      %mul3A_1077 = arith.mulf %gather3A_106, %gather3A_1076 : vector<16xf32>
      %gather3A_1078 = tpu.vector_load_idx %arg14[%add3A_1065, %broadcast_in_dim3A_15] : memref<5120x16xf32, #tpu.memory_space<vmem>>[vector<16xi32>, vector<16xi32>], vector<16xf32>,
      %mul3A_1079 = arith.mulf %gather3A_107, %gather3A_1078 : vector<16xf32>
      %gather3A_1080 = tpu.vector_load_idx %arg14[%add3A_1065, %broadcast_in_dim3A_17] : memref<5120x16xf32, #tpu.memory_space<vmem>>[vector<16xi32>, vector<16xi32>], vector<16xf32>,
      %mul3A_1081 = arith.mulf %gather3A_108, %gather3A_1080 : vector<16xf32>
      %gather3A_1082 = tpu.vector_load_idx %arg14[%add3A_1065, %broadcast_in_dim3A_19] : memref<5120x16xf32, #tpu.memory_space<vmem>>[vector<16xi32>, vector<16xi32>], vector<16xf32>,
      %mul3A_1083 = arith.mulf %gather3A_109, %gather3A_1082 : vector<16xf32>
      %gather3A_1084 = tpu.vector_load_idx %arg14[%add3A_1065, %broadcast_in_dim3A_21] : memref<5120x16xf32, #tpu.memory_space<vmem>>[vector<16xi32>, vector<16xi32>], vector<16xf32>,
      %mul3A_1085 = arith.mulf %gather3A_110, %gather3A_1084 : vector<16xf32>
      %gather3A_1086 = tpu.vector_load_idx %arg14[%add3A_1065, %broadcast_in_dim3A_23] : memref<5120x16xf32, #tpu.memory_space<vmem>>[vector<16xi32>, vector<16xi32>], vector<16xf32>,
      %mul3A_1087 = arith.mulf %gather3A_111, %gather3A_1086 : vector<16xf32>
      %gather3A_1088 = tpu.vector_load_idx %arg14[%add3A_1065, %broadcast_in_dim3A_25] : memref<5120x16xf32, #tpu.memory_space<vmem>>[vector<16xi32>, vector<16xi32>], vector<16xf32>,
      %mul3A_1089 = arith.mulf %gather3A_112, %gather3A_1088 : vector<16xf32>
      %gather3A_1090 = tpu.vector_load_idx %arg14[%add3A_1065, %broadcast_in_dim3A_27] : memref<5120x16xf32, #tpu.memory_space<vmem>>[vector<16xi32>, vector<16xi32>], vector<16xf32>,
      %mul3A_1091 = arith.mulf %gather3A_113, %gather3A_1090 : vector<16xf32>
      %gather3A_1092 = tpu.vector_load_idx %arg14[%add3A_1065, %broadcast_in_dim3A_29] : memref<5120x16xf32, #tpu.memory_space<vmem>>[vector<16xi32>, vector<16xi32>], vector<16xf32>,
      %mul3A_1093 = arith.mulf %gather3A_114, %gather3A_1092 : vector<16xf32>
      %gather3A_1094 = tpu.vector_load_idx %arg14[%add3A_1065, %broadcast_in_dim3A_31] : memref<5120x16xf32, #tpu.memory_space<vmem>>[vector<16xi32>, vector<16xi32>], vector<16xf32>,
      %mul3A_1095 = arith.mulf %gather3A_115, %gather3A_1094 : vector<16xf32>
      %gather3A_1096 = tpu.vector_load_idx %arg14[%add3A_1065, %broadcast_in_dim3A_33] : memref<5120x16xf32, #tpu.memory_space<vmem>>[vector<16xi32>, vector<16xi32>], vector<16xf32>,
      %mul3A_1097 = arith.mulf %gather3A_116, %gather3A_1096 : vector<16xf32>
      %add3A_1098 = arith.addf %mul3A_1067, %mul3A_1069 : vector<16xf32>
      %add3A_1099 = arith.addf %add3A_1098, %mul3A_1071 : vector<16xf32>
      %add3A_1100 = arith.addf %add3A_1099, %mul3A_1073 : vector<16xf32>
      %add3A_1101 = arith.addf %add3A_1100, %mul3A_1075 : vector<16xf32>
      %add3A_1102 = arith.addf %add3A_1101, %mul3A_1077 : vector<16xf32>
      %add3A_1103 = arith.addf %add3A_1102, %mul3A_1079 : vector<16xf32>
      %add3A_1104 = arith.addf %add3A_1103, %mul3A_1081 : vector<16xf32>
      %add3A_1105 = arith.addf %add3A_1104, %mul3A_1083 : vector<16xf32>
      %add3A_1106 = arith.addf %add3A_1105, %mul3A_1085 : vector<16xf32>
      %add3A_1107 = arith.addf %add3A_1106, %mul3A_1087 : vector<16xf32>
      %add3A_1108 = arith.addf %add3A_1107, %mul3A_1089 : vector<16xf32>
      %add3A_1109 = arith.addf %add3A_1108, %mul3A_1091 : vector<16xf32>
      %add3A_1110 = arith.addf %add3A_1109, %mul3A_1093 : vector<16xf32>
      %add3A_1111 = arith.addf %add3A_1110, %mul3A_1095 : vector<16xf32>
      %add3A_1112 = arith.addf %add3A_1111, %mul3A_1097 : vector<16xf32>
      %mul3A_1113 = arith.constant 16 : i32
      %mul3A_1114 = arith.muli %scan3A_93, %mul3A_1113 : i32
      %add3A_1115 = arith.constant 4096 : i32
      %add3A_1116 = arith.addi %add3A_1115, %mul3A_1114 : i32
      %swap3A_1117 = arith.index_cast %add3A_1116 : i32 to index
      %swap3A_1118 = tpu.vector_load %arg16[%swap3A_1117] {strides = array<i32>} : memref<5120xf32, #tpu.memory_space<vmem>>, vector<16xf32>,
      tpu.vector_store %arg16[%swap3A_1117], %add3A_1112 {strides = array<i32>} : memref<5120xf32, #tpu.memory_space<vmem>>, vector<16xf32>,
      %add3A_1119 = arith.constant 17 : i32
      %add3A_1120 = vector.broadcast %add3A_1119 : i32 to vector<16xi32>
      %add3A_1121 = arith.addi %mul3A_101, %add3A_1120 : vector<16xi32>
      %gather3A_1122 = tpu.vector_load_idx %arg14[%add3A_1121, %broadcast_in_dim3A_3] : memref<5120x16xf32, #tpu.memory_space<vmem>>[vector<16xi32>, vector<16xi32>], vector<16xf32>,
      %mul3A_1123 = arith.mulf %gather3A, %gather3A_1122 : vector<16xf32>
      %gather3A_1124 = tpu.vector_load_idx %arg14[%add3A_1121, %broadcast_in_dim3A_5] : memref<5120x16xf32, #tpu.memory_space<vmem>>[vector<16xi32>, vector<16xi32>], vector<16xf32>,
      %mul3A_1125 = arith.mulf %gather3A_102, %gather3A_1124 : vector<16xf32>
      %gather3A_1126 = tpu.vector_load_idx %arg14[%add3A_1121, %broadcast_in_dim3A_7] : memref<5120x16xf32, #tpu.memory_space<vmem>>[vector<16xi32>, vector<16xi32>], vector<16xf32>,
      %mul3A_1127 = arith.mulf %gather3A_103, %gather3A_1126 : vector<16xf32>
      %gather3A_1128 = tpu.vector_load_idx %arg14[%add3A_1121, %broadcast_in_dim3A_9] : memref<5120x16xf32, #tpu.memory_space<vmem>>[vector<16xi32>, vector<16xi32>], vector<16xf32>,
      %mul3A_1129 = arith.mulf %gather3A_104, %gather3A_1128 : vector<16xf32>
      %gather3A_1130 = tpu.vector_load_idx %arg14[%add3A_1121, %broadcast_in_dim3A_11] : memref<5120x16xf32, #tpu.memory_space<vmem>>[vector<16xi32>, vector<16xi32>], vector<16xf32>,
      %mul3A_1131 = arith.mulf %gather3A_105, %gather3A_1130 : vector<16xf32>
      %gather3A_1132 = tpu.vector_load_idx %arg14[%add3A_1121, %broadcast_in_dim3A_13] : memref<5120x16xf32, #tpu.memory_space<vmem>>[vector<16xi32>, vector<16xi32>], vector<16xf32>,
      %mul3A_1133 = arith.mulf %gather3A_106, %gather3A_1132 : vector<16xf32>
      %gather3A_1134 = tpu.vector_load_idx %arg14[%add3A_1121, %broadcast_in_dim3A_15] : memref<5120x16xf32, #tpu.memory_space<vmem>>[vector<16xi32>, vector<16xi32>], vector<16xf32>,
      %mul3A_1135 = arith.mulf %gather3A_107, %gather3A_1134 : vector<16xf32>
      %gather3A_1136 = tpu.vector_load_idx %arg14[%add3A_1121, %broadcast_in_dim3A_17] : memref<5120x16xf32, #tpu.memory_space<vmem>>[vector<16xi32>, vector<16xi32>], vector<16xf32>,
      %mul3A_1137 = arith.mulf %gather3A_108, %gather3A_1136 : vector<16xf32>
      %gather3A_1138 = tpu.vector_load_idx %arg14[%add3A_1121, %broadcast_in_dim3A_19] : memref<5120x16xf32, #tpu.memory_space<vmem>>[vector<16xi32>, vector<16xi32>], vector<16xf32>,
      %mul3A_1139 = arith.mulf %gather3A_109, %gather3A_1138 : vector<16xf32>
      %gather3A_1140 = tpu.vector_load_idx %arg14[%add3A_1121, %broadcast_in_dim3A_21] : memref<5120x16xf32, #tpu.memory_space<vmem>>[vector<16xi32>, vector<16xi32>], vector<16xf32>,
      %mul3A_1141 = arith.mulf %gather3A_110, %gather3A_1140 : vector<16xf32>
      %gather3A_1142 = tpu.vector_load_idx %arg14[%add3A_1121, %broadcast_in_dim3A_23] : memref<5120x16xf32, #tpu.memory_space<vmem>>[vector<16xi32>, vector<16xi32>], vector<16xf32>,
      %mul3A_1143 = arith.mulf %gather3A_111, %gather3A_1142 : vector<16xf32>
      %gather3A_1144 = tpu.vector_load_idx %arg14[%add3A_1121, %broadcast_in_dim3A_25] : memref<5120x16xf32, #tpu.memory_space<vmem>>[vector<16xi32>, vector<16xi32>], vector<16xf32>,
      %mul3A_1145 = arith.mulf %gather3A_112, %gather3A_1144 : vector<16xf32>
      %gather3A_1146 = tpu.vector_load_idx %arg14[%add3A_1121, %broadcast_in_dim3A_27] : memref<5120x16xf32, #tpu.memory_space<vmem>>[vector<16xi32>, vector<16xi32>], vector<16xf32>,
      %mul3A_1147 = arith.mulf %gather3A_113, %gather3A_1146 : vector<16xf32>
      %gather3A_1148 = tpu.vector_load_idx %arg14[%add3A_1121, %broadcast_in_dim3A_29] : memref<5120x16xf32, #tpu.memory_space<vmem>>[vector<16xi32>, vector<16xi32>], vector<16xf32>,
      %mul3A_1149 = arith.mulf %gather3A_114, %gather3A_1148 : vector<16xf32>
      %gather3A_1150 = tpu.vector_load_idx %arg14[%add3A_1121, %broadcast_in_dim3A_31] : memref<5120x16xf32, #tpu.memory_space<vmem>>[vector<16xi32>, vector<16xi32>], vector<16xf32>,
      %mul3A_1151 = arith.mulf %gather3A_115, %gather3A_1150 : vector<16xf32>
      %gather3A_1152 = tpu.vector_load_idx %arg14[%add3A_1121, %broadcast_in_dim3A_33] : memref<5120x16xf32, #tpu.memory_space<vmem>>[vector<16xi32>, vector<16xi32>], vector<16xf32>,
      %mul3A_1153 = arith.mulf %gather3A_116, %gather3A_1152 : vector<16xf32>
      %add3A_1154 = arith.addf %mul3A_1123, %mul3A_1125 : vector<16xf32>
      %add3A_1155 = arith.addf %add3A_1154, %mul3A_1127 : vector<16xf32>
      %add3A_1156 = arith.addf %add3A_1155, %mul3A_1129 : vector<16xf32>
      %add3A_1157 = arith.addf %add3A_1156, %mul3A_1131 : vector<16xf32>
      %add3A_1158 = arith.addf %add3A_1157, %mul3A_1133 : vector<16xf32>
      %add3A_1159 = arith.addf %add3A_1158, %mul3A_1135 : vector<16xf32>
      %add3A_1160 = arith.addf %add3A_1159, %mul3A_1137 : vector<16xf32>
      %add3A_1161 = arith.addf %add3A_1160, %mul3A_1139 : vector<16xf32>
      %add3A_1162 = arith.addf %add3A_1161, %mul3A_1141 : vector<16xf32>
      %add3A_1163 = arith.addf %add3A_1162, %mul3A_1143 : vector<16xf32>
      %add3A_1164 = arith.addf %add3A_1163, %mul3A_1145 : vector<16xf32>
      %add3A_1165 = arith.addf %add3A_1164, %mul3A_1147 : vector<16xf32>
      %add3A_1166 = arith.addf %add3A_1165, %mul3A_1149 : vector<16xf32>
      %add3A_1167 = arith.addf %add3A_1166, %mul3A_1151 : vector<16xf32>
      %add3A_1168 = arith.addf %add3A_1167, %mul3A_1153 : vector<16xf32>
      %mul3A_1169 = arith.constant 16 : i32
      %mul3A_1170 = arith.muli %scan3A_93, %mul3A_1169 : i32
      %add3A_1171 = arith.constant 4352 : i32
      %add3A_1172 = arith.addi %add3A_1171, %mul3A_1170 : i32
      %swap3A_1173 = arith.index_cast %add3A_1172 : i32 to index
      %swap3A_1174 = tpu.vector_load %arg16[%swap3A_1173] {strides = array<i32>} : memref<5120xf32, #tpu.memory_space<vmem>>, vector<16xf32>,
      tpu.vector_store %arg16[%swap3A_1173], %add3A_1168 {strides = array<i32>} : memref<5120xf32, #tpu.memory_space<vmem>>, vector<16xf32>,
      %add3A_1175 = arith.constant 18 : i32
      %add3A_1176 = vector.broadcast %add3A_1175 : i32 to vector<16xi32>
      %add3A_1177 = arith.addi %mul3A_101, %add3A_1176 : vector<16xi32>
      %gather3A_1178 = tpu.vector_load_idx %arg14[%add3A_1177, %broadcast_in_dim3A_3] : memref<5120x16xf32, #tpu.memory_space<vmem>>[vector<16xi32>, vector<16xi32>], vector<16xf32>,
      %mul3A_1179 = arith.mulf %gather3A, %gather3A_1178 : vector<16xf32>
      %gather3A_1180 = tpu.vector_load_idx %arg14[%add3A_1177, %broadcast_in_dim3A_5] : memref<5120x16xf32, #tpu.memory_space<vmem>>[vector<16xi32>, vector<16xi32>], vector<16xf32>,
      %mul3A_1181 = arith.mulf %gather3A_102, %gather3A_1180 : vector<16xf32>
      %gather3A_1182 = tpu.vector_load_idx %arg14[%add3A_1177, %broadcast_in_dim3A_7] : memref<5120x16xf32, #tpu.memory_space<vmem>>[vector<16xi32>, vector<16xi32>], vector<16xf32>,
      %mul3A_1183 = arith.mulf %gather3A_103, %gather3A_1182 : vector<16xf32>
      %gather3A_1184 = tpu.vector_load_idx %arg14[%add3A_1177, %broadcast_in_dim3A_9] : memref<5120x16xf32, #tpu.memory_space<vmem>>[vector<16xi32>, vector<16xi32>], vector<16xf32>,
      %mul3A_1185 = arith.mulf %gather3A_104, %gather3A_1184 : vector<16xf32>
      %gather3A_1186 = tpu.vector_load_idx %arg14[%add3A_1177, %broadcast_in_dim3A_11] : memref<5120x16xf32, #tpu.memory_space<vmem>>[vector<16xi32>, vector<16xi32>], vector<16xf32>,
      %mul3A_1187 = arith.mulf %gather3A_105, %gather3A_1186 : vector<16xf32>
      %gather3A_1188 = tpu.vector_load_idx %arg14[%add3A_1177, %broadcast_in_dim3A_13] : memref<5120x16xf32, #tpu.memory_space<vmem>>[vector<16xi32>, vector<16xi32>], vector<16xf32>,
      %mul3A_1189 = arith.mulf %gather3A_106, %gather3A_1188 : vector<16xf32>
      %gather3A_1190 = tpu.vector_load_idx %arg14[%add3A_1177, %broadcast_in_dim3A_15] : memref<5120x16xf32, #tpu.memory_space<vmem>>[vector<16xi32>, vector<16xi32>], vector<16xf32>,
      %mul3A_1191 = arith.mulf %gather3A_107, %gather3A_1190 : vector<16xf32>
      %gather3A_1192 = tpu.vector_load_idx %arg14[%add3A_1177, %broadcast_in_dim3A_17] : memref<5120x16xf32, #tpu.memory_space<vmem>>[vector<16xi32>, vector<16xi32>], vector<16xf32>,
      %mul3A_1193 = arith.mulf %gather3A_108, %gather3A_1192 : vector<16xf32>
      %gather3A_1194 = tpu.vector_load_idx %arg14[%add3A_1177, %broadcast_in_dim3A_19] : memref<5120x16xf32, #tpu.memory_space<vmem>>[vector<16xi32>, vector<16xi32>], vector<16xf32>,
      %mul3A_1195 = arith.mulf %gather3A_109, %gather3A_1194 : vector<16xf32>
      %gather3A_1196 = tpu.vector_load_idx %arg14[%add3A_1177, %broadcast_in_dim3A_21] : memref<5120x16xf32, #tpu.memory_space<vmem>>[vector<16xi32>, vector<16xi32>], vector<16xf32>,
      %mul3A_1197 = arith.mulf %gather3A_110, %gather3A_1196 : vector<16xf32>
      %gather3A_1198 = tpu.vector_load_idx %arg14[%add3A_1177, %broadcast_in_dim3A_23] : memref<5120x16xf32, #tpu.memory_space<vmem>>[vector<16xi32>, vector<16xi32>], vector<16xf32>,
      %mul3A_1199 = arith.mulf %gather3A_111, %gather3A_1198 : vector<16xf32>
      %gather3A_1200 = tpu.vector_load_idx %arg14[%add3A_1177, %broadcast_in_dim3A_25] : memref<5120x16xf32, #tpu.memory_space<vmem>>[vector<16xi32>, vector<16xi32>], vector<16xf32>,
      %mul3A_1201 = arith.mulf %gather3A_112, %gather3A_1200 : vector<16xf32>
      %gather3A_1202 = tpu.vector_load_idx %arg14[%add3A_1177, %broadcast_in_dim3A_27] : memref<5120x16xf32, #tpu.memory_space<vmem>>[vector<16xi32>, vector<16xi32>], vector<16xf32>,
      %mul3A_1203 = arith.mulf %gather3A_113, %gather3A_1202 : vector<16xf32>
      %gather3A_1204 = tpu.vector_load_idx %arg14[%add3A_1177, %broadcast_in_dim3A_29] : memref<5120x16xf32, #tpu.memory_space<vmem>>[vector<16xi32>, vector<16xi32>], vector<16xf32>,
      %mul3A_1205 = arith.mulf %gather3A_114, %gather3A_1204 : vector<16xf32>
      %gather3A_1206 = tpu.vector_load_idx %arg14[%add3A_1177, %broadcast_in_dim3A_31] : memref<5120x16xf32, #tpu.memory_space<vmem>>[vector<16xi32>, vector<16xi32>], vector<16xf32>,
      %mul3A_1207 = arith.mulf %gather3A_115, %gather3A_1206 : vector<16xf32>
      %gather3A_1208 = tpu.vector_load_idx %arg14[%add3A_1177, %broadcast_in_dim3A_33] : memref<5120x16xf32, #tpu.memory_space<vmem>>[vector<16xi32>, vector<16xi32>], vector<16xf32>,
      %mul3A_1209 = arith.mulf %gather3A_116, %gather3A_1208 : vector<16xf32>
      %add3A_1210 = arith.addf %mul3A_1179, %mul3A_1181 : vector<16xf32>
      %add3A_1211 = arith.addf %add3A_1210, %mul3A_1183 : vector<16xf32>
      %add3A_1212 = arith.addf %add3A_1211, %mul3A_1185 : vector<16xf32>
      %add3A_1213 = arith.addf %add3A_1212, %mul3A_1187 : vector<16xf32>
      %add3A_1214 = arith.addf %add3A_1213, %mul3A_1189 : vector<16xf32>
      %add3A_1215 = arith.addf %add3A_1214, %mul3A_1191 : vector<16xf32>
      %add3A_1216 = arith.addf %add3A_1215, %mul3A_1193 : vector<16xf32>
      %add3A_1217 = arith.addf %add3A_1216, %mul3A_1195 : vector<16xf32>
      %add3A_1218 = arith.addf %add3A_1217, %mul3A_1197 : vector<16xf32>
      %add3A_1219 = arith.addf %add3A_1218, %mul3A_1199 : vector<16xf32>
      %add3A_1220 = arith.addf %add3A_1219, %mul3A_1201 : vector<16xf32>
      %add3A_1221 = arith.addf %add3A_1220, %mul3A_1203 : vector<16xf32>
      %add3A_1222 = arith.addf %add3A_1221, %mul3A_1205 : vector<16xf32>
      %add3A_1223 = arith.addf %add3A_1222, %mul3A_1207 : vector<16xf32>
      %add3A_1224 = arith.addf %add3A_1223, %mul3A_1209 : vector<16xf32>
      %mul3A_1225 = arith.constant 16 : i32
      %mul3A_1226 = arith.muli %scan3A_93, %mul3A_1225 : i32
      %add3A_1227 = arith.constant 4608 : i32
      %add3A_1228 = arith.addi %add3A_1227, %mul3A_1226 : i32
      %swap3A_1229 = arith.index_cast %add3A_1228 : i32 to index
      %swap3A_1230 = tpu.vector_load %arg16[%swap3A_1229] {strides = array<i32>} : memref<5120xf32, #tpu.memory_space<vmem>>, vector<16xf32>,
      tpu.vector_store %arg16[%swap3A_1229], %add3A_1224 {strides = array<i32>} : memref<5120xf32, #tpu.memory_space<vmem>>, vector<16xf32>,
      %add3A_1231 = arith.constant 19 : i32
      %add3A_1232 = vector.broadcast %add3A_1231 : i32 to vector<16xi32>
      %add3A_1233 = arith.addi %mul3A_101, %add3A_1232 : vector<16xi32>
      %gather3A_1234 = tpu.vector_load_idx %arg14[%add3A_1233, %broadcast_in_dim3A_3] : memref<5120x16xf32, #tpu.memory_space<vmem>>[vector<16xi32>, vector<16xi32>], vector<16xf32>,
      %mul3A_1235 = arith.mulf %gather3A, %gather3A_1234 : vector<16xf32>
      %gather3A_1236 = tpu.vector_load_idx %arg14[%add3A_1233, %broadcast_in_dim3A_5] : memref<5120x16xf32, #tpu.memory_space<vmem>>[vector<16xi32>, vector<16xi32>], vector<16xf32>,
      %mul3A_1237 = arith.mulf %gather3A_102, %gather3A_1236 : vector<16xf32>
      %gather3A_1238 = tpu.vector_load_idx %arg14[%add3A_1233, %broadcast_in_dim3A_7] : memref<5120x16xf32, #tpu.memory_space<vmem>>[vector<16xi32>, vector<16xi32>], vector<16xf32>,
      %mul3A_1239 = arith.mulf %gather3A_103, %gather3A_1238 : vector<16xf32>
      %gather3A_1240 = tpu.vector_load_idx %arg14[%add3A_1233, %broadcast_in_dim3A_9] : memref<5120x16xf32, #tpu.memory_space<vmem>>[vector<16xi32>, vector<16xi32>], vector<16xf32>,
      %mul3A_1241 = arith.mulf %gather3A_104, %gather3A_1240 : vector<16xf32>
      %gather3A_1242 = tpu.vector_load_idx %arg14[%add3A_1233, %broadcast_in_dim3A_11] : memref<5120x16xf32, #tpu.memory_space<vmem>>[vector<16xi32>, vector<16xi32>], vector<16xf32>,
      %mul3A_1243 = arith.mulf %gather3A_105, %gather3A_1242 : vector<16xf32>
      %gather3A_1244 = tpu.vector_load_idx %arg14[%add3A_1233, %broadcast_in_dim3A_13] : memref<5120x16xf32, #tpu.memory_space<vmem>>[vector<16xi32>, vector<16xi32>], vector<16xf32>,
      %mul3A_1245 = arith.mulf %gather3A_106, %gather3A_1244 : vector<16xf32>
      %gather3A_1246 = tpu.vector_load_idx %arg14[%add3A_1233, %broadcast_in_dim3A_15] : memref<5120x16xf32, #tpu.memory_space<vmem>>[vector<16xi32>, vector<16xi32>], vector<16xf32>,
      %mul3A_1247 = arith.mulf %gather3A_107, %gather3A_1246 : vector<16xf32>
      %gather3A_1248 = tpu.vector_load_idx %arg14[%add3A_1233, %broadcast_in_dim3A_17] : memref<5120x16xf32, #tpu.memory_space<vmem>>[vector<16xi32>, vector<16xi32>], vector<16xf32>,
      %mul3A_1249 = arith.mulf %gather3A_108, %gather3A_1248 : vector<16xf32>
      %gather3A_1250 = tpu.vector_load_idx %arg14[%add3A_1233, %broadcast_in_dim3A_19] : memref<5120x16xf32, #tpu.memory_space<vmem>>[vector<16xi32>, vector<16xi32>], vector<16xf32>,
      %mul3A_1251 = arith.mulf %gather3A_109, %gather3A_1250 : vector<16xf32>
      %gather3A_1252 = tpu.vector_load_idx %arg14[%add3A_1233, %broadcast_in_dim3A_21] : memref<5120x16xf32, #tpu.memory_space<vmem>>[vector<16xi32>, vector<16xi32>], vector<16xf32>,
      %mul3A_1253 = arith.mulf %gather3A_110, %gather3A_1252 : vector<16xf32>
      %gather3A_1254 = tpu.vector_load_idx %arg14[%add3A_1233, %broadcast_in_dim3A_23] : memref<5120x16xf32, #tpu.memory_space<vmem>>[vector<16xi32>, vector<16xi32>], vector<16xf32>,
      %mul3A_1255 = arith.mulf %gather3A_111, %gather3A_1254 : vector<16xf32>
      %gather3A_1256 = tpu.vector_load_idx %arg14[%add3A_1233, %broadcast_in_dim3A_25] : memref<5120x16xf32, #tpu.memory_space<vmem>>[vector<16xi32>, vector<16xi32>], vector<16xf32>,
      %mul3A_1257 = arith.mulf %gather3A_112, %gather3A_1256 : vector<16xf32>
      %gather3A_1258 = tpu.vector_load_idx %arg14[%add3A_1233, %broadcast_in_dim3A_27] : memref<5120x16xf32, #tpu.memory_space<vmem>>[vector<16xi32>, vector<16xi32>], vector<16xf32>,
      %mul3A_1259 = arith.mulf %gather3A_113, %gather3A_1258 : vector<16xf32>
      %gather3A_1260 = tpu.vector_load_idx %arg14[%add3A_1233, %broadcast_in_dim3A_29] : memref<5120x16xf32, #tpu.memory_space<vmem>>[vector<16xi32>, vector<16xi32>], vector<16xf32>,
      %mul3A_1261 = arith.mulf %gather3A_114, %gather3A_1260 : vector<16xf32>
      %gather3A_1262 = tpu.vector_load_idx %arg14[%add3A_1233, %broadcast_in_dim3A_31] : memref<5120x16xf32, #tpu.memory_space<vmem>>[vector<16xi32>, vector<16xi32>], vector<16xf32>,
      %mul3A_1263 = arith.mulf %gather3A_115, %gather3A_1262 : vector<16xf32>
      %gather3A_1264 = tpu.vector_load_idx %arg14[%add3A_1233, %broadcast_in_dim3A_33] : memref<5120x16xf32, #tpu.memory_space<vmem>>[vector<16xi32>, vector<16xi32>], vector<16xf32>,
      %mul3A_1265 = arith.mulf %gather3A_116, %gather3A_1264 : vector<16xf32>
      %add3A_1266 = arith.addf %mul3A_1235, %mul3A_1237 : vector<16xf32>
      %add3A_1267 = arith.addf %add3A_1266, %mul3A_1239 : vector<16xf32>
      %add3A_1268 = arith.addf %add3A_1267, %mul3A_1241 : vector<16xf32>
      %add3A_1269 = arith.addf %add3A_1268, %mul3A_1243 : vector<16xf32>
      %add3A_1270 = arith.addf %add3A_1269, %mul3A_1245 : vector<16xf32>
      %add3A_1271 = arith.addf %add3A_1270, %mul3A_1247 : vector<16xf32>
      %add3A_1272 = arith.addf %add3A_1271, %mul3A_1249 : vector<16xf32>
      %add3A_1273 = arith.addf %add3A_1272, %mul3A_1251 : vector<16xf32>
      %add3A_1274 = arith.addf %add3A_1273, %mul3A_1253 : vector<16xf32>
      %add3A_1275 = arith.addf %add3A_1274, %mul3A_1255 : vector<16xf32>
      %add3A_1276 = arith.addf %add3A_1275, %mul3A_1257 : vector<16xf32>
      %add3A_1277 = arith.addf %add3A_1276, %mul3A_1259 : vector<16xf32>
      %add3A_1278 = arith.addf %add3A_1277, %mul3A_1261 : vector<16xf32>
      %add3A_1279 = arith.addf %add3A_1278, %mul3A_1263 : vector<16xf32>
      %add3A_1280 = arith.addf %add3A_1279, %mul3A_1265 : vector<16xf32>
      %mul3A_1281 = arith.constant 16 : i32
      %mul3A_1282 = arith.muli %scan3A_93, %mul3A_1281 : i32
      %add3A_1283 = arith.constant 4864 : i32
      %add3A_1284 = arith.addi %add3A_1283, %mul3A_1282 : i32
      %swap3A_1285 = arith.index_cast %add3A_1284 : i32 to index
      %swap3A_1286 = tpu.vector_load %arg16[%swap3A_1285] {strides = array<i32>} : memref<5120xf32, #tpu.memory_space<vmem>>, vector<16xf32>,
      tpu.vector_store %arg16[%swap3A_1285], %add3A_1280 {strides = array<i32>} : memref<5120xf32, #tpu.memory_space<vmem>>, vector<16xf32>,
      %scan3A_1287 = arith.constant 0 : i32
      scf.yield %scan3A_1287 : i32
    }
    %scan3A_92 = arith.constant 16 : i32
    "tpu.region"() ({
      %run_scoped3A = tpu.sem_alloc : memref<!tpu.dma_semaphore, #tpu.memory_space<semaphore_mem>>
      %dma_start3A_93 = tpu.memref_slice %arg7[%multiple_of3A_64] : memref<16384xf32, #tpu.memory_space<hbm>> -> memref<256xf32, #tpu.memory_space<hbm>>
      %dma_start3A_94 = tpu.memref_slice %arg7[%multiple_of3A_64] : memref<16384xf32, #tpu.memory_space<hbm>> -> memref<256xf32, #tpu.memory_space<hbm>>
      tpu.enqueue_dma source(%arg15 : memref<256xf32, #tpu.memory_space<vmem>>) target(%dma_start3A_94 : memref<256xf32, #tpu.memory_space<hbm>>) target_semaphore(%run_scoped3A : memref<!tpu.dma_semaphore, #tpu.memory_space<semaphore_mem>>)
      %dma_wait3A_95 = tpu.memref_slice %arg7[%multiple_of3A_64] : memref<16384xf32, #tpu.memory_space<hbm>> -> memref<256xf32, #tpu.memory_space<hbm>>
      %dma_wait3A_96 = tpu.memref_slice %arg7[%multiple_of3A_64] : memref<16384xf32, #tpu.memory_space<hbm>> -> memref<256xf32, #tpu.memory_space<hbm>>
      tpu.wait_dma2 semaphore(%run_scoped3A : memref<!tpu.dma_semaphore, #tpu.memory_space<semaphore_mem>>) src(%arg15 : memref<256xf32, #tpu.memory_space<vmem>>) dst(%dma_wait3A_96 : memref<256xf32, #tpu.memory_space<hbm>>)
      tpu.yield
    }) : () -> ()
    "tpu.region"() ({
      %run_scoped3A = tpu.sem_alloc : memref<!tpu.dma_semaphore, #tpu.memory_space<semaphore_mem>>
      %dma_start3A_93 = tpu.memref_slice %arg8[%multiple_of3A_67] : memref<327680xf32, #tpu.memory_space<hbm>> -> memref<5120xf32, #tpu.memory_space<hbm>>
      %dma_start3A_94 = tpu.memref_slice %arg8[%multiple_of3A_67] : memref<327680xf32, #tpu.memory_space<hbm>> -> memref<5120xf32, #tpu.memory_space<hbm>>
      tpu.enqueue_dma source(%arg16 : memref<5120xf32, #tpu.memory_space<vmem>>) target(%dma_start3A_94 : memref<5120xf32, #tpu.memory_space<hbm>>) target_semaphore(%run_scoped3A : memref<!tpu.dma_semaphore, #tpu.memory_space<semaphore_mem>>)
      %dma_wait3A_95 = tpu.memref_slice %arg8[%multiple_of3A_67] : memref<327680xf32, #tpu.memory_space<hbm>> -> memref<5120xf32, #tpu.memory_space<hbm>>
      %dma_wait3A_96 = tpu.memref_slice %arg8[%multiple_of3A_67] : memref<327680xf32, #tpu.memory_space<hbm>> -> memref<5120xf32, #tpu.memory_space<hbm>>
      tpu.wait_dma2 semaphore(%run_scoped3A : memref<!tpu.dma_semaphore, #tpu.memory_space<semaphore_mem>>) src(%arg16 : memref<5120xf32, #tpu.memory_space<vmem>>) dst(%dma_wait3A_96 : memref<5120xf32, #tpu.memory_space<hbm>>)
      tpu.yield
    }) : () -> ()
    return
  }
}

module attributes {stable_mosaic.version = 14 : i64} {
  func.func @_loss_body(%arg0: memref<128x128xf32, #tpu.memory_space<vmem>>, %arg1: memref<2560x128xf32, #tpu.memory_space<vmem>>, %arg2: memref<1x1xf32, #tpu.memory_space<smem>>) attributes {dimension_semantics = [], scalar_prefetch = 0 : i64, scratch_operands = 0 : i64, tpu.core_type = #tpu.core_type<tc>} {
    %get3A = arith.constant 0 : index
    %get3A_0 = arith.constant 0 : index
    %get3A_1 = vector.load %arg0[%get3A, %get3A_0] : memref<128x128xf32, #tpu.memory_space<vmem>>, vector<128x128xf32>
    %min3A = arith.constant 0.000000e+00 : f32
    %min3A_2 = vector.broadcast %min3A : f32 to vector<128x128xf32>
    %min3A_3 = arith.minimumf %get3A_1, %min3A_2 : vector<128x128xf32>
    %abs3A = math.absf %get3A_1 : vector<128x128xf32>
    %neg3A = arith.constant 0.000000e+00 : f32
    %neg3A_4 = vector.broadcast %neg3A : f32 to vector<128x128xf32>
    %neg3A_5 = arith.subf %neg3A_4, %abs3A : vector<128x128xf32>
    %exp3A = math.exp %neg3A_5 : vector<128x128xf32>
    %log1p3A = math.log1p %exp3A : vector<128x128xf32>
    %sub3A = arith.subf %min3A_3, %log1p3A : vector<128x128xf32>
    %reduce_sum3A = vector.shape_cast %sub3A : vector<128x128xf32> to vector<1x128x128xf32>
    %reduce_sum3A_6 = arith.constant dense<0.000000e+00> : vector<1xf32>
    %reduce_sum3A_7 = vector.multi_reduction <add>, %reduce_sum3A, %reduce_sum3A_6 [1, 2] : vector<1x128x128xf32> to vector<1xf32>
    %reduce_sum3A_8 = vector.shape_cast %reduce_sum3A_7 : vector<1xf32> to vector<1x1x1xf32>
    %reduce_sum3A_9 = vector.extract %reduce_sum3A_8[0, 0, 0] : f32 from vector<1x1x1xf32>
    %get3A_10 = arith.constant 0 : index
    %get3A_11 = arith.constant 0 : index
    %get3A_12 = vector.load %arg1[%get3A_10, %get3A_11] : memref<2560x128xf32, #tpu.memory_space<vmem>>, vector<2560x128xf32>
    %neg3A_13 = arith.constant 0.000000e+00 : f32
    %neg3A_14 = vector.broadcast %neg3A_13 : f32 to vector<2560x128xf32>
    %neg3A_15 = arith.subf %neg3A_14, %get3A_12 : vector<2560x128xf32>
    %min3A_16 = arith.constant 0.000000e+00 : f32
    %min3A_17 = vector.broadcast %min3A_16 : f32 to vector<2560x128xf32>
    %min3A_18 = arith.minimumf %neg3A_15, %min3A_17 : vector<2560x128xf32>
    %abs3A_19 = math.absf %neg3A_15 : vector<2560x128xf32>
    %neg3A_20 = arith.constant 0.000000e+00 : f32
    %neg3A_21 = vector.broadcast %neg3A_20 : f32 to vector<2560x128xf32>
    %neg3A_22 = arith.subf %neg3A_21, %abs3A_19 : vector<2560x128xf32>
    %exp3A_23 = math.exp %neg3A_22 : vector<2560x128xf32>
    %log1p3A_24 = math.log1p %exp3A_23 : vector<2560x128xf32>
    %sub3A_25 = arith.subf %min3A_18, %log1p3A_24 : vector<2560x128xf32>
    %reduce_sum3A_26 = vector.shape_cast %sub3A_25 : vector<2560x128xf32> to vector<1x2560x128xf32>
    %reduce_sum3A_27 = arith.constant dense<0.000000e+00> : vector<1xf32>
    %reduce_sum3A_28 = vector.multi_reduction <add>, %reduce_sum3A_26, %reduce_sum3A_27 [1, 2] : vector<1x2560x128xf32> to vector<1xf32>
    %reduce_sum3A_29 = vector.shape_cast %reduce_sum3A_28 : vector<1xf32> to vector<1x1x1xf32>
    %reduce_sum3A_30 = vector.extract %reduce_sum3A_29[0, 0, 0] : f32 from vector<1x1x1xf32>
    %add3A = arith.addf %reduce_sum3A_9, %reduce_sum3A_30 : f32
    %neg3A_31 = arith.constant 0.000000e+00 : f32
    %neg3A_32 = arith.subf %neg3A_31, %add3A : f32
    %div3A = arith.constant 1.638400e+04 : f32
    %div3A_33 = arith.divf %neg3A_32, %div3A : f32
    %swap3A = arith.constant 0 : index
    %swap3A_34 = arith.constant 0 : index
    %swap3A_35 = memref.load %arg2[%swap3A, %swap3A_34] : memref<1x1xf32, #tpu.memory_space<smem>>
    memref.store %div3A_33, %arg2[%swap3A, %swap3A_34] : memref<1x1xf32, #tpu.memory_space<smem>>
    return
  }
}

</mosaic_0001>

<sc_bundles>
// kernel: kernel.4.cloned.1.call-start
scs
__scs_entry_jumppad:
0x0: {  	(pc) =	sbr.rel $0x88, $3  }
0x1: {  	(tag) =	ssettag $0x0;
	lr =	simm.s32 $0x1  }
0x2: {  	[smem:$0x3F9C] =	sst lr;
	_ =	strace $0xD0000000  }
0x3: {  	_ = 	snop  }
0x4: {  	_ = 	snop  }
0x5: {  	_ = 	snop  }
0x6: {  	_ = 	snop  }
0x7: {  	_ = 	snop  }
__scs_overlays_trampoline_lowered:
0x8: {  	[smem:$0x3FAB] =	sst s0  }
0x9: {  	[smem:$0x3FAC] =	sst s1  }
0xa: {  	[smem:$0x3FAD] =	sst s2  }
0xb: {  	[smem:$0x3FAE] =	sst s3  }
0xc: {  	[smem:$0x3FAF] =	sst s4  }
0xd: {  	[smem:$0x3FB0] =	sst s5  }
0xe: {  	[smem:$0x3FB1] =	sst s6  }
0xf: {  	[smem:$0x3FB2] =	sst s7  }
0x10: {  	[smem:$0x3FB3] =	sst s8  }
0x11: {  	[smem:$0x3FB4] =	sst s9;
	s0 =	simm.s32 @!p0 $0x0  }
0x12: {  	s1 =	sld [smem:$0x3F9A];
	s0 =	simm.s32 @p0 $0x1  }
0x13: {  	[smem:$0x3FB5] =	sst s0;
	s0 =	simm.s32 @!p1 $0x0  }
0x14: {  	s2 =	sld [smem:$0x3F99];
	s0 =	simm.s32 @p1 $0x1  }
0x15: {  	[smem:$0x3FB6] =	sst s0;
	s0 =	simm.s32 @!p2 $0x0  }
0x16: {  	s3 =	sld [smem:$0x3FDB];
	s0 =	simm.s32 @p2 $0x1  }
0x17: {  	s4 =	simm.s32 $0x1BF5;
	[smem:$0x3FB8] =	sst s0  }
0x18: {  	s0 =	sld [smem:$0x3F9B];
	_ =	swait.ge [sflag:s4], $0x0  }
0x19: {  	s7 =	sld [smem:$0x3F9C]  }
0x1a: {  	s8 =	sadd.s32 $0xFFFFE003, lr  }
0x1b: {  	s9 =	sadd.s32 $0xFFFFFEF7, lr;
	s5 =	simm.s32 $0xFFFFFFFF;
	p2 =	slt.u32 s8, $0xFFFFF086  }
0x1c: {  	p1 =	slt.u32 s9, $0xF7A;
	s5 =	simm.s32 @!p2 $0x0  }
0x1d: {  	s5 =	simm.s32 @p1 $0x1;
	p0 =	seq.s32 s7, s2  }
0x1e: {  	s7 =	smul.u32 @!p0 $0xF7A, s2;
	p2 =	seq.s32 @!p0 s5, $0x0  }
0x1f: {  	s9 =	smul.u32 $0xF7A, s1;
	s8 =	simm.s32 @!p0 $0x1BF5;
	p2 =	por !p2, p0  }
0x20: {  	[sflag:s8] =	ssyncset.s32 @!p0 $0xFFFFF086;
	s6 =	sadd.s32 @!p0 s3, s7;
	s7 =	simm.s32 @!p0 $0x108  }
0x21: {  	s3 =	sadd.s32 s3, s9;
	s6 =	sadd.s32 @!p0 $0x88, s6;
	s7 =	simm.s32 @p2 $0x1082  }
0x22: {  	[simem:s7], [sflag:s8] =	dma.local @!p0 [hbm:s6], $0xF7A  }
0x23: {  	s9 =	sor.u32 $0xD0000000, s2;
	s6 =	simm.s32 $0x108;
	_ =	swait.ge @!p0 [sflag:s8], $0x0  }
0x24: {  	s3 =	sadd.s32 $0x88, s3;
	s6 =	simm.s32 @!p1 $0x1082;
	[sflag:s4] =	ssyncset.s32 $0xFFFFF086  }
0x25: {  	[simem:s6], [sflag:s4] =	dma.local [hbm:s3], $0xF7A  }
0x26: {  	[smem:$0x3F9C] =	sst s1;
	(tag) =	ssettag s2;
	_ =	strace s9  }
0x27: {  	s1 =	sld [smem:$0x3FAC]  }
0x28: {  	s2 =	sld [smem:$0x3FAD]  }
0x29: {  	s4 =	sld [smem:$0x3FAF]  }
0x2a: {  	p0 =	seq.s32 s5, $0x0;
	s5 =	sld [smem:$0x3FB0]  }
0x2b: {  	s6 =	sld [smem:$0x3FB1]  }
0x2c: {  	s7 =	sld [smem:$0x3FB2]  }
0x2d: {  	s3 =	simm.s32 $0x108;
	s8 =	sld [smem:$0x3FB3]  }
0x2e: {  	s3 =	simm.s32 @!p0 $0x1082;
	s9 =	sld [smem:$0x3FB4]  }
0x2f: {  	lr =	sadd.s32 s0, s3;
	s0 =	sld [smem:$0x3FAB]  }
0x30: {  	s3 =	sld [smem:$0x3FAE]  }
0x31: {  	[smem:$0x3FB7] =	sst s10  }
0x32: {  	s10 =	sld [smem:$0x3FB5];
	_ =	sdelay $0x3  }
0x33: {  	p0 =	seq.s32 s10, $0x1;
	s10 =	sld [smem:$0x3FB7];
	_ =	sdelay $0x3  }
0x34: {  	[smem:$0x3FB7] =	sst s10  }
0x35: {  	s10 =	sld [smem:$0x3FB6];
	_ =	sdelay $0x3  }
0x36: {  	p1 =	seq.s32 s10, $0x1;
	s10 =	sld [smem:$0x3FB7];
	_ =	sdelay $0x3  }
0x37: {  	[smem:$0x3FB7] =	sst s10  }
0x38: {  	s10 =	sld [smem:$0x3FB8]  }
0x39: {  	_ = 	snop;
	(pc) =	sbr.ind lr, $3  }
0x3a: {  	_ = 	snop  }
0x3b: {  	_ = 	snop  }
0x3c: {  	p2 =	seq.s32 s10, $0x1;
	s10 =	sld [smem:$0x3FB7]  }
0x3d: {  	_ =	shalt  }
0x3e: {  	_ =	shalt  }
0x3f: {  	_ =	shalt  }
0x40: {  	_ =	shalt  }
0x41: {  	_ =	shalt  }
0x42: {  	_ =	shalt  }
0x43: {  	_ =	shalt  }
0x44: {  	_ =	shalt  }
0x45: {  	_ =	shalt  }
0x46: {  	_ =	shalt  }
0x47: {  	_ =	shalt  }
0x48: {  	_ =	shalt  }
0x49: {  	_ =	shalt  }
0x4a: {  	_ =	shalt  }
0x4b: {  	_ =	shalt  }
0x4c: {  	_ =	shalt  }
0x4d: {  	_ =	shalt  }
0x4e: {  	_ =	shalt  }
0x4f: {  	_ =	shalt  }
0x50: {  	_ =	shalt  }
0x51: {  	_ =	shalt  }
0x52: {  	_ =	shalt  }
0x53: {  	_ =	shalt  }
0x54: {  	_ =	shalt  }
0x55: {  	_ =	shalt  }
0x56: {  	_ =	shalt  }
0x57: {  	_ =	shalt  }
0x58: {  	_ =	shalt  }
0x59: {  	_ =	shalt  }
0x5a: {  	_ =	shalt  }
0x5b: {  	_ =	shalt  }
0x5c: {  	_ =	shalt  }
0x5d: {  	_ =	shalt  }
0x5e: {  	_ =	shalt  }
0x5f: {  	_ =	shalt  }
0x60: {  	_ =	shalt  }
0x61: {  	_ =	shalt  }
0x62: {  	_ =	shalt  }
0x63: {  	_ =	shalt  }
0x64: {  	_ =	shalt  }
0x65: {  	_ =	shalt  }
0x66: {  	_ =	shalt  }
0x67: {  	_ =	shalt  }
0x68: {  	_ =	shalt  }
0x69: {  	_ =	shalt  }
0x6a: {  	_ =	shalt  }
0x6b: {  	_ =	shalt  }
0x6c: {  	_ =	shalt  }
0x6d: {  	_ =	shalt  }
0x6e: {  	_ =	shalt  }
0x6f: {  	_ =	shalt  }
0x70: {  	_ =	shalt  }
0x71: {  	_ =	shalt  }
0x72: {  	_ =	shalt  }
0x73: {  	_ =	shalt  }
0x74: {  	_ =	shalt  }
0x75: {  	_ =	shalt  }
0x76: {  	_ =	shalt  }
0x77: {  	_ =	shalt  }
0x78: {  	_ =	shalt  }
0x79: {  	_ =	shalt  }
0x7a: {  	_ =	shalt  }
0x7b: {  	_ =	shalt  }
0x7c: {  	_ =	shalt  }
0x7d: {  	_ =	shalt  }
0x7e: {  	_ =	shalt  }
0x7f: {  	_ =	shalt  }
0x80: {  	_ =	shalt  }
0x81: {  	_ =	shalt  }
0x82: {  	_ =	shalt  }
0x83: {  	_ =	shalt  }
0x84: {  	_ =	shalt  }
0x85: {  	_ =	shalt  }
0x86: {  	_ =	shalt  }
0x87: {  	_ =	shalt  }
.Lfunc_end0:
.L_simem_size_0:
called_computation_lowered:
.L_overlay_start_0:
0x88: {  	s2 =	sld [smem:$0x3FD9]  }
0x89: {  	s3 =	sld [smem:$0x3FFE];
	_ =	sdelay $0x1  }
0x8a: {  	s1 =	srdreg.scid  }
0x8b: {  	s0 =	sand.u32 $0x1, s1  }
0x8c: {  	s17 =	sshll.u32 s0, $0xA;
	s2 =	sadd.s32 s3, s2  }
0x8d: {  	s2 =	sadd.s32 s2, s17  }
0x8e: {  	[smem:$0x3FC3] =	sst s2  }
0x8f: {  	_ = 	snop  }
0x90: {  	s2 =	sld [smem:$0x3FC9]  }
0x91: {  	s18 =	sld [smem:$0x3FC8];
	(tm) =	ssettm $0x1  }
0x92: {  	s4 =	sld [smem:$0x3FFB];
	_ =	sdelay $0x3  }
0x93: {  	_ =	strace s4  }
0x94: {  	s4 =	sld [smem:$0x3FFC];
	_ =	sdelay $0x3  }
0x95: {  	_ =	strace s4  }
0x96: {  	s4 =	sld [smem:$0x3FFD];
	_ =	sdelay $0x3  }
0x97: {  	_ =	strace s4  }
0x98: {  	_ =	strace $0x8FFFFFFF  }
0x99: {  	s19 =	sld [smem:$0x3FDB];
	_ =	sdelay $0x1  }
0x9a: {  	s5 =	simm.s32 $_scs_section_size  }
0x9b: {  	s6 =	simm.s32 $_size__tile_overlayer_lowered;
	s7 =	simm.s32 $_tile_overlayer_lowered  }
0x9c: {  	s22 =	simm.s32 $0x1BFF;
	s21 =	sshll.u32 s7, $0x1;
	s4 =	sadd.s32 s5, s19  }
0x9d: {  	s8 =	simm.s32 $0x0;
	s20 =	sshll.u32 s6, $0x1;
	s6 =	sadd.s32 s21, s4  }
0x9e: {  	[timem:s8], [sflag:s22] =	dma.local [hbm:s6], s20  }
0x9f: {  	_ =	swait.ge [sflag:s22], s20  }
0xa0: {  	s5 =	ssub.s32 $0x0, s20;
	[sflag:s22] =	ssyncset.done $0x0  }
0xa1: {  	[sflag:s22] =	ssyncadd.s32 s5;
	_ =	sdelay $0x1  }
0xa2: {  	s23 =	simm.s32 $0x1B8B  }
0xa3: {  	_ =	swait.ge [sflag:s23], $0x1  }
0xa4: {  	[sflag:s23] =	ssyncset.done $0x0  }
0xa5: {  	s25 =	simm.s32 $0x1B8E;
	s24 =	sld [smem:$0x3FFE];
	[sflag:s23] =	ssyncadd.s32 $0xFFFFFFFF  }
0xa6: {  	s26 =	simm.s32 $execute0_lowered;
	[smem:$0x3FD2] =	sst s25  }
0xa7: {  	s6 =	sshll.u32 s26, $0x1;
	_ =	strace $0x80000046;
	[dreg:$0x1] =	wrdreg $0xFFFFFFFF  }
0xa8: {  	s28 =	simm.s32 $_size_execute0_lowered;
	s4 =	sadd.s32 s4, s6;
	[dreg:$0x0] =	wrdreg $0x0  }
0xa9: {  	s6 =	sshll.u32 s28, $0x1;
	[dreg:$0x2] =	wrdreg s4  }
0xaa: {  	[dreg:$0x3] =	wrdreg s6  }
0xab: {  	[dreg:$0x4] =	wrdreg $0xC0  }
0xac: {  	_ =	task [dreg:s8], $0x5FFFF  }
0xad: {  	[dreg:$0x1] =	wrdreg $0xFFFFFFFF  }
0xae: {  	[dreg:$0x0] =	wrdreg $0x60  }
0xaf: {  	[dreg:$0x2] =	wrdreg s2  }
0xb0: {  	[dreg:$0x3] =	wrdreg s18  }
0xb1: {  	[dreg:$0x4] =	wrdreg s24  }
0xb2: {  	[dreg:$0x5] =	wrdreg $0x9  }
0xb3: {  	_ =	task.clear_ibuf [dreg:s8], $0x6FFFF;
	_ =	strace $0x90000046  }
0xb4: {  	s29 =	simm.s32 $0x9;
	_ =	strace $0x80000048  }
0xb5: {  	_ =	swait.ge [sflag:s29], $0x1  }
0xb6: {  	[sflag:s29] =	ssyncadd.s32 $0xFFFFFFFF  }
0xb7: {  	_ =	strace $0x90000048  }
0xb8: {  	_ =	sfence  }
0xb9: {  	s30 =	sld [smem:$0x0];
	_ =	sdelay $0x2  }
0xba: {  	s31 =	sshll.u32 s1, $0xD;
	s1 =	sshrl.u32 s1, $0x2  }
0xbb: {  	s3 =	sand.u32 $0x4000, s31;
	s1 =	sadd.s32 s1, s30  }
0xbc: {  	s0 =	sor.u32 s3, s0;
	s1 =	sshll.u32 s1, $0x11  }
0xbd: {  	s0 =	sor.u32 s1, s0  }
0xbe: {  	s0 =	sadd.s32 $0x8F2B, s0  }
0xbf: {  	[sflag:s0] =	ssyncadd.remote.s32 $0x1  }
0xc0: {  	_ =	sfence.sel $0xFFFF  }
0xc1: {  	[dreg:$0x0] =	wrdreg $0xFFFFFFFF;
	(pc) =	sbr.abs _section_cstart, $3  }
0xc2: {  	[dreg:$0x1] =	wrdreg $0xFFFFFFFF  }
0xc3: {  	_ =	task.clear_ibuf [dreg:s8], $0x2FFFF;
	_ =	strace $0x9FFFFFFF  }
0xc4: {  	(tm) =	ssettm $0x7FFFFFFF  }
0xc5: {  	_ =	shalt  }
tec
execute0_lowered:
.L_overlay_start_1:
0x0: {  	(tag) =	ssettag $0x1  }
0x1: {  	s10 =	rddreg [dreg:$0x0]  }
0x2: {  	s11 =	rddreg [dreg:$0x1]  }
0x3: {  	s5 =	rddreg [dreg:$0x2]  }
0x4: {  	s0 =	rddreg [dreg:$0x3];
	s1 =	simm.s32 $0x0  }
0x5: {  	s3 =	srdreg.scid;
	s2 =	stileid.u32;
	s18 =	simm.s32 $0x200  }
0x6: {  	s19 =	simm.s32 $0x1600;
	s20 =	simm.s32 $0x2600;
	s21 =	simm.s32 $0x1400  }
0x7: {  	s22 =	simm.s32 $0x3600;
	s23 =	simm.s32 $0x1;
	s24 =	simm.s32 $0x17700  }
0x8: {  	s25 =	simm.s32 $0x17600;
	s26 =	simm.s32 $0x0;
	[smem:$0x7FF] =	sst s1  }
0x9: {  	s12 =	sadd.s32 $0xE00, s5;
	s6 =	sand.u32 $0x1, s3;
	s3 =	sadd.s32 $0x112B800, s5  }
0xa: {  	s7 =	sshll.u32 s2, $0xA;
	s4 =	sadd.s32 $0xF43200, s5;
	s13 =	sadd.s32 $0x14E00, s5  }
0xb: {  	s14 =	sadd.s32 $0xAE00, s5;
	s8 =	sshll.u32 s6, $0x9;
	s6 =	ssub.s32 $0x2, s6  }
0xc: {  	_ =	strace $0x80000047;
	s7 =	sor.u32 s8, s7;
	s30 =	sshrl.u32 s6, $0x1  }
0xd: {  	s9 =	smul.u32 $0x14, s7;
	s15 =	ssub.s32 s6, s30;
	s31 =	sshrl.u32 s7, $0x3  }
0xe: {  	s16 =	sor.u32 $0x100, s7;
	s5 =	sadd.s32 s10, s31;
	s6 =	sadd.s32 s11, s31  }
0xf: {  	s17 =	smul.u32 $0x14, s16;
	s8 =	sadd.s32 s13, s31;
	s16 =	sshrl.u32 s16, $0x3  }
0x10: {  	s15 =	smax.u32 s15, $0x1;
	s9 =	sshrl.u32 s9, $0x3;
	s10 =	sadd.s32 s10, s16  }
0x11: {  	s11 =	sadd.s32 s11, s16;
	s13 =	sadd.s32 s13, s16;
	s16 =	simm.s32 $0x2  }
0x12: {  	s7 =	sadd.s32 s12, s9;
	s9 =	sadd.s32 s14, s9;
	s17 =	sshrl.u32 s17, $0x3  }
0x13: {  	v0 =	vlaneseq.u32;
	s12 =	sadd.s32 s12, s17;
	s14 =	sadd.s32 s14, s17;
	s17 =	simm.s32 $0x100  }
.LBB2_1:
0x14: {  	[tilespmem:s1], [sflag:$0x2] =	stream.linear.gather [hbm4b:s5+s1], $0x100, $0x38;
	[tilespmem:$0x18B00] =	vst v63  }
0x15: {  	_ =	swait.ge [sflag:s16], $0x100  }
0x16: {  	[sflag:s16] =	ssyncset.done $0x0  }
0x17: {  	[sflag:s16] =	ssyncadd.s32 $0xFFFFFF00  }
0x18: {  	[tilespmem:s17], [sflag:$0x2] =	stream.linear.gather [hbm4b:s6+s1], $0x100, $0x38;
	[tilespmem:$0x18B00] =	vst v63  }
0x19: {  	_ =	swait.ge [sflag:s16], $0x100  }
0x1a: {  	[sflag:s16] =	ssyncset.done $0x0  }
0x1b: {  	[sflag:s16] =	ssyncadd.s32 $0xFFFFFF00  }
0x1c: {  	[tilespmem:s18], [sflag:$0x2] =	stream.linear.gather [hbm4b:s7+s1], $0x1400, $0x38;
	[tilespmem:$0x18B00] =	vst v63  }
0x1d: {  	_ =	swait.ge [sflag:s16], $0x1400  }
0x1e: {  	[sflag:s16] =	ssyncset.done $0x0  }
0x1f: {  	[sflag:s16] =	ssyncadd.s32 $0xFFFFEC00  }
0x20: {  	[tilespmem:s19], [sflag:$0x1] =	stream.indirect.gather [hbm4b:s3+s17], $0x10, s1, s17, $0xb8;
	[tilespmem:$0x18B00] =	vst v63  }
0x21: {  	_ = 	snop  }
0x22: {  	[tilespmem:s20], [sflag:$0x1] =	stream.indirect.gather [hbm4b:s4+s17], $0x10, s17, s17, $0xb8;
	[tilespmem:$0x18B00] =	vst v63  }
0x23: {  	_ = 	snop  }
0x24: {  	[tilespmem:s22], [sflag:$0x1] =	stream.indirect.gather [hbm4b:s4+s21], $0x10, s18, s21, $0xb8;
	[tilespmem:$0x18B00] =	vst v63  }
0x25: {  	_ =	swait.ge [sflag:s23], $0x1000  }
0x26: {  	[sflag:s23] =	ssyncset.done $0x0  }
0x27: {  	[sflag:s23] =	ssyncadd.s32 $0xFFFFF000  }
0x28: {  	_ =	swait.ge [sflag:s23], $0x1000  }
0x29: {  	[sflag:s23] =	ssyncset.done $0x0  }
0x2a: {  	[sflag:s23] =	ssyncadd.s32 $0xFFFFF000  }
0x2b: {  	_ =	swait.ge [sflag:s23], $0x14000  }
0x2c: {  	s28 =	simm.s32 $0x18100;
	[sflag:s23] =	ssyncset.done $0x0  }
0x2d: {  	s29 =	simm.s32 $0x17600;
	s30 =	simm.s32 $0x0;
	[sflag:s23] =	ssyncadd.s32 $0xFFFEC000  }
.LBB2_2:
0x2e: {  	v17 =	vor.u32 s30, v0  }
0x2f: {  	v14 =	vshll.u32 v17, $0x4;
	_ =	sdelay $0x1  }
0x30: {  	v3 =	vor.u32 $0x1, v14;
	_ =	sdelay $0x1  }
0x31: {  	v4 =	vor.u32 $0x2, v14  }
0x32: {  	v1 =	vld.idx.msk [tilespmem:v14+s19+$0x0], $0xffff  }
0x33: {  	v5 =	vor.u32 $0x3, v14;
	v7 =	vld.idx.msk [tilespmem:v14+s20+$0x0], $0xffff  }
0x34: {  	v2 =	vld.idx.msk [tilespmem:v3+s19+$0x0], $0xffff  }
0x35: {  	v8 =	vor.u32 $0x4, v14;
	v9 =	vld.idx.msk [tilespmem:v3+s20+$0x0], $0xffff  }
0x36: {  	v6 =	vld.idx.msk [tilespmem:v4+s19+$0x0], $0xffff  }
0x37: {  	v10 =	vor.u32 $0x5, v14;
	v11 =	vld.idx.msk [tilespmem:v4+s20+$0x0], $0xffff  }
0x38: {  	v4 =	vld.idx.msk [tilespmem:v5+s19+$0x0], $0xffff  }
0x39: {  	v12 =	vor.u32 $0x6, v14;
	v13 =	vld.idx.msk [tilespmem:v5+s20+$0x0], $0xffff  }
0x3a: {  	v3 =	vld.idx.msk [tilespmem:v8+s19+$0x0], $0xffff;
	v7 =	vmul.f32 v7, v1;
	v9 =	vmul.f32 v9, v2  }
0x3b: {  	v15 =	vor.u32 $0x7, v14;
	v16 =	vld.idx.msk [tilespmem:v8+s20+$0x0], $0xffff  }
0x3c: {  	v5 =	vld.idx.msk [tilespmem:v10+s19+$0x0], $0xffff;
	v35 =	vmul.f32 v11, v6;
	v9 =	vadd.f32 v9, v7  }
0x3d: {  	v36 =	vor.u32 $0x8, v14;
	v10 =	vld.idx.msk [tilespmem:v10+s20+$0x0], $0xffff  }
0x3e: {  	v13 =	vmul.f32 v13, v4;
	v7 =	vld.idx.msk [tilespmem:v12+s19+$0x0], $0xffff;
	v9 =	vadd.f32 v35, v9  }
0x3f: {  	v18 =	vor.u32 $0x9, v14;
	v12 =	vld.idx.msk [tilespmem:v12+s20+$0x0], $0xffff  }
0x40: {  	v8 =	vld.idx.msk [tilespmem:v15+s19+$0x0], $0xffff;
	v16 =	vmul.f32 v16, v3;
	v13 =	vadd.f32 v13, v9  }
0x41: {  	v19 =	vor.u32 $0xA, v14;
	v15 =	vld.idx.msk [tilespmem:v15+s20+$0x0], $0xffff  }
0x42: {  	v21 =	vld.idx.msk [tilespmem:v36+s20+$0x0], $0xffff;
	v20 =	vmul.f32 v10, v5;
	v13 =	vadd.f32 v16, v13  }
0x43: {  	v37 =	vor.u32 $0xB, v14;
	v9 =	vld.idx.msk [tilespmem:v36+s19+$0x0], $0xffff  }
0x44: {  	v10 =	vld.idx.msk [tilespmem:v18+s19+$0x0], $0xffff;
	v12 =	vmul.f32 v12, v7;
	v13 =	vadd.f32 v20, v13  }
0x45: {  	v38 =	vor.u32 $0xC, v14;
	v18 =	vld.idx.msk [tilespmem:v18+s20+$0x0], $0xffff  }
0x46: {  	v11 =	vld.idx.msk [tilespmem:v19+s19+$0x0], $0xffff;
	v15 =	vmul.f32 v15, v8;
	v13 =	vadd.f32 v12, v13  }
0x47: {  	v22 =	vor.u32 $0xD, v14;
	v19 =	vld.idx.msk [tilespmem:v19+s20+$0x0], $0xffff  }
0x48: {  	v16 =	vld.idx.msk [tilespmem:v37+s20+$0x0], $0xffff;
	v21 =	vmul.f32 v21, v9;
	v15 =	vadd.f32 v15, v13  }
0x49: {  	v23 =	vor.u32 $0xE, v14;
	v12 =	vld.idx.msk [tilespmem:v37+s19+$0x0], $0xffff  }
0x4a: {  	v18 =	vmul.f32 v18, v10;
	v20 =	vld.idx.msk [tilespmem:v38+s20+$0x0], $0xffff;
	v15 =	vadd.f32 v21, v15  }
0x4b: {  	v39 =	vor.u32 $0xF, v14;
	v13 =	vld.idx.msk [tilespmem:v38+s19+$0x0], $0xffff  }
0x4c: {  	v14 =	vld.idx.msk [tilespmem:v22+s19+$0x0], $0xffff;
	v19 =	vmul.f32 v19, v11;
	v18 =	vadd.f32 v18, v15  }
0x4d: {  	v22 =	vld.idx.msk [tilespmem:v22+s20+$0x0], $0xffff  }
0x4e: {  	v40 =	vld.idx.msk [tilespmem:v23+s20+$0x0], $0xffff;
	v24 =	vmul.f32 v16, v12;
	v18 =	vadd.f32 v19, v18  }
0x4f: {  	v15 =	vld.idx.msk [tilespmem:v23+s19+$0x0], $0xffff  }
0x50: {  	v21 =	vld.idx.msk [tilespmem:v39+s20+$0x0], $0xffff;
	v20 =	vmul.f32 v20, v13;
	v18 =	vadd.f32 v24, v18  }
0x51: {  	v16 =	vld.idx.msk [tilespmem:v39+s19+$0x0], $0xffff  }
0x52: {  	v22 =	vmul.f32 v22, v14;
	v18 =	vadd.f32 v20, v18;
	_ =	sdelay $0x1  }
0x53: {  	v19 =	vmul.f32 v40, v15;
	v18 =	vadd.f32 v22, v18  }
0x54: {  	v17 =	vmul.u32 $0x140, v17  }
0x55: {  	v41 =	vmul.f32 v21, v16;
	v18 =	vadd.f32 v19, v18  }
0x56: {  	v42 =	vor.u32 $0x1, v17  }
0x57: {  	v18 =	vadd.f32 v41, v18  }
0x58: {  	v43 =	vor.u32 $0x2, v17  }
0x59: {  	[tilespmem:s29+$0x0] =	vst v18  }
0x5a: {  	v44 =	vor.u32 $0x3, v17;
	v18 =	vld.idx.msk [tilespmem:v17+s22+$0x0], $0xffff  }
0x5b: {  	v19 =	vld.idx.msk [tilespmem:v42+s22+$0x0], $0xffff  }
0x5c: {  	v45 =	vor.u32 $0x4, v17  }
0x5d: {  	v20 =	vld.idx.msk [tilespmem:v43+s22+$0x0], $0xffff  }
0x5e: {  	v46 =	vor.u32 $0x5, v17  }
0x5f: {  	v21 =	vld.idx.msk [tilespmem:v44+s22+$0x0], $0xffff  }
0x60: {  	v47 =	vor.u32 $0x6, v17;
	v18 =	vmul.f32 v18, v1;
	v19 =	vmul.f32 v19, v2  }
0x61: {  	v22 =	vld.idx.msk [tilespmem:v45+s22+$0x0], $0xffff  }
0x62: {  	v25 =	vor.u32 $0x7, v17;
	v20 =	vmul.f32 v20, v6;
	v18 =	vadd.f32 v19, v18  }
0x63: {  	v48 =	vld.idx.msk [tilespmem:v46+s22+$0x0], $0xffff  }
0x64: {  	v49 =	vor.u32 $0x8, v17;
	v21 =	vmul.f32 v21, v4;
	v18 =	vadd.f32 v20, v18  }
0x65: {  	v50 =	vld.idx.msk [tilespmem:v47+s22+$0x0], $0xffff  }
0x66: {  	v51 =	vor.u32 $0x9, v17;
	v22 =	vmul.f32 v22, v3;
	v18 =	vadd.f32 v21, v18  }
0x67: {  	v52 =	vld.idx.msk [tilespmem:v25+s22+$0x0], $0xffff  }
0x68: {  	v53 =	vor.u32 $0xA, v17;
	v19 =	vmul.f32 v48, v5;
	v18 =	vadd.f32 v22, v18  }
0x69: {  	v54 =	vld.idx.msk [tilespmem:v49+s22+$0x0], $0xffff  }
0x6a: {  	v55 =	vor.u32 $0xB, v17;
	v20 =	vmul.f32 v50, v7;
	v18 =	vadd.f32 v19, v18  }
0x6b: {  	v56 =	vld.idx.msk [tilespmem:v51+s22+$0x0], $0xffff  }
0x6c: {  	v57 =	vor.u32 $0xC, v17;
	v21 =	vmul.f32 v52, v8;
	v18 =	vadd.f32 v20, v18  }
0x6d: {  	v58 =	vld.idx.msk [tilespmem:v53+s22+$0x0], $0xffff  }
0x6e: {  	v59 =	vor.u32 $0xD, v17;
	v22 =	vmul.f32 v54, v9;
	v18 =	vadd.f32 v21, v18  }
0x6f: {  	v60 =	vld.idx.msk [tilespmem:v55+s22+$0x0], $0xffff  }
0x70: {  	v61 =	vor.u32 $0xE, v17;
	v19 =	vmul.f32 v56, v10;
	v18 =	vadd.f32 v22, v18  }
0x71: {  	v62 =	vld.idx.msk [tilespmem:v57+s22+$0x0], $0xffff  }
0x72: {  	v63 =	vor.u32 $0xF, v17;
	v20 =	vmul.f32 v58, v11;
	v18 =	vadd.f32 v19, v18  }
0x73: {  	v27 =	vld.idx.msk [tilespmem:v59+s22+$0x0], $0xffff  }
0x74: {  	v21 =	vmul.f32 v60, v12;
	v18 =	vadd.f32 v20, v18  }
0x75: {  	v28 =	vld.idx.msk [tilespmem:v61+s22+$0x0], $0xffff  }
0x76: {  	v22 =	vmul.f32 v62, v13;
	v18 =	vadd.f32 v21, v18  }
0x77: {  	v29 =	vld.idx.msk [tilespmem:v63+s22+$0x0], $0xffff  }
0x78: {  	v19 =	vmul.f32 v27, v14;
	v18 =	vadd.f32 v22, v18;
	_ =	sdelay $0x1  }
0x79: {  	v20 =	vmul.f32 v28, v15;
	v18 =	vadd.f32 v19, v18;
	_ =	sdelay $0x1  }
0x7a: {  	v31 =	vor.u32 $0x10, v17;
	v30 =	vmul.f32 v29, v16;
	v18 =	vadd.f32 v20, v18  }
0x7b: {  	v32 =	vor.u32 $0x11, v17  }
0x7c: {  	v18 =	vadd.f32 v30, v18  }
0x7d: {  	v33 =	vor.u32 $0x12, v17  }
0x7e: {  	[tilespmem:s28+$0xFFFFF600] =	vst v18  }
0x7f: {  	v34 =	vor.u32 $0x13, v17;
	v18 =	vld.idx.msk [tilespmem:v31+s22+$0x0], $0xffff  }
0x80: {  	v21 =	vld.idx.msk [tilespmem:v32+s22+$0x0], $0xffff  }
0x81: {  	v35 =	vor.u32 $0x14, v17  }
0x82: {  	v19 =	vld.idx.msk [tilespmem:v33+s22+$0x0], $0xffff  }
0x83: {  	v36 =	vor.u32 $0x15, v17  }
0x84: {  	v20 =	vld.idx.msk [tilespmem:v34+s22+$0x0], $0xffff  }
0x85: {  	v37 =	vor.u32 $0x16, v17;
	v18 =	vmul.f32 v18, v1;
	v21 =	vmul.f32 v21, v2  }
0x86: {  	v22 =	vld.idx.msk [tilespmem:v35+s22+$0x0], $0xffff  }
0x87: {  	v38 =	vor.u32 $0x17, v17;
	v19 =	vmul.f32 v19, v6;
	v18 =	vadd.f32 v21, v18  }
0x88: {  	v39 =	vld.idx.msk [tilespmem:v36+s22+$0x0], $0xffff  }
0x89: {  	v40 =	vor.u32 $0x18, v17;
	v20 =	vmul.f32 v20, v4;
	v18 =	vadd.f32 v19, v18  }
0x8a: {  	v41 =	vld.idx.msk [tilespmem:v37+s22+$0x0], $0xffff  }
0x8b: {  	v42 =	vor.u32 $0x19, v17;
	v22 =	vmul.f32 v22, v3;
	v18 =	vadd.f32 v20, v18  }
0x8c: {  	v43 =	vld.idx.msk [tilespmem:v38+s22+$0x0], $0xffff  }
0x8d: {  	v44 =	vor.u32 $0x1A, v17;
	v21 =	vmul.f32 v39, v5;
	v18 =	vadd.f32 v22, v18  }
0x8e: {  	v45 =	vld.idx.msk [tilespmem:v40+s22+$0x0], $0xffff  }
0x8f: {  	v46 =	vor.u32 $0x1B, v17;
	v19 =	vmul.f32 v41, v7;
	v18 =	vadd.f32 v21, v18  }
0x90: {  	v47 =	vld.idx.msk [tilespmem:v42+s22+$0x0], $0xffff  }
0x91: {  	v48 =	vor.u32 $0x1C, v17;
	v20 =	vmul.f32 v43, v8;
	v18 =	vadd.f32 v19, v18  }
0x92: {  	v49 =	vld.idx.msk [tilespmem:v44+s22+$0x0], $0xffff  }
0x93: {  	v50 =	vor.u32 $0x1D, v17;
	v22 =	vmul.f32 v45, v9;
	v18 =	vadd.f32 v20, v18  }
0x94: {  	v51 =	vld.idx.msk [tilespmem:v46+s22+$0x0], $0xffff  }
0x95: {  	v52 =	vor.u32 $0x1E, v17;
	v21 =	vmul.f32 v47, v10;
	v18 =	vadd.f32 v22, v18  }
0x96: {  	v53 =	vld.idx.msk [tilespmem:v48+s22+$0x0], $0xffff  }
0x97: {  	v54 =	vor.u32 $0x1F, v17;
	v19 =	vmul.f32 v49, v11;
	v18 =	vadd.f32 v21, v18  }
0x98: {  	v55 =	vld.idx.msk [tilespmem:v50+s22+$0x0], $0xffff  }
0x99: {  	v20 =	vmul.f32 v51, v12;
	v18 =	vadd.f32 v19, v18  }
0x9a: {  	v56 =	vld.idx.msk [tilespmem:v52+s22+$0x0], $0xffff  }
0x9b: {  	v22 =	vmul.f32 v53, v13;
	v18 =	vadd.f32 v20, v18  }
0x9c: {  	v57 =	vld.idx.msk [tilespmem:v54+s22+$0x0], $0xffff  }
0x9d: {  	v21 =	vmul.f32 v55, v14;
	v18 =	vadd.f32 v22, v18;
	_ =	sdelay $0x1  }
0x9e: {  	v19 =	vmul.f32 v56, v15;
	v18 =	vadd.f32 v21, v18;
	_ =	sdelay $0x1  }
0x9f: {  	v58 =	vor.u32 $0x20, v17;
	v20 =	vmul.f32 v57, v16;
	v18 =	vadd.f32 v19, v18  }
0xa0: {  	v59 =	vor.u32 $0x21, v17  }
0xa1: {  	v18 =	vadd.f32 v20, v18  }
0xa2: {  	v60 =	vor.u32 $0x22, v17  }
0xa3: {  	[tilespmem:s28+$0xFFFFF700] =	vst v18  }
0xa4: {  	v61 =	vor.u32 $0x23, v17;
	v18 =	vld.idx.msk [tilespmem:v58+s22+$0x0], $0xffff  }
0xa5: {  	v21 =	vld.idx.msk [tilespmem:v59+s22+$0x0], $0xffff  }
0xa6: {  	v62 =	vor.u32 $0x24, v17  }
0xa7: {  	v20 =	vld.idx.msk [tilespmem:v60+s22+$0x0], $0xffff  }
0xa8: {  	v63 =	vor.u32 $0x25, v17  }
0xa9: {  	v19 =	vld.idx.msk [tilespmem:v61+s22+$0x0], $0xffff  }
0xaa: {  	v28 =	vor.u32 $0x26, v17;
	v18 =	vmul.f32 v18, v1;
	v21 =	vmul.f32 v21, v2  }
0xab: {  	v22 =	vld.idx.msk [tilespmem:v62+s22+$0x0], $0xffff  }
0xac: {  	v29 =	vor.u32 $0x27, v17;
	v20 =	vmul.f32 v20, v6;
	v18 =	vadd.f32 v21, v18  }
0xad: {  	v30 =	vld.idx.msk [tilespmem:v63+s22+$0x0], $0xffff  }
0xae: {  	v31 =	vor.u32 $0x28, v17;
	v19 =	vmul.f32 v19, v4;
	v18 =	vadd.f32 v20, v18  }
0xaf: {  	v32 =	vld.idx.msk [tilespmem:v28+s22+$0x0], $0xffff  }
0xb0: {  	v33 =	vor.u32 $0x29, v17;
	v22 =	vmul.f32 v22, v3;
	v18 =	vadd.f32 v19, v18  }
0xb1: {  	v34 =	vld.idx.msk [tilespmem:v29+s22+$0x0], $0xffff  }
0xb2: {  	v35 =	vor.u32 $0x2A, v17;
	v21 =	vmul.f32 v30, v5;
	v18 =	vadd.f32 v22, v18  }
0xb3: {  	v36 =	vld.idx.msk [tilespmem:v31+s22+$0x0], $0xffff  }
0xb4: {  	v37 =	vor.u32 $0x2B, v17;
	v20 =	vmul.f32 v32, v7;
	v18 =	vadd.f32 v21, v18  }
0xb5: {  	v38 =	vld.idx.msk [tilespmem:v33+s22+$0x0], $0xffff  }
0xb6: {  	v39 =	vor.u32 $0x2C, v17;
	v19 =	vmul.f32 v34, v8;
	v18 =	vadd.f32 v20, v18  }
0xb7: {  	v40 =	vld.idx.msk [tilespmem:v35+s22+$0x0], $0xffff  }
0xb8: {  	v41 =	vor.u32 $0x2D, v17;
	v22 =	vmul.f32 v36, v9;
	v18 =	vadd.f32 v19, v18  }
0xb9: {  	v42 =	vld.idx.msk [tilespmem:v37+s22+$0x0], $0xffff  }
0xba: {  	v43 =	vor.u32 $0x2E, v17;
	v21 =	vmul.f32 v38, v10;
	v18 =	vadd.f32 v22, v18  }
0xbb: {  	v44 =	vld.idx.msk [tilespmem:v39+s22+$0x0], $0xffff  }
0xbc: {  	v45 =	vor.u32 $0x2F, v17;
	v20 =	vmul.f32 v40, v11;
	v18 =	vadd.f32 v21, v18  }
0xbd: {  	v46 =	vld.idx.msk [tilespmem:v41+s22+$0x0], $0xffff  }
0xbe: {  	v19 =	vmul.f32 v42, v12;
	v18 =	vadd.f32 v20, v18  }
0xbf: {  	v47 =	vld.idx.msk [tilespmem:v43+s22+$0x0], $0xffff  }
0xc0: {  	v22 =	vmul.f32 v44, v13;
	v18 =	vadd.f32 v19, v18  }
0xc1: {  	v48 =	vld.idx.msk [tilespmem:v45+s22+$0x0], $0xffff  }
0xc2: {  	v21 =	vmul.f32 v46, v14;
	v18 =	vadd.f32 v22, v18;
	_ =	sdelay $0x1  }
0xc3: {  	v20 =	vmul.f32 v47, v15;
	v18 =	vadd.f32 v21, v18;
	_ =	sdelay $0x1  }
0xc4: {  	v49 =	vor.u32 $0x30, v17;
	v19 =	vmul.f32 v48, v16;
	v18 =	vadd.f32 v20, v18  }
0xc5: {  	v50 =	vor.u32 $0x31, v17  }
0xc6: {  	v18 =	vadd.f32 v19, v18  }
0xc7: {  	v51 =	vor.u32 $0x32, v17  }
0xc8: {  	[tilespmem:s28+$0xFFFFF800] =	vst v18  }
0xc9: {  	v52 =	vor.u32 $0x33, v17;
	v18 =	vld.idx.msk [tilespmem:v49+s22+$0x0], $0xffff  }
0xca: {  	v21 =	vld.idx.msk [tilespmem:v50+s22+$0x0], $0xffff  }
0xcb: {  	v53 =	vor.u32 $0x34, v17  }
0xcc: {  	v19 =	vld.idx.msk [tilespmem:v51+s22+$0x0], $0xffff  }
0xcd: {  	v54 =	vor.u32 $0x35, v17  }
0xce: {  	v20 =	vld.idx.msk [tilespmem:v52+s22+$0x0], $0xffff  }
0xcf: {  	v55 =	vor.u32 $0x36, v17;
	v18 =	vmul.f32 v18, v1;
	v21 =	vmul.f32 v21, v2  }
0xd0: {  	v22 =	vld.idx.msk [tilespmem:v53+s22+$0x0], $0xffff  }
0xd1: {  	v56 =	vor.u32 $0x37, v17;
	v19 =	vmul.f32 v19, v6;
	v18 =	vadd.f32 v21, v18  }
0xd2: {  	v57 =	vld.idx.msk [tilespmem:v54+s22+$0x0], $0xffff  }
0xd3: {  	v58 =	vor.u32 $0x38, v17;
	v20 =	vmul.f32 v20, v4;
	v18 =	vadd.f32 v19, v18  }
0xd4: {  	v59 =	vld.idx.msk [tilespmem:v55+s22+$0x0], $0xffff  }
0xd5: {  	v60 =	vor.u32 $0x39, v17;
	v22 =	vmul.f32 v22, v3;
	v18 =	vadd.f32 v20, v18  }
0xd6: {  	v61 =	vld.idx.msk [tilespmem:v56+s22+$0x0], $0xffff  }
0xd7: {  	v62 =	vor.u32 $0x3A, v17;
	v21 =	vmul.f32 v57, v5;
	v18 =	vadd.f32 v22, v18  }
0xd8: {  	v63 =	vld.idx.msk [tilespmem:v58+s22+$0x0], $0xffff  }
0xd9: {  	v28 =	vor.u32 $0x3B, v17;
	v19 =	vmul.f32 v59, v7;
	v18 =	vadd.f32 v21, v18  }
0xda: {  	v29 =	vld.idx.msk [tilespmem:v60+s22+$0x0], $0xffff  }
0xdb: {  	v30 =	vor.u32 $0x3C, v17;
	v20 =	vmul.f32 v61, v8;
	v18 =	vadd.f32 v19, v18  }
0xdc: {  	v31 =	vld.idx.msk [tilespmem:v62+s22+$0x0], $0xffff  }
0xdd: {  	v32 =	vor.u32 $0x3D, v17;
	v22 =	vmul.f32 v63, v9;
	v18 =	vadd.f32 v20, v18  }
0xde: {  	v33 =	vld.idx.msk [tilespmem:v28+s22+$0x0], $0xffff  }
0xdf: {  	v34 =	vor.u32 $0x3E, v17;
	v21 =	vmul.f32 v29, v10;
	v18 =	vadd.f32 v22, v18  }
0xe0: {  	v35 =	vld.idx.msk [tilespmem:v30+s22+$0x0], $0xffff  }
0xe1: {  	v36 =	vor.u32 $0x3F, v17;
	v19 =	vmul.f32 v31, v11;
	v18 =	vadd.f32 v21, v18  }
0xe2: {  	v37 =	vld.idx.msk [tilespmem:v32+s22+$0x0], $0xffff  }
0xe3: {  	v20 =	vmul.f32 v33, v12;
	v18 =	vadd.f32 v19, v18  }
0xe4: {  	v38 =	vld.idx.msk [tilespmem:v34+s22+$0x0], $0xffff  }
0xe5: {  	v22 =	vmul.f32 v35, v13;
	v18 =	vadd.f32 v20, v18  }
0xe6: {  	v39 =	vld.idx.msk [tilespmem:v36+s22+$0x0], $0xffff  }
0xe7: {  	v21 =	vmul.f32 v37, v14;
	v18 =	vadd.f32 v22, v18;
	_ =	sdelay $0x1  }
0xe8: {  	v19 =	vmul.f32 v38, v15;
	v18 =	vadd.f32 v21, v18;
	_ =	sdelay $0x1  }
0xe9: {  	v40 =	vadd.s32 $0x40, v17;
	v20 =	vmul.f32 v39, v16;
	v18 =	vadd.f32 v19, v18  }
0xea: {  	v41 =	vadd.s32 $0x41, v17  }
0xeb: {  	v18 =	vadd.f32 v20, v18  }
0xec: {  	v42 =	vadd.s32 $0x42, v17  }
0xed: {  	[tilespmem:s28+$0xFFFFF900] =	vst v18  }
0xee: {  	v43 =	vadd.s32 $0x43, v17;
	v18 =	vld.idx.msk [tilespmem:v40+s22+$0x0], $0xffff  }
0xef: {  	v21 =	vld.idx.msk [tilespmem:v41+s22+$0x0], $0xffff  }
0xf0: {  	v44 =	vadd.s32 $0x44, v17  }
0xf1: {  	v20 =	vld.idx.msk [tilespmem:v42+s22+$0x0], $0xffff  }
0xf2: {  	v45 =	vadd.s32 $0x45, v17  }
0xf3: {  	v19 =	vld.idx.msk [tilespmem:v43+s22+$0x0], $0xffff  }
0xf4: {  	v46 =	vadd.s32 $0x46, v17;
	v18 =	vmul.f32 v18, v1;
	v21 =	vmul.f32 v21, v2  }
0xf5: {  	v22 =	vld.idx.msk [tilespmem:v44+s22+$0x0], $0xffff  }
0xf6: {  	v47 =	vadd.s32 $0x47, v17;
	v20 =	vmul.f32 v20, v6;
	v18 =	vadd.f32 v21, v18  }
0xf7: {  	v48 =	vld.idx.msk [tilespmem:v45+s22+$0x0], $0xffff  }
0xf8: {  	v49 =	vadd.s32 $0x48, v17;
	v19 =	vmul.f32 v19, v4;
	v18 =	vadd.f32 v20, v18  }
0xf9: {  	v50 =	vld.idx.msk [tilespmem:v46+s22+$0x0], $0xffff  }
0xfa: {  	v51 =	vadd.s32 $0x49, v17;
	v22 =	vmul.f32 v22, v3;
	v18 =	vadd.f32 v19, v18  }
0xfb: {  	v52 =	vld.idx.msk [tilespmem:v47+s22+$0x0], $0xffff  }
0xfc: {  	v53 =	vadd.s32 $0x4A, v17;
	v21 =	vmul.f32 v48, v5;
	v18 =	vadd.f32 v22, v18  }
0xfd: {  	v54 =	vld.idx.msk [tilespmem:v49+s22+$0x0], $0xffff  }
0xfe: {  	v55 =	vadd.s32 $0x4B, v17;
	v20 =	vmul.f32 v50, v7;
	v18 =	vadd.f32 v21, v18  }
0xff: {  	v56 =	vld.idx.msk [tilespmem:v51+s22+$0x0], $0xffff  }
0x100: {  	v57 =	vadd.s32 $0x4C, v17;
	v19 =	vmul.f32 v52, v8;
	v18 =	vadd.f32 v20, v18  }
0x101: {  	v58 =	vld.idx.msk [tilespmem:v53+s22+$0x0], $0xffff  }
0x102: {  	v59 =	vadd.s32 $0x4D, v17;
	v22 =	vmul.f32 v54, v9;
	v18 =	vadd.f32 v19, v18  }
0x103: {  	v60 =	vld.idx.msk [tilespmem:v55+s22+$0x0], $0xffff  }
0x104: {  	v61 =	vadd.s32 $0x4E, v17;
	v21 =	vmul.f32 v56, v10;
	v18 =	vadd.f32 v22, v18  }
0x105: {  	v62 =	vld.idx.msk [tilespmem:v57+s22+$0x0], $0xffff  }
0x106: {  	v63 =	vadd.s32 $0x4F, v17;
	v20 =	vmul.f32 v58, v11;
	v18 =	vadd.f32 v21, v18  }
0x107: {  	v28 =	vld.idx.msk [tilespmem:v59+s22+$0x0], $0xffff  }
0x108: {  	v19 =	vmul.f32 v60, v12;
	v18 =	vadd.f32 v20, v18  }
0x109: {  	v29 =	vld.idx.msk [tilespmem:v61+s22+$0x0], $0xffff  }
0x10a: {  	v22 =	vmul.f32 v62, v13;
	v18 =	vadd.f32 v19, v18  }
0x10b: {  	v30 =	vld.idx.msk [tilespmem:v63+s22+$0x0], $0xffff  }
0x10c: {  	v21 =	vmul.f32 v28, v14;
	v18 =	vadd.f32 v22, v18;
	_ =	sdelay $0x1  }
0x10d: {  	v20 =	vmul.f32 v29, v15;
	v18 =	vadd.f32 v21, v18;
	_ =	sdelay $0x1  }
0x10e: {  	v31 =	vadd.s32 $0x50, v17;
	v19 =	vmul.f32 v30, v16;
	v18 =	vadd.f32 v20, v18  }
0x10f: {  	v32 =	vadd.s32 $0x51, v17  }
0x110: {  	v18 =	vadd.f32 v19, v18  }
0x111: {  	v33 =	vadd.s32 $0x52, v17  }
0x112: {  	[tilespmem:s28+$0xFFFFFA00] =	vst v18  }
0x113: {  	v34 =	vadd.s32 $0x53, v17;
	v18 =	vld.idx.msk [tilespmem:v31+s22+$0x0], $0xffff  }
0x114: {  	v21 =	vld.idx.msk [tilespmem:v32+s22+$0x0], $0xffff  }
0x115: {  	v35 =	vadd.s32 $0x54, v17  }
0x116: {  	v19 =	vld.idx.msk [tilespmem:v33+s22+$0x0], $0xffff  }
0x117: {  	v36 =	vadd.s32 $0x55, v17  }
0x118: {  	v20 =	vld.idx.msk [tilespmem:v34+s22+$0x0], $0xffff  }
0x119: {  	v37 =	vadd.s32 $0x56, v17;
	v18 =	vmul.f32 v18, v1;
	v21 =	vmul.f32 v21, v2  }
0x11a: {  	v22 =	vld.idx.msk [tilespmem:v35+s22+$0x0], $0xffff  }
0x11b: {  	v38 =	vadd.s32 $0x57, v17;
	v19 =	vmul.f32 v19, v6;
	v18 =	vadd.f32 v21, v18  }
0x11c: {  	v39 =	vld.idx.msk [tilespmem:v36+s22+$0x0], $0xffff  }
0x11d: {  	v40 =	vadd.s32 $0x58, v17;
	v20 =	vmul.f32 v20, v4;
	v18 =	vadd.f32 v19, v18  }
0x11e: {  	v41 =	vld.idx.msk [tilespmem:v37+s22+$0x0], $0xffff  }
0x11f: {  	v42 =	vadd.s32 $0x59, v17;
	v22 =	vmul.f32 v22, v3;
	v18 =	vadd.f32 v20, v18  }
0x120: {  	v43 =	vld.idx.msk [tilespmem:v38+s22+$0x0], $0xffff  }
0x121: {  	v44 =	vadd.s32 $0x5A, v17;
	v21 =	vmul.f32 v39, v5;
	v18 =	vadd.f32 v22, v18  }
0x122: {  	v45 =	vld.idx.msk [tilespmem:v40+s22+$0x0], $0xffff  }
0x123: {  	v46 =	vadd.s32 $0x5B, v17;
	v19 =	vmul.f32 v41, v7;
	v18 =	vadd.f32 v21, v18  }
0x124: {  	v47 =	vld.idx.msk [tilespmem:v42+s22+$0x0], $0xffff  }
0x125: {  	v48 =	vadd.s32 $0x5C, v17;
	v20 =	vmul.f32 v43, v8;
	v18 =	vadd.f32 v19, v18  }
0x126: {  	v49 =	vld.idx.msk [tilespmem:v44+s22+$0x0], $0xffff  }
0x127: {  	v50 =	vadd.s32 $0x5D, v17;
	v22 =	vmul.f32 v45, v9;
	v18 =	vadd.f32 v20, v18  }
0x128: {  	v51 =	vld.idx.msk [tilespmem:v46+s22+$0x0], $0xffff  }
0x129: {  	v52 =	vadd.s32 $0x5E, v17;
	v21 =	vmul.f32 v47, v10;
	v18 =	vadd.f32 v22, v18  }
0x12a: {  	v53 =	vld.idx.msk [tilespmem:v48+s22+$0x0], $0xffff  }
0x12b: {  	v54 =	vadd.s32 $0x5F, v17;
	v19 =	vmul.f32 v49, v11;
	v18 =	vadd.f32 v21, v18  }
0x12c: {  	v55 =	vld.idx.msk [tilespmem:v50+s22+$0x0], $0xffff  }
0x12d: {  	v20 =	vmul.f32 v51, v12;
	v18 =	vadd.f32 v19, v18  }
0x12e: {  	v56 =	vld.idx.msk [tilespmem:v52+s22+$0x0], $0xffff  }
0x12f: {  	v22 =	vmul.f32 v53, v13;
	v18 =	vadd.f32 v20, v18  }
0x130: {  	v57 =	vld.idx.msk [tilespmem:v54+s22+$0x0], $0xffff  }
0x131: {  	v21 =	vmul.f32 v55, v14;
	v18 =	vadd.f32 v22, v18;
	_ =	sdelay $0x1  }
0x132: {  	v19 =	vmul.f32 v56, v15;
	v18 =	vadd.f32 v21, v18;
	_ =	sdelay $0x1  }
0x133: {  	v58 =	vadd.s32 $0x60, v17;
	v20 =	vmul.f32 v57, v16;
	v18 =	vadd.f32 v19, v18  }
0x134: {  	v59 =	vadd.s32 $0x61, v17  }
0x135: {  	v18 =	vadd.f32 v20, v18  }
0x136: {  	v60 =	vadd.s32 $0x62, v17  }
0x137: {  	[tilespmem:s28+$0xFFFFFB00] =	vst v18  }
0x138: {  	v61 =	vadd.s32 $0x63, v17;
	v18 =	vld.idx.msk [tilespmem:v58+s22+$0x0], $0xffff  }
0x139: {  	v21 =	vld.idx.msk [tilespmem:v59+s22+$0x0], $0xffff  }
0x13a: {  	v62 =	vadd.s32 $0x64, v17  }
0x13b: {  	v20 =	vld.idx.msk [tilespmem:v60+s22+$0x0], $0xffff  }
0x13c: {  	v63 =	vadd.s32 $0x65, v17  }
0x13d: {  	v19 =	vld.idx.msk [tilespmem:v61+s22+$0x0], $0xffff  }
0x13e: {  	v28 =	vadd.s32 $0x66, v17;
	v18 =	vmul.f32 v18, v1;
	v21 =	vmul.f32 v21, v2  }
0x13f: {  	v22 =	vld.idx.msk [tilespmem:v62+s22+$0x0], $0xffff  }
0x140: {  	v29 =	vadd.s32 $0x67, v17;
	v20 =	vmul.f32 v20, v6;
	v18 =	vadd.f32 v21, v18  }
0x141: {  	v30 =	vld.idx.msk [tilespmem:v63+s22+$0x0], $0xffff  }
0x142: {  	v31 =	vadd.s32 $0x68, v17;
	v19 =	vmul.f32 v19, v4;
	v18 =	vadd.f32 v20, v18  }
0x143: {  	v32 =	vld.idx.msk [tilespmem:v28+s22+$0x0], $0xffff  }
0x144: {  	v33 =	vadd.s32 $0x69, v17;
	v22 =	vmul.f32 v22, v3;
	v18 =	vadd.f32 v19, v18  }
0x145: {  	v34 =	vld.idx.msk [tilespmem:v29+s22+$0x0], $0xffff  }
0x146: {  	v35 =	vadd.s32 $0x6A, v17;
	v21 =	vmul.f32 v30, v5;
	v18 =	vadd.f32 v22, v18  }
0x147: {  	v36 =	vld.idx.msk [tilespmem:v31+s22+$0x0], $0xffff  }
0x148: {  	v37 =	vadd.s32 $0x6B, v17;
	v20 =	vmul.f32 v32, v7;
	v18 =	vadd.f32 v21, v18  }
0x149: {  	v38 =	vld.idx.msk [tilespmem:v33+s22+$0x0], $0xffff  }
0x14a: {  	v39 =	vadd.s32 $0x6C, v17;
	v19 =	vmul.f32 v34, v8;
	v18 =	vadd.f32 v20, v18  }
0x14b: {  	v40 =	vld.idx.msk [tilespmem:v35+s22+$0x0], $0xffff  }
0x14c: {  	v41 =	vadd.s32 $0x6D, v17;
	v22 =	vmul.f32 v36, v9;
	v18 =	vadd.f32 v19, v18  }
0x14d: {  	v42 =	vld.idx.msk [tilespmem:v37+s22+$0x0], $0xffff  }
0x14e: {  	v43 =	vadd.s32 $0x6E, v17;
	v21 =	vmul.f32 v38, v10;
	v18 =	vadd.f32 v22, v18  }
0x14f: {  	v44 =	vld.idx.msk [tilespmem:v39+s22+$0x0], $0xffff  }
0x150: {  	v45 =	vadd.s32 $0x6F, v17;
	v20 =	vmul.f32 v40, v11;
	v18 =	vadd.f32 v21, v18  }
0x151: {  	v46 =	vld.idx.msk [tilespmem:v41+s22+$0x0], $0xffff  }
0x152: {  	v19 =	vmul.f32 v42, v12;
	v18 =	vadd.f32 v20, v18  }
0x153: {  	v47 =	vld.idx.msk [tilespmem:v43+s22+$0x0], $0xffff  }
0x154: {  	v22 =	vmul.f32 v44, v13;
	v18 =	vadd.f32 v19, v18  }
0x155: {  	v48 =	vld.idx.msk [tilespmem:v45+s22+$0x0], $0xffff  }
0x156: {  	v21 =	vmul.f32 v46, v14;
	v18 =	vadd.f32 v22, v18;
	_ =	sdelay $0x1  }
0x157: {  	v20 =	vmul.f32 v47, v15;
	v18 =	vadd.f32 v21, v18;
	_ =	sdelay $0x1  }
0x158: {  	v49 =	vadd.s32 $0x70, v17;
	v19 =	vmul.f32 v48, v16;
	v18 =	vadd.f32 v20, v18  }
0x159: {  	v50 =	vadd.s32 $0x71, v17  }
0x15a: {  	v18 =	vadd.f32 v19, v18  }
0x15b: {  	v51 =	vadd.s32 $0x72, v17  }
0x15c: {  	[tilespmem:s28+$0xFFFFFC00] =	vst v18  }
0x15d: {  	v52 =	vadd.s32 $0x73, v17;
	v18 =	vld.idx.msk [tilespmem:v49+s22+$0x0], $0xffff  }
0x15e: {  	v21 =	vld.idx.msk [tilespmem:v50+s22+$0x0], $0xffff  }
0x15f: {  	v53 =	vadd.s32 $0x74, v17  }
0x160: {  	v19 =	vld.idx.msk [tilespmem:v51+s22+$0x0], $0xffff  }
0x161: {  	v54 =	vadd.s32 $0x75, v17  }
0x162: {  	v20 =	vld.idx.msk [tilespmem:v52+s22+$0x0], $0xffff  }
0x163: {  	v55 =	vadd.s32 $0x76, v17;
	v18 =	vmul.f32 v18, v1;
	v21 =	vmul.f32 v21, v2  }
0x164: {  	v22 =	vld.idx.msk [tilespmem:v53+s22+$0x0], $0xffff  }
0x165: {  	v56 =	vadd.s32 $0x77, v17;
	v19 =	vmul.f32 v19, v6;
	v18 =	vadd.f32 v21, v18  }
0x166: {  	v57 =	vld.idx.msk [tilespmem:v54+s22+$0x0], $0xffff  }
0x167: {  	v58 =	vadd.s32 $0x78, v17;
	v20 =	vmul.f32 v20, v4;
	v18 =	vadd.f32 v19, v18  }
0x168: {  	v59 =	vld.idx.msk [tilespmem:v55+s22+$0x0], $0xffff  }
0x169: {  	v60 =	vadd.s32 $0x79, v17;
	v22 =	vmul.f32 v22, v3;
	v18 =	vadd.f32 v20, v18  }
0x16a: {  	v61 =	vld.idx.msk [tilespmem:v56+s22+$0x0], $0xffff  }
0x16b: {  	v62 =	vadd.s32 $0x7A, v17;
	v21 =	vmul.f32 v57, v5;
	v18 =	vadd.f32 v22, v18  }
0x16c: {  	v63 =	vld.idx.msk [tilespmem:v58+s22+$0x0], $0xffff  }
0x16d: {  	v28 =	vadd.s32 $0x7B, v17;
	v19 =	vmul.f32 v59, v7;
	v18 =	vadd.f32 v21, v18  }
0x16e: {  	v29 =	vld.idx.msk [tilespmem:v60+s22+$0x0], $0xffff  }
0x16f: {  	v30 =	vadd.s32 $0x7C, v17;
	v20 =	vmul.f32 v61, v8;
	v18 =	vadd.f32 v19, v18  }
0x170: {  	v31 =	vld.idx.msk [tilespmem:v62+s22+$0x0], $0xffff  }
0x171: {  	v32 =	vadd.s32 $0x7D, v17;
	v22 =	vmul.f32 v63, v9;
	v18 =	vadd.f32 v20, v18  }
0x172: {  	v33 =	vld.idx.msk [tilespmem:v28+s22+$0x0], $0xffff  }
0x173: {  	v34 =	vadd.s32 $0x7E, v17;
	v21 =	vmul.f32 v29, v10;
	v18 =	vadd.f32 v22, v18  }
0x174: {  	v35 =	vld.idx.msk [tilespmem:v30+s22+$0x0], $0xffff  }
0x175: {  	v36 =	vadd.s32 $0x7F, v17;
	v19 =	vmul.f32 v31, v11;
	v18 =	vadd.f32 v21, v18  }
0x176: {  	v37 =	vld.idx.msk [tilespmem:v32+s22+$0x0], $0xffff  }
0x177: {  	v20 =	vmul.f32 v33, v12;
	v18 =	vadd.f32 v19, v18  }
0x178: {  	v38 =	vld.idx.msk [tilespmem:v34+s22+$0x0], $0xffff  }
0x179: {  	v22 =	vmul.f32 v35, v13;
	v18 =	vadd.f32 v20, v18  }
0x17a: {  	v39 =	vld.idx.msk [tilespmem:v36+s22+$0x0], $0xffff  }
0x17b: {  	v21 =	vmul.f32 v37, v14;
	v18 =	vadd.f32 v22, v18;
	_ =	sdelay $0x1  }
0x17c: {  	v19 =	vmul.f32 v38, v15;
	v18 =	vadd.f32 v21, v18;
	_ =	sdelay $0x1  }
0x17d: {  	v40 =	vadd.s32 $0x80, v17;
	v20 =	vmul.f32 v39, v16;
	v18 =	vadd.f32 v19, v18  }
0x17e: {  	v41 =	vadd.s32 $0x81, v17  }
0x17f: {  	v18 =	vadd.f32 v20, v18  }
0x180: {  	v42 =	vadd.s32 $0x82, v17  }
0x181: {  	[tilespmem:s28+$0xFFFFFD00] =	vst v18  }
0x182: {  	v43 =	vadd.s32 $0x83, v17;
	v18 =	vld.idx.msk [tilespmem:v40+s22+$0x0], $0xffff  }
0x183: {  	v21 =	vld.idx.msk [tilespmem:v41+s22+$0x0], $0xffff  }
0x184: {  	v44 =	vadd.s32 $0x84, v17  }
0x185: {  	v20 =	vld.idx.msk [tilespmem:v42+s22+$0x0], $0xffff  }
0x186: {  	v45 =	vadd.s32 $0x85, v17  }
0x187: {  	v19 =	vld.idx.msk [tilespmem:v43+s22+$0x0], $0xffff  }
0x188: {  	v46 =	vadd.s32 $0x86, v17;
	v18 =	vmul.f32 v18, v1;
	v21 =	vmul.f32 v21, v2  }
0x189: {  	v22 =	vld.idx.msk [tilespmem:v44+s22+$0x0], $0xffff  }
0x18a: {  	v47 =	vadd.s32 $0x87, v17;
	v20 =	vmul.f32 v20, v6;
	v18 =	vadd.f32 v21, v18  }
0x18b: {  	v48 =	vld.idx.msk [tilespmem:v45+s22+$0x0], $0xffff  }
0x18c: {  	v49 =	vadd.s32 $0x88, v17;
	v19 =	vmul.f32 v19, v4;
	v18 =	vadd.f32 v20, v18  }
0x18d: {  	v50 =	vld.idx.msk [tilespmem:v46+s22+$0x0], $0xffff  }
0x18e: {  	v51 =	vadd.s32 $0x89, v17;
	v22 =	vmul.f32 v22, v3;
	v18 =	vadd.f32 v19, v18  }
0x18f: {  	v52 =	vld.idx.msk [tilespmem:v47+s22+$0x0], $0xffff  }
0x190: {  	v53 =	vadd.s32 $0x8A, v17;
	v21 =	vmul.f32 v48, v5;
	v18 =	vadd.f32 v22, v18  }
0x191: {  	v54 =	vld.idx.msk [tilespmem:v49+s22+$0x0], $0xffff  }
0x192: {  	v55 =	vadd.s32 $0x8B, v17;
	v20 =	vmul.f32 v50, v7;
	v18 =	vadd.f32 v21, v18  }
0x193: {  	v56 =	vld.idx.msk [tilespmem:v51+s22+$0x0], $0xffff  }
0x194: {  	v57 =	vadd.s32 $0x8C, v17;
	v19 =	vmul.f32 v52, v8;
	v18 =	vadd.f32 v20, v18  }
0x195: {  	v58 =	vld.idx.msk [tilespmem:v53+s22+$0x0], $0xffff  }
0x196: {  	v59 =	vadd.s32 $0x8D, v17;
	v22 =	vmul.f32 v54, v9;
	v18 =	vadd.f32 v19, v18  }
0x197: {  	v60 =	vld.idx.msk [tilespmem:v55+s22+$0x0], $0xffff  }
0x198: {  	v61 =	vadd.s32 $0x8E, v17;
	v21 =	vmul.f32 v56, v10;
	v18 =	vadd.f32 v22, v18  }
0x199: {  	v62 =	vld.idx.msk [tilespmem:v57+s22+$0x0], $0xffff  }
0x19a: {  	v63 =	vadd.s32 $0x8F, v17;
	v20 =	vmul.f32 v58, v11;
	v18 =	vadd.f32 v21, v18  }
0x19b: {  	v28 =	vld.idx.msk [tilespmem:v59+s22+$0x0], $0xffff  }
0x19c: {  	v19 =	vmul.f32 v60, v12;
	v18 =	vadd.f32 v20, v18  }
0x19d: {  	v29 =	vld.idx.msk [tilespmem:v61+s22+$0x0], $0xffff  }
0x19e: {  	v22 =	vmul.f32 v62, v13;
	v18 =	vadd.f32 v19, v18  }
0x19f: {  	v30 =	vld.idx.msk [tilespmem:v63+s22+$0x0], $0xffff  }
0x1a0: {  	v21 =	vmul.f32 v28, v14;
	v18 =	vadd.f32 v22, v18;
	_ =	sdelay $0x1  }
0x1a1: {  	v20 =	vmul.f32 v29, v15;
	v18 =	vadd.f32 v21, v18;
	_ =	sdelay $0x1  }
0x1a2: {  	v31 =	vadd.s32 $0x90, v17;
	v19 =	vmul.f32 v30, v16;
	v18 =	vadd.f32 v20, v18  }
0x1a3: {  	v32 =	vadd.s32 $0x91, v17  }
0x1a4: {  	v18 =	vadd.f32 v19, v18  }
0x1a5: {  	v33 =	vadd.s32 $0x92, v17  }
0x1a6: {  	[tilespmem:s28+$0xFFFFFE00] =	vst v18  }
0x1a7: {  	v34 =	vadd.s32 $0x93, v17;
	v18 =	vld.idx.msk [tilespmem:v31+s22+$0x0], $0xffff  }
0x1a8: {  	v21 =	vld.idx.msk [tilespmem:v32+s22+$0x0], $0xffff  }
0x1a9: {  	v35 =	vadd.s32 $0x94, v17  }
0x1aa: {  	v19 =	vld.idx.msk [tilespmem:v33+s22+$0x0], $0xffff  }
0x1ab: {  	v36 =	vadd.s32 $0x95, v17  }
0x1ac: {  	v20 =	vld.idx.msk [tilespmem:v34+s22+$0x0], $0xffff  }
0x1ad: {  	v37 =	vadd.s32 $0x96, v17;
	v18 =	vmul.f32 v18, v1;
	v21 =	vmul.f32 v21, v2  }
0x1ae: {  	v22 =	vld.idx.msk [tilespmem:v35+s22+$0x0], $0xffff  }
0x1af: {  	v38 =	vadd.s32 $0x97, v17;
	v19 =	vmul.f32 v19, v6;
	v18 =	vadd.f32 v21, v18  }
0x1b0: {  	v39 =	vld.idx.msk [tilespmem:v36+s22+$0x0], $0xffff  }
0x1b1: {  	v40 =	vadd.s32 $0x98, v17;
	v20 =	vmul.f32 v20, v4;
	v18 =	vadd.f32 v19, v18  }
0x1b2: {  	v41 =	vld.idx.msk [tilespmem:v37+s22+$0x0], $0xffff  }
0x1b3: {  	v42 =	vadd.s32 $0x99, v17;
	v22 =	vmul.f32 v22, v3;
	v18 =	vadd.f32 v20, v18  }
0x1b4: {  	v43 =	vld.idx.msk [tilespmem:v38+s22+$0x0], $0xffff  }
0x1b5: {  	v44 =	vadd.s32 $0x9A, v17;
	v21 =	vmul.f32 v39, v5;
	v18 =	vadd.f32 v22, v18  }
0x1b6: {  	v45 =	vld.idx.msk [tilespmem:v40+s22+$0x0], $0xffff  }
0x1b7: {  	v46 =	vadd.s32 $0x9B, v17;
	v19 =	vmul.f32 v41, v7;
	v18 =	vadd.f32 v21, v18  }
0x1b8: {  	v47 =	vld.idx.msk [tilespmem:v42+s22+$0x0], $0xffff  }
0x1b9: {  	v48 =	vadd.s32 $0x9C, v17;
	v20 =	vmul.f32 v43, v8;
	v18 =	vadd.f32 v19, v18  }
0x1ba: {  	v49 =	vld.idx.msk [tilespmem:v44+s22+$0x0], $0xffff  }
0x1bb: {  	v50 =	vadd.s32 $0x9D, v17;
	v22 =	vmul.f32 v45, v9;
	v18 =	vadd.f32 v20, v18  }
0x1bc: {  	v51 =	vld.idx.msk [tilespmem:v46+s22+$0x0], $0xffff  }
0x1bd: {  	v52 =	vadd.s32 $0x9E, v17;
	v21 =	vmul.f32 v47, v10;
	v18 =	vadd.f32 v22, v18  }
0x1be: {  	v53 =	vld.idx.msk [tilespmem:v48+s22+$0x0], $0xffff  }
0x1bf: {  	v54 =	vadd.s32 $0x9F, v17;
	v19 =	vmul.f32 v49, v11;
	v18 =	vadd.f32 v21, v18  }
0x1c0: {  	v55 =	vld.idx.msk [tilespmem:v50+s22+$0x0], $0xffff  }
0x1c1: {  	v20 =	vmul.f32 v51, v12;
	v18 =	vadd.f32 v19, v18  }
0x1c2: {  	v56 =	vld.idx.msk [tilespmem:v52+s22+$0x0], $0xffff  }
0x1c3: {  	v22 =	vmul.f32 v53, v13;
	v18 =	vadd.f32 v20, v18  }
0x1c4: {  	v57 =	vld.idx.msk [tilespmem:v54+s22+$0x0], $0xffff  }
0x1c5: {  	v21 =	vmul.f32 v55, v14;
	v18 =	vadd.f32 v22, v18;
	_ =	sdelay $0x1  }
0x1c6: {  	v19 =	vmul.f32 v56, v15;
	v18 =	vadd.f32 v21, v18;
	_ =	sdelay $0x1  }
0x1c7: {  	v58 =	vadd.s32 $0xA0, v17;
	v20 =	vmul.f32 v57, v16;
	v18 =	vadd.f32 v19, v18  }
0x1c8: {  	v59 =	vadd.s32 $0xA1, v17  }
0x1c9: {  	v18 =	vadd.f32 v20, v18  }
0x1ca: {  	v60 =	vadd.s32 $0xA2, v17  }
0x1cb: {  	[tilespmem:s28+$0xFFFFFF00] =	vst v18  }
0x1cc: {  	v61 =	vadd.s32 $0xA3, v17;
	v18 =	vld.idx.msk [tilespmem:v58+s22+$0x0], $0xffff  }
0x1cd: {  	v21 =	vld.idx.msk [tilespmem:v59+s22+$0x0], $0xffff  }
0x1ce: {  	v62 =	vadd.s32 $0xA4, v17  }
0x1cf: {  	v20 =	vld.idx.msk [tilespmem:v60+s22+$0x0], $0xffff  }
0x1d0: {  	v63 =	vadd.s32 $0xA5, v17  }
0x1d1: {  	v19 =	vld.idx.msk [tilespmem:v61+s22+$0x0], $0xffff  }
0x1d2: {  	v28 =	vadd.s32 $0xA6, v17;
	v18 =	vmul.f32 v18, v1;
	v21 =	vmul.f32 v21, v2  }
0x1d3: {  	v22 =	vld.idx.msk [tilespmem:v62+s22+$0x0], $0xffff  }
0x1d4: {  	v29 =	vadd.s32 $0xA7, v17;
	v20 =	vmul.f32 v20, v6;
	v18 =	vadd.f32 v21, v18  }
0x1d5: {  	v30 =	vld.idx.msk [tilespmem:v63+s22+$0x0], $0xffff  }
0x1d6: {  	v31 =	vadd.s32 $0xA8, v17;
	v19 =	vmul.f32 v19, v4;
	v18 =	vadd.f32 v20, v18  }
0x1d7: {  	v32 =	vld.idx.msk [tilespmem:v28+s22+$0x0], $0xffff  }
0x1d8: {  	v33 =	vadd.s32 $0xA9, v17;
	v22 =	vmul.f32 v22, v3;
	v18 =	vadd.f32 v19, v18  }
0x1d9: {  	v34 =	vld.idx.msk [tilespmem:v29+s22+$0x0], $0xffff  }
0x1da: {  	v35 =	vadd.s32 $0xAA, v17;
	v21 =	vmul.f32 v30, v5;
	v18 =	vadd.f32 v22, v18  }
0x1db: {  	v36 =	vld.idx.msk [tilespmem:v31+s22+$0x0], $0xffff  }
0x1dc: {  	v37 =	vadd.s32 $0xAB, v17;
	v20 =	vmul.f32 v32, v7;
	v18 =	vadd.f32 v21, v18  }
0x1dd: {  	v38 =	vld.idx.msk [tilespmem:v33+s22+$0x0], $0xffff  }
0x1de: {  	v39 =	vadd.s32 $0xAC, v17;
	v19 =	vmul.f32 v34, v8;
	v18 =	vadd.f32 v20, v18  }
0x1df: {  	v40 =	vld.idx.msk [tilespmem:v35+s22+$0x0], $0xffff  }
0x1e0: {  	v41 =	vadd.s32 $0xAD, v17;
	v22 =	vmul.f32 v36, v9;
	v18 =	vadd.f32 v19, v18  }
0x1e1: {  	v42 =	vld.idx.msk [tilespmem:v37+s22+$0x0], $0xffff  }
0x1e2: {  	v43 =	vadd.s32 $0xAE, v17;
	v21 =	vmul.f32 v38, v10;
	v18 =	vadd.f32 v22, v18  }
0x1e3: {  	v44 =	vld.idx.msk [tilespmem:v39+s22+$0x0], $0xffff  }
0x1e4: {  	v45 =	vadd.s32 $0xAF, v17;
	v20 =	vmul.f32 v40, v11;
	v18 =	vadd.f32 v21, v18  }
0x1e5: {  	v46 =	vld.idx.msk [tilespmem:v41+s22+$0x0], $0xffff  }
0x1e6: {  	v19 =	vmul.f32 v42, v12;
	v18 =	vadd.f32 v20, v18  }
0x1e7: {  	v47 =	vld.idx.msk [tilespmem:v43+s22+$0x0], $0xffff  }
0x1e8: {  	v22 =	vmul.f32 v44, v13;
	v18 =	vadd.f32 v19, v18  }
0x1e9: {  	v48 =	vld.idx.msk [tilespmem:v45+s22+$0x0], $0xffff  }
0x1ea: {  	v21 =	vmul.f32 v46, v14;
	v18 =	vadd.f32 v22, v18;
	_ =	sdelay $0x1  }
0x1eb: {  	v20 =	vmul.f32 v47, v15;
	v18 =	vadd.f32 v21, v18;
	_ =	sdelay $0x1  }
0x1ec: {  	v49 =	vadd.s32 $0xB0, v17;
	v19 =	vmul.f32 v48, v16;
	v18 =	vadd.f32 v20, v18  }
0x1ed: {  	v50 =	vadd.s32 $0xB1, v17  }
0x1ee: {  	v18 =	vadd.f32 v19, v18  }
0x1ef: {  	v51 =	vadd.s32 $0xB2, v17  }
0x1f0: {  	[tilespmem:s28+$0x0] =	vst v18  }
0x1f1: {  	v52 =	vadd.s32 $0xB3, v17;
	v18 =	vld.idx.msk [tilespmem:v49+s22+$0x0], $0xffff  }
0x1f2: {  	v21 =	vld.idx.msk [tilespmem:v50+s22+$0x0], $0xffff  }
0x1f3: {  	v53 =	vadd.s32 $0xB4, v17  }
0x1f4: {  	v19 =	vld.idx.msk [tilespmem:v51+s22+$0x0], $0xffff  }
0x1f5: {  	v54 =	vadd.s32 $0xB5, v17  }
0x1f6: {  	v20 =	vld.idx.msk [tilespmem:v52+s22+$0x0], $0xffff  }
0x1f7: {  	v55 =	vadd.s32 $0xB6, v17;
	v18 =	vmul.f32 v18, v1;
	v21 =	vmul.f32 v21, v2  }
0x1f8: {  	v22 =	vld.idx.msk [tilespmem:v53+s22+$0x0], $0xffff  }
0x1f9: {  	v56 =	vadd.s32 $0xB7, v17;
	v19 =	vmul.f32 v19, v6;
	v18 =	vadd.f32 v21, v18  }
0x1fa: {  	v57 =	vld.idx.msk [tilespmem:v54+s22+$0x0], $0xffff  }
0x1fb: {  	v58 =	vadd.s32 $0xB8, v17;
	v20 =	vmul.f32 v20, v4;
	v18 =	vadd.f32 v19, v18  }
0x1fc: {  	v59 =	vld.idx.msk [tilespmem:v55+s22+$0x0], $0xffff  }
0x1fd: {  	v60 =	vadd.s32 $0xB9, v17;
	v22 =	vmul.f32 v22, v3;
	v18 =	vadd.f32 v20, v18  }
0x1fe: {  	v61 =	vld.idx.msk [tilespmem:v56+s22+$0x0], $0xffff  }
0x1ff: {  	v62 =	vadd.s32 $0xBA, v17;
	v21 =	vmul.f32 v57, v5;
	v18 =	vadd.f32 v22, v18  }
0x200: {  	v63 =	vld.idx.msk [tilespmem:v58+s22+$0x0], $0xffff  }
0x201: {  	v28 =	vadd.s32 $0xBB, v17;
	v19 =	vmul.f32 v59, v7;
	v18 =	vadd.f32 v21, v18  }
0x202: {  	v29 =	vld.idx.msk [tilespmem:v60+s22+$0x0], $0xffff  }
0x203: {  	v30 =	vadd.s32 $0xBC, v17;
	v20 =	vmul.f32 v61, v8;
	v18 =	vadd.f32 v19, v18  }
0x204: {  	v31 =	vld.idx.msk [tilespmem:v62+s22+$0x0], $0xffff  }
0x205: {  	v32 =	vadd.s32 $0xBD, v17;
	v22 =	vmul.f32 v63, v9;
	v18 =	vadd.f32 v20, v18  }
0x206: {  	v33 =	vld.idx.msk [tilespmem:v28+s22+$0x0], $0xffff  }
0x207: {  	v34 =	vadd.s32 $0xBE, v17;
	v21 =	vmul.f32 v29, v10;
	v18 =	vadd.f32 v22, v18  }
0x208: {  	v35 =	vld.idx.msk [tilespmem:v30+s22+$0x0], $0xffff  }
0x209: {  	v36 =	vadd.s32 $0xBF, v17;
	v19 =	vmul.f32 v31, v11;
	v18 =	vadd.f32 v21, v18  }
0x20a: {  	v37 =	vld.idx.msk [tilespmem:v32+s22+$0x0], $0xffff  }
0x20b: {  	v20 =	vmul.f32 v33, v12;
	v18 =	vadd.f32 v19, v18  }
0x20c: {  	v38 =	vld.idx.msk [tilespmem:v34+s22+$0x0], $0xffff  }
0x20d: {  	v22 =	vmul.f32 v35, v13;
	v18 =	vadd.f32 v20, v18  }
0x20e: {  	v39 =	vld.idx.msk [tilespmem:v36+s22+$0x0], $0xffff  }
0x20f: {  	v21 =	vmul.f32 v37, v14;
	v18 =	vadd.f32 v22, v18;
	_ =	sdelay $0x1  }
0x210: {  	v19 =	vmul.f32 v38, v15;
	v18 =	vadd.f32 v21, v18;
	_ =	sdelay $0x1  }
0x211: {  	v40 =	vadd.s32 $0xC0, v17;
	v20 =	vmul.f32 v39, v16;
	v18 =	vadd.f32 v19, v18  }
0x212: {  	v41 =	vadd.s32 $0xC1, v17  }
0x213: {  	v18 =	vadd.f32 v20, v18  }
0x214: {  	v42 =	vadd.s32 $0xC2, v17  }
0x215: {  	[tilespmem:s28+$0x100] =	vst v18  }
0x216: {  	v43 =	vadd.s32 $0xC3, v17;
	v18 =	vld.idx.msk [tilespmem:v40+s22+$0x0], $0xffff  }
0x217: {  	v21 =	vld.idx.msk [tilespmem:v41+s22+$0x0], $0xffff  }
0x218: {  	v44 =	vadd.s32 $0xC4, v17  }
0x219: {  	v20 =	vld.idx.msk [tilespmem:v42+s22+$0x0], $0xffff  }
0x21a: {  	v45 =	vadd.s32 $0xC5, v17  }
0x21b: {  	v19 =	vld.idx.msk [tilespmem:v43+s22+$0x0], $0xffff  }
0x21c: {  	v46 =	vadd.s32 $0xC6, v17;
	v18 =	vmul.f32 v18, v1;
	v21 =	vmul.f32 v21, v2  }
0x21d: {  	v22 =	vld.idx.msk [tilespmem:v44+s22+$0x0], $0xffff  }
0x21e: {  	v47 =	vadd.s32 $0xC7, v17;
	v20 =	vmul.f32 v20, v6;
	v18 =	vadd.f32 v21, v18  }
0x21f: {  	v48 =	vld.idx.msk [tilespmem:v45+s22+$0x0], $0xffff  }
0x220: {  	v49 =	vadd.s32 $0xC8, v17;
	v19 =	vmul.f32 v19, v4;
	v18 =	vadd.f32 v20, v18  }
0x221: {  	v50 =	vld.idx.msk [tilespmem:v46+s22+$0x0], $0xffff  }
0x222: {  	v51 =	vadd.s32 $0xC9, v17;
	v22 =	vmul.f32 v22, v3;
	v18 =	vadd.f32 v19, v18  }
0x223: {  	v52 =	vld.idx.msk [tilespmem:v47+s22+$0x0], $0xffff  }
0x224: {  	v53 =	vadd.s32 $0xCA, v17;
	v21 =	vmul.f32 v48, v5;
	v18 =	vadd.f32 v22, v18  }
0x225: {  	v54 =	vld.idx.msk [tilespmem:v49+s22+$0x0], $0xffff  }
0x226: {  	v55 =	vadd.s32 $0xCB, v17;
	v20 =	vmul.f32 v50, v7;
	v18 =	vadd.f32 v21, v18  }
0x227: {  	v56 =	vld.idx.msk [tilespmem:v51+s22+$0x0], $0xffff  }
0x228: {  	v57 =	vadd.s32 $0xCC, v17;
	v19 =	vmul.f32 v52, v8;
	v18 =	vadd.f32 v20, v18  }
0x229: {  	v58 =	vld.idx.msk [tilespmem:v53+s22+$0x0], $0xffff  }
0x22a: {  	v59 =	vadd.s32 $0xCD, v17;
	v22 =	vmul.f32 v54, v9;
	v18 =	vadd.f32 v19, v18  }
0x22b: {  	v60 =	vld.idx.msk [tilespmem:v55+s22+$0x0], $0xffff  }
0x22c: {  	v61 =	vadd.s32 $0xCE, v17;
	v21 =	vmul.f32 v56, v10;
	v18 =	vadd.f32 v22, v18  }
0x22d: {  	v62 =	vld.idx.msk [tilespmem:v57+s22+$0x0], $0xffff  }
0x22e: {  	v63 =	vadd.s32 $0xCF, v17;
	v20 =	vmul.f32 v58, v11;
	v18 =	vadd.f32 v21, v18  }
0x22f: {  	v25 =	vld.idx.msk [tilespmem:v59+s22+$0x0], $0xffff  }
0x230: {  	v19 =	vmul.f32 v60, v12;
	v18 =	vadd.f32 v20, v18  }
0x231: {  	v26 =	vld.idx.msk [tilespmem:v61+s22+$0x0], $0xffff  }
0x232: {  	v22 =	vmul.f32 v62, v13;
	v18 =	vadd.f32 v19, v18  }
0x233: {  	v27 =	vld.idx.msk [tilespmem:v63+s22+$0x0], $0xffff  }
0x234: {  	v21 =	vmul.f32 v25, v14;
	v18 =	vadd.f32 v22, v18;
	_ =	sdelay $0x1  }
0x235: {  	v20 =	vmul.f32 v26, v15;
	v18 =	vadd.f32 v21, v18;
	_ =	sdelay $0x1  }
0x236: {  	v28 =	vadd.s32 $0xD0, v17;
	v19 =	vmul.f32 v27, v16;
	v18 =	vadd.f32 v20, v18  }
0x237: {  	v29 =	vadd.s32 $0xD1, v17  }
0x238: {  	v18 =	vadd.f32 v19, v18  }
0x239: {  	v30 =	vadd.s32 $0xD2, v17  }
0x23a: {  	[tilespmem:s28+$0x200] =	vst v18  }
0x23b: {  	v31 =	vadd.s32 $0xD3, v17;
	v18 =	vld.idx.msk [tilespmem:v28+s22+$0x0], $0xffff  }
0x23c: {  	v21 =	vld.idx.msk [tilespmem:v29+s22+$0x0], $0xffff  }
0x23d: {  	v32 =	vadd.s32 $0xD4, v17  }
0x23e: {  	v19 =	vld.idx.msk [tilespmem:v30+s22+$0x0], $0xffff  }
0x23f: {  	v33 =	vadd.s32 $0xD5, v17  }
0x240: {  	v20 =	vld.idx.msk [tilespmem:v31+s22+$0x0], $0xffff  }
0x241: {  	v34 =	vadd.s32 $0xD6, v17;
	v18 =	vmul.f32 v18, v1;
	v21 =	vmul.f32 v21, v2  }
0x242: {  	v22 =	vld.idx.msk [tilespmem:v32+s22+$0x0], $0xffff  }
0x243: {  	v35 =	vadd.s32 $0xD7, v17;
	v19 =	vmul.f32 v19, v6;
	v18 =	vadd.f32 v21, v18  }
0x244: {  	v36 =	vld.idx.msk [tilespmem:v33+s22+$0x0], $0xffff  }
0x245: {  	v37 =	vadd.s32 $0xD8, v17;
	v20 =	vmul.f32 v20, v4;
	v18 =	vadd.f32 v19, v18  }
0x246: {  	v38 =	vld.idx.msk [tilespmem:v34+s22+$0x0], $0xffff  }
0x247: {  	v39 =	vadd.s32 $0xD9, v17;
	v22 =	vmul.f32 v22, v3;
	v18 =	vadd.f32 v20, v18  }
0x248: {  	v40 =	vld.idx.msk [tilespmem:v35+s22+$0x0], $0xffff  }
0x249: {  	v41 =	vadd.s32 $0xDA, v17;
	v21 =	vmul.f32 v36, v5;
	v18 =	vadd.f32 v22, v18  }
0x24a: {  	v42 =	vld.idx.msk [tilespmem:v37+s22+$0x0], $0xffff  }
0x24b: {  	v43 =	vadd.s32 $0xDB, v17;
	v19 =	vmul.f32 v38, v7;
	v18 =	vadd.f32 v21, v18  }
0x24c: {  	v44 =	vld.idx.msk [tilespmem:v39+s22+$0x0], $0xffff  }
0x24d: {  	v45 =	vadd.s32 $0xDC, v17;
	v20 =	vmul.f32 v40, v8;
	v18 =	vadd.f32 v19, v18  }
0x24e: {  	v46 =	vld.idx.msk [tilespmem:v41+s22+$0x0], $0xffff  }
0x24f: {  	v47 =	vadd.s32 $0xDD, v17;
	v22 =	vmul.f32 v42, v9;
	v18 =	vadd.f32 v20, v18  }
0x250: {  	v48 =	vld.idx.msk [tilespmem:v43+s22+$0x0], $0xffff  }
0x251: {  	v49 =	vadd.s32 $0xDE, v17;
	v21 =	vmul.f32 v44, v10;
	v18 =	vadd.f32 v22, v18  }
0x252: {  	v50 =	vld.idx.msk [tilespmem:v45+s22+$0x0], $0xffff  }
0x253: {  	v51 =	vadd.s32 $0xDF, v17;
	v19 =	vmul.f32 v46, v11;
	v18 =	vadd.f32 v21, v18  }
0x254: {  	v52 =	vld.idx.msk [tilespmem:v47+s22+$0x0], $0xffff  }
0x255: {  	v20 =	vmul.f32 v48, v12;
	v18 =	vadd.f32 v19, v18  }
0x256: {  	v53 =	vld.idx.msk [tilespmem:v49+s22+$0x0], $0xffff  }
0x257: {  	v22 =	vmul.f32 v50, v13;
	v18 =	vadd.f32 v20, v18  }
0x258: {  	v54 =	vld.idx.msk [tilespmem:v51+s22+$0x0], $0xffff  }
0x259: {  	v21 =	vmul.f32 v52, v14;
	v18 =	vadd.f32 v22, v18;
	_ =	sdelay $0x1  }
0x25a: {  	v19 =	vmul.f32 v53, v15;
	v18 =	vadd.f32 v21, v18;
	_ =	sdelay $0x1  }
0x25b: {  	v55 =	vadd.s32 $0xE0, v17;
	v20 =	vmul.f32 v54, v16;
	v18 =	vadd.f32 v19, v18  }
0x25c: {  	v56 =	vadd.s32 $0xE1, v17  }
0x25d: {  	v18 =	vadd.f32 v20, v18  }
0x25e: {  	v57 =	vadd.s32 $0xE2, v17  }
0x25f: {  	[tilespmem:s28+$0x300] =	vst v18  }
0x260: {  	v58 =	vadd.s32 $0xE3, v17;
	v18 =	vld.idx.msk [tilespmem:v55+s22+$0x0], $0xffff  }
0x261: {  	v21 =	vld.idx.msk [tilespmem:v56+s22+$0x0], $0xffff  }
0x262: {  	v59 =	vadd.s32 $0xE4, v17  }
0x263: {  	v20 =	vld.idx.msk [tilespmem:v57+s22+$0x0], $0xffff  }
0x264: {  	v60 =	vadd.s32 $0xE5, v17  }
0x265: {  	v19 =	vld.idx.msk [tilespmem:v58+s22+$0x0], $0xffff  }
0x266: {  	v61 =	vadd.s32 $0xE6, v17;
	v18 =	vmul.f32 v18, v1;
	v21 =	vmul.f32 v21, v2  }
0x267: {  	v22 =	vld.idx.msk [tilespmem:v59+s22+$0x0], $0xffff  }
0x268: {  	v62 =	vadd.s32 $0xE7, v17;
	v20 =	vmul.f32 v20, v6;
	v18 =	vadd.f32 v21, v18  }
0x269: {  	v63 =	vld.idx.msk [tilespmem:v60+s22+$0x0], $0xffff  }
0x26a: {  	v28 =	vadd.s32 $0xE8, v17;
	v19 =	vmul.f32 v19, v4;
	v18 =	vadd.f32 v20, v18  }
0x26b: {  	v29 =	vld.idx.msk [tilespmem:v61+s22+$0x0], $0xffff  }
0x26c: {  	v30 =	vadd.s32 $0xE9, v17;
	v22 =	vmul.f32 v22, v3;
	v18 =	vadd.f32 v19, v18  }
0x26d: {  	v31 =	vld.idx.msk [tilespmem:v62+s22+$0x0], $0xffff  }
0x26e: {  	v32 =	vadd.s32 $0xEA, v17;
	v21 =	vmul.f32 v63, v5;
	v18 =	vadd.f32 v22, v18  }
0x26f: {  	v33 =	vld.idx.msk [tilespmem:v28+s22+$0x0], $0xffff  }
0x270: {  	v34 =	vadd.s32 $0xEB, v17;
	v20 =	vmul.f32 v29, v7;
	v18 =	vadd.f32 v21, v18  }
0x271: {  	v35 =	vld.idx.msk [tilespmem:v30+s22+$0x0], $0xffff  }
0x272: {  	v36 =	vadd.s32 $0xEC, v17;
	v19 =	vmul.f32 v31, v8;
	v18 =	vadd.f32 v20, v18  }
0x273: {  	v37 =	vld.idx.msk [tilespmem:v32+s22+$0x0], $0xffff  }
0x274: {  	v38 =	vadd.s32 $0xED, v17;
	v22 =	vmul.f32 v33, v9;
	v18 =	vadd.f32 v19, v18  }
0x275: {  	v39 =	vld.idx.msk [tilespmem:v34+s22+$0x0], $0xffff  }
0x276: {  	v40 =	vadd.s32 $0xEE, v17;
	v21 =	vmul.f32 v35, v10;
	v18 =	vadd.f32 v22, v18  }
0x277: {  	v41 =	vld.idx.msk [tilespmem:v36+s22+$0x0], $0xffff  }
0x278: {  	v42 =	vadd.s32 $0xEF, v17;
	v20 =	vmul.f32 v37, v11;
	v18 =	vadd.f32 v21, v18  }
0x279: {  	v43 =	vld.idx.msk [tilespmem:v38+s22+$0x0], $0xffff  }
0x27a: {  	v19 =	vmul.f32 v39, v12;
	v18 =	vadd.f32 v20, v18  }
0x27b: {  	v44 =	vld.idx.msk [tilespmem:v40+s22+$0x0], $0xffff  }
0x27c: {  	v22 =	vmul.f32 v41, v13;
	v18 =	vadd.f32 v19, v18  }
0x27d: {  	v45 =	vld.idx.msk [tilespmem:v42+s22+$0x0], $0xffff  }
0x27e: {  	v21 =	vmul.f32 v43, v14;
	v18 =	vadd.f32 v22, v18;
	_ =	sdelay $0x1  }
0x27f: {  	v20 =	vmul.f32 v44, v15;
	v18 =	vadd.f32 v21, v18;
	_ =	sdelay $0x1  }
0x280: {  	v46 =	vadd.s32 $0xF0, v17;
	v19 =	vmul.f32 v45, v16;
	v18 =	vadd.f32 v20, v18  }
0x281: {  	v47 =	vadd.s32 $0xF1, v17  }
0x282: {  	v18 =	vadd.f32 v19, v18  }
0x283: {  	v48 =	vadd.s32 $0xF2, v17  }
0x284: {  	[tilespmem:s28+$0x400] =	vst v18  }
0x285: {  	v49 =	vadd.s32 $0xF3, v17;
	v18 =	vld.idx.msk [tilespmem:v46+s22+$0x0], $0xffff  }
0x286: {  	v21 =	vld.idx.msk [tilespmem:v47+s22+$0x0], $0xffff  }
0x287: {  	v50 =	vadd.s32 $0xF4, v17  }
0x288: {  	v19 =	vld.idx.msk [tilespmem:v48+s22+$0x0], $0xffff  }
0x289: {  	v51 =	vadd.s32 $0xF5, v17  }
0x28a: {  	v20 =	vld.idx.msk [tilespmem:v49+s22+$0x0], $0xffff  }
0x28b: {  	v52 =	vadd.s32 $0xF6, v17;
	v18 =	vmul.f32 v18, v1;
	v21 =	vmul.f32 v21, v2  }
0x28c: {  	v22 =	vld.idx.msk [tilespmem:v50+s22+$0x0], $0xffff  }
0x28d: {  	v53 =	vadd.s32 $0xF7, v17;
	v19 =	vmul.f32 v19, v6;
	v18 =	vadd.f32 v21, v18  }
0x28e: {  	v54 =	vld.idx.msk [tilespmem:v51+s22+$0x0], $0xffff  }
0x28f: {  	v55 =	vadd.s32 $0xF8, v17;
	v20 =	vmul.f32 v20, v4;
	v18 =	vadd.f32 v19, v18  }
0x290: {  	v56 =	vld.idx.msk [tilespmem:v52+s22+$0x0], $0xffff  }
0x291: {  	v57 =	vadd.s32 $0xF9, v17;
	v22 =	vmul.f32 v22, v3;
	v18 =	vadd.f32 v20, v18  }
0x292: {  	v58 =	vld.idx.msk [tilespmem:v53+s22+$0x0], $0xffff  }
0x293: {  	v59 =	vadd.s32 $0xFA, v17;
	v21 =	vmul.f32 v54, v5;
	v18 =	vadd.f32 v22, v18  }
0x294: {  	v60 =	vld.idx.msk [tilespmem:v55+s22+$0x0], $0xffff  }
0x295: {  	v61 =	vadd.s32 $0xFB, v17;
	v19 =	vmul.f32 v56, v7;
	v18 =	vadd.f32 v21, v18  }
0x296: {  	v62 =	vld.idx.msk [tilespmem:v57+s22+$0x0], $0xffff  }
0x297: {  	v63 =	vadd.s32 $0xFC, v17;
	v20 =	vmul.f32 v58, v8;
	v18 =	vadd.f32 v19, v18  }
0x298: {  	v28 =	vld.idx.msk [tilespmem:v59+s22+$0x0], $0xffff  }
0x299: {  	v29 =	vadd.s32 $0xFD, v17;
	v22 =	vmul.f32 v60, v9;
	v18 =	vadd.f32 v20, v18  }
0x29a: {  	v30 =	vld.idx.msk [tilespmem:v61+s22+$0x0], $0xffff  }
0x29b: {  	v31 =	vadd.s32 $0xFE, v17;
	v21 =	vmul.f32 v62, v10;
	v18 =	vadd.f32 v22, v18  }
0x29c: {  	v32 =	vld.idx.msk [tilespmem:v63+s22+$0x0], $0xffff  }
0x29d: {  	v33 =	vadd.s32 $0xFF, v17;
	v19 =	vmul.f32 v28, v11;
	v18 =	vadd.f32 v21, v18  }
0x29e: {  	v34 =	vld.idx.msk [tilespmem:v29+s22+$0x0], $0xffff  }
0x29f: {  	v20 =	vmul.f32 v30, v12;
	v18 =	vadd.f32 v19, v18  }
0x2a0: {  	v35 =	vld.idx.msk [tilespmem:v31+s22+$0x0], $0xffff  }
0x2a1: {  	v22 =	vmul.f32 v32, v13;
	v18 =	vadd.f32 v20, v18  }
0x2a2: {  	v36 =	vld.idx.msk [tilespmem:v33+s22+$0x0], $0xffff  }
0x2a3: {  	v21 =	vmul.f32 v34, v14;
	v18 =	vadd.f32 v22, v18;
	_ =	sdelay $0x1  }
0x2a4: {  	v19 =	vmul.f32 v35, v15;
	v18 =	vadd.f32 v21, v18;
	_ =	sdelay $0x1  }
0x2a5: {  	v37 =	vadd.s32 $0x100, v17;
	v20 =	vmul.f32 v36, v16;
	v18 =	vadd.f32 v19, v18  }
0x2a6: {  	v38 =	vadd.s32 $0x101, v17  }
0x2a7: {  	v18 =	vadd.f32 v20, v18  }
0x2a8: {  	v39 =	vadd.s32 $0x102, v17  }
0x2a9: {  	[tilespmem:s28+$0x500] =	vst v18  }
0x2aa: {  	v40 =	vadd.s32 $0x103, v17;
	v18 =	vld.idx.msk [tilespmem:v37+s22+$0x0], $0xffff  }
0x2ab: {  	v21 =	vld.idx.msk [tilespmem:v38+s22+$0x0], $0xffff  }
0x2ac: {  	v41 =	vadd.s32 $0x104, v17  }
0x2ad: {  	v20 =	vld.idx.msk [tilespmem:v39+s22+$0x0], $0xffff  }
0x2ae: {  	v42 =	vadd.s32 $0x105, v17  }
0x2af: {  	v19 =	vld.idx.msk [tilespmem:v40+s22+$0x0], $0xffff  }
0x2b0: {  	v43 =	vadd.s32 $0x106, v17;
	v18 =	vmul.f32 v18, v1;
	v21 =	vmul.f32 v21, v2  }
0x2b1: {  	v22 =	vld.idx.msk [tilespmem:v41+s22+$0x0], $0xffff  }
0x2b2: {  	v44 =	vadd.s32 $0x107, v17;
	v20 =	vmul.f32 v20, v6;
	v18 =	vadd.f32 v21, v18  }
0x2b3: {  	v45 =	vld.idx.msk [tilespmem:v42+s22+$0x0], $0xffff  }
0x2b4: {  	v46 =	vadd.s32 $0x108, v17;
	v19 =	vmul.f32 v19, v4;
	v18 =	vadd.f32 v20, v18  }
0x2b5: {  	v47 =	vld.idx.msk [tilespmem:v43+s22+$0x0], $0xffff  }
0x2b6: {  	v48 =	vadd.s32 $0x109, v17;
	v22 =	vmul.f32 v22, v3;
	v18 =	vadd.f32 v19, v18  }
0x2b7: {  	v49 =	vld.idx.msk [tilespmem:v44+s22+$0x0], $0xffff  }
0x2b8: {  	v50 =	vadd.s32 $0x10A, v17;
	v21 =	vmul.f32 v45, v5;
	v18 =	vadd.f32 v22, v18  }
0x2b9: {  	v51 =	vld.idx.msk [tilespmem:v46+s22+$0x0], $0xffff  }
0x2ba: {  	v52 =	vadd.s32 $0x10B, v17;
	v20 =	vmul.f32 v47, v7;
	v18 =	vadd.f32 v21, v18  }
0x2bb: {  	v53 =	vld.idx.msk [tilespmem:v48+s22+$0x0], $0xffff  }
0x2bc: {  	v54 =	vadd.s32 $0x10C, v17;
	v19 =	vmul.f32 v49, v8;
	v18 =	vadd.f32 v20, v18  }
0x2bd: {  	v55 =	vld.idx.msk [tilespmem:v50+s22+$0x0], $0xffff  }
0x2be: {  	v56 =	vadd.s32 $0x10D, v17;
	v22 =	vmul.f32 v51, v9;
	v18 =	vadd.f32 v19, v18  }
0x2bf: {  	v57 =	vld.idx.msk [tilespmem:v52+s22+$0x0], $0xffff  }
0x2c0: {  	v58 =	vadd.s32 $0x10E, v17;
	v21 =	vmul.f32 v53, v10;
	v18 =	vadd.f32 v22, v18  }
0x2c1: {  	v59 =	vld.idx.msk [tilespmem:v54+s22+$0x0], $0xffff  }
0x2c2: {  	v60 =	vadd.s32 $0x10F, v17;
	v20 =	vmul.f32 v55, v11;
	v18 =	vadd.f32 v21, v18  }
0x2c3: {  	v61 =	vld.idx.msk [tilespmem:v56+s22+$0x0], $0xffff  }
0x2c4: {  	v19 =	vmul.f32 v57, v12;
	v18 =	vadd.f32 v20, v18  }
0x2c5: {  	v62 =	vld.idx.msk [tilespmem:v58+s22+$0x0], $0xffff  }
0x2c6: {  	v22 =	vmul.f32 v59, v13;
	v18 =	vadd.f32 v19, v18  }
0x2c7: {  	v63 =	vld.idx.msk [tilespmem:v60+s22+$0x0], $0xffff  }
0x2c8: {  	v21 =	vmul.f32 v61, v14;
	v18 =	vadd.f32 v22, v18;
	_ =	sdelay $0x1  }
0x2c9: {  	v20 =	vmul.f32 v62, v15;
	v18 =	vadd.f32 v21, v18;
	_ =	sdelay $0x1  }
0x2ca: {  	v24 =	vadd.s32 $0x110, v17;
	v19 =	vmul.f32 v63, v16;
	v18 =	vadd.f32 v20, v18  }
0x2cb: {  	v25 =	vadd.s32 $0x111, v17  }
0x2cc: {  	v18 =	vadd.f32 v19, v18  }
0x2cd: {  	v26 =	vadd.s32 $0x112, v17  }
0x2ce: {  	[tilespmem:s28+$0x600] =	vst v18  }
0x2cf: {  	v27 =	vadd.s32 $0x113, v17;
	v18 =	vld.idx.msk [tilespmem:v24+s22+$0x0], $0xffff  }
0x2d0: {  	v21 =	vld.idx.msk [tilespmem:v25+s22+$0x0], $0xffff  }
0x2d1: {  	v28 =	vadd.s32 $0x114, v17  }
0x2d2: {  	v19 =	vld.idx.msk [tilespmem:v26+s22+$0x0], $0xffff  }
0x2d3: {  	v29 =	vadd.s32 $0x115, v17  }
0x2d4: {  	v20 =	vld.idx.msk [tilespmem:v27+s22+$0x0], $0xffff  }
0x2d5: {  	v30 =	vadd.s32 $0x116, v17;
	v18 =	vmul.f32 v18, v1;
	v21 =	vmul.f32 v21, v2  }
0x2d6: {  	v22 =	vld.idx.msk [tilespmem:v28+s22+$0x0], $0xffff  }
0x2d7: {  	v31 =	vadd.s32 $0x117, v17;
	v19 =	vmul.f32 v19, v6;
	v18 =	vadd.f32 v21, v18  }
0x2d8: {  	v32 =	vld.idx.msk [tilespmem:v29+s22+$0x0], $0xffff  }
0x2d9: {  	v33 =	vadd.s32 $0x118, v17;
	v20 =	vmul.f32 v20, v4;
	v18 =	vadd.f32 v19, v18  }
0x2da: {  	v34 =	vld.idx.msk [tilespmem:v30+s22+$0x0], $0xffff  }
0x2db: {  	v35 =	vadd.s32 $0x119, v17;
	v22 =	vmul.f32 v22, v3;
	v18 =	vadd.f32 v20, v18  }
0x2dc: {  	v36 =	vld.idx.msk [tilespmem:v31+s22+$0x0], $0xffff  }
0x2dd: {  	v37 =	vadd.s32 $0x11A, v17;
	v21 =	vmul.f32 v32, v5;
	v18 =	vadd.f32 v22, v18  }
0x2de: {  	v38 =	vld.idx.msk [tilespmem:v33+s22+$0x0], $0xffff  }
0x2df: {  	v39 =	vadd.s32 $0x11B, v17;
	v19 =	vmul.f32 v34, v7;
	v18 =	vadd.f32 v21, v18  }
0x2e0: {  	v40 =	vld.idx.msk [tilespmem:v35+s22+$0x0], $0xffff  }
0x2e1: {  	v41 =	vadd.s32 $0x11C, v17;
	v20 =	vmul.f32 v36, v8;
	v18 =	vadd.f32 v19, v18  }
0x2e2: {  	v42 =	vld.idx.msk [tilespmem:v37+s22+$0x0], $0xffff  }
0x2e3: {  	v43 =	vadd.s32 $0x11D, v17;
	v22 =	vmul.f32 v38, v9;
	v18 =	vadd.f32 v20, v18  }
0x2e4: {  	v44 =	vld.idx.msk [tilespmem:v39+s22+$0x0], $0xffff  }
0x2e5: {  	v45 =	vadd.s32 $0x11E, v17;
	v21 =	vmul.f32 v40, v10;
	v18 =	vadd.f32 v22, v18  }
0x2e6: {  	v46 =	vld.idx.msk [tilespmem:v41+s22+$0x0], $0xffff  }
0x2e7: {  	v47 =	vadd.s32 $0x11F, v17;
	v19 =	vmul.f32 v42, v11;
	v18 =	vadd.f32 v21, v18  }
0x2e8: {  	v48 =	vld.idx.msk [tilespmem:v43+s22+$0x0], $0xffff  }
0x2e9: {  	v20 =	vmul.f32 v44, v12;
	v18 =	vadd.f32 v19, v18  }
0x2ea: {  	v49 =	vld.idx.msk [tilespmem:v45+s22+$0x0], $0xffff  }
0x2eb: {  	v22 =	vmul.f32 v46, v13;
	v18 =	vadd.f32 v20, v18  }
0x2ec: {  	v50 =	vld.idx.msk [tilespmem:v47+s22+$0x0], $0xffff  }
0x2ed: {  	v21 =	vmul.f32 v48, v14;
	v18 =	vadd.f32 v22, v18;
	_ =	sdelay $0x1  }
0x2ee: {  	v19 =	vmul.f32 v49, v15;
	v18 =	vadd.f32 v21, v18;
	_ =	sdelay $0x1  }
0x2ef: {  	v51 =	vadd.s32 $0x120, v17;
	v20 =	vmul.f32 v50, v16;
	v18 =	vadd.f32 v19, v18  }
0x2f0: {  	v52 =	vadd.s32 $0x121, v17  }
0x2f1: {  	v18 =	vadd.f32 v20, v18  }
0x2f2: {  	v53 =	vadd.s32 $0x122, v17  }
0x2f3: {  	[tilespmem:s28+$0x700] =	vst v18  }
0x2f4: {  	v54 =	vadd.s32 $0x123, v17;
	v18 =	vld.idx.msk [tilespmem:v51+s22+$0x0], $0xffff  }
0x2f5: {  	v21 =	vld.idx.msk [tilespmem:v52+s22+$0x0], $0xffff  }
0x2f6: {  	v55 =	vadd.s32 $0x124, v17  }
0x2f7: {  	v20 =	vld.idx.msk [tilespmem:v53+s22+$0x0], $0xffff  }
0x2f8: {  	v56 =	vadd.s32 $0x125, v17  }
0x2f9: {  	v19 =	vld.idx.msk [tilespmem:v54+s22+$0x0], $0xffff  }
0x2fa: {  	v57 =	vadd.s32 $0x126, v17;
	v18 =	vmul.f32 v18, v1;
	v21 =	vmul.f32 v21, v2  }
0x2fb: {  	v22 =	vld.idx.msk [tilespmem:v55+s22+$0x0], $0xffff  }
0x2fc: {  	v58 =	vadd.s32 $0x127, v17;
	v20 =	vmul.f32 v20, v6;
	v18 =	vadd.f32 v21, v18  }
0x2fd: {  	v59 =	vld.idx.msk [tilespmem:v56+s22+$0x0], $0xffff  }
0x2fe: {  	v60 =	vadd.s32 $0x128, v17;
	v19 =	vmul.f32 v19, v4;
	v18 =	vadd.f32 v20, v18  }
0x2ff: {  	v61 =	vld.idx.msk [tilespmem:v57+s22+$0x0], $0xffff  }
0x300: {  	v62 =	vadd.s32 $0x129, v17;
	v22 =	vmul.f32 v22, v3;
	v18 =	vadd.f32 v19, v18  }
0x301: {  	v63 =	vld.idx.msk [tilespmem:v58+s22+$0x0], $0xffff  }
0x302: {  	v28 =	vadd.s32 $0x12A, v17;
	v21 =	vmul.f32 v59, v5;
	v18 =	vadd.f32 v22, v18  }
0x303: {  	v29 =	vld.idx.msk [tilespmem:v60+s22+$0x0], $0xffff  }
0x304: {  	v30 =	vadd.s32 $0x12B, v17;
	v20 =	vmul.f32 v61, v7;
	v18 =	vadd.f32 v21, v18  }
0x305: {  	v31 =	vld.idx.msk [tilespmem:v62+s22+$0x0], $0xffff  }
0x306: {  	v32 =	vadd.s32 $0x12C, v17;
	v19 =	vmul.f32 v63, v8;
	v18 =	vadd.f32 v20, v18  }
0x307: {  	v33 =	vld.idx.msk [tilespmem:v28+s22+$0x0], $0xffff  }
0x308: {  	v34 =	vadd.s32 $0x12D, v17;
	v22 =	vmul.f32 v29, v9;
	v18 =	vadd.f32 v19, v18  }
0x309: {  	v35 =	vld.idx.msk [tilespmem:v30+s22+$0x0], $0xffff  }
0x30a: {  	v36 =	vadd.s32 $0x12E, v17;
	v21 =	vmul.f32 v31, v10;
	v18 =	vadd.f32 v22, v18  }
0x30b: {  	v37 =	vld.idx.msk [tilespmem:v32+s22+$0x0], $0xffff  }
0x30c: {  	v38 =	vadd.s32 $0x12F, v17;
	v20 =	vmul.f32 v33, v11;
	v18 =	vadd.f32 v21, v18  }
0x30d: {  	v39 =	vld.idx.msk [tilespmem:v34+s22+$0x0], $0xffff  }
0x30e: {  	v19 =	vmul.f32 v35, v12;
	v18 =	vadd.f32 v20, v18  }
0x30f: {  	v40 =	vld.idx.msk [tilespmem:v36+s22+$0x0], $0xffff  }
0x310: {  	v22 =	vmul.f32 v37, v13;
	v18 =	vadd.f32 v19, v18  }
0x311: {  	v41 =	vld.idx.msk [tilespmem:v38+s22+$0x0], $0xffff  }
0x312: {  	v21 =	vmul.f32 v39, v14;
	v18 =	vadd.f32 v22, v18;
	_ =	sdelay $0x1  }
0x313: {  	v20 =	vmul.f32 v40, v15;
	v18 =	vadd.f32 v21, v18;
	_ =	sdelay $0x1  }
0x314: {  	v42 =	vadd.s32 $0x130, v17;
	v19 =	vmul.f32 v41, v16;
	v18 =	vadd.f32 v20, v18  }
0x315: {  	v43 =	vadd.s32 $0x131, v17  }
0x316: {  	v18 =	vadd.f32 v19, v18  }
0x317: {  	v44 =	vadd.s32 $0x132, v17  }
0x318: {  	[tilespmem:s28+$0x800] =	vst v18  }
0x319: {  	v45 =	vadd.s32 $0x133, v17;
	v18 =	vld.idx.msk [tilespmem:v42+s22+$0x0], $0xffff  }
0x31a: {  	v21 =	vld.idx.msk [tilespmem:v43+s22+$0x0], $0xffff  }
0x31b: {  	v46 =	vadd.s32 $0x134, v17  }
0x31c: {  	v19 =	vld.idx.msk [tilespmem:v44+s22+$0x0], $0xffff  }
0x31d: {  	v47 =	vadd.s32 $0x135, v17  }
0x31e: {  	v20 =	vld.idx.msk [tilespmem:v45+s22+$0x0], $0xffff  }
0x31f: {  	v48 =	vadd.s32 $0x136, v17;
	v1 =	vmul.f32 v18, v1;
	v2 =	vmul.f32 v21, v2  }
0x320: {  	v49 =	vld.idx.msk [tilespmem:v46+s22+$0x0], $0xffff  }
0x321: {  	v50 =	vadd.s32 $0x137, v17;
	v6 =	vmul.f32 v19, v6;
	v1 =	vadd.f32 v2, v1  }
0x322: {  	v2 =	vld.idx.msk [tilespmem:v47+s22+$0x0], $0xffff  }
0x323: {  	v51 =	vadd.s32 $0x138, v17;
	v4 =	vmul.f32 v20, v4;
	v1 =	vadd.f32 v6, v1  }
0x324: {  	v52 =	vld.idx.msk [tilespmem:v48+s22+$0x0], $0xffff  }
0x325: {  	v53 =	vadd.s32 $0x139, v17;
	v3 =	vmul.f32 v49, v3;
	v1 =	vadd.f32 v4, v1  }
0x326: {  	v54 =	vld.idx.msk [tilespmem:v50+s22+$0x0], $0xffff  }
0x327: {  	v55 =	vadd.s32 $0x13A, v17;
	v2 =	vmul.f32 v2, v5;
	v1 =	vadd.f32 v3, v1  }
0x328: {  	v3 =	vld.idx.msk [tilespmem:v51+s22+$0x0], $0xffff  }
0x329: {  	v56 =	vadd.s32 $0x13B, v17;
	v6 =	vmul.f32 v52, v7;
	v1 =	vadd.f32 v2, v1  }
0x32a: {  	v2 =	vld.idx.msk [tilespmem:v53+s22+$0x0], $0xffff  }
0x32b: {  	v57 =	vadd.s32 $0x13C, v17;
	v4 =	vmul.f32 v54, v8;
	v1 =	vadd.f32 v6, v1  }
0x32c: {  	v5 =	vld.idx.msk [tilespmem:v55+s22+$0x0], $0xffff  }
0x32d: {  	v58 =	vadd.s32 $0x13D, v17;
	v3 =	vmul.f32 v3, v9;
	v1 =	vadd.f32 v4, v1  }
0x32e: {  	v59 =	vld.idx.msk [tilespmem:v56+s22+$0x0], $0xffff  }
0x32f: {  	v60 =	vadd.s32 $0x13E, v17;
	v2 =	vmul.f32 v2, v10;
	v1 =	vadd.f32 v3, v1  }
0x330: {  	v3 =	vld.idx.msk [tilespmem:v57+s22+$0x0], $0xffff  }
0x331: {  	v61 =	vadd.s32 $0x13F, v17;
	v5 =	vmul.f32 v5, v11;
	v1 =	vadd.f32 v2, v1  }
0x332: {  	v2 =	vld.idx.msk [tilespmem:v58+s22+$0x0], $0xffff  }
0x333: {  	v4 =	vmul.f32 v59, v12;
	v1 =	vadd.f32 v5, v1  }
0x334: {  	v62 =	vld.idx.msk [tilespmem:v60+s22+$0x0], $0xffff  }
0x335: {  	v3 =	vmul.f32 v3, v13;
	v1 =	vadd.f32 v4, v1  }
0x336: {  	v63 =	vld.idx.msk [tilespmem:v61+s22+$0x0], $0xffff  }
0x337: {  	v2 =	vmul.f32 v2, v14;
	v1 =	vadd.f32 v3, v1;
	_ =	sdelay $0x1  }
0x338: {  	v3 =	vmul.f32 v62, v15;
	v1 =	vadd.f32 v2, v1  }
0x339: {  	p0 =	sne.s32 s30, $0xF0  }
.Ltmp0:
0x33a: {  	v2 =	vmul.f32 v63, v16;
	v1 =	vadd.f32 v3, v1;
	(pc) =	sbr.rel @p0 .LBB2_2-.Ltmp0, $3  }
0x33b: {  	_ = 	snop  }
0x33c: {  	v1 =	vadd.f32 v2, v1;
	_ =	sdelay $0x1  }
0x33d: {  	s30 =	sadd.s32 $0x10, s30;
	s29 =	sadd.s32 $0x10, s29;
	[tilespmem:s28+$0x900] =	vst v1;
	s28 =	sadd.s32 $0x10, s28  }
0x33e: {  	s28 =	simm.s32 $0x0;
	s29 =	simm.s32 $0x17600  }
0x33f: {  	[hbm4b:s8+s28] =	stream.linear.scatter [tilespmem:s29], [sflag:$0x2], $0x100, $0x38;
	[tilespmem:$0x18B00] =	vst v63  }
0x340: {  	_ =	swait.ge [sflag:s16], $0x100  }
0x341: {  	[sflag:s16] =	ssyncset.done $0x0  }
0x342: {  	[sflag:s16] =	ssyncadd.s32 $0xFFFFFF00  }
0x343: {  	[hbm4b:s9+s28] =	stream.linear.scatter [tilespmem:s24], [sflag:$0x2], $0x1400, $0x38;
	[tilespmem:$0x18B00] =	vst v63  }
0x344: {  	_ =	swait.ge [sflag:s16], $0x1400  }
0x345: {  	[sflag:s16] =	ssyncset.done $0x0  }
0x346: {  	[sflag:s16] =	ssyncadd.s32 $0xFFFFEC00  }
0x347: {  	[tilespmem:s28], [sflag:$0x2] =	stream.linear.gather [hbm4b:s10+s28], $0x100, $0x38;
	[tilespmem:$0x18B00] =	vst v63  }
0x348: {  	_ =	swait.ge [sflag:s16], $0x100  }
0x349: {  	[sflag:s16] =	ssyncset.done $0x0  }
0x34a: {  	[sflag:s16] =	ssyncadd.s32 $0xFFFFFF00  }
0x34b: {  	[tilespmem:s17], [sflag:$0x2] =	stream.linear.gather [hbm4b:s11+s28], $0x100, $0x38;
	[tilespmem:$0x18B00] =	vst v63  }
0x34c: {  	_ =	swait.ge [sflag:s16], $0x100  }
0x34d: {  	[sflag:s16] =	ssyncset.done $0x0  }
0x34e: {  	[sflag:s16] =	ssyncadd.s32 $0xFFFFFF00  }
0x34f: {  	[tilespmem:s18], [sflag:$0x2] =	stream.linear.gather [hbm4b:s12+s28], $0x1400, $0x38;
	[tilespmem:$0x18B00] =	vst v63  }
0x350: {  	_ =	swait.ge [sflag:s16], $0x1400  }
0x351: {  	[sflag:s16] =	ssyncset.done $0x0  }
0x352: {  	[sflag:s16] =	ssyncadd.s32 $0xFFFFEC00  }
0x353: {  	[tilespmem:s19], [sflag:$0x1] =	stream.indirect.gather [hbm4b:s3+s17], $0x10, s28, s17, $0xb8;
	[tilespmem:$0x18B00] =	vst v63  }
0x354: {  	_ = 	snop  }
0x355: {  	[tilespmem:s20], [sflag:$0x1] =	stream.indirect.gather [hbm4b:s4+s17], $0x10, s17, s17, $0xb8;
	[tilespmem:$0x18B00] =	vst v63  }
0x356: {  	_ = 	snop  }
0x357: {  	[tilespmem:s22], [sflag:$0x1] =	stream.indirect.gather [hbm4b:s4+s21], $0x10, s18, s21, $0xb8;
	[tilespmem:$0x18B00] =	vst v63  }
0x358: {  	_ =	swait.ge [sflag:s23], $0x1000  }
0x359: {  	[sflag:s23] =	ssyncset.done $0x0  }
0x35a: {  	[sflag:s23] =	ssyncadd.s32 $0xFFFFF000  }
0x35b: {  	_ =	swait.ge [sflag:s23], $0x1000  }
0x35c: {  	[sflag:s23] =	ssyncset.done $0x0  }
0x35d: {  	[sflag:s23] =	ssyncadd.s32 $0xFFFFF000  }
0x35e: {  	_ =	swait.ge [sflag:s23], $0x14000  }
0x35f: {  	[sflag:s23] =	ssyncset.done $0x0  }
0x360: {  	s30 =	simm.s32 $0x18100;
	[sflag:s23] =	ssyncadd.s32 $0xFFFEC000  }
.LBB2_4:
0x361: {  	v17 =	vor.u32 s28, v0  }
0x362: {  	v14 =	vshll.u32 v17, $0x4;
	_ =	sdelay $0x1  }
0x363: {  	v3 =	vor.u32 $0x1, v14;
	_ =	sdelay $0x1  }
0x364: {  	v4 =	vor.u32 $0x2, v14  }
0x365: {  	v1 =	vld.idx.msk [tilespmem:v14+s19+$0x0], $0xffff  }
0x366: {  	v5 =	vor.u32 $0x3, v14;
	v7 =	vld.idx.msk [tilespmem:v14+s20+$0x0], $0xffff  }
0x367: {  	v2 =	vld.idx.msk [tilespmem:v3+s19+$0x0], $0xffff  }
0x368: {  	v8 =	vor.u32 $0x4, v14;
	v9 =	vld.idx.msk [tilespmem:v3+s20+$0x0], $0xffff  }
0x369: {  	v6 =	vld.idx.msk [tilespmem:v4+s19+$0x0], $0xffff  }
0x36a: {  	v10 =	vor.u32 $0x5, v14;
	v11 =	vld.idx.msk [tilespmem:v4+s20+$0x0], $0xffff  }
0x36b: {  	v4 =	vld.idx.msk [tilespmem:v5+s19+$0x0], $0xffff  }
0x36c: {  	v12 =	vor.u32 $0x6, v14;
	v13 =	vld.idx.msk [tilespmem:v5+s20+$0x0], $0xffff  }
0x36d: {  	v3 =	vld.idx.msk [tilespmem:v8+s19+$0x0], $0xffff;
	v7 =	vmul.f32 v7, v1;
	v9 =	vmul.f32 v9, v2  }
0x36e: {  	v15 =	vor.u32 $0x7, v14;
	v16 =	vld.idx.msk [tilespmem:v8+s20+$0x0], $0xffff  }
0x36f: {  	v5 =	vld.idx.msk [tilespmem:v10+s19+$0x0], $0xffff;
	v35 =	vmul.f32 v11, v6;
	v9 =	vadd.f32 v9, v7  }
0x370: {  	v36 =	vor.u32 $0x8, v14;
	v10 =	vld.idx.msk [tilespmem:v10+s20+$0x0], $0xffff  }
0x371: {  	v13 =	vmul.f32 v13, v4;
	v7 =	vld.idx.msk [tilespmem:v12+s19+$0x0], $0xffff;
	v9 =	vadd.f32 v35, v9  }
0x372: {  	v18 =	vor.u32 $0x9, v14;
	v12 =	vld.idx.msk [tilespmem:v12+s20+$0x0], $0xffff  }
0x373: {  	v8 =	vld.idx.msk [tilespmem:v15+s19+$0x0], $0xffff;
	v16 =	vmul.f32 v16, v3;
	v13 =	vadd.f32 v13, v9  }
0x374: {  	v19 =	vor.u32 $0xA, v14;
	v15 =	vld.idx.msk [tilespmem:v15+s20+$0x0], $0xffff  }
0x375: {  	v21 =	vld.idx.msk [tilespmem:v36+s20+$0x0], $0xffff;
	v20 =	vmul.f32 v10, v5;
	v13 =	vadd.f32 v16, v13  }
0x376: {  	v37 =	vor.u32 $0xB, v14;
	v9 =	vld.idx.msk [tilespmem:v36+s19+$0x0], $0xffff  }
0x377: {  	v10 =	vld.idx.msk [tilespmem:v18+s19+$0x0], $0xffff;
	v12 =	vmul.f32 v12, v7;
	v13 =	vadd.f32 v20, v13  }
0x378: {  	v38 =	vor.u32 $0xC, v14;
	v18 =	vld.idx.msk [tilespmem:v18+s20+$0x0], $0xffff  }
0x379: {  	v11 =	vld.idx.msk [tilespmem:v19+s19+$0x0], $0xffff;
	v15 =	vmul.f32 v15, v8;
	v13 =	vadd.f32 v12, v13  }
0x37a: {  	v22 =	vor.u32 $0xD, v14;
	v19 =	vld.idx.msk [tilespmem:v19+s20+$0x0], $0xffff  }
0x37b: {  	v16 =	vld.idx.msk [tilespmem:v37+s20+$0x0], $0xffff;
	v21 =	vmul.f32 v21, v9;
	v15 =	vadd.f32 v15, v13  }
0x37c: {  	v23 =	vor.u32 $0xE, v14;
	v12 =	vld.idx.msk [tilespmem:v37+s19+$0x0], $0xffff  }
0x37d: {  	v18 =	vmul.f32 v18, v10;
	v20 =	vld.idx.msk [tilespmem:v38+s20+$0x0], $0xffff;
	v15 =	vadd.f32 v21, v15  }
0x37e: {  	v39 =	vor.u32 $0xF, v14;
	v13 =	vld.idx.msk [tilespmem:v38+s19+$0x0], $0xffff  }
0x37f: {  	v14 =	vld.idx.msk [tilespmem:v22+s19+$0x0], $0xffff;
	v19 =	vmul.f32 v19, v11;
	v18 =	vadd.f32 v18, v15  }
0x380: {  	v22 =	vld.idx.msk [tilespmem:v22+s20+$0x0], $0xffff  }
0x381: {  	v40 =	vld.idx.msk [tilespmem:v23+s20+$0x0], $0xffff;
	v24 =	vmul.f32 v16, v12;
	v18 =	vadd.f32 v19, v18  }
0x382: {  	v15 =	vld.idx.msk [tilespmem:v23+s19+$0x0], $0xffff  }
0x383: {  	v21 =	vld.idx.msk [tilespmem:v39+s20+$0x0], $0xffff;
	v20 =	vmul.f32 v20, v13;
	v18 =	vadd.f32 v24, v18  }
0x384: {  	v16 =	vld.idx.msk [tilespmem:v39+s19+$0x0], $0xffff  }
0x385: {  	v22 =	vmul.f32 v22, v14;
	v18 =	vadd.f32 v20, v18;
	_ =	sdelay $0x1  }
0x386: {  	v19 =	vmul.f32 v40, v15;
	v18 =	vadd.f32 v22, v18  }
0x387: {  	v17 =	vmul.u32 $0x140, v17  }
0x388: {  	v41 =	vmul.f32 v21, v16;
	v18 =	vadd.f32 v19, v18  }
0x389: {  	v42 =	vor.u32 $0x1, v17  }
0x38a: {  	v18 =	vadd.f32 v41, v18  }
0x38b: {  	v43 =	vor.u32 $0x2, v17  }
0x38c: {  	[tilespmem:s29+$0x0] =	vst v18  }
0x38d: {  	v44 =	vor.u32 $0x3, v17;
	v18 =	vld.idx.msk [tilespmem:v17+s22+$0x0], $0xffff  }
0x38e: {  	v19 =	vld.idx.msk [tilespmem:v42+s22+$0x0], $0xffff  }
0x38f: {  	v45 =	vor.u32 $0x4, v17  }
0x390: {  	v20 =	vld.idx.msk [tilespmem:v43+s22+$0x0], $0xffff  }
0x391: {  	v46 =	vor.u32 $0x5, v17  }
0x392: {  	v21 =	vld.idx.msk [tilespmem:v44+s22+$0x0], $0xffff  }
0x393: {  	v47 =	vor.u32 $0x6, v17;
	v18 =	vmul.f32 v18, v1;
	v19 =	vmul.f32 v19, v2  }
0x394: {  	v22 =	vld.idx.msk [tilespmem:v45+s22+$0x0], $0xffff  }
0x395: {  	v25 =	vor.u32 $0x7, v17;
	v20 =	vmul.f32 v20, v6;
	v18 =	vadd.f32 v19, v18  }
0x396: {  	v48 =	vld.idx.msk [tilespmem:v46+s22+$0x0], $0xffff  }
0x397: {  	v49 =	vor.u32 $0x8, v17;
	v21 =	vmul.f32 v21, v4;
	v18 =	vadd.f32 v20, v18  }
0x398: {  	v50 =	vld.idx.msk [tilespmem:v47+s22+$0x0], $0xffff  }
0x399: {  	v51 =	vor.u32 $0x9, v17;
	v22 =	vmul.f32 v22, v3;
	v18 =	vadd.f32 v21, v18  }
0x39a: {  	v52 =	vld.idx.msk [tilespmem:v25+s22+$0x0], $0xffff  }
0x39b: {  	v53 =	vor.u32 $0xA, v17;
	v19 =	vmul.f32 v48, v5;
	v18 =	vadd.f32 v22, v18  }
0x39c: {  	v54 =	vld.idx.msk [tilespmem:v49+s22+$0x0], $0xffff  }
0x39d: {  	v55 =	vor.u32 $0xB, v17;
	v20 =	vmul.f32 v50, v7;
	v18 =	vadd.f32 v19, v18  }
0x39e: {  	v56 =	vld.idx.msk [tilespmem:v51+s22+$0x0], $0xffff  }
0x39f: {  	v57 =	vor.u32 $0xC, v17;
	v21 =	vmul.f32 v52, v8;
	v18 =	vadd.f32 v20, v18  }
0x3a0: {  	v58 =	vld.idx.msk [tilespmem:v53+s22+$0x0], $0xffff  }
0x3a1: {  	v59 =	vor.u32 $0xD, v17;
	v22 =	vmul.f32 v54, v9;
	v18 =	vadd.f32 v21, v18  }
0x3a2: {  	v60 =	vld.idx.msk [tilespmem:v55+s22+$0x0], $0xffff  }
0x3a3: {  	v61 =	vor.u32 $0xE, v17;
	v19 =	vmul.f32 v56, v10;
	v18 =	vadd.f32 v22, v18  }
0x3a4: {  	v62 =	vld.idx.msk [tilespmem:v57+s22+$0x0], $0xffff  }
0x3a5: {  	v63 =	vor.u32 $0xF, v17;
	v20 =	vmul.f32 v58, v11;
	v18 =	vadd.f32 v19, v18  }
0x3a6: {  	v27 =	vld.idx.msk [tilespmem:v59+s22+$0x0], $0xffff  }
0x3a7: {  	v21 =	vmul.f32 v60, v12;
	v18 =	vadd.f32 v20, v18  }
0x3a8: {  	v28 =	vld.idx.msk [tilespmem:v61+s22+$0x0], $0xffff  }
0x3a9: {  	v22 =	vmul.f32 v62, v13;
	v18 =	vadd.f32 v21, v18  }
0x3aa: {  	v29 =	vld.idx.msk [tilespmem:v63+s22+$0x0], $0xffff  }
0x3ab: {  	v19 =	vmul.f32 v27, v14;
	v18 =	vadd.f32 v22, v18;
	_ =	sdelay $0x1  }
0x3ac: {  	v20 =	vmul.f32 v28, v15;
	v18 =	vadd.f32 v19, v18;
	_ =	sdelay $0x1  }
0x3ad: {  	v31 =	vor.u32 $0x10, v17;
	v30 =	vmul.f32 v29, v16;
	v18 =	vadd.f32 v20, v18  }
0x3ae: {  	v32 =	vor.u32 $0x11, v17  }
0x3af: {  	v18 =	vadd.f32 v30, v18  }
0x3b0: {  	v33 =	vor.u32 $0x12, v17  }
0x3b1: {  	[tilespmem:s30+$0xFFFFF600] =	vst v18  }
0x3b2: {  	v34 =	vor.u32 $0x13, v17;
	v18 =	vld.idx.msk [tilespmem:v31+s22+$0x0], $0xffff  }
0x3b3: {  	v21 =	vld.idx.msk [tilespmem:v32+s22+$0x0], $0xffff  }
0x3b4: {  	v35 =	vor.u32 $0x14, v17  }
0x3b5: {  	v19 =	vld.idx.msk [tilespmem:v33+s22+$0x0], $0xffff  }
0x3b6: {  	v36 =	vor.u32 $0x15, v17  }
0x3b7: {  	v20 =	vld.idx.msk [tilespmem:v34+s22+$0x0], $0xffff  }
0x3b8: {  	v37 =	vor.u32 $0x16, v17;
	v18 =	vmul.f32 v18, v1;
	v21 =	vmul.f32 v21, v2  }
0x3b9: {  	v22 =	vld.idx.msk [tilespmem:v35+s22+$0x0], $0xffff  }
0x3ba: {  	v38 =	vor.u32 $0x17, v17;
	v19 =	vmul.f32 v19, v6;
	v18 =	vadd.f32 v21, v18  }
0x3bb: {  	v39 =	vld.idx.msk [tilespmem:v36+s22+$0x0], $0xffff  }
0x3bc: {  	v40 =	vor.u32 $0x18, v17;
	v20 =	vmul.f32 v20, v4;
	v18 =	vadd.f32 v19, v18  }
0x3bd: {  	v41 =	vld.idx.msk [tilespmem:v37+s22+$0x0], $0xffff  }
0x3be: {  	v42 =	vor.u32 $0x19, v17;
	v22 =	vmul.f32 v22, v3;
	v18 =	vadd.f32 v20, v18  }
0x3bf: {  	v43 =	vld.idx.msk [tilespmem:v38+s22+$0x0], $0xffff  }
0x3c0: {  	v44 =	vor.u32 $0x1A, v17;
	v21 =	vmul.f32 v39, v5;
	v18 =	vadd.f32 v22, v18  }
0x3c1: {  	v45 =	vld.idx.msk [tilespmem:v40+s22+$0x0], $0xffff  }
0x3c2: {  	v46 =	vor.u32 $0x1B, v17;
	v19 =	vmul.f32 v41, v7;
	v18 =	vadd.f32 v21, v18  }
0x3c3: {  	v47 =	vld.idx.msk [tilespmem:v42+s22+$0x0], $0xffff  }
0x3c4: {  	v48 =	vor.u32 $0x1C, v17;
	v20 =	vmul.f32 v43, v8;
	v18 =	vadd.f32 v19, v18  }
0x3c5: {  	v49 =	vld.idx.msk [tilespmem:v44+s22+$0x0], $0xffff  }
0x3c6: {  	v50 =	vor.u32 $0x1D, v17;
	v22 =	vmul.f32 v45, v9;
	v18 =	vadd.f32 v20, v18  }
0x3c7: {  	v51 =	vld.idx.msk [tilespmem:v46+s22+$0x0], $0xffff  }
0x3c8: {  	v52 =	vor.u32 $0x1E, v17;
	v21 =	vmul.f32 v47, v10;
	v18 =	vadd.f32 v22, v18  }
0x3c9: {  	v53 =	vld.idx.msk [tilespmem:v48+s22+$0x0], $0xffff  }
0x3ca: {  	v54 =	vor.u32 $0x1F, v17;
	v19 =	vmul.f32 v49, v11;
	v18 =	vadd.f32 v21, v18  }
0x3cb: {  	v55 =	vld.idx.msk [tilespmem:v50+s22+$0x0], $0xffff  }
0x3cc: {  	v20 =	vmul.f32 v51, v12;
	v18 =	vadd.f32 v19, v18  }
0x3cd: {  	v56 =	vld.idx.msk [tilespmem:v52+s22+$0x0], $0xffff  }
0x3ce: {  	v22 =	vmul.f32 v53, v13;
	v18 =	vadd.f32 v20, v18  }
0x3cf: {  	v57 =	vld.idx.msk [tilespmem:v54+s22+$0x0], $0xffff  }
0x3d0: {  	v21 =	vmul.f32 v55, v14;
	v18 =	vadd.f32 v22, v18;
	_ =	sdelay $0x1  }
0x3d1: {  	v19 =	vmul.f32 v56, v15;
	v18 =	vadd.f32 v21, v18;
	_ =	sdelay $0x1  }
0x3d2: {  	v58 =	vor.u32 $0x20, v17;
	v20 =	vmul.f32 v57, v16;
	v18 =	vadd.f32 v19, v18  }
0x3d3: {  	v59 =	vor.u32 $0x21, v17  }
0x3d4: {  	v18 =	vadd.f32 v20, v18  }
0x3d5: {  	v60 =	vor.u32 $0x22, v17  }
0x3d6: {  	[tilespmem:s30+$0xFFFFF700] =	vst v18  }
0x3d7: {  	v61 =	vor.u32 $0x23, v17;
	v18 =	vld.idx.msk [tilespmem:v58+s22+$0x0], $0xffff  }
0x3d8: {  	v21 =	vld.idx.msk [tilespmem:v59+s22+$0x0], $0xffff  }
0x3d9: {  	v62 =	vor.u32 $0x24, v17  }
0x3da: {  	v20 =	vld.idx.msk [tilespmem:v60+s22+$0x0], $0xffff  }
0x3db: {  	v63 =	vor.u32 $0x25, v17  }
0x3dc: {  	v19 =	vld.idx.msk [tilespmem:v61+s22+$0x0], $0xffff  }
0x3dd: {  	v28 =	vor.u32 $0x26, v17;
	v18 =	vmul.f32 v18, v1;
	v21 =	vmul.f32 v21, v2  }
0x3de: {  	v22 =	vld.idx.msk [tilespmem:v62+s22+$0x0], $0xffff  }
0x3df: {  	v29 =	vor.u32 $0x27, v17;
	v20 =	vmul.f32 v20, v6;
	v18 =	vadd.f32 v21, v18  }
0x3e0: {  	v30 =	vld.idx.msk [tilespmem:v63+s22+$0x0], $0xffff  }
0x3e1: {  	v31 =	vor.u32 $0x28, v17;
	v19 =	vmul.f32 v19, v4;
	v18 =	vadd.f32 v20, v18  }
0x3e2: {  	v32 =	vld.idx.msk [tilespmem:v28+s22+$0x0], $0xffff  }
0x3e3: {  	v33 =	vor.u32 $0x29, v17;
	v22 =	vmul.f32 v22, v3;
	v18 =	vadd.f32 v19, v18  }
0x3e4: {  	v34 =	vld.idx.msk [tilespmem:v29+s22+$0x0], $0xffff  }
0x3e5: {  	v35 =	vor.u32 $0x2A, v17;
	v21 =	vmul.f32 v30, v5;
	v18 =	vadd.f32 v22, v18  }
0x3e6: {  	v36 =	vld.idx.msk [tilespmem:v31+s22+$0x0], $0xffff  }
0x3e7: {  	v37 =	vor.u32 $0x2B, v17;
	v20 =	vmul.f32 v32, v7;
	v18 =	vadd.f32 v21, v18  }
0x3e8: {  	v38 =	vld.idx.msk [tilespmem:v33+s22+$0x0], $0xffff  }
0x3e9: {  	v39 =	vor.u32 $0x2C, v17;
	v19 =	vmul.f32 v34, v8;
	v18 =	vadd.f32 v20, v18  }
0x3ea: {  	v40 =	vld.idx.msk [tilespmem:v35+s22+$0x0], $0xffff  }
0x3eb: {  	v41 =	vor.u32 $0x2D, v17;
	v22 =	vmul.f32 v36, v9;
	v18 =	vadd.f32 v19, v18  }
0x3ec: {  	v42 =	vld.idx.msk [tilespmem:v37+s22+$0x0], $0xffff  }
0x3ed: {  	v43 =	vor.u32 $0x2E, v17;
	v21 =	vmul.f32 v38, v10;
	v18 =	vadd.f32 v22, v18  }
0x3ee: {  	v44 =	vld.idx.msk [tilespmem:v39+s22+$0x0], $0xffff  }
0x3ef: {  	v45 =	vor.u32 $0x2F, v17;
	v20 =	vmul.f32 v40, v11;
	v18 =	vadd.f32 v21, v18  }
0x3f0: {  	v46 =	vld.idx.msk [tilespmem:v41+s22+$0x0], $0xffff  }
0x3f1: {  	v19 =	vmul.f32 v42, v12;
	v18 =	vadd.f32 v20, v18  }
0x3f2: {  	v47 =	vld.idx.msk [tilespmem:v43+s22+$0x0], $0xffff  }
0x3f3: {  	v22 =	vmul.f32 v44, v13;
	v18 =	vadd.f32 v19, v18  }
0x3f4: {  	v48 =	vld.idx.msk [tilespmem:v45+s22+$0x0], $0xffff  }
0x3f5: {  	v21 =	vmul.f32 v46, v14;
	v18 =	vadd.f32 v22, v18;
	_ =	sdelay $0x1  }
0x3f6: {  	v20 =	vmul.f32 v47, v15;
	v18 =	vadd.f32 v21, v18;
	_ =	sdelay $0x1  }
0x3f7: {  	v49 =	vor.u32 $0x30, v17;
	v19 =	vmul.f32 v48, v16;
	v18 =	vadd.f32 v20, v18  }
0x3f8: {  	v50 =	vor.u32 $0x31, v17  }
0x3f9: {  	v18 =	vadd.f32 v19, v18  }
0x3fa: {  	v51 =	vor.u32 $0x32, v17  }
0x3fb: {  	[tilespmem:s30+$0xFFFFF800] =	vst v18  }
0x3fc: {  	v52 =	vor.u32 $0x33, v17;
	v18 =	vld.idx.msk [tilespmem:v49+s22+$0x0], $0xffff  }
0x3fd: {  	v21 =	vld.idx.msk [tilespmem:v50+s22+$0x0], $0xffff  }
0x3fe: {  	v53 =	vor.u32 $0x34, v17  }
0x3ff: {  	v19 =	vld.idx.msk [tilespmem:v51+s22+$0x0], $0xffff  }
0x400: {  	v54 =	vor.u32 $0x35, v17  }
0x401: {  	v20 =	vld.idx.msk [tilespmem:v52+s22+$0x0], $0xffff  }
0x402: {  	v55 =	vor.u32 $0x36, v17;
	v18 =	vmul.f32 v18, v1;
	v21 =	vmul.f32 v21, v2  }
0x403: {  	v22 =	vld.idx.msk [tilespmem:v53+s22+$0x0], $0xffff  }
0x404: {  	v56 =	vor.u32 $0x37, v17;
	v19 =	vmul.f32 v19, v6;
	v18 =	vadd.f32 v21, v18  }
0x405: {  	v57 =	vld.idx.msk [tilespmem:v54+s22+$0x0], $0xffff  }
0x406: {  	v58 =	vor.u32 $0x38, v17;
	v20 =	vmul.f32 v20, v4;
	v18 =	vadd.f32 v19, v18  }
0x407: {  	v59 =	vld.idx.msk [tilespmem:v55+s22+$0x0], $0xffff  }
0x408: {  	v60 =	vor.u32 $0x39, v17;
	v22 =	vmul.f32 v22, v3;
	v18 =	vadd.f32 v20, v18  }
0x409: {  	v61 =	vld.idx.msk [tilespmem:v56+s22+$0x0], $0xffff  }
0x40a: {  	v62 =	vor.u32 $0x3A, v17;
	v21 =	vmul.f32 v57, v5;
	v18 =	vadd.f32 v22, v18  }
0x40b: {  	v63 =	vld.idx.msk [tilespmem:v58+s22+$0x0], $0xffff  }
0x40c: {  	v28 =	vor.u32 $0x3B, v17;
	v19 =	vmul.f32 v59, v7;
	v18 =	vadd.f32 v21, v18  }
0x40d: {  	v29 =	vld.idx.msk [tilespmem:v60+s22+$0x0], $0xffff  }
0x40e: {  	v30 =	vor.u32 $0x3C, v17;
	v20 =	vmul.f32 v61, v8;
	v18 =	vadd.f32 v19, v18  }
0x40f: {  	v31 =	vld.idx.msk [tilespmem:v62+s22+$0x0], $0xffff  }
0x410: {  	v32 =	vor.u32 $0x3D, v17;
	v22 =	vmul.f32 v63, v9;
	v18 =	vadd.f32 v20, v18  }
0x411: {  	v33 =	vld.idx.msk [tilespmem:v28+s22+$0x0], $0xffff  }
0x412: {  	v34 =	vor.u32 $0x3E, v17;
	v21 =	vmul.f32 v29, v10;
	v18 =	vadd.f32 v22, v18  }
0x413: {  	v35 =	vld.idx.msk [tilespmem:v30+s22+$0x0], $0xffff  }
0x414: {  	v36 =	vor.u32 $0x3F, v17;
	v19 =	vmul.f32 v31, v11;
	v18 =	vadd.f32 v21, v18  }
0x415: {  	v37 =	vld.idx.msk [tilespmem:v32+s22+$0x0], $0xffff  }
0x416: {  	v20 =	vmul.f32 v33, v12;
	v18 =	vadd.f32 v19, v18  }
0x417: {  	v38 =	vld.idx.msk [tilespmem:v34+s22+$0x0], $0xffff  }
0x418: {  	v22 =	vmul.f32 v35, v13;
	v18 =	vadd.f32 v20, v18  }
0x419: {  	v39 =	vld.idx.msk [tilespmem:v36+s22+$0x0], $0xffff  }
0x41a: {  	v21 =	vmul.f32 v37, v14;
	v18 =	vadd.f32 v22, v18;
	_ =	sdelay $0x1  }
0x41b: {  	v19 =	vmul.f32 v38, v15;
	v18 =	vadd.f32 v21, v18;
	_ =	sdelay $0x1  }
0x41c: {  	v40 =	vadd.s32 $0x40, v17;
	v20 =	vmul.f32 v39, v16;
	v18 =	vadd.f32 v19, v18  }
0x41d: {  	v41 =	vadd.s32 $0x41, v17  }
0x41e: {  	v18 =	vadd.f32 v20, v18  }
0x41f: {  	v42 =	vadd.s32 $0x42, v17  }
0x420: {  	[tilespmem:s30+$0xFFFFF900] =	vst v18  }
0x421: {  	v43 =	vadd.s32 $0x43, v17;
	v18 =	vld.idx.msk [tilespmem:v40+s22+$0x0], $0xffff  }
0x422: {  	v21 =	vld.idx.msk [tilespmem:v41+s22+$0x0], $0xffff  }
0x423: {  	v44 =	vadd.s32 $0x44, v17  }
0x424: {  	v20 =	vld.idx.msk [tilespmem:v42+s22+$0x0], $0xffff  }
0x425: {  	v45 =	vadd.s32 $0x45, v17  }
0x426: {  	v19 =	vld.idx.msk [tilespmem:v43+s22+$0x0], $0xffff  }
0x427: {  	v46 =	vadd.s32 $0x46, v17;
	v18 =	vmul.f32 v18, v1;
	v21 =	vmul.f32 v21, v2  }
0x428: {  	v22 =	vld.idx.msk [tilespmem:v44+s22+$0x0], $0xffff  }
0x429: {  	v47 =	vadd.s32 $0x47, v17;
	v20 =	vmul.f32 v20, v6;
	v18 =	vadd.f32 v21, v18  }
0x42a: {  	v48 =	vld.idx.msk [tilespmem:v45+s22+$0x0], $0xffff  }
0x42b: {  	v49 =	vadd.s32 $0x48, v17;
	v19 =	vmul.f32 v19, v4;
	v18 =	vadd.f32 v20, v18  }
0x42c: {  	v50 =	vld.idx.msk [tilespmem:v46+s22+$0x0], $0xffff  }
0x42d: {  	v51 =	vadd.s32 $0x49, v17;
	v22 =	vmul.f32 v22, v3;
	v18 =	vadd.f32 v19, v18  }
0x42e: {  	v52 =	vld.idx.msk [tilespmem:v47+s22+$0x0], $0xffff  }
0x42f: {  	v53 =	vadd.s32 $0x4A, v17;
	v21 =	vmul.f32 v48, v5;
	v18 =	vadd.f32 v22, v18  }
0x430: {  	v54 =	vld.idx.msk [tilespmem:v49+s22+$0x0], $0xffff  }
0x431: {  	v55 =	vadd.s32 $0x4B, v17;
	v20 =	vmul.f32 v50, v7;
	v18 =	vadd.f32 v21, v18  }
0x432: {  	v56 =	vld.idx.msk [tilespmem:v51+s22+$0x0], $0xffff  }
0x433: {  	v57 =	vadd.s32 $0x4C, v17;
	v19 =	vmul.f32 v52, v8;
	v18 =	vadd.f32 v20, v18  }
0x434: {  	v58 =	vld.idx.msk [tilespmem:v53+s22+$0x0], $0xffff  }
0x435: {  	v59 =	vadd.s32 $0x4D, v17;
	v22 =	vmul.f32 v54, v9;
	v18 =	vadd.f32 v19, v18  }
0x436: {  	v60 =	vld.idx.msk [tilespmem:v55+s22+$0x0], $0xffff  }
0x437: {  	v61 =	vadd.s32 $0x4E, v17;
	v21 =	vmul.f32 v56, v10;
	v18 =	vadd.f32 v22, v18  }
0x438: {  	v62 =	vld.idx.msk [tilespmem:v57+s22+$0x0], $0xffff  }
0x439: {  	v63 =	vadd.s32 $0x4F, v17;
	v20 =	vmul.f32 v58, v11;
	v18 =	vadd.f32 v21, v18  }
0x43a: {  	v28 =	vld.idx.msk [tilespmem:v59+s22+$0x0], $0xffff  }
0x43b: {  	v19 =	vmul.f32 v60, v12;
	v18 =	vadd.f32 v20, v18  }
0x43c: {  	v29 =	vld.idx.msk [tilespmem:v61+s22+$0x0], $0xffff  }
0x43d: {  	v22 =	vmul.f32 v62, v13;
	v18 =	vadd.f32 v19, v18  }
0x43e: {  	v30 =	vld.idx.msk [tilespmem:v63+s22+$0x0], $0xffff  }
0x43f: {  	v21 =	vmul.f32 v28, v14;
	v18 =	vadd.f32 v22, v18;
	_ =	sdelay $0x1  }
0x440: {  	v20 =	vmul.f32 v29, v15;
	v18 =	vadd.f32 v21, v18;
	_ =	sdelay $0x1  }
0x441: {  	v31 =	vadd.s32 $0x50, v17;
	v19 =	vmul.f32 v30, v16;
	v18 =	vadd.f32 v20, v18  }
0x442: {  	v32 =	vadd.s32 $0x51, v17  }
0x443: {  	v18 =	vadd.f32 v19, v18  }
0x444: {  	v33 =	vadd.s32 $0x52, v17  }
0x445: {  	[tilespmem:s30+$0xFFFFFA00] =	vst v18  }
0x446: {  	v34 =	vadd.s32 $0x53, v17;
	v18 =	vld.idx.msk [tilespmem:v31+s22+$0x0], $0xffff  }
0x447: {  	v21 =	vld.idx.msk [tilespmem:v32+s22+$0x0], $0xffff  }
0x448: {  	v35 =	vadd.s32 $0x54, v17  }
0x449: {  	v19 =	vld.idx.msk [tilespmem:v33+s22+$0x0], $0xffff  }
0x44a: {  	v36 =	vadd.s32 $0x55, v17  }
0x44b: {  	v20 =	vld.idx.msk [tilespmem:v34+s22+$0x0], $0xffff  }
0x44c: {  	v37 =	vadd.s32 $0x56, v17;
	v18 =	vmul.f32 v18, v1;
	v21 =	vmul.f32 v21, v2  }
0x44d: {  	v22 =	vld.idx.msk [tilespmem:v35+s22+$0x0], $0xffff  }
0x44e: {  	v38 =	vadd.s32 $0x57, v17;
	v19 =	vmul.f32 v19, v6;
	v18 =	vadd.f32 v21, v18  }
0x44f: {  	v39 =	vld.idx.msk [tilespmem:v36+s22+$0x0], $0xffff  }
0x450: {  	v40 =	vadd.s32 $0x58, v17;
	v20 =	vmul.f32 v20, v4;
	v18 =	vadd.f32 v19, v18  }
0x451: {  	v41 =	vld.idx.msk [tilespmem:v37+s22+$0x0], $0xffff  }
0x452: {  	v42 =	vadd.s32 $0x59, v17;
	v22 =	vmul.f32 v22, v3;
	v18 =	vadd.f32 v20, v18  }
0x453: {  	v43 =	vld.idx.msk [tilespmem:v38+s22+$0x0], $0xffff  }
0x454: {  	v44 =	vadd.s32 $0x5A, v17;
	v21 =	vmul.f32 v39, v5;
	v18 =	vadd.f32 v22, v18  }
0x455: {  	v45 =	vld.idx.msk [tilespmem:v40+s22+$0x0], $0xffff  }
0x456: {  	v46 =	vadd.s32 $0x5B, v17;
	v19 =	vmul.f32 v41, v7;
	v18 =	vadd.f32 v21, v18  }
0x457: {  	v47 =	vld.idx.msk [tilespmem:v42+s22+$0x0], $0xffff  }
0x458: {  	v48 =	vadd.s32 $0x5C, v17;
	v20 =	vmul.f32 v43, v8;
	v18 =	vadd.f32 v19, v18  }
0x459: {  	v49 =	vld.idx.msk [tilespmem:v44+s22+$0x0], $0xffff  }
0x45a: {  	v50 =	vadd.s32 $0x5D, v17;
	v22 =	vmul.f32 v45, v9;
	v18 =	vadd.f32 v20, v18  }
0x45b: {  	v51 =	vld.idx.msk [tilespmem:v46+s22+$0x0], $0xffff  }
0x45c: {  	v52 =	vadd.s32 $0x5E, v17;
	v21 =	vmul.f32 v47, v10;
	v18 =	vadd.f32 v22, v18  }
0x45d: {  	v53 =	vld.idx.msk [tilespmem:v48+s22+$0x0], $0xffff  }
0x45e: {  	v54 =	vadd.s32 $0x5F, v17;
	v19 =	vmul.f32 v49, v11;
	v18 =	vadd.f32 v21, v18  }
0x45f: {  	v55 =	vld.idx.msk [tilespmem:v50+s22+$0x0], $0xffff  }
0x460: {  	v20 =	vmul.f32 v51, v12;
	v18 =	vadd.f32 v19, v18  }
0x461: {  	v56 =	vld.idx.msk [tilespmem:v52+s22+$0x0], $0xffff  }
0x462: {  	v22 =	vmul.f32 v53, v13;
	v18 =	vadd.f32 v20, v18  }
0x463: {  	v57 =	vld.idx.msk [tilespmem:v54+s22+$0x0], $0xffff  }
0x464: {  	v21 =	vmul.f32 v55, v14;
	v18 =	vadd.f32 v22, v18;
	_ =	sdelay $0x1  }
0x465: {  	v19 =	vmul.f32 v56, v15;
	v18 =	vadd.f32 v21, v18;
	_ =	sdelay $0x1  }
0x466: {  	v58 =	vadd.s32 $0x60, v17;
	v20 =	vmul.f32 v57, v16;
	v18 =	vadd.f32 v19, v18  }
0x467: {  	v59 =	vadd.s32 $0x61, v17  }
0x468: {  	v18 =	vadd.f32 v20, v18  }
0x469: {  	v60 =	vadd.s32 $0x62, v17  }
0x46a: {  	[tilespmem:s30+$0xFFFFFB00] =	vst v18  }
0x46b: {  	v61 =	vadd.s32 $0x63, v17;
	v18 =	vld.idx.msk [tilespmem:v58+s22+$0x0], $0xffff  }
0x46c: {  	v21 =	vld.idx.msk [tilespmem:v59+s22+$0x0], $0xffff  }
0x46d: {  	v62 =	vadd.s32 $0x64, v17  }
0x46e: {  	v20 =	vld.idx.msk [tilespmem:v60+s22+$0x0], $0xffff  }
0x46f: {  	v63 =	vadd.s32 $0x65, v17  }
0x470: {  	v19 =	vld.idx.msk [tilespmem:v61+s22+$0x0], $0xffff  }
0x471: {  	v28 =	vadd.s32 $0x66, v17;
	v18 =	vmul.f32 v18, v1;
	v21 =	vmul.f32 v21, v2  }
0x472: {  	v22 =	vld.idx.msk [tilespmem:v62+s22+$0x0], $0xffff  }
0x473: {  	v29 =	vadd.s32 $0x67, v17;
	v20 =	vmul.f32 v20, v6;
	v18 =	vadd.f32 v21, v18  }
0x474: {  	v30 =	vld.idx.msk [tilespmem:v63+s22+$0x0], $0xffff  }
0x475: {  	v31 =	vadd.s32 $0x68, v17;
	v19 =	vmul.f32 v19, v4;
	v18 =	vadd.f32 v20, v18  }
0x476: {  	v32 =	vld.idx.msk [tilespmem:v28+s22+$0x0], $0xffff  }
0x477: {  	v33 =	vadd.s32 $0x69, v17;
	v22 =	vmul.f32 v22, v3;
	v18 =	vadd.f32 v19, v18  }
0x478: {  	v34 =	vld.idx.msk [tilespmem:v29+s22+$0x0], $0xffff  }
0x479: {  	v35 =	vadd.s32 $0x6A, v17;
	v21 =	vmul.f32 v30, v5;
	v18 =	vadd.f32 v22, v18  }
0x47a: {  	v36 =	vld.idx.msk [tilespmem:v31+s22+$0x0], $0xffff  }
0x47b: {  	v37 =	vadd.s32 $0x6B, v17;
	v20 =	vmul.f32 v32, v7;
	v18 =	vadd.f32 v21, v18  }
0x47c: {  	v38 =	vld.idx.msk [tilespmem:v33+s22+$0x0], $0xffff  }
0x47d: {  	v39 =	vadd.s32 $0x6C, v17;
	v19 =	vmul.f32 v34, v8;
	v18 =	vadd.f32 v20, v18  }
0x47e: {  	v40 =	vld.idx.msk [tilespmem:v35+s22+$0x0], $0xffff  }
0x47f: {  	v41 =	vadd.s32 $0x6D, v17;
	v22 =	vmul.f32 v36, v9;
	v18 =	vadd.f32 v19, v18  }
0x480: {  	v42 =	vld.idx.msk [tilespmem:v37+s22+$0x0], $0xffff  }
0x481: {  	v43 =	vadd.s32 $0x6E, v17;
	v21 =	vmul.f32 v38, v10;
	v18 =	vadd.f32 v22, v18  }
0x482: {  	v44 =	vld.idx.msk [tilespmem:v39+s22+$0x0], $0xffff  }
0x483: {  	v45 =	vadd.s32 $0x6F, v17;
	v20 =	vmul.f32 v40, v11;
	v18 =	vadd.f32 v21, v18  }
0x484: {  	v46 =	vld.idx.msk [tilespmem:v41+s22+$0x0], $0xffff  }
0x485: {  	v19 =	vmul.f32 v42, v12;
	v18 =	vadd.f32 v20, v18  }
0x486: {  	v47 =	vld.idx.msk [tilespmem:v43+s22+$0x0], $0xffff  }
0x487: {  	v22 =	vmul.f32 v44, v13;
	v18 =	vadd.f32 v19, v18  }
0x488: {  	v48 =	vld.idx.msk [tilespmem:v45+s22+$0x0], $0xffff  }
0x489: {  	v21 =	vmul.f32 v46, v14;
	v18 =	vadd.f32 v22, v18;
	_ =	sdelay $0x1  }
0x48a: {  	v20 =	vmul.f32 v47, v15;
	v18 =	vadd.f32 v21, v18;
	_ =	sdelay $0x1  }
0x48b: {  	v49 =	vadd.s32 $0x70, v17;
	v19 =	vmul.f32 v48, v16;
	v18 =	vadd.f32 v20, v18  }
0x48c: {  	v50 =	vadd.s32 $0x71, v17  }
0x48d: {  	v18 =	vadd.f32 v19, v18  }
0x48e: {  	v51 =	vadd.s32 $0x72, v17  }
0x48f: {  	[tilespmem:s30+$0xFFFFFC00] =	vst v18  }
0x490: {  	v52 =	vadd.s32 $0x73, v17;
	v18 =	vld.idx.msk [tilespmem:v49+s22+$0x0], $0xffff  }
0x491: {  	v21 =	vld.idx.msk [tilespmem:v50+s22+$0x0], $0xffff  }
0x492: {  	v53 =	vadd.s32 $0x74, v17  }
0x493: {  	v19 =	vld.idx.msk [tilespmem:v51+s22+$0x0], $0xffff  }
0x494: {  	v54 =	vadd.s32 $0x75, v17  }
0x495: {  	v20 =	vld.idx.msk [tilespmem:v52+s22+$0x0], $0xffff  }
0x496: {  	v55 =	vadd.s32 $0x76, v17;
	v18 =	vmul.f32 v18, v1;
	v21 =	vmul.f32 v21, v2  }
0x497: {  	v22 =	vld.idx.msk [tilespmem:v53+s22+$0x0], $0xffff  }
0x498: {  	v56 =	vadd.s32 $0x77, v17;
	v19 =	vmul.f32 v19, v6;
	v18 =	vadd.f32 v21, v18  }
0x499: {  	v57 =	vld.idx.msk [tilespmem:v54+s22+$0x0], $0xffff  }
0x49a: {  	v58 =	vadd.s32 $0x78, v17;
	v20 =	vmul.f32 v20, v4;
	v18 =	vadd.f32 v19, v18  }
0x49b: {  	v59 =	vld.idx.msk [tilespmem:v55+s22+$0x0], $0xffff  }
0x49c: {  	v60 =	vadd.s32 $0x79, v17;
	v22 =	vmul.f32 v22, v3;
	v18 =	vadd.f32 v20, v18  }
0x49d: {  	v61 =	vld.idx.msk [tilespmem:v56+s22+$0x0], $0xffff  }
0x49e: {  	v62 =	vadd.s32 $0x7A, v17;
	v21 =	vmul.f32 v57, v5;
	v18 =	vadd.f32 v22, v18  }
0x49f: {  	v63 =	vld.idx.msk [tilespmem:v58+s22+$0x0], $0xffff  }
0x4a0: {  	v28 =	vadd.s32 $0x7B, v17;
	v19 =	vmul.f32 v59, v7;
	v18 =	vadd.f32 v21, v18  }
0x4a1: {  	v29 =	vld.idx.msk [tilespmem:v60+s22+$0x0], $0xffff  }
0x4a2: {  	v30 =	vadd.s32 $0x7C, v17;
	v20 =	vmul.f32 v61, v8;
	v18 =	vadd.f32 v19, v18  }
0x4a3: {  	v31 =	vld.idx.msk [tilespmem:v62+s22+$0x0], $0xffff  }
0x4a4: {  	v32 =	vadd.s32 $0x7D, v17;
	v22 =	vmul.f32 v63, v9;
	v18 =	vadd.f32 v20, v18  }
0x4a5: {  	v33 =	vld.idx.msk [tilespmem:v28+s22+$0x0], $0xffff  }
0x4a6: {  	v34 =	vadd.s32 $0x7E, v17;
	v21 =	vmul.f32 v29, v10;
	v18 =	vadd.f32 v22, v18  }
0x4a7: {  	v35 =	vld.idx.msk [tilespmem:v30+s22+$0x0], $0xffff  }
0x4a8: {  	v36 =	vadd.s32 $0x7F, v17;
	v19 =	vmul.f32 v31, v11;
	v18 =	vadd.f32 v21, v18  }
0x4a9: {  	v37 =	vld.idx.msk [tilespmem:v32+s22+$0x0], $0xffff  }
0x4aa: {  	v20 =	vmul.f32 v33, v12;
	v18 =	vadd.f32 v19, v18  }
0x4ab: {  	v38 =	vld.idx.msk [tilespmem:v34+s22+$0x0], $0xffff  }
0x4ac: {  	v22 =	vmul.f32 v35, v13;
	v18 =	vadd.f32 v20, v18  }
0x4ad: {  	v39 =	vld.idx.msk [tilespmem:v36+s22+$0x0], $0xffff  }
0x4ae: {  	v21 =	vmul.f32 v37, v14;
	v18 =	vadd.f32 v22, v18;
	_ =	sdelay $0x1  }
0x4af: {  	v19 =	vmul.f32 v38, v15;
	v18 =	vadd.f32 v21, v18;
	_ =	sdelay $0x1  }
0x4b0: {  	v40 =	vadd.s32 $0x80, v17;
	v20 =	vmul.f32 v39, v16;
	v18 =	vadd.f32 v19, v18  }
0x4b1: {  	v41 =	vadd.s32 $0x81, v17  }
0x4b2: {  	v18 =	vadd.f32 v20, v18  }
0x4b3: {  	v42 =	vadd.s32 $0x82, v17  }
0x4b4: {  	[tilespmem:s30+$0xFFFFFD00] =	vst v18  }
0x4b5: {  	v43 =	vadd.s32 $0x83, v17;
	v18 =	vld.idx.msk [tilespmem:v40+s22+$0x0], $0xffff  }
0x4b6: {  	v21 =	vld.idx.msk [tilespmem:v41+s22+$0x0], $0xffff  }
0x4b7: {  	v44 =	vadd.s32 $0x84, v17  }
0x4b8: {  	v20 =	vld.idx.msk [tilespmem:v42+s22+$0x0], $0xffff  }
0x4b9: {  	v45 =	vadd.s32 $0x85, v17  }
0x4ba: {  	v19 =	vld.idx.msk [tilespmem:v43+s22+$0x0], $0xffff  }
0x4bb: {  	v46 =	vadd.s32 $0x86, v17;
	v18 =	vmul.f32 v18, v1;
	v21 =	vmul.f32 v21, v2  }
0x4bc: {  	v22 =	vld.idx.msk [tilespmem:v44+s22+$0x0], $0xffff  }
0x4bd: {  	v47 =	vadd.s32 $0x87, v17;
	v20 =	vmul.f32 v20, v6;
	v18 =	vadd.f32 v21, v18  }
0x4be: {  	v48 =	vld.idx.msk [tilespmem:v45+s22+$0x0], $0xffff  }
0x4bf: {  	v49 =	vadd.s32 $0x88, v17;
	v19 =	vmul.f32 v19, v4;
	v18 =	vadd.f32 v20, v18  }
0x4c0: {  	v50 =	vld.idx.msk [tilespmem:v46+s22+$0x0], $0xffff  }
0x4c1: {  	v51 =	vadd.s32 $0x89, v17;
	v22 =	vmul.f32 v22, v3;
	v18 =	vadd.f32 v19, v18  }
0x4c2: {  	v52 =	vld.idx.msk [tilespmem:v47+s22+$0x0], $0xffff  }
0x4c3: {  	v53 =	vadd.s32 $0x8A, v17;
	v21 =	vmul.f32 v48, v5;
	v18 =	vadd.f32 v22, v18  }
0x4c4: {  	v54 =	vld.idx.msk [tilespmem:v49+s22+$0x0], $0xffff  }
0x4c5: {  	v55 =	vadd.s32 $0x8B, v17;
	v20 =	vmul.f32 v50, v7;
	v18 =	vadd.f32 v21, v18  }
0x4c6: {  	v56 =	vld.idx.msk [tilespmem:v51+s22+$0x0], $0xffff  }
0x4c7: {  	v57 =	vadd.s32 $0x8C, v17;
	v19 =	vmul.f32 v52, v8;
	v18 =	vadd.f32 v20, v18  }
0x4c8: {  	v58 =	vld.idx.msk [tilespmem:v53+s22+$0x0], $0xffff  }
0x4c9: {  	v59 =	vadd.s32 $0x8D, v17;
	v22 =	vmul.f32 v54, v9;
	v18 =	vadd.f32 v19, v18  }
0x4ca: {  	v60 =	vld.idx.msk [tilespmem:v55+s22+$0x0], $0xffff  }
0x4cb: {  	v61 =	vadd.s32 $0x8E, v17;
	v21 =	vmul.f32 v56, v10;
	v18 =	vadd.f32 v22, v18  }
0x4cc: {  	v62 =	vld.idx.msk [tilespmem:v57+s22+$0x0], $0xffff  }
0x4cd: {  	v63 =	vadd.s32 $0x8F, v17;
	v20 =	vmul.f32 v58, v11;
	v18 =	vadd.f32 v21, v18  }
0x4ce: {  	v28 =	vld.idx.msk [tilespmem:v59+s22+$0x0], $0xffff  }
0x4cf: {  	v19 =	vmul.f32 v60, v12;
	v18 =	vadd.f32 v20, v18  }
0x4d0: {  	v29 =	vld.idx.msk [tilespmem:v61+s22+$0x0], $0xffff  }
0x4d1: {  	v22 =	vmul.f32 v62, v13;
	v18 =	vadd.f32 v19, v18  }
0x4d2: {  	v30 =	vld.idx.msk [tilespmem:v63+s22+$0x0], $0xffff  }
0x4d3: {  	v21 =	vmul.f32 v28, v14;
	v18 =	vadd.f32 v22, v18;
	_ =	sdelay $0x1  }
0x4d4: {  	v20 =	vmul.f32 v29, v15;
	v18 =	vadd.f32 v21, v18;
	_ =	sdelay $0x1  }
0x4d5: {  	v31 =	vadd.s32 $0x90, v17;
	v19 =	vmul.f32 v30, v16;
	v18 =	vadd.f32 v20, v18  }
0x4d6: {  	v32 =	vadd.s32 $0x91, v17  }
0x4d7: {  	v18 =	vadd.f32 v19, v18  }
0x4d8: {  	v33 =	vadd.s32 $0x92, v17  }
0x4d9: {  	[tilespmem:s30+$0xFFFFFE00] =	vst v18  }
0x4da: {  	v34 =	vadd.s32 $0x93, v17;
	v18 =	vld.idx.msk [tilespmem:v31+s22+$0x0], $0xffff  }
0x4db: {  	v21 =	vld.idx.msk [tilespmem:v32+s22+$0x0], $0xffff  }
0x4dc: {  	v35 =	vadd.s32 $0x94, v17  }
0x4dd: {  	v19 =	vld.idx.msk [tilespmem:v33+s22+$0x0], $0xffff  }
0x4de: {  	v36 =	vadd.s32 $0x95, v17  }
0x4df: {  	v20 =	vld.idx.msk [tilespmem:v34+s22+$0x0], $0xffff  }
0x4e0: {  	v37 =	vadd.s32 $0x96, v17;
	v18 =	vmul.f32 v18, v1;
	v21 =	vmul.f32 v21, v2  }
0x4e1: {  	v22 =	vld.idx.msk [tilespmem:v35+s22+$0x0], $0xffff  }
0x4e2: {  	v38 =	vadd.s32 $0x97, v17;
	v19 =	vmul.f32 v19, v6;
	v18 =	vadd.f32 v21, v18  }
0x4e3: {  	v39 =	vld.idx.msk [tilespmem:v36+s22+$0x0], $0xffff  }
0x4e4: {  	v40 =	vadd.s32 $0x98, v17;
	v20 =	vmul.f32 v20, v4;
	v18 =	vadd.f32 v19, v18  }
0x4e5: {  	v41 =	vld.idx.msk [tilespmem:v37+s22+$0x0], $0xffff  }
0x4e6: {  	v42 =	vadd.s32 $0x99, v17;
	v22 =	vmul.f32 v22, v3;
	v18 =	vadd.f32 v20, v18  }
0x4e7: {  	v43 =	vld.idx.msk [tilespmem:v38+s22+$0x0], $0xffff  }
0x4e8: {  	v44 =	vadd.s32 $0x9A, v17;
	v21 =	vmul.f32 v39, v5;
	v18 =	vadd.f32 v22, v18  }
0x4e9: {  	v45 =	vld.idx.msk [tilespmem:v40+s22+$0x0], $0xffff  }
0x4ea: {  	v46 =	vadd.s32 $0x9B, v17;
	v19 =	vmul.f32 v41, v7;
	v18 =	vadd.f32 v21, v18  }
0x4eb: {  	v47 =	vld.idx.msk [tilespmem:v42+s22+$0x0], $0xffff  }
0x4ec: {  	v48 =	vadd.s32 $0x9C, v17;
	v20 =	vmul.f32 v43, v8;
	v18 =	vadd.f32 v19, v18  }
0x4ed: {  	v49 =	vld.idx.msk [tilespmem:v44+s22+$0x0], $0xffff  }
0x4ee: {  	v50 =	vadd.s32 $0x9D, v17;
	v22 =	vmul.f32 v45, v9;
	v18 =	vadd.f32 v20, v18  }
0x4ef: {  	v51 =	vld.idx.msk [tilespmem:v46+s22+$0x0], $0xffff  }
0x4f0: {  	v52 =	vadd.s32 $0x9E, v17;
	v21 =	vmul.f32 v47, v10;
	v18 =	vadd.f32 v22, v18  }
0x4f1: {  	v53 =	vld.idx.msk [tilespmem:v48+s22+$0x0], $0xffff  }
0x4f2: {  	v54 =	vadd.s32 $0x9F, v17;
	v19 =	vmul.f32 v49, v11;
	v18 =	vadd.f32 v21, v18  }
0x4f3: {  	v55 =	vld.idx.msk [tilespmem:v50+s22+$0x0], $0xffff  }
0x4f4: {  	v20 =	vmul.f32 v51, v12;
	v18 =	vadd.f32 v19, v18  }
0x4f5: {  	v56 =	vld.idx.msk [tilespmem:v52+s22+$0x0], $0xffff  }
0x4f6: {  	v22 =	vmul.f32 v53, v13;
	v18 =	vadd.f32 v20, v18  }
0x4f7: {  	v57 =	vld.idx.msk [tilespmem:v54+s22+$0x0], $0xffff  }
0x4f8: {  	v21 =	vmul.f32 v55, v14;
	v18 =	vadd.f32 v22, v18;
	_ =	sdelay $0x1  }
0x4f9: {  	v19 =	vmul.f32 v56, v15;
	v18 =	vadd.f32 v21, v18;
	_ =	sdelay $0x1  }
0x4fa: {  	v58 =	vadd.s32 $0xA0, v17;
	v20 =	vmul.f32 v57, v16;
	v18 =	vadd.f32 v19, v18  }
0x4fb: {  	v59 =	vadd.s32 $0xA1, v17  }
0x4fc: {  	v18 =	vadd.f32 v20, v18  }
0x4fd: {  	v60 =	vadd.s32 $0xA2, v17  }
0x4fe: {  	[tilespmem:s30+$0xFFFFFF00] =	vst v18  }
0x4ff: {  	v61 =	vadd.s32 $0xA3, v17;
	v18 =	vld.idx.msk [tilespmem:v58+s22+$0x0], $0xffff  }
0x500: {  	v21 =	vld.idx.msk [tilespmem:v59+s22+$0x0], $0xffff  }
0x501: {  	v62 =	vadd.s32 $0xA4, v17  }
0x502: {  	v20 =	vld.idx.msk [tilespmem:v60+s22+$0x0], $0xffff  }
0x503: {  	v63 =	vadd.s32 $0xA5, v17  }
0x504: {  	v19 =	vld.idx.msk [tilespmem:v61+s22+$0x0], $0xffff  }
0x505: {  	v28 =	vadd.s32 $0xA6, v17;
	v18 =	vmul.f32 v18, v1;
	v21 =	vmul.f32 v21, v2  }
0x506: {  	v22 =	vld.idx.msk [tilespmem:v62+s22+$0x0], $0xffff  }
0x507: {  	v29 =	vadd.s32 $0xA7, v17;
	v20 =	vmul.f32 v20, v6;
	v18 =	vadd.f32 v21, v18  }
0x508: {  	v30 =	vld.idx.msk [tilespmem:v63+s22+$0x0], $0xffff  }
0x509: {  	v31 =	vadd.s32 $0xA8, v17;
	v19 =	vmul.f32 v19, v4;
	v18 =	vadd.f32 v20, v18  }
0x50a: {  	v32 =	vld.idx.msk [tilespmem:v28+s22+$0x0], $0xffff  }
0x50b: {  	v33 =	vadd.s32 $0xA9, v17;
	v22 =	vmul.f32 v22, v3;
	v18 =	vadd.f32 v19, v18  }
0x50c: {  	v34 =	vld.idx.msk [tilespmem:v29+s22+$0x0], $0xffff  }
0x50d: {  	v35 =	vadd.s32 $0xAA, v17;
	v21 =	vmul.f32 v30, v5;
	v18 =	vadd.f32 v22, v18  }
0x50e: {  	v36 =	vld.idx.msk [tilespmem:v31+s22+$0x0], $0xffff  }
0x50f: {  	v37 =	vadd.s32 $0xAB, v17;
	v20 =	vmul.f32 v32, v7;
	v18 =	vadd.f32 v21, v18  }
0x510: {  	v38 =	vld.idx.msk [tilespmem:v33+s22+$0x0], $0xffff  }
0x511: {  	v39 =	vadd.s32 $0xAC, v17;
	v19 =	vmul.f32 v34, v8;
	v18 =	vadd.f32 v20, v18  }
0x512: {  	v40 =	vld.idx.msk [tilespmem:v35+s22+$0x0], $0xffff  }
0x513: {  	v41 =	vadd.s32 $0xAD, v17;
	v22 =	vmul.f32 v36, v9;
	v18 =	vadd.f32 v19, v18  }
0x514: {  	v42 =	vld.idx.msk [tilespmem:v37+s22+$0x0], $0xffff  }
0x515: {  	v43 =	vadd.s32 $0xAE, v17;
	v21 =	vmul.f32 v38, v10;
	v18 =	vadd.f32 v22, v18  }
0x516: {  	v44 =	vld.idx.msk [tilespmem:v39+s22+$0x0], $0xffff  }
0x517: {  	v45 =	vadd.s32 $0xAF, v17;
	v20 =	vmul.f32 v40, v11;
	v18 =	vadd.f32 v21, v18  }
0x518: {  	v46 =	vld.idx.msk [tilespmem:v41+s22+$0x0], $0xffff  }
0x519: {  	v19 =	vmul.f32 v42, v12;
	v18 =	vadd.f32 v20, v18  }
0x51a: {  	v47 =	vld.idx.msk [tilespmem:v43+s22+$0x0], $0xffff  }
0x51b: {  	v22 =	vmul.f32 v44, v13;
	v18 =	vadd.f32 v19, v18  }
0x51c: {  	v48 =	vld.idx.msk [tilespmem:v45+s22+$0x0], $0xffff  }
0x51d: {  	v21 =	vmul.f32 v46, v14;
	v18 =	vadd.f32 v22, v18;
	_ =	sdelay $0x1  }
0x51e: {  	v20 =	vmul.f32 v47, v15;
	v18 =	vadd.f32 v21, v18;
	_ =	sdelay $0x1  }
0x51f: {  	v49 =	vadd.s32 $0xB0, v17;
	v19 =	vmul.f32 v48, v16;
	v18 =	vadd.f32 v20, v18  }
0x520: {  	v50 =	vadd.s32 $0xB1, v17  }
0x521: {  	v18 =	vadd.f32 v19, v18  }
0x522: {  	v51 =	vadd.s32 $0xB2, v17  }
0x523: {  	[tilespmem:s30+$0x0] =	vst v18  }
0x524: {  	v52 =	vadd.s32 $0xB3, v17;
	v18 =	vld.idx.msk [tilespmem:v49+s22+$0x0], $0xffff  }
0x525: {  	v21 =	vld.idx.msk [tilespmem:v50+s22+$0x0], $0xffff  }
0x526: {  	v53 =	vadd.s32 $0xB4, v17  }
0x527: {  	v19 =	vld.idx.msk [tilespmem:v51+s22+$0x0], $0xffff  }
0x528: {  	v54 =	vadd.s32 $0xB5, v17  }
0x529: {  	v20 =	vld.idx.msk [tilespmem:v52+s22+$0x0], $0xffff  }
0x52a: {  	v55 =	vadd.s32 $0xB6, v17;
	v18 =	vmul.f32 v18, v1;
	v21 =	vmul.f32 v21, v2  }
0x52b: {  	v22 =	vld.idx.msk [tilespmem:v53+s22+$0x0], $0xffff  }
0x52c: {  	v56 =	vadd.s32 $0xB7, v17;
	v19 =	vmul.f32 v19, v6;
	v18 =	vadd.f32 v21, v18  }
0x52d: {  	v57 =	vld.idx.msk [tilespmem:v54+s22+$0x0], $0xffff  }
0x52e: {  	v58 =	vadd.s32 $0xB8, v17;
	v20 =	vmul.f32 v20, v4;
	v18 =	vadd.f32 v19, v18  }
0x52f: {  	v59 =	vld.idx.msk [tilespmem:v55+s22+$0x0], $0xffff  }
0x530: {  	v60 =	vadd.s32 $0xB9, v17;
	v22 =	vmul.f32 v22, v3;
	v18 =	vadd.f32 v20, v18  }
0x531: {  	v61 =	vld.idx.msk [tilespmem:v56+s22+$0x0], $0xffff  }
0x532: {  	v62 =	vadd.s32 $0xBA, v17;
	v21 =	vmul.f32 v57, v5;
	v18 =	vadd.f32 v22, v18  }
0x533: {  	v63 =	vld.idx.msk [tilespmem:v58+s22+$0x0], $0xffff  }
0x534: {  	v28 =	vadd.s32 $0xBB, v17;
	v19 =	vmul.f32 v59, v7;
	v18 =	vadd.f32 v21, v18  }
0x535: {  	v29 =	vld.idx.msk [tilespmem:v60+s22+$0x0], $0xffff  }
0x536: {  	v30 =	vadd.s32 $0xBC, v17;
	v20 =	vmul.f32 v61, v8;
	v18 =	vadd.f32 v19, v18  }
0x537: {  	v31 =	vld.idx.msk [tilespmem:v62+s22+$0x0], $0xffff  }
0x538: {  	v32 =	vadd.s32 $0xBD, v17;
	v22 =	vmul.f32 v63, v9;
	v18 =	vadd.f32 v20, v18  }
0x539: {  	v33 =	vld.idx.msk [tilespmem:v28+s22+$0x0], $0xffff  }
0x53a: {  	v34 =	vadd.s32 $0xBE, v17;
	v21 =	vmul.f32 v29, v10;
	v18 =	vadd.f32 v22, v18  }
0x53b: {  	v35 =	vld.idx.msk [tilespmem:v30+s22+$0x0], $0xffff  }
0x53c: {  	v36 =	vadd.s32 $0xBF, v17;
	v19 =	vmul.f32 v31, v11;
	v18 =	vadd.f32 v21, v18  }
0x53d: {  	v37 =	vld.idx.msk [tilespmem:v32+s22+$0x0], $0xffff  }
0x53e: {  	v20 =	vmul.f32 v33, v12;
	v18 =	vadd.f32 v19, v18  }
0x53f: {  	v38 =	vld.idx.msk [tilespmem:v34+s22+$0x0], $0xffff  }
0x540: {  	v22 =	vmul.f32 v35, v13;
	v18 =	vadd.f32 v20, v18  }
0x541: {  	v39 =	vld.idx.msk [tilespmem:v36+s22+$0x0], $0xffff  }
0x542: {  	v21 =	vmul.f32 v37, v14;
	v18 =	vadd.f32 v22, v18;
	_ =	sdelay $0x1  }
0x543: {  	v19 =	vmul.f32 v38, v15;
	v18 =	vadd.f32 v21, v18;
	_ =	sdelay $0x1  }
0x544: {  	v40 =	vadd.s32 $0xC0, v17;
	v20 =	vmul.f32 v39, v16;
	v18 =	vadd.f32 v19, v18  }
0x545: {  	v41 =	vadd.s32 $0xC1, v17  }
0x546: {  	v18 =	vadd.f32 v20, v18  }
0x547: {  	v42 =	vadd.s32 $0xC2, v17  }
0x548: {  	[tilespmem:s30+$0x100] =	vst v18  }
0x549: {  	v43 =	vadd.s32 $0xC3, v17;
	v18 =	vld.idx.msk [tilespmem:v40+s22+$0x0], $0xffff  }
0x54a: {  	v21 =	vld.idx.msk [tilespmem:v41+s22+$0x0], $0xffff  }
0x54b: {  	v44 =	vadd.s32 $0xC4, v17  }
0x54c: {  	v20 =	vld.idx.msk [tilespmem:v42+s22+$0x0], $0xffff  }
0x54d: {  	v45 =	vadd.s32 $0xC5, v17  }
0x54e: {  	v19 =	vld.idx.msk [tilespmem:v43+s22+$0x0], $0xffff  }
0x54f: {  	v46 =	vadd.s32 $0xC6, v17;
	v18 =	vmul.f32 v18, v1;
	v21 =	vmul.f32 v21, v2  }
0x550: {  	v22 =	vld.idx.msk [tilespmem:v44+s22+$0x0], $0xffff  }
0x551: {  	v47 =	vadd.s32 $0xC7, v17;
	v20 =	vmul.f32 v20, v6;
	v18 =	vadd.f32 v21, v18  }
0x552: {  	v48 =	vld.idx.msk [tilespmem:v45+s22+$0x0], $0xffff  }
0x553: {  	v49 =	vadd.s32 $0xC8, v17;
	v19 =	vmul.f32 v19, v4;
	v18 =	vadd.f32 v20, v18  }
0x554: {  	v50 =	vld.idx.msk [tilespmem:v46+s22+$0x0], $0xffff  }
0x555: {  	v51 =	vadd.s32 $0xC9, v17;
	v22 =	vmul.f32 v22, v3;
	v18 =	vadd.f32 v19, v18  }
0x556: {  	v52 =	vld.idx.msk [tilespmem:v47+s22+$0x0], $0xffff  }
0x557: {  	v53 =	vadd.s32 $0xCA, v17;
	v21 =	vmul.f32 v48, v5;
	v18 =	vadd.f32 v22, v18  }
0x558: {  	v54 =	vld.idx.msk [tilespmem:v49+s22+$0x0], $0xffff  }
0x559: {  	v55 =	vadd.s32 $0xCB, v17;
	v20 =	vmul.f32 v50, v7;
	v18 =	vadd.f32 v21, v18  }
0x55a: {  	v56 =	vld.idx.msk [tilespmem:v51+s22+$0x0], $0xffff  }
0x55b: {  	v57 =	vadd.s32 $0xCC, v17;
	v19 =	vmul.f32 v52, v8;
	v18 =	vadd.f32 v20, v18  }
0x55c: {  	v58 =	vld.idx.msk [tilespmem:v53+s22+$0x0], $0xffff  }
0x55d: {  	v59 =	vadd.s32 $0xCD, v17;
	v22 =	vmul.f32 v54, v9;
	v18 =	vadd.f32 v19, v18  }
0x55e: {  	v60 =	vld.idx.msk [tilespmem:v55+s22+$0x0], $0xffff  }
0x55f: {  	v61 =	vadd.s32 $0xCE, v17;
	v21 =	vmul.f32 v56, v10;
	v18 =	vadd.f32 v22, v18  }
0x560: {  	v62 =	vld.idx.msk [tilespmem:v57+s22+$0x0], $0xffff  }
0x561: {  	v63 =	vadd.s32 $0xCF, v17;
	v20 =	vmul.f32 v58, v11;
	v18 =	vadd.f32 v21, v18  }
0x562: {  	v25 =	vld.idx.msk [tilespmem:v59+s22+$0x0], $0xffff  }
0x563: {  	v19 =	vmul.f32 v60, v12;
	v18 =	vadd.f32 v20, v18  }
0x564: {  	v26 =	vld.idx.msk [tilespmem:v61+s22+$0x0], $0xffff  }
0x565: {  	v22 =	vmul.f32 v62, v13;
	v18 =	vadd.f32 v19, v18  }
0x566: {  	v27 =	vld.idx.msk [tilespmem:v63+s22+$0x0], $0xffff  }
0x567: {  	v21 =	vmul.f32 v25, v14;
	v18 =	vadd.f32 v22, v18;
	_ =	sdelay $0x1  }
0x568: {  	v20 =	vmul.f32 v26, v15;
	v18 =	vadd.f32 v21, v18;
	_ =	sdelay $0x1  }
0x569: {  	v28 =	vadd.s32 $0xD0, v17;
	v19 =	vmul.f32 v27, v16;
	v18 =	vadd.f32 v20, v18  }
0x56a: {  	v29 =	vadd.s32 $0xD1, v17  }
0x56b: {  	v18 =	vadd.f32 v19, v18  }
0x56c: {  	v30 =	vadd.s32 $0xD2, v17  }
0x56d: {  	[tilespmem:s30+$0x200] =	vst v18  }
0x56e: {  	v31 =	vadd.s32 $0xD3, v17;
	v18 =	vld.idx.msk [tilespmem:v28+s22+$0x0], $0xffff  }
0x56f: {  	v21 =	vld.idx.msk [tilespmem:v29+s22+$0x0], $0xffff  }
0x570: {  	v32 =	vadd.s32 $0xD4, v17  }
0x571: {  	v19 =	vld.idx.msk [tilespmem:v30+s22+$0x0], $0xffff  }
0x572: {  	v33 =	vadd.s32 $0xD5, v17  }
0x573: {  	v20 =	vld.idx.msk [tilespmem:v31+s22+$0x0], $0xffff  }
0x574: {  	v34 =	vadd.s32 $0xD6, v17;
	v18 =	vmul.f32 v18, v1;
	v21 =	vmul.f32 v21, v2  }
0x575: {  	v22 =	vld.idx.msk [tilespmem:v32+s22+$0x0], $0xffff  }
0x576: {  	v35 =	vadd.s32 $0xD7, v17;
	v19 =	vmul.f32 v19, v6;
	v18 =	vadd.f32 v21, v18  }
0x577: {  	v36 =	vld.idx.msk [tilespmem:v33+s22+$0x0], $0xffff  }
0x578: {  	v37 =	vadd.s32 $0xD8, v17;
	v20 =	vmul.f32 v20, v4;
	v18 =	vadd.f32 v19, v18  }
0x579: {  	v38 =	vld.idx.msk [tilespmem:v34+s22+$0x0], $0xffff  }
0x57a: {  	v39 =	vadd.s32 $0xD9, v17;
	v22 =	vmul.f32 v22, v3;
	v18 =	vadd.f32 v20, v18  }
0x57b: {  	v40 =	vld.idx.msk [tilespmem:v35+s22+$0x0], $0xffff  }
0x57c: {  	v41 =	vadd.s32 $0xDA, v17;
	v21 =	vmul.f32 v36, v5;
	v18 =	vadd.f32 v22, v18  }
0x57d: {  	v42 =	vld.idx.msk [tilespmem:v37+s22+$0x0], $0xffff  }
0x57e: {  	v43 =	vadd.s32 $0xDB, v17;
	v19 =	vmul.f32 v38, v7;
	v18 =	vadd.f32 v21, v18  }
0x57f: {  	v44 =	vld.idx.msk [tilespmem:v39+s22+$0x0], $0xffff  }
0x580: {  	v45 =	vadd.s32 $0xDC, v17;
	v20 =	vmul.f32 v40, v8;
	v18 =	vadd.f32 v19, v18  }
0x581: {  	v46 =	vld.idx.msk [tilespmem:v41+s22+$0x0], $0xffff  }
0x582: {  	v47 =	vadd.s32 $0xDD, v17;
	v22 =	vmul.f32 v42, v9;
	v18 =	vadd.f32 v20, v18  }
0x583: {  	v48 =	vld.idx.msk [tilespmem:v43+s22+$0x0], $0xffff  }
0x584: {  	v49 =	vadd.s32 $0xDE, v17;
	v21 =	vmul.f32 v44, v10;
	v18 =	vadd.f32 v22, v18  }
0x585: {  	v50 =	vld.idx.msk [tilespmem:v45+s22+$0x0], $0xffff  }
0x586: {  	v51 =	vadd.s32 $0xDF, v17;
	v19 =	vmul.f32 v46, v11;
	v18 =	vadd.f32 v21, v18  }
0x587: {  	v52 =	vld.idx.msk [tilespmem:v47+s22+$0x0], $0xffff  }
0x588: {  	v20 =	vmul.f32 v48, v12;
	v18 =	vadd.f32 v19, v18  }
0x589: {  	v53 =	vld.idx.msk [tilespmem:v49+s22+$0x0], $0xffff  }
0x58a: {  	v22 =	vmul.f32 v50, v13;
	v18 =	vadd.f32 v20, v18  }
0x58b: {  	v54 =	vld.idx.msk [tilespmem:v51+s22+$0x0], $0xffff  }
0x58c: {  	v21 =	vmul.f32 v52, v14;
	v18 =	vadd.f32 v22, v18;
	_ =	sdelay $0x1  }
0x58d: {  	v19 =	vmul.f32 v53, v15;
	v18 =	vadd.f32 v21, v18;
	_ =	sdelay $0x1  }
0x58e: {  	v55 =	vadd.s32 $0xE0, v17;
	v20 =	vmul.f32 v54, v16;
	v18 =	vadd.f32 v19, v18  }
0x58f: {  	v56 =	vadd.s32 $0xE1, v17  }
0x590: {  	v18 =	vadd.f32 v20, v18  }
0x591: {  	v57 =	vadd.s32 $0xE2, v17  }
0x592: {  	[tilespmem:s30+$0x300] =	vst v18  }
0x593: {  	v58 =	vadd.s32 $0xE3, v17;
	v18 =	vld.idx.msk [tilespmem:v55+s22+$0x0], $0xffff  }
0x594: {  	v21 =	vld.idx.msk [tilespmem:v56+s22+$0x0], $0xffff  }
0x595: {  	v59 =	vadd.s32 $0xE4, v17  }
0x596: {  	v20 =	vld.idx.msk [tilespmem:v57+s22+$0x0], $0xffff  }
0x597: {  	v60 =	vadd.s32 $0xE5, v17  }
0x598: {  	v19 =	vld.idx.msk [tilespmem:v58+s22+$0x0], $0xffff  }
0x599: {  	v61 =	vadd.s32 $0xE6, v17;
	v18 =	vmul.f32 v18, v1;
	v21 =	vmul.f32 v21, v2  }
0x59a: {  	v22 =	vld.idx.msk [tilespmem:v59+s22+$0x0], $0xffff  }
0x59b: {  	v62 =	vadd.s32 $0xE7, v17;
	v20 =	vmul.f32 v20, v6;
	v18 =	vadd.f32 v21, v18  }
0x59c: {  	v63 =	vld.idx.msk [tilespmem:v60+s22+$0x0], $0xffff  }
0x59d: {  	v28 =	vadd.s32 $0xE8, v17;
	v19 =	vmul.f32 v19, v4;
	v18 =	vadd.f32 v20, v18  }
0x59e: {  	v29 =	vld.idx.msk [tilespmem:v61+s22+$0x0], $0xffff  }
0x59f: {  	v30 =	vadd.s32 $0xE9, v17;
	v22 =	vmul.f32 v22, v3;
	v18 =	vadd.f32 v19, v18  }
0x5a0: {  	v31 =	vld.idx.msk [tilespmem:v62+s22+$0x0], $0xffff  }
0x5a1: {  	v32 =	vadd.s32 $0xEA, v17;
	v21 =	vmul.f32 v63, v5;
	v18 =	vadd.f32 v22, v18  }
0x5a2: {  	v33 =	vld.idx.msk [tilespmem:v28+s22+$0x0], $0xffff  }
0x5a3: {  	v34 =	vadd.s32 $0xEB, v17;
	v20 =	vmul.f32 v29, v7;
	v18 =	vadd.f32 v21, v18  }
0x5a4: {  	v35 =	vld.idx.msk [tilespmem:v30+s22+$0x0], $0xffff  }
0x5a5: {  	v36 =	vadd.s32 $0xEC, v17;
	v19 =	vmul.f32 v31, v8;
	v18 =	vadd.f32 v20, v18  }
0x5a6: {  	v37 =	vld.idx.msk [tilespmem:v32+s22+$0x0], $0xffff  }
0x5a7: {  	v38 =	vadd.s32 $0xED, v17;
	v22 =	vmul.f32 v33, v9;
	v18 =	vadd.f32 v19, v18  }
0x5a8: {  	v39 =	vld.idx.msk [tilespmem:v34+s22+$0x0], $0xffff  }
0x5a9: {  	v40 =	vadd.s32 $0xEE, v17;
	v21 =	vmul.f32 v35, v10;
	v18 =	vadd.f32 v22, v18  }
0x5aa: {  	v41 =	vld.idx.msk [tilespmem:v36+s22+$0x0], $0xffff  }
0x5ab: {  	v42 =	vadd.s32 $0xEF, v17;
	v20 =	vmul.f32 v37, v11;
	v18 =	vadd.f32 v21, v18  }
0x5ac: {  	v43 =	vld.idx.msk [tilespmem:v38+s22+$0x0], $0xffff  }
0x5ad: {  	v19 =	vmul.f32 v39, v12;
	v18 =	vadd.f32 v20, v18  }
0x5ae: {  	v44 =	vld.idx.msk [tilespmem:v40+s22+$0x0], $0xffff  }
0x5af: {  	v22 =	vmul.f32 v41, v13;
	v18 =	vadd.f32 v19, v18  }
0x5b0: {  	v45 =	vld.idx.msk [tilespmem:v42+s22+$0x0], $0xffff  }
0x5b1: {  	v21 =	vmul.f32 v43, v14;
	v18 =	vadd.f32 v22, v18;
	_ =	sdelay $0x1  }
0x5b2: {  	v20 =	vmul.f32 v44, v15;
	v18 =	vadd.f32 v21, v18;
	_ =	sdelay $0x1  }
0x5b3: {  	v46 =	vadd.s32 $0xF0, v17;
	v19 =	vmul.f32 v45, v16;
	v18 =	vadd.f32 v20, v18  }
0x5b4: {  	v47 =	vadd.s32 $0xF1, v17  }
0x5b5: {  	v18 =	vadd.f32 v19, v18  }
0x5b6: {  	v48 =	vadd.s32 $0xF2, v17  }
0x5b7: {  	[tilespmem:s30+$0x400] =	vst v18  }
0x5b8: {  	v49 =	vadd.s32 $0xF3, v17;
	v18 =	vld.idx.msk [tilespmem:v46+s22+$0x0], $0xffff  }
0x5b9: {  	v21 =	vld.idx.msk [tilespmem:v47+s22+$0x0], $0xffff  }
0x5ba: {  	v50 =	vadd.s32 $0xF4, v17  }
0x5bb: {  	v19 =	vld.idx.msk [tilespmem:v48+s22+$0x0], $0xffff  }
0x5bc: {  	v51 =	vadd.s32 $0xF5, v17  }
0x5bd: {  	v20 =	vld.idx.msk [tilespmem:v49+s22+$0x0], $0xffff  }
0x5be: {  	v52 =	vadd.s32 $0xF6, v17;
	v18 =	vmul.f32 v18, v1;
	v21 =	vmul.f32 v21, v2  }
0x5bf: {  	v22 =	vld.idx.msk [tilespmem:v50+s22+$0x0], $0xffff  }
0x5c0: {  	v53 =	vadd.s32 $0xF7, v17;
	v19 =	vmul.f32 v19, v6;
	v18 =	vadd.f32 v21, v18  }
0x5c1: {  	v54 =	vld.idx.msk [tilespmem:v51+s22+$0x0], $0xffff  }
0x5c2: {  	v55 =	vadd.s32 $0xF8, v17;
	v20 =	vmul.f32 v20, v4;
	v18 =	vadd.f32 v19, v18  }
0x5c3: {  	v56 =	vld.idx.msk [tilespmem:v52+s22+$0x0], $0xffff  }
0x5c4: {  	v57 =	vadd.s32 $0xF9, v17;
	v22 =	vmul.f32 v22, v3;
	v18 =	vadd.f32 v20, v18  }
0x5c5: {  	v58 =	vld.idx.msk [tilespmem:v53+s22+$0x0], $0xffff  }
0x5c6: {  	v59 =	vadd.s32 $0xFA, v17;
	v21 =	vmul.f32 v54, v5;
	v18 =	vadd.f32 v22, v18  }
0x5c7: {  	v60 =	vld.idx.msk [tilespmem:v55+s22+$0x0], $0xffff  }
0x5c8: {  	v61 =	vadd.s32 $0xFB, v17;
	v19 =	vmul.f32 v56, v7;
	v18 =	vadd.f32 v21, v18  }
0x5c9: {  	v62 =	vld.idx.msk [tilespmem:v57+s22+$0x0], $0xffff  }
0x5ca: {  	v63 =	vadd.s32 $0xFC, v17;
	v20 =	vmul.f32 v58, v8;
	v18 =	vadd.f32 v19, v18  }
0x5cb: {  	v28 =	vld.idx.msk [tilespmem:v59+s22+$0x0], $0xffff  }
0x5cc: {  	v29 =	vadd.s32 $0xFD, v17;
	v22 =	vmul.f32 v60, v9;
	v18 =	vadd.f32 v20, v18  }
0x5cd: {  	v30 =	vld.idx.msk [tilespmem:v61+s22+$0x0], $0xffff  }
0x5ce: {  	v31 =	vadd.s32 $0xFE, v17;
	v21 =	vmul.f32 v62, v10;
	v18 =	vadd.f32 v22, v18  }
0x5cf: {  	v32 =	vld.idx.msk [tilespmem:v63+s22+$0x0], $0xffff  }
0x5d0: {  	v33 =	vadd.s32 $0xFF, v17;
	v19 =	vmul.f32 v28, v11;
	v18 =	vadd.f32 v21, v18  }
0x5d1: {  	v34 =	vld.idx.msk [tilespmem:v29+s22+$0x0], $0xffff  }
0x5d2: {  	v20 =	vmul.f32 v30, v12;
	v18 =	vadd.f32 v19, v18  }
0x5d3: {  	v35 =	vld.idx.msk [tilespmem:v31+s22+$0x0], $0xffff  }
0x5d4: {  	v22 =	vmul.f32 v32, v13;
	v18 =	vadd.f32 v20, v18  }
0x5d5: {  	v36 =	vld.idx.msk [tilespmem:v33+s22+$0x0], $0xffff  }
0x5d6: {  	v21 =	vmul.f32 v34, v14;
	v18 =	vadd.f32 v22, v18;
	_ =	sdelay $0x1  }
0x5d7: {  	v19 =	vmul.f32 v35, v15;
	v18 =	vadd.f32 v21, v18;
	_ =	sdelay $0x1  }
0x5d8: {  	v37 =	vadd.s32 $0x100, v17;
	v20 =	vmul.f32 v36, v16;
	v18 =	vadd.f32 v19, v18  }
0x5d9: {  	v38 =	vadd.s32 $0x101, v17  }
0x5da: {  	v18 =	vadd.f32 v20, v18  }
0x5db: {  	v39 =	vadd.s32 $0x102, v17  }
0x5dc: {  	[tilespmem:s30+$0x500] =	vst v18  }
0x5dd: {  	v40 =	vadd.s32 $0x103, v17;
	v18 =	vld.idx.msk [tilespmem:v37+s22+$0x0], $0xffff  }
0x5de: {  	v21 =	vld.idx.msk [tilespmem:v38+s22+$0x0], $0xffff  }
0x5df: {  	v41 =	vadd.s32 $0x104, v17  }
0x5e0: {  	v20 =	vld.idx.msk [tilespmem:v39+s22+$0x0], $0xffff  }
0x5e1: {  	v42 =	vadd.s32 $0x105, v17  }
0x5e2: {  	v19 =	vld.idx.msk [tilespmem:v40+s22+$0x0], $0xffff  }
0x5e3: {  	v43 =	vadd.s32 $0x106, v17;
	v18 =	vmul.f32 v18, v1;
	v21 =	vmul.f32 v21, v2  }
0x5e4: {  	v22 =	vld.idx.msk [tilespmem:v41+s22+$0x0], $0xffff  }
0x5e5: {  	v44 =	vadd.s32 $0x107, v17;
	v20 =	vmul.f32 v20, v6;
	v18 =	vadd.f32 v21, v18  }
0x5e6: {  	v45 =	vld.idx.msk [tilespmem:v42+s22+$0x0], $0xffff  }
0x5e7: {  	v46 =	vadd.s32 $0x108, v17;
	v19 =	vmul.f32 v19, v4;
	v18 =	vadd.f32 v20, v18  }
0x5e8: {  	v47 =	vld.idx.msk [tilespmem:v43+s22+$0x0], $0xffff  }
0x5e9: {  	v48 =	vadd.s32 $0x109, v17;
	v22 =	vmul.f32 v22, v3;
	v18 =	vadd.f32 v19, v18  }
0x5ea: {  	v49 =	vld.idx.msk [tilespmem:v44+s22+$0x0], $0xffff  }
0x5eb: {  	v50 =	vadd.s32 $0x10A, v17;
	v21 =	vmul.f32 v45, v5;
	v18 =	vadd.f32 v22, v18  }
0x5ec: {  	v51 =	vld.idx.msk [tilespmem:v46+s22+$0x0], $0xffff  }
0x5ed: {  	v52 =	vadd.s32 $0x10B, v17;
	v20 =	vmul.f32 v47, v7;
	v18 =	vadd.f32 v21, v18  }
0x5ee: {  	v53 =	vld.idx.msk [tilespmem:v48+s22+$0x0], $0xffff  }
0x5ef: {  	v54 =	vadd.s32 $0x10C, v17;
	v19 =	vmul.f32 v49, v8;
	v18 =	vadd.f32 v20, v18  }
0x5f0: {  	v55 =	vld.idx.msk [tilespmem:v50+s22+$0x0], $0xffff  }
0x5f1: {  	v56 =	vadd.s32 $0x10D, v17;
	v22 =	vmul.f32 v51, v9;
	v18 =	vadd.f32 v19, v18  }
0x5f2: {  	v57 =	vld.idx.msk [tilespmem:v52+s22+$0x0], $0xffff  }
0x5f3: {  	v58 =	vadd.s32 $0x10E, v17;
	v21 =	vmul.f32 v53, v10;
	v18 =	vadd.f32 v22, v18  }
0x5f4: {  	v59 =	vld.idx.msk [tilespmem:v54+s22+$0x0], $0xffff  }
0x5f5: {  	v60 =	vadd.s32 $0x10F, v17;
	v20 =	vmul.f32 v55, v11;
	v18 =	vadd.f32 v21, v18  }
0x5f6: {  	v61 =	vld.idx.msk [tilespmem:v56+s22+$0x0], $0xffff  }
0x5f7: {  	v19 =	vmul.f32 v57, v12;
	v18 =	vadd.f32 v20, v18  }
0x5f8: {  	v62 =	vld.idx.msk [tilespmem:v58+s22+$0x0], $0xffff  }
0x5f9: {  	v22 =	vmul.f32 v59, v13;
	v18 =	vadd.f32 v19, v18  }
0x5fa: {  	v63 =	vld.idx.msk [tilespmem:v60+s22+$0x0], $0xffff  }
0x5fb: {  	v21 =	vmul.f32 v61, v14;
	v18 =	vadd.f32 v22, v18;
	_ =	sdelay $0x1  }
0x5fc: {  	v20 =	vmul.f32 v62, v15;
	v18 =	vadd.f32 v21, v18;
	_ =	sdelay $0x1  }
0x5fd: {  	v24 =	vadd.s32 $0x110, v17;
	v19 =	vmul.f32 v63, v16;
	v18 =	vadd.f32 v20, v18  }
0x5fe: {  	v25 =	vadd.s32 $0x111, v17  }
0x5ff: {  	v18 =	vadd.f32 v19, v18  }
0x600: {  	v26 =	vadd.s32 $0x112, v17  }
0x601: {  	[tilespmem:s30+$0x600] =	vst v18  }
0x602: {  	v27 =	vadd.s32 $0x113, v17;
	v18 =	vld.idx.msk [tilespmem:v24+s22+$0x0], $0xffff  }
0x603: {  	v21 =	vld.idx.msk [tilespmem:v25+s22+$0x0], $0xffff  }
0x604: {  	v28 =	vadd.s32 $0x114, v17  }
0x605: {  	v19 =	vld.idx.msk [tilespmem:v26+s22+$0x0], $0xffff  }
0x606: {  	v29 =	vadd.s32 $0x115, v17  }
0x607: {  	v20 =	vld.idx.msk [tilespmem:v27+s22+$0x0], $0xffff  }
0x608: {  	v30 =	vadd.s32 $0x116, v17;
	v18 =	vmul.f32 v18, v1;
	v21 =	vmul.f32 v21, v2  }
0x609: {  	v22 =	vld.idx.msk [tilespmem:v28+s22+$0x0], $0xffff  }
0x60a: {  	v31 =	vadd.s32 $0x117, v17;
	v19 =	vmul.f32 v19, v6;
	v18 =	vadd.f32 v21, v18  }
0x60b: {  	v32 =	vld.idx.msk [tilespmem:v29+s22+$0x0], $0xffff  }
0x60c: {  	v33 =	vadd.s32 $0x118, v17;
	v20 =	vmul.f32 v20, v4;
	v18 =	vadd.f32 v19, v18  }
0x60d: {  	v34 =	vld.idx.msk [tilespmem:v30+s22+$0x0], $0xffff  }
0x60e: {  	v35 =	vadd.s32 $0x119, v17;
	v22 =	vmul.f32 v22, v3;
	v18 =	vadd.f32 v20, v18  }
0x60f: {  	v36 =	vld.idx.msk [tilespmem:v31+s22+$0x0], $0xffff  }
0x610: {  	v37 =	vadd.s32 $0x11A, v17;
	v21 =	vmul.f32 v32, v5;
	v18 =	vadd.f32 v22, v18  }
0x611: {  	v38 =	vld.idx.msk [tilespmem:v33+s22+$0x0], $0xffff  }
0x612: {  	v39 =	vadd.s32 $0x11B, v17;
	v19 =	vmul.f32 v34, v7;
	v18 =	vadd.f32 v21, v18  }
0x613: {  	v40 =	vld.idx.msk [tilespmem:v35+s22+$0x0], $0xffff  }
0x614: {  	v41 =	vadd.s32 $0x11C, v17;
	v20 =	vmul.f32 v36, v8;
	v18 =	vadd.f32 v19, v18  }
0x615: {  	v42 =	vld.idx.msk [tilespmem:v37+s22+$0x0], $0xffff  }
0x616: {  	v43 =	vadd.s32 $0x11D, v17;
	v22 =	vmul.f32 v38, v9;
	v18 =	vadd.f32 v20, v18  }
0x617: {  	v44 =	vld.idx.msk [tilespmem:v39+s22+$0x0], $0xffff  }
0x618: {  	v45 =	vadd.s32 $0x11E, v17;
	v21 =	vmul.f32 v40, v10;
	v18 =	vadd.f32 v22, v18  }
0x619: {  	v46 =	vld.idx.msk [tilespmem:v41+s22+$0x0], $0xffff  }
0x61a: {  	v47 =	vadd.s32 $0x11F, v17;
	v19 =	vmul.f32 v42, v11;
	v18 =	vadd.f32 v21, v18  }
0x61b: {  	v48 =	vld.idx.msk [tilespmem:v43+s22+$0x0], $0xffff  }
0x61c: {  	v20 =	vmul.f32 v44, v12;
	v18 =	vadd.f32 v19, v18  }
0x61d: {  	v49 =	vld.idx.msk [tilespmem:v45+s22+$0x0], $0xffff  }
0x61e: {  	v22 =	vmul.f32 v46, v13;
	v18 =	vadd.f32 v20, v18  }
0x61f: {  	v50 =	vld.idx.msk [tilespmem:v47+s22+$0x0], $0xffff  }
0x620: {  	v21 =	vmul.f32 v48, v14;
	v18 =	vadd.f32 v22, v18;
	_ =	sdelay $0x1  }
0x621: {  	v19 =	vmul.f32 v49, v15;
	v18 =	vadd.f32 v21, v18;
	_ =	sdelay $0x1  }
0x622: {  	v51 =	vadd.s32 $0x120, v17;
	v20 =	vmul.f32 v50, v16;
	v18 =	vadd.f32 v19, v18  }
0x623: {  	v52 =	vadd.s32 $0x121, v17  }
0x624: {  	v18 =	vadd.f32 v20, v18  }
0x625: {  	v53 =	vadd.s32 $0x122, v17  }
0x626: {  	[tilespmem:s30+$0x700] =	vst v18  }
0x627: {  	v54 =	vadd.s32 $0x123, v17;
	v18 =	vld.idx.msk [tilespmem:v51+s22+$0x0], $0xffff  }
0x628: {  	v21 =	vld.idx.msk [tilespmem:v52+s22+$0x0], $0xffff  }
0x629: {  	v55 =	vadd.s32 $0x124, v17  }
0x62a: {  	v20 =	vld.idx.msk [tilespmem:v53+s22+$0x0], $0xffff  }
0x62b: {  	v56 =	vadd.s32 $0x125, v17  }
0x62c: {  	v19 =	vld.idx.msk [tilespmem:v54+s22+$0x0], $0xffff  }
0x62d: {  	v57 =	vadd.s32 $0x126, v17;
	v18 =	vmul.f32 v18, v1;
	v21 =	vmul.f32 v21, v2  }
0x62e: {  	v22 =	vld.idx.msk [tilespmem:v55+s22+$0x0], $0xffff  }
0x62f: {  	v58 =	vadd.s32 $0x127, v17;
	v20 =	vmul.f32 v20, v6;
	v18 =	vadd.f32 v21, v18  }
0x630: {  	v59 =	vld.idx.msk [tilespmem:v56+s22+$0x0], $0xffff  }
0x631: {  	v60 =	vadd.s32 $0x128, v17;
	v19 =	vmul.f32 v19, v4;
	v18 =	vadd.f32 v20, v18  }
0x632: {  	v61 =	vld.idx.msk [tilespmem:v57+s22+$0x0], $0xffff  }
0x633: {  	v62 =	vadd.s32 $0x129, v17;
	v22 =	vmul.f32 v22, v3;
	v18 =	vadd.f32 v19, v18  }
0x634: {  	v63 =	vld.idx.msk [tilespmem:v58+s22+$0x0], $0xffff  }
0x635: {  	v28 =	vadd.s32 $0x12A, v17;
	v21 =	vmul.f32 v59, v5;
	v18 =	vadd.f32 v22, v18  }
0x636: {  	v29 =	vld.idx.msk [tilespmem:v60+s22+$0x0], $0xffff  }
0x637: {  	v30 =	vadd.s32 $0x12B, v17;
	v20 =	vmul.f32 v61, v7;
	v18 =	vadd.f32 v21, v18  }
0x638: {  	v31 =	vld.idx.msk [tilespmem:v62+s22+$0x0], $0xffff  }
0x639: {  	v32 =	vadd.s32 $0x12C, v17;
	v19 =	vmul.f32 v63, v8;
	v18 =	vadd.f32 v20, v18  }
0x63a: {  	v33 =	vld.idx.msk [tilespmem:v28+s22+$0x0], $0xffff  }
0x63b: {  	v34 =	vadd.s32 $0x12D, v17;
	v22 =	vmul.f32 v29, v9;
	v18 =	vadd.f32 v19, v18  }
0x63c: {  	v35 =	vld.idx.msk [tilespmem:v30+s22+$0x0], $0xffff  }
0x63d: {  	v36 =	vadd.s32 $0x12E, v17;
	v21 =	vmul.f32 v31, v10;
	v18 =	vadd.f32 v22, v18  }
0x63e: {  	v37 =	vld.idx.msk [tilespmem:v32+s22+$0x0], $0xffff  }
0x63f: {  	v38 =	vadd.s32 $0x12F, v17;
	v20 =	vmul.f32 v33, v11;
	v18 =	vadd.f32 v21, v18  }
0x640: {  	v39 =	vld.idx.msk [tilespmem:v34+s22+$0x0], $0xffff  }
0x641: {  	v19 =	vmul.f32 v35, v12;
	v18 =	vadd.f32 v20, v18  }
0x642: {  	v40 =	vld.idx.msk [tilespmem:v36+s22+$0x0], $0xffff  }
0x643: {  	v22 =	vmul.f32 v37, v13;
	v18 =	vadd.f32 v19, v18  }
0x644: {  	v41 =	vld.idx.msk [tilespmem:v38+s22+$0x0], $0xffff  }
0x645: {  	v21 =	vmul.f32 v39, v14;
	v18 =	vadd.f32 v22, v18;
	_ =	sdelay $0x1  }
0x646: {  	v20 =	vmul.f32 v40, v15;
	v18 =	vadd.f32 v21, v18;
	_ =	sdelay $0x1  }
0x647: {  	v42 =	vadd.s32 $0x130, v17;
	v19 =	vmul.f32 v41, v16;
	v18 =	vadd.f32 v20, v18  }
0x648: {  	v43 =	vadd.s32 $0x131, v17  }
0x649: {  	v18 =	vadd.f32 v19, v18  }
0x64a: {  	v44 =	vadd.s32 $0x132, v17  }
0x64b: {  	[tilespmem:s30+$0x800] =	vst v18  }
0x64c: {  	v45 =	vadd.s32 $0x133, v17;
	v18 =	vld.idx.msk [tilespmem:v42+s22+$0x0], $0xffff  }
0x64d: {  	v21 =	vld.idx.msk [tilespmem:v43+s22+$0x0], $0xffff  }
0x64e: {  	v46 =	vadd.s32 $0x134, v17  }
0x64f: {  	v19 =	vld.idx.msk [tilespmem:v44+s22+$0x0], $0xffff  }
0x650: {  	v47 =	vadd.s32 $0x135, v17  }
0x651: {  	v20 =	vld.idx.msk [tilespmem:v45+s22+$0x0], $0xffff  }
0x652: {  	v48 =	vadd.s32 $0x136, v17;
	v1 =	vmul.f32 v18, v1;
	v2 =	vmul.f32 v21, v2  }
0x653: {  	v49 =	vld.idx.msk [tilespmem:v46+s22+$0x0], $0xffff  }
0x654: {  	v50 =	vadd.s32 $0x137, v17;
	v6 =	vmul.f32 v19, v6;
	v1 =	vadd.f32 v2, v1  }
0x655: {  	v2 =	vld.idx.msk [tilespmem:v47+s22+$0x0], $0xffff  }
0x656: {  	v51 =	vadd.s32 $0x138, v17;
	v4 =	vmul.f32 v20, v4;
	v1 =	vadd.f32 v6, v1  }
0x657: {  	v52 =	vld.idx.msk [tilespmem:v48+s22+$0x0], $0xffff  }
0x658: {  	v53 =	vadd.s32 $0x139, v17;
	v3 =	vmul.f32 v49, v3;
	v1 =	vadd.f32 v4, v1  }
0x659: {  	v54 =	vld.idx.msk [tilespmem:v50+s22+$0x0], $0xffff  }
0x65a: {  	v55 =	vadd.s32 $0x13A, v17;
	v2 =	vmul.f32 v2, v5;
	v1 =	vadd.f32 v3, v1  }
0x65b: {  	v3 =	vld.idx.msk [tilespmem:v51+s22+$0x0], $0xffff  }
0x65c: {  	v56 =	vadd.s32 $0x13B, v17;
	v6 =	vmul.f32 v52, v7;
	v1 =	vadd.f32 v2, v1  }
0x65d: {  	v2 =	vld.idx.msk [tilespmem:v53+s22+$0x0], $0xffff  }
0x65e: {  	v57 =	vadd.s32 $0x13C, v17;
	v4 =	vmul.f32 v54, v8;
	v1 =	vadd.f32 v6, v1  }
0x65f: {  	v5 =	vld.idx.msk [tilespmem:v55+s22+$0x0], $0xffff  }
0x660: {  	v58 =	vadd.s32 $0x13D, v17;
	v3 =	vmul.f32 v3, v9;
	v1 =	vadd.f32 v4, v1  }
0x661: {  	v59 =	vld.idx.msk [tilespmem:v56+s22+$0x0], $0xffff  }
0x662: {  	v60 =	vadd.s32 $0x13E, v17;
	v2 =	vmul.f32 v2, v10;
	v1 =	vadd.f32 v3, v1  }
0x663: {  	v3 =	vld.idx.msk [tilespmem:v57+s22+$0x0], $0xffff  }
0x664: {  	v61 =	vadd.s32 $0x13F, v17;
	v5 =	vmul.f32 v5, v11;
	v1 =	vadd.f32 v2, v1  }
0x665: {  	v2 =	vld.idx.msk [tilespmem:v58+s22+$0x0], $0xffff  }
0x666: {  	v4 =	vmul.f32 v59, v12;
	v1 =	vadd.f32 v5, v1  }
0x667: {  	v62 =	vld.idx.msk [tilespmem:v60+s22+$0x0], $0xffff  }
0x668: {  	v3 =	vmul.f32 v3, v13;
	v1 =	vadd.f32 v4, v1  }
0x669: {  	v63 =	vld.idx.msk [tilespmem:v61+s22+$0x0], $0xffff  }
0x66a: {  	v2 =	vmul.f32 v2, v14;
	v1 =	vadd.f32 v3, v1;
	_ =	sdelay $0x1  }
0x66b: {  	v3 =	vmul.f32 v62, v15;
	v1 =	vadd.f32 v2, v1  }
0x66c: {  	p0 =	sne.s32 s28, $0xF0  }
.Ltmp1:
0x66d: {  	v2 =	vmul.f32 v63, v16;
	v1 =	vadd.f32 v3, v1;
	(pc) =	sbr.rel @p0 .LBB2_4-.Ltmp1, $3  }
0x66e: {  	_ = 	snop  }
0x66f: {  	v1 =	vadd.f32 v2, v1;
	_ =	sdelay $0x1  }
0x670: {  	s28 =	sadd.s32 $0x10, s28;
	s29 =	sadd.s32 $0x10, s29;
	[tilespmem:s30+$0x900] =	vst v1;
	s30 =	sadd.s32 $0x10, s30  }
0x671: {  	[hbm4b:s13+s1] =	stream.linear.scatter [tilespmem:s25], [sflag:$0x2], $0x100, $0x38;
	[tilespmem:$0x18B00] =	vst v63  }
0x672: {  	s26 =	sadd.s32 $0x1, s26;
	_ =	swait.ge [sflag:s16], $0x100  }
0x673: {  	p0 =	sne.s32 s26, s15;
	[sflag:s16] =	ssyncset.done $0x0  }
.Ltmp2:
0x674: {  	[sflag:s16] =	ssyncadd.s32 $0xFFFFFF00;
	(pc) =	sbr.rel @p0 .LBB2_1-.Ltmp2, $4  }
0x675: {  	[hbm4b:s14+s1] =	stream.linear.scatter [tilespmem:s24], [sflag:$0x2], $0x1400, $0x38;
	[tilespmem:$0x18B00] =	vst v63  }
0x676: {  	_ =	swait.ge [sflag:s16], $0x1400  }
0x677: {  	[sflag:s16] =	ssyncset.done $0x0  }
0x678: {  	[sflag:s16] =	ssyncadd.s32 $0xFFFFEC00  }
0x679: {  	_ =	sfence.sel $0x180000  }
0x67a: {  	[bflag:$0x0] =	sbarrier.arrive $0xFFFF  }
0x67b: {  	p0 =	sne.s32 s2, $0x0;
	_ =	strace $0x90000047  }
0x67c: {  	s0 =	sadd.s32 @!p0 $0x100000, s0;
	[bflag:$0x2] =	sbarrier.arrive $0xFFFF  }
0x67d: {  	[sflag:s0] =	ssyncadd.tile.s32 @!p0 $0x1;
	_ =	shalt  }
.Lfunc_end2:
_tile_overlayer_lowered:
.L_overlay_start_2:
0x67e: {  	(tag) =	ssettag $0x2  }
0x67f: {  	s0 =	rddreg [dreg:$0x0];
	s2 =	stileid.u32  }
0x680: {  	s1 =	rddreg [dreg:$0x1];
	p0 =	sne.s32 s2, $0x0  }
0x681: {  	s3 =	rddreg [dreg:$0x2];
	[bflag:$0x3] =	sbarrier.arrive $0xFFFF;
	s2 =	simm.s32 @!p0 $0x1C02  }
0x682: {  	[timem:s3], [sflag:s2] =	dma.local @!p0 [hbm:s0], s1  }
0x683: {  	s0 =	simm.s32 @!p0 $0x2  }
0x684: {  	_ =	swait.ge @!p0 [sflag:s0], s1  }
0x685: {  	s1 =	ssub.s32 @!p0 $0x0, s1;
	[sflag:s0] =	ssyncset.done @!p0 $0x0  }
0x686: {  	[sflag:s0] =	ssyncadd.s32 @!p0 s1  }
0x687: {  	[bflag:$0x3] =	sbarrier.arrive $0xFFFF  }
0x688: {  	_ =	shalt  }

</sc_bundles>
